<compile_context>
chip_gen: v7x
topology: tpu7x:2x2x1
jax: 0.10.2.dev20260603
libtpu: 0.0.44.dev20260713+nightly
codegen_flags: <defaults>
</compile_context>

<pallas_src>
import functools

import jax
import jax.numpy as jnp
from jax import lax
from jax.experimental import pallas as pl
from jax.experimental.pallas import tpu as pltpu
from jax.experimental.pallas import tpu_sc as plsc

_N = 10000
_D = 128
_E = 320000
_G = 64

_NC = 2
_NS = 16
_EP = _E // (_NC * _NS)
_K = 80
_NCH = _EP // _K
_KE = 80
_NCHE = _EP // _KE
_PH0 = 64
_RPT = 624
_ZCH = _RPT // 16

_BLK = 1000
_NBLK = _N // _BLK


def _sc_mesh():
    return plsc.VectorSubcoreMesh(core_axis_name="c", subcore_axis_name="s",
                                  num_cores=_NC, num_subcores=_NS)


def _sc_degree_body(dst_hbm, out_hbm, didx, ones, zbuf, fbuf, dacc, sem):
    c = lax.axis_index("c")
    s = lax.axis_index("s")
    row0 = s * _RPT
    for q in range(16):
        zbuf[pl.ds(q * 16, 16)] = jnp.zeros((16,), jnp.float32)
    for q in range(_K // 16):
        ones[pl.ds(q * 16, 16)] = jnp.ones((16,), jnp.float32)

    def _zero(i, carry):
        pltpu.async_copy(zbuf, dacc.at[pl.ds(row0 + i * 256, 256)], sem)
        return carry

    lax.fori_loop(0, _RPT // 256, _zero, 0)
    pltpu.async_copy(zbuf.at[pl.ds(0, _RPT % 256)],
                     dacc.at[pl.ds(row0 + _RPT - _RPT % 256, _RPT % 256)], sem)

    @pl.when(s == _NS - 1)
    def _zero_tail():
        pltpu.async_copy(zbuf.at[pl.ds(0, 16)], dacc.at[pl.ds(_N - 16, 16)],
                         sem)

    def _zero_drain(i, carry):
        pltpu.make_async_copy(zbuf, dacc.at[pl.ds(row0, 256)], sem).wait()
        return carry

    lax.fori_loop(0, _RPT // 256, _zero_drain, 0)
    pltpu.make_async_copy(zbuf.at[pl.ds(0, _RPT % 256)],
                          dacc.at[pl.ds(row0, _RPT % 256)], sem).wait()

    @pl.when(s == _NS - 1)
    def _zero_drain_tail():
        pltpu.make_async_copy(zbuf.at[pl.ds(0, 16)], dacc.at[pl.ds(row0, 16)],
                              sem).wait()

    plsc.subcore_barrier()

    wid = c * _NS + s
    pltpu.sync_copy(dst_hbm.at[wid], didx)

    def _fire(i, carry):
        pltpu.async_copy(ones, dacc.at[didx.at[i]], sem, add=True)
        return carry

    lax.fori_loop(0, _NCH, _fire, 0)

    def _drain(i, carry):
        pltpu.make_async_copy(ones, dacc.at[didx.at[0]], sem).wait()
        return carry

    lax.fori_loop(0, _NCH, _drain, 0)
    plsc.subcore_barrier()
    pltpu.sync_copy(dacc.at[pl.ds(row0, _RPT)], fbuf.at[pl.ds(0, _RPT)])
    pltpu.sync_copy(fbuf.at[pl.ds(0, _RPT)],
                    out_hbm.at[pl.ds(c * _N + row0, _RPT)])

    @pl.when(s == _NS - 1)
    def _flush_tail():
        pltpu.sync_copy(dacc.at[pl.ds(_NS * _RPT, _N - _NS * _RPT)],
                        fbuf.at[pl.ds(0, _N - _NS * _RPT)])
        pltpu.sync_copy(fbuf.at[pl.ds(0, _N - _NS * _RPT)],
                        out_hbm.at[pl.ds(c * _N + _NS * _RPT,
                                         _N - _NS * _RPT)])


def _sc_edge_scatter_body(y_hbm, src_hbm, dst_hbm, out_hbm,
                          sidx, didx, rows0, rows1, rows2, zbuf, zacc,
                          sg0, sg1, sg2, ss0, ss1, ss2):
    c = lax.axis_index("c")
    s = lax.axis_index("s")
    row0 = s * _RPT
    for r in range(16):
        for q in range(_D // 16):
            zbuf[r, pl.ds(q * 16, 16)] = jnp.zeros((16,), jnp.float32)

    def _zero(i, carry):
        pltpu.async_copy(zbuf, zacc.at[pl.ds(row0 + i * 16, 16)], sg0)
        return carry

    lax.fori_loop(0, _ZCH, _zero, 0)

    @pl.when(s == _NS - 1)
    def _zero_tail():
        pltpu.async_copy(zbuf, zacc.at[pl.ds(_N - 16, 16)], sg0)

    def _zero_drain(i, carry):
        pltpu.make_async_copy(zbuf, zacc.at[pl.ds(row0, 16)], sg0).wait()
        return carry

    lax.fori_loop(0, _ZCH, _zero_drain, 0)

    @pl.when(s == _NS - 1)
    def _zero_drain_tail():
        pltpu.make_async_copy(zbuf, zacc.at[pl.ds(row0, 16)], sg0).wait()

    plsc.subcore_barrier()

    wid = c * _NS + s
    rows_ = (rows0, rows1, rows2)
    sg = (sg0, sg1, sg2)
    ss = (ss0, ss1, ss2)

    def _gather(j, b):
        pltpu.async_copy(y_hbm.at[sidx.at[pl.ds(j * _KE, _KE)]],
                         rows_[b], sg[b])

    def _wait_g(b):
        pltpu.make_async_copy(y_hbm.at[sidx.at[pl.ds(0, _KE)]],
                              rows_[b], sg[b]).wait()

    def _scatter(j, b):
        pltpu.async_copy(rows_[b], zacc.at[didx.at[j]], ss[b], add=True)

    def _wait_s(b):
        pltpu.make_async_copy(rows_[b], zacc.at[didx.at[0]], ss[b]).wait()

    for ph, nch in ((0, _PH0), (1, _NCHE - _PH0)):
        g0 = ph * _PH0
        pltpu.sync_copy(src_hbm.at[pl.ds(wid * _EP + g0 * _KE, nch * _KE)],
                        sidx.at[pl.ds(0, nch * _KE)])
        pltpu.sync_copy(dst_hbm.at[wid, pl.ds(g0, nch)],
                        didx.at[pl.ds(0, nch)])
        nt = nch // 3
        for b in range(3):
            _gather(b, b)
        for b in range(3):
            _wait_g(b)
            _scatter(b, b)

        def _body(t, carry):
            j = 3 * t
            for b in range(3):
                _wait_s(b)
                _gather(j + b, b)
            for b in range(3):
                _wait_g(b)
                _scatter(j + b, b)
            return carry

        lax.fori_loop(1, nt, _body, 0)
        for j in range(3 * nt, nch):
            b = j - 3 * nt
            _wait_s(b)
            _gather(j, b)
            _wait_g(b)
            _scatter(j, b)
        for b in range(3):
            _wait_s(b)

    plsc.subcore_barrier()
    pltpu.sync_copy(zacc.at[pl.ds(row0, _RPT)],
                    out_hbm.at[pl.ds(c * _N + row0, _RPT)])

    @pl.when(s == _NS - 1)
    def _flush_tail():
        pltpu.sync_copy(zacc.at[pl.ds(_NS * _RPT, _N - _NS * _RPT)],
                        out_hbm.at[pl.ds(c * _N + _NS * _RPT,
                                         _N - _NS * _RPT)])


@functools.cache
def _sc_kernels():
    sc_degree = pl.kernel(
        _sc_degree_body,
        out_type=jax.ShapeDtypeStruct((_NC * _N,), jnp.float32),
        mesh=_sc_mesh(),
        scratch_types=[
            pltpu.VMEM((_NCH, _K), jnp.int32),
            pltpu.VMEM((_K,), jnp.float32),
            pltpu.VMEM((256,), jnp.float32),
            pltpu.VMEM((_RPT,), jnp.float32),
            pltpu.VMEM_SHARED((_N,), jnp.float32),
            pltpu.SemaphoreType.DMA,
        ],
    )
    sc_edge_scatter = pl.kernel(
        _sc_edge_scatter_body,
        out_type=jax.ShapeDtypeStruct((_NC * _N, _D), jnp.float32),
        mesh=_sc_mesh(),
        scratch_types=[
            pltpu.VMEM((_PH0 * _KE,), jnp.int32),
            pltpu.VMEM((_PH0, _KE), jnp.int32),
            pltpu.VMEM((_KE, _D), jnp.float32),
            pltpu.VMEM((_KE, _D), jnp.float32),
            pltpu.VMEM((_KE, _D), jnp.float32),
            pltpu.VMEM((16, _D), jnp.float32),
            pltpu.VMEM_SHARED((_N, _D), jnp.float32),
            pltpu.SemaphoreType.DMA,
            pltpu.SemaphoreType.DMA,
            pltpu.SemaphoreType.DMA,
            pltpu.SemaphoreType.DMA,
            pltpu.SemaphoreType.DMA,
            pltpu.SemaphoreType.DMA,
        ],
    )
    return sc_degree, sc_edge_scatter


def _dinv(dA_ref, dB_ref):
    deg = dA_ref[...] + dB_ref[...] + 1.0
    return lax.rsqrt(jnp.maximum(deg, 1.0))


def _mm_scale_body(x_ref, dA_ref, dB_ref, w_ref, y_ref):
    y_ref[...] = _dinv(dA_ref, dB_ref) * jnp.dot(
        x_ref[...], w_ref[...], preferred_element_type=jnp.float32)


def _mm_scale(x, degp, w):
    return pl.pallas_call(
        _mm_scale_body,
        grid=(_NBLK,),
        in_specs=[
            pl.BlockSpec((_BLK, _D), lambda i: (i, 0)),
            pl.BlockSpec((_BLK, 1), lambda i: (i, 0)),
            pl.BlockSpec((_BLK, 1), lambda i: (i + _NBLK, 0)),
            pl.BlockSpec((_D, _D), lambda i: (0, 0)),
        ],
        out_specs=pl.BlockSpec((_BLK, _D), lambda i: (i, 0)),
        out_shape=jax.ShapeDtypeStruct((_N, _D), jnp.float32),
    )(x, degp, degp, w)


def _fuse_body(zA_ref, zB_ref, y_ref, dA_ref, dB_ref, b_ref, w_ref, o_ref):
    dinv = _dinv(dA_ref, dB_ref)
    sconv = zA_ref[...] + zB_ref[...] + y_ref[...]
    h = jnp.maximum(dinv * sconv + b_ref[...], 0.0)
    o_ref[...] = dinv * jnp.dot(h, w_ref[...],
                                preferred_element_type=jnp.float32)


def _fuse(z, y, degp, b, w):
    return pl.pallas_call(
        _fuse_body,
        grid=(_NBLK,),
        in_specs=[
            pl.BlockSpec((_BLK, _D), lambda i: (i, 0)),
            pl.BlockSpec((_BLK, _D), lambda i: (i + _NBLK, 0)),
            pl.BlockSpec((_BLK, _D), lambda i: (i, 0)),
            pl.BlockSpec((_BLK, 1), lambda i: (i, 0)),
            pl.BlockSpec((_BLK, 1), lambda i: (i + _NBLK, 0)),
            pl.BlockSpec((1, _D), lambda i: (0, 0)),
            pl.BlockSpec((_D, _D), lambda i: (0, 0)),
        ],
        out_specs=pl.BlockSpec((_BLK, _D), lambda i: (i, 0)),
        out_shape=jax.ShapeDtypeStruct((_N, _D), jnp.float32),
    )(z, z, y, degp, degp, b, w)


def _final_body(zA_ref, zB_ref, y_ref, dA_ref, dB_ref, b_ref, bt_ref,
                wf_ref, bf_ref, o_ref, acc, cnt):
    i = pl.program_id(0)

    @pl.when(i == 0)
    def _():
        acc[...] = jnp.zeros_like(acc)
        cnt[...] = jnp.zeros_like(cnt)

    dinv = _dinv(dA_ref, dB_ref)
    sconv = zA_ref[...] + zB_ref[...] + y_ref[...]
    h = jnp.maximum(dinv * sconv + b_ref[...], 0.0)
    pt = (bt_ref[...] == lax.broadcasted_iota(
        jnp.int32, (_BLK, _G), 1)).astype(jnp.float32)
    dn = (((0,), (0,)), ((), ()))
    acc[...] += lax.dot_general(pt, h, dn,
                                preferred_element_type=jnp.float32)
    cnt[...] += lax.dot_general(pt, jnp.ones_like(h), dn,
                                preferred_element_type=jnp.float32)

    @pl.when(i == _NBLK - 1)
    def _():
        pooled = acc[...] / jnp.maximum(cnt[...], 1.0)
        o_ref[...] = jnp.maximum(
            jnp.dot(pooled, wf_ref[...],
                    preferred_element_type=jnp.float32) + bf_ref[...], 0.0)


def _final(z, y, degp, b, bt, wf, bf):
    return pl.pallas_call(
        _final_body,
        grid=(_NBLK,),
        in_specs=[
            pl.BlockSpec((_BLK, _D), lambda i: (i, 0)),
            pl.BlockSpec((_BLK, _D), lambda i: (i + _NBLK, 0)),
            pl.BlockSpec((_BLK, _D), lambda i: (i, 0)),
            pl.BlockSpec((_BLK, 1), lambda i: (i, 0)),
            pl.BlockSpec((_BLK, 1), lambda i: (i + _NBLK, 0)),
            pl.BlockSpec((1, _D), lambda i: (0, 0)),
            pl.BlockSpec((_BLK, 1), lambda i: (i, 0)),
            pl.BlockSpec((_D, _D), lambda i: (0, 0)),
            pl.BlockSpec((1, _D), lambda i: (0, 0)),
        ],
        out_specs=pl.BlockSpec((_G, _D), lambda i: (0, 0)),
        out_shape=jax.ShapeDtypeStruct((_G, _D), jnp.float32),
        scratch_shapes=[
            pltpu.VMEM((_G, _D), jnp.float32),
            pltpu.VMEM((_G, _D), jnp.float32),
        ],
    )(z, z, y, degp, degp, b, bt, wf, bf)


def kernel(x, edge_index, batch, W1, b1, W2, b2, Wf, bf):
    sc_degree, sc_edge_scatter = _sc_kernels()
    src = edge_index[0].astype(jnp.int32)
    dst = edge_index[1].astype(jnp.int32)
    dst2 = dst.reshape(_NC * _NS, _NCHE, _KE)
    degp = sc_degree(dst2).reshape(_NC * _N, 1)
    y1 = _mm_scale(x, degp, W1)
    z1 = sc_edge_scatter(y1, src, dst2)
    y2 = _fuse(z1, y1, degp, b1.reshape(1, _D), W2)
    z2 = sc_edge_scatter(y2, src, dst2)
    return _final(z2, y2, degp, b2.reshape(1, _D),
                  batch.reshape(_N, 1).astype(jnp.int32),
                  Wf, bf.reshape(1, _D))

# --- scband reference (transcript-rebuilt; emitter-appended) ---
"""Pipeline reference for scband-gcn-22883585753783 (READ-ONLY COPY).

The authoritative reference and input builder live on the scoring server;
editing this copy changes nothing except your own understanding.
"""

import jax, jax.numpy as jnp
import numpy as np

N = 10000
E = 320000
D = 128
G = 64


def setup_inputs(seed: int = 0) -> dict:
    key = jax.random.key(seed)
    ks = jax.random.split(key, 10)
    x = jax.random.normal(ks[0], (N, D), dtype=jnp.float32)
    edge_index = jax.random.randint(ks[1], (2, E), 0, N)
    batch = jnp.sort(jax.random.randint(ks[2], (N,), 0, G))
    scale = 1.0 / np.sqrt(D)
    W1 = jax.random.normal(ks[3], (D, D), dtype=jnp.float32) * scale
    b1 = jnp.zeros((D,), dtype=jnp.float32)
    W2 = jax.random.normal(ks[4], (D, D), dtype=jnp.float32) * scale
    b2 = jnp.zeros((D,), dtype=jnp.float32)
    Wf = jax.random.normal(ks[5], (D, D), dtype=jnp.float32) * scale
    bf = jnp.zeros((D,), dtype=jnp.float32)
    return {"x": x, "edge_index": edge_index, "batch": batch,
            "W1": W1, "b1": b1, "W2": W2, "b2": b2, "Wf": Wf, "bf": bf}


def _gcn_conv(x, edge_index, W, b):
    n = x.shape[0]
    loop = jnp.arange(n, dtype=edge_index.dtype)
    src = jnp.concatenate([edge_index[0], loop])
    dst = jnp.concatenate([edge_index[1], loop])
    deg = jax.ops.segment_sum(jnp.ones_like(src, dtype=x.dtype), dst, num_segments=n)
    dinv = jax.lax.rsqrt(jnp.maximum(deg, 1.0))
    norm = dinv[src] * dinv[dst]
    h = x @ W
    msg = h[src] * norm[:, None]
    out = jax.ops.segment_sum(msg, dst, num_segments=n)
    return out + b


def reference(x, edge_index, batch, W1, b1, W2, b2, Wf, bf):
    h = _gcn_conv(x, edge_index, W1, b1)
    h = jax.nn.relu(h)
    h = _gcn_conv(h, edge_index, W2, b2)
    h = jax.nn.relu(h)
    s = jax.ops.segment_sum(h, batch, num_segments=G)
    c = jax.ops.segment_sum(jnp.ones((h.shape[0],), dtype=h.dtype), batch, num_segments=G)
    pooled = s / jnp.maximum(c, 1.0)[:, None]
    out = pooled @ Wf + bf
    return jax.nn.relu(out)

if __name__ == "__main__":
    import jax
    _d = setup_inputs()
    print(jax.jit(kernel)(*tuple(_d.values())))

</pallas_src>

<mosaic_0001>
#map = affine_map<(d0, d1) -> (0, 0)>
#map1 = affine_map<(d0, d1) -> (0)>
#map2 = affine_map<(d0, d1) -> (0, 0, 0)>
module attributes {stable_mosaic.version = 14 : i64} {
  func.func @_sc_edge_scatter_body(%arg0: i32, %arg1: i32, %arg2: memref<10000x128xf32, #tpu.memory_space<hbm>>, %arg3: memref<320000xi32, #tpu.memory_space<hbm>>, %arg4: memref<32x125x80xi32, #tpu.memory_space<hbm>>, %arg5: memref<20000x128xf32, #tpu.memory_space<hbm>>, %arg6: memref<5120xi32, #tpu.memory_space<vmem>>, %arg7: memref<64x80xi32, #tpu.memory_space<vmem>>, %arg8: memref<80x128xf32, #tpu.memory_space<vmem>>, %arg9: memref<80x128xf32, #tpu.memory_space<vmem>>, %arg10: memref<80x128xf32, #tpu.memory_space<vmem>>, %arg11: memref<16x128xf32, #tpu.memory_space<vmem>>, %arg12: memref<10000x128xf32, #tpu.memory_space<vmem_shared>>, %arg13: memref<!tpu.dma_semaphore, #tpu.memory_space<semaphore_mem>>, %arg14: memref<!tpu.dma_semaphore, #tpu.memory_space<semaphore_mem>>, %arg15: memref<!tpu.dma_semaphore, #tpu.memory_space<semaphore_mem>>, %arg16: memref<!tpu.dma_semaphore, #tpu.memory_space<semaphore_mem>>, %arg17: memref<!tpu.dma_semaphore, #tpu.memory_space<semaphore_mem>>, %arg18: memref<!tpu.dma_semaphore, #tpu.memory_space<semaphore_mem>>) attributes {dimension_semantics = [#tpu.dimension_semantics<core_parallel>, #tpu.dimension_semantics<subcore_parallel>], iteration_bounds = array<i64: 2, 16>, scalar_prefetch = 0 : i64, scratch_operands = 13 : i64, tpu.core_type = #tpu.core_type<sc_vector_subcore>, window_params = [{transform_indices = #map}, {transform_indices = #map1}, {transform_indices = #map2}, {transform_indices = #map}]} {
    %mul3A = arith.constant 624 : i32
    %mul3A_0 = arith.muli %arg1, %mul3A : i32
    %broadcast_in_dim3A = arith.constant 0.000000e+00 : f32
    %broadcast_in_dim3A_1 = vector.broadcast %broadcast_in_dim3A : f32 to vector<16xf32>
    %swap3A = arith.constant 0 : i32
    %swap3A_2 = arith.index_cast %swap3A : i32 to index
    %swap3A_3 = arith.constant 0 : index
    %swap3A_4 = tpu.vector_load %arg11[%swap3A_2, %swap3A_3] {strides = array<i32>} : memref<16x128xf32, #tpu.memory_space<vmem>>, vector<1x16xf32>,
    %swap3A_5 = vector.shape_cast %swap3A_4 : vector<1x16xf32> to vector<16xf32>
    %swap3A_6 = vector.shape_cast %broadcast_in_dim3A_1 : vector<16xf32> to vector<1x16xf32>
    tpu.vector_store %arg11[%swap3A_2, %swap3A_3], %swap3A_6 {strides = array<i32>} : memref<16x128xf32, #tpu.memory_space<vmem>>, vector<1x16xf32>,
    %broadcast_in_dim3A_7 = arith.constant 0.000000e+00 : f32
    %broadcast_in_dim3A_8 = vector.broadcast %broadcast_in_dim3A_7 : f32 to vector<16xf32>
    %swap3A_9 = arith.constant 0 : i32
    %swap3A_10 = arith.index_cast %swap3A_9 : i32 to index
    %swap3A_11 = arith.constant 16 : index
    %swap3A_12 = tpu.vector_load %arg11[%swap3A_10, %swap3A_11] {strides = array<i32>} : memref<16x128xf32, #tpu.memory_space<vmem>>, vector<1x16xf32>,
    %swap3A_13 = vector.shape_cast %swap3A_12 : vector<1x16xf32> to vector<16xf32>
    %swap3A_14 = vector.shape_cast %broadcast_in_dim3A_8 : vector<16xf32> to vector<1x16xf32>
    tpu.vector_store %arg11[%swap3A_10, %swap3A_11], %swap3A_14 {strides = array<i32>} : memref<16x128xf32, #tpu.memory_space<vmem>>, vector<1x16xf32>,
    %broadcast_in_dim3A_15 = arith.constant 0.000000e+00 : f32
    %broadcast_in_dim3A_16 = vector.broadcast %broadcast_in_dim3A_15 : f32 to vector<16xf32>
    %swap3A_17 = arith.constant 0 : i32
    %swap3A_18 = arith.index_cast %swap3A_17 : i32 to index
    %swap3A_19 = arith.constant 32 : index
    %swap3A_20 = tpu.vector_load %arg11[%swap3A_18, %swap3A_19] {strides = array<i32>} : memref<16x128xf32, #tpu.memory_space<vmem>>, vector<1x16xf32>,
    %swap3A_21 = vector.shape_cast %swap3A_20 : vector<1x16xf32> to vector<16xf32>
    %swap3A_22 = vector.shape_cast %broadcast_in_dim3A_16 : vector<16xf32> to vector<1x16xf32>
    tpu.vector_store %arg11[%swap3A_18, %swap3A_19], %swap3A_22 {strides = array<i32>} : memref<16x128xf32, #tpu.memory_space<vmem>>, vector<1x16xf32>,
    %broadcast_in_dim3A_23 = arith.constant 0.000000e+00 : f32
    %broadcast_in_dim3A_24 = vector.broadcast %broadcast_in_dim3A_23 : f32 to vector<16xf32>
    %swap3A_25 = arith.constant 0 : i32
    %swap3A_26 = arith.index_cast %swap3A_25 : i32 to index
    %swap3A_27 = arith.constant 48 : index
    %swap3A_28 = tpu.vector_load %arg11[%swap3A_26, %swap3A_27] {strides = array<i32>} : memref<16x128xf32, #tpu.memory_space<vmem>>, vector<1x16xf32>,
    %swap3A_29 = vector.shape_cast %swap3A_28 : vector<1x16xf32> to vector<16xf32>
    %swap3A_30 = vector.shape_cast %broadcast_in_dim3A_24 : vector<16xf32> to vector<1x16xf32>
    tpu.vector_store %arg11[%swap3A_26, %swap3A_27], %swap3A_30 {strides = array<i32>} : memref<16x128xf32, #tpu.memory_space<vmem>>, vector<1x16xf32>,
    %broadcast_in_dim3A_31 = arith.constant 0.000000e+00 : f32
    %broadcast_in_dim3A_32 = vector.broadcast %broadcast_in_dim3A_31 : f32 to vector<16xf32>
    %swap3A_33 = arith.constant 0 : i32
    %swap3A_34 = arith.index_cast %swap3A_33 : i32 to index
    %swap3A_35 = arith.constant 64 : index
    %swap3A_36 = tpu.vector_load %arg11[%swap3A_34, %swap3A_35] {strides = array<i32>} : memref<16x128xf32, #tpu.memory_space<vmem>>, vector<1x16xf32>,
    %swap3A_37 = vector.shape_cast %swap3A_36 : vector<1x16xf32> to vector<16xf32>
    %swap3A_38 = vector.shape_cast %broadcast_in_dim3A_32 : vector<16xf32> to vector<1x16xf32>
    tpu.vector_store %arg11[%swap3A_34, %swap3A_35], %swap3A_38 {strides = array<i32>} : memref<16x128xf32, #tpu.memory_space<vmem>>, vector<1x16xf32>,
    %broadcast_in_dim3A_39 = arith.constant 0.000000e+00 : f32
    %broadcast_in_dim3A_40 = vector.broadcast %broadcast_in_dim3A_39 : f32 to vector<16xf32>
    %swap3A_41 = arith.constant 0 : i32
    %swap3A_42 = arith.index_cast %swap3A_41 : i32 to index
    %swap3A_43 = arith.constant 80 : index
    %swap3A_44 = tpu.vector_load %arg11[%swap3A_42, %swap3A_43] {strides = array<i32>} : memref<16x128xf32, #tpu.memory_space<vmem>>, vector<1x16xf32>,
    %swap3A_45 = vector.shape_cast %swap3A_44 : vector<1x16xf32> to vector<16xf32>
    %swap3A_46 = vector.shape_cast %broadcast_in_dim3A_40 : vector<16xf32> to vector<1x16xf32>
    tpu.vector_store %arg11[%swap3A_42, %swap3A_43], %swap3A_46 {strides = array<i32>} : memref<16x128xf32, #tpu.memory_space<vmem>>, vector<1x16xf32>,
    %broadcast_in_dim3A_47 = arith.constant 0.000000e+00 : f32
    %broadcast_in_dim3A_48 = vector.broadcast %broadcast_in_dim3A_47 : f32 to vector<16xf32>
    %swap3A_49 = arith.constant 0 : i32
    %swap3A_50 = arith.index_cast %swap3A_49 : i32 to index
    %swap3A_51 = arith.constant 96 : index
    %swap3A_52 = tpu.vector_load %arg11[%swap3A_50, %swap3A_51] {strides = array<i32>} : memref<16x128xf32, #tpu.memory_space<vmem>>, vector<1x16xf32>,
    %swap3A_53 = vector.shape_cast %swap3A_52 : vector<1x16xf32> to vector<16xf32>
    %swap3A_54 = vector.shape_cast %broadcast_in_dim3A_48 : vector<16xf32> to vector<1x16xf32>
    tpu.vector_store %arg11[%swap3A_50, %swap3A_51], %swap3A_54 {strides = array<i32>} : memref<16x128xf32, #tpu.memory_space<vmem>>, vector<1x16xf32>,
    %broadcast_in_dim3A_55 = arith.constant 0.000000e+00 : f32
    %broadcast_in_dim3A_56 = vector.broadcast %broadcast_in_dim3A_55 : f32 to vector<16xf32>
    %swap3A_57 = arith.constant 0 : i32
    %swap3A_58 = arith.index_cast %swap3A_57 : i32 to index
    %swap3A_59 = arith.constant 112 : index
    %swap3A_60 = tpu.vector_load %arg11[%swap3A_58, %swap3A_59] {strides = array<i32>} : memref<16x128xf32, #tpu.memory_space<vmem>>, vector<1x16xf32>,
    %swap3A_61 = vector.shape_cast %swap3A_60 : vector<1x16xf32> to vector<16xf32>
    %swap3A_62 = vector.shape_cast %broadcast_in_dim3A_56 : vector<16xf32> to vector<1x16xf32>
    tpu.vector_store %arg11[%swap3A_58, %swap3A_59], %swap3A_62 {strides = array<i32>} : memref<16x128xf32, #tpu.memory_space<vmem>>, vector<1x16xf32>,
    %broadcast_in_dim3A_63 = arith.constant 0.000000e+00 : f32
    %broadcast_in_dim3A_64 = vector.broadcast %broadcast_in_dim3A_63 : f32 to vector<16xf32>
    %swap3A_65 = arith.constant 1 : i32
    %swap3A_66 = arith.index_cast %swap3A_65 : i32 to index
    %swap3A_67 = arith.constant 0 : index
    %swap3A_68 = tpu.vector_load %arg11[%swap3A_66, %swap3A_67] {strides = array<i32>} : memref<16x128xf32, #tpu.memory_space<vmem>>, vector<1x16xf32>,
    %swap3A_69 = vector.shape_cast %swap3A_68 : vector<1x16xf32> to vector<16xf32>
    %swap3A_70 = vector.shape_cast %broadcast_in_dim3A_64 : vector<16xf32> to vector<1x16xf32>
    tpu.vector_store %arg11[%swap3A_66, %swap3A_67], %swap3A_70 {strides = array<i32>} : memref<16x128xf32, #tpu.memory_space<vmem>>, vector<1x16xf32>,
    %broadcast_in_dim3A_71 = arith.constant 0.000000e+00 : f32
    %broadcast_in_dim3A_72 = vector.broadcast %broadcast_in_dim3A_71 : f32 to vector<16xf32>
    %swap3A_73 = arith.constant 1 : i32
    %swap3A_74 = arith.index_cast %swap3A_73 : i32 to index
    %swap3A_75 = arith.constant 16 : index
    %swap3A_76 = tpu.vector_load %arg11[%swap3A_74, %swap3A_75] {strides = array<i32>} : memref<16x128xf32, #tpu.memory_space<vmem>>, vector<1x16xf32>,
    %swap3A_77 = vector.shape_cast %swap3A_76 : vector<1x16xf32> to vector<16xf32>
    %swap3A_78 = vector.shape_cast %broadcast_in_dim3A_72 : vector<16xf32> to vector<1x16xf32>
    tpu.vector_store %arg11[%swap3A_74, %swap3A_75], %swap3A_78 {strides = array<i32>} : memref<16x128xf32, #tpu.memory_space<vmem>>, vector<1x16xf32>,
    %broadcast_in_dim3A_79 = arith.constant 0.000000e+00 : f32
    %broadcast_in_dim3A_80 = vector.broadcast %broadcast_in_dim3A_79 : f32 to vector<16xf32>
    %swap3A_81 = arith.constant 1 : i32
    %swap3A_82 = arith.index_cast %swap3A_81 : i32 to index
    %swap3A_83 = arith.constant 32 : index
    %swap3A_84 = tpu.vector_load %arg11[%swap3A_82, %swap3A_83] {strides = array<i32>} : memref<16x128xf32, #tpu.memory_space<vmem>>, vector<1x16xf32>,
    %swap3A_85 = vector.shape_cast %swap3A_84 : vector<1x16xf32> to vector<16xf32>
    %swap3A_86 = vector.shape_cast %broadcast_in_dim3A_80 : vector<16xf32> to vector<1x16xf32>
    tpu.vector_store %arg11[%swap3A_82, %swap3A_83], %swap3A_86 {strides = array<i32>} : memref<16x128xf32, #tpu.memory_space<vmem>>, vector<1x16xf32>,
    %broadcast_in_dim3A_87 = arith.constant 0.000000e+00 : f32
    %broadcast_in_dim3A_88 = vector.broadcast %broadcast_in_dim3A_87 : f32 to vector<16xf32>
    %swap3A_89 = arith.constant 1 : i32
    %swap3A_90 = arith.index_cast %swap3A_89 : i32 to index
    %swap3A_91 = arith.constant 48 : index
    %swap3A_92 = tpu.vector_load %arg11[%swap3A_90, %swap3A_91] {strides = array<i32>} : memref<16x128xf32, #tpu.memory_space<vmem>>, vector<1x16xf32>,
    %swap3A_93 = vector.shape_cast %swap3A_92 : vector<1x16xf32> to vector<16xf32>
    %swap3A_94 = vector.shape_cast %broadcast_in_dim3A_88 : vector<16xf32> to vector<1x16xf32>
    tpu.vector_store %arg11[%swap3A_90, %swap3A_91], %swap3A_94 {strides = array<i32>} : memref<16x128xf32, #tpu.memory_space<vmem>>, vector<1x16xf32>,
    %broadcast_in_dim3A_95 = arith.constant 0.000000e+00 : f32
    %broadcast_in_dim3A_96 = vector.broadcast %broadcast_in_dim3A_95 : f32 to vector<16xf32>
    %swap3A_97 = arith.constant 1 : i32
    %swap3A_98 = arith.index_cast %swap3A_97 : i32 to index
    %swap3A_99 = arith.constant 64 : index
    %swap3A_100 = tpu.vector_load %arg11[%swap3A_98, %swap3A_99] {strides = array<i32>} : memref<16x128xf32, #tpu.memory_space<vmem>>, vector<1x16xf32>,
    %swap3A_101 = vector.shape_cast %swap3A_100 : vector<1x16xf32> to vector<16xf32>
    %swap3A_102 = vector.shape_cast %broadcast_in_dim3A_96 : vector<16xf32> to vector<1x16xf32>
    tpu.vector_store %arg11[%swap3A_98, %swap3A_99], %swap3A_102 {strides = array<i32>} : memref<16x128xf32, #tpu.memory_space<vmem>>, vector<1x16xf32>,
    %broadcast_in_dim3A_103 = arith.constant 0.000000e+00 : f32
    %broadcast_in_dim3A_104 = vector.broadcast %broadcast_in_dim3A_103 : f32 to vector<16xf32>
    %swap3A_105 = arith.constant 1 : i32
    %swap3A_106 = arith.index_cast %swap3A_105 : i32 to index
    %swap3A_107 = arith.constant 80 : index
    %swap3A_108 = tpu.vector_load %arg11[%swap3A_106, %swap3A_107] {strides = array<i32>} : memref<16x128xf32, #tpu.memory_space<vmem>>, vector<1x16xf32>,
    %swap3A_109 = vector.shape_cast %swap3A_108 : vector<1x16xf32> to vector<16xf32>
    %swap3A_110 = vector.shape_cast %broadcast_in_dim3A_104 : vector<16xf32> to vector<1x16xf32>
    tpu.vector_store %arg11[%swap3A_106, %swap3A_107], %swap3A_110 {strides = array<i32>} : memref<16x128xf32, #tpu.memory_space<vmem>>, vector<1x16xf32>,
    %broadcast_in_dim3A_111 = arith.constant 0.000000e+00 : f32
    %broadcast_in_dim3A_112 = vector.broadcast %broadcast_in_dim3A_111 : f32 to vector<16xf32>
    %swap3A_113 = arith.constant 1 : i32
    %swap3A_114 = arith.index_cast %swap3A_113 : i32 to index
    %swap3A_115 = arith.constant 96 : index
    %swap3A_116 = tpu.vector_load %arg11[%swap3A_114, %swap3A_115] {strides = array<i32>} : memref<16x128xf32, #tpu.memory_space<vmem>>, vector<1x16xf32>,
    %swap3A_117 = vector.shape_cast %swap3A_116 : vector<1x16xf32> to vector<16xf32>
    %swap3A_118 = vector.shape_cast %broadcast_in_dim3A_112 : vector<16xf32> to vector<1x16xf32>
    tpu.vector_store %arg11[%swap3A_114, %swap3A_115], %swap3A_118 {strides = array<i32>} : memref<16x128xf32, #tpu.memory_space<vmem>>, vector<1x16xf32>,
    %broadcast_in_dim3A_119 = arith.constant 0.000000e+00 : f32
    %broadcast_in_dim3A_120 = vector.broadcast %broadcast_in_dim3A_119 : f32 to vector<16xf32>
    %swap3A_121 = arith.constant 1 : i32
    %swap3A_122 = arith.index_cast %swap3A_121 : i32 to index
    %swap3A_123 = arith.constant 112 : index
    %swap3A_124 = tpu.vector_load %arg11[%swap3A_122, %swap3A_123] {strides = array<i32>} : memref<16x128xf32, #tpu.memory_space<vmem>>, vector<1x16xf32>,
    %swap3A_125 = vector.shape_cast %swap3A_124 : vector<1x16xf32> to vector<16xf32>
    %swap3A_126 = vector.shape_cast %broadcast_in_dim3A_120 : vector<16xf32> to vector<1x16xf32>
    tpu.vector_store %arg11[%swap3A_122, %swap3A_123], %swap3A_126 {strides = array<i32>} : memref<16x128xf32, #tpu.memory_space<vmem>>, vector<1x16xf32>,
    %broadcast_in_dim3A_127 = arith.constant 0.000000e+00 : f32
    %broadcast_in_dim3A_128 = vector.broadcast %broadcast_in_dim3A_127 : f32 to vector<16xf32>
    %swap3A_129 = arith.constant 2 : i32
    %swap3A_130 = arith.index_cast %swap3A_129 : i32 to index
    %swap3A_131 = arith.constant 0 : index
    %swap3A_132 = tpu.vector_load %arg11[%swap3A_130, %swap3A_131] {strides = array<i32>} : memref<16x128xf32, #tpu.memory_space<vmem>>, vector<1x16xf32>,
    %swap3A_133 = vector.shape_cast %swap3A_132 : vector<1x16xf32> to vector<16xf32>
    %swap3A_134 = vector.shape_cast %broadcast_in_dim3A_128 : vector<16xf32> to vector<1x16xf32>
    tpu.vector_store %arg11[%swap3A_130, %swap3A_131], %swap3A_134 {strides = array<i32>} : memref<16x128xf32, #tpu.memory_space<vmem>>, vector<1x16xf32>,
    %broadcast_in_dim3A_135 = arith.constant 0.000000e+00 : f32
    %broadcast_in_dim3A_136 = vector.broadcast %broadcast_in_dim3A_135 : f32 to vector<16xf32>
    %swap3A_137 = arith.constant 2 : i32
    %swap3A_138 = arith.index_cast %swap3A_137 : i32 to index
    %swap3A_139 = arith.constant 16 : index
    %swap3A_140 = tpu.vector_load %arg11[%swap3A_138, %swap3A_139] {strides = array<i32>} : memref<16x128xf32, #tpu.memory_space<vmem>>, vector<1x16xf32>,
    %swap3A_141 = vector.shape_cast %swap3A_140 : vector<1x16xf32> to vector<16xf32>
    %swap3A_142 = vector.shape_cast %broadcast_in_dim3A_136 : vector<16xf32> to vector<1x16xf32>
    tpu.vector_store %arg11[%swap3A_138, %swap3A_139], %swap3A_142 {strides = array<i32>} : memref<16x128xf32, #tpu.memory_space<vmem>>, vector<1x16xf32>,
    %broadcast_in_dim3A_143 = arith.constant 0.000000e+00 : f32
    %broadcast_in_dim3A_144 = vector.broadcast %broadcast_in_dim3A_143 : f32 to vector<16xf32>
    %swap3A_145 = arith.constant 2 : i32
    %swap3A_146 = arith.index_cast %swap3A_145 : i32 to index
    %swap3A_147 = arith.constant 32 : index
    %swap3A_148 = tpu.vector_load %arg11[%swap3A_146, %swap3A_147] {strides = array<i32>} : memref<16x128xf32, #tpu.memory_space<vmem>>, vector<1x16xf32>,
    %swap3A_149 = vector.shape_cast %swap3A_148 : vector<1x16xf32> to vector<16xf32>
    %swap3A_150 = vector.shape_cast %broadcast_in_dim3A_144 : vector<16xf32> to vector<1x16xf32>
    tpu.vector_store %arg11[%swap3A_146, %swap3A_147], %swap3A_150 {strides = array<i32>} : memref<16x128xf32, #tpu.memory_space<vmem>>, vector<1x16xf32>,
    %broadcast_in_dim3A_151 = arith.constant 0.000000e+00 : f32
    %broadcast_in_dim3A_152 = vector.broadcast %broadcast_in_dim3A_151 : f32 to vector<16xf32>
    %swap3A_153 = arith.constant 2 : i32
    %swap3A_154 = arith.index_cast %swap3A_153 : i32 to index
    %swap3A_155 = arith.constant 48 : index
    %swap3A_156 = tpu.vector_load %arg11[%swap3A_154, %swap3A_155] {strides = array<i32>} : memref<16x128xf32, #tpu.memory_space<vmem>>, vector<1x16xf32>,
    %swap3A_157 = vector.shape_cast %swap3A_156 : vector<1x16xf32> to vector<16xf32>
    %swap3A_158 = vector.shape_cast %broadcast_in_dim3A_152 : vector<16xf32> to vector<1x16xf32>
    tpu.vector_store %arg11[%swap3A_154, %swap3A_155], %swap3A_158 {strides = array<i32>} : memref<16x128xf32, #tpu.memory_space<vmem>>, vector<1x16xf32>,
    %broadcast_in_dim3A_159 = arith.constant 0.000000e+00 : f32
    %broadcast_in_dim3A_160 = vector.broadcast %broadcast_in_dim3A_159 : f32 to vector<16xf32>
    %swap3A_161 = arith.constant 2 : i32
    %swap3A_162 = arith.index_cast %swap3A_161 : i32 to index
    %swap3A_163 = arith.constant 64 : index
    %swap3A_164 = tpu.vector_load %arg11[%swap3A_162, %swap3A_163] {strides = array<i32>} : memref<16x128xf32, #tpu.memory_space<vmem>>, vector<1x16xf32>,
    %swap3A_165 = vector.shape_cast %swap3A_164 : vector<1x16xf32> to vector<16xf32>
    %swap3A_166 = vector.shape_cast %broadcast_in_dim3A_160 : vector<16xf32> to vector<1x16xf32>
    tpu.vector_store %arg11[%swap3A_162, %swap3A_163], %swap3A_166 {strides = array<i32>} : memref<16x128xf32, #tpu.memory_space<vmem>>, vector<1x16xf32>,
    %broadcast_in_dim3A_167 = arith.constant 0.000000e+00 : f32
    %broadcast_in_dim3A_168 = vector.broadcast %broadcast_in_dim3A_167 : f32 to vector<16xf32>
    %swap3A_169 = arith.constant 2 : i32
    %swap3A_170 = arith.index_cast %swap3A_169 : i32 to index
    %swap3A_171 = arith.constant 80 : index
    %swap3A_172 = tpu.vector_load %arg11[%swap3A_170, %swap3A_171] {strides = array<i32>} : memref<16x128xf32, #tpu.memory_space<vmem>>, vector<1x16xf32>,
    %swap3A_173 = vector.shape_cast %swap3A_172 : vector<1x16xf32> to vector<16xf32>
    %swap3A_174 = vector.shape_cast %broadcast_in_dim3A_168 : vector<16xf32> to vector<1x16xf32>
    tpu.vector_store %arg11[%swap3A_170, %swap3A_171], %swap3A_174 {strides = array<i32>} : memref<16x128xf32, #tpu.memory_space<vmem>>, vector<1x16xf32>,
    %broadcast_in_dim3A_175 = arith.constant 0.000000e+00 : f32
    %broadcast_in_dim3A_176 = vector.broadcast %broadcast_in_dim3A_175 : f32 to vector<16xf32>
    %swap3A_177 = arith.constant 2 : i32
    %swap3A_178 = arith.index_cast %swap3A_177 : i32 to index
    %swap3A_179 = arith.constant 96 : index
    %swap3A_180 = tpu.vector_load %arg11[%swap3A_178, %swap3A_179] {strides = array<i32>} : memref<16x128xf32, #tpu.memory_space<vmem>>, vector<1x16xf32>,
    %swap3A_181 = vector.shape_cast %swap3A_180 : vector<1x16xf32> to vector<16xf32>
    %swap3A_182 = vector.shape_cast %broadcast_in_dim3A_176 : vector<16xf32> to vector<1x16xf32>
    tpu.vector_store %arg11[%swap3A_178, %swap3A_179], %swap3A_182 {strides = array<i32>} : memref<16x128xf32, #tpu.memory_space<vmem>>, vector<1x16xf32>,
    %broadcast_in_dim3A_183 = arith.constant 0.000000e+00 : f32
    %broadcast_in_dim3A_184 = vector.broadcast %broadcast_in_dim3A_183 : f32 to vector<16xf32>
    %swap3A_185 = arith.constant 2 : i32
    %swap3A_186 = arith.index_cast %swap3A_185 : i32 to index
    %swap3A_187 = arith.constant 112 : index
    %swap3A_188 = tpu.vector_load %arg11[%swap3A_186, %swap3A_187] {strides = array<i32>} : memref<16x128xf32, #tpu.memory_space<vmem>>, vector<1x16xf32>,
    %swap3A_189 = vector.shape_cast %swap3A_188 : vector<1x16xf32> to vector<16xf32>
    %swap3A_190 = vector.shape_cast %broadcast_in_dim3A_184 : vector<16xf32> to vector<1x16xf32>
    tpu.vector_store %arg11[%swap3A_186, %swap3A_187], %swap3A_190 {strides = array<i32>} : memref<16x128xf32, #tpu.memory_space<vmem>>, vector<1x16xf32>,
    %broadcast_in_dim3A_191 = arith.constant 0.000000e+00 : f32
    %broadcast_in_dim3A_192 = vector.broadcast %broadcast_in_dim3A_191 : f32 to vector<16xf32>
    %swap3A_193 = arith.constant 3 : i32
    %swap3A_194 = arith.index_cast %swap3A_193 : i32 to index
    %swap3A_195 = arith.constant 0 : index
    %swap3A_196 = tpu.vector_load %arg11[%swap3A_194, %swap3A_195] {strides = array<i32>} : memref<16x128xf32, #tpu.memory_space<vmem>>, vector<1x16xf32>,
    %swap3A_197 = vector.shape_cast %swap3A_196 : vector<1x16xf32> to vector<16xf32>
    %swap3A_198 = vector.shape_cast %broadcast_in_dim3A_192 : vector<16xf32> to vector<1x16xf32>
    tpu.vector_store %arg11[%swap3A_194, %swap3A_195], %swap3A_198 {strides = array<i32>} : memref<16x128xf32, #tpu.memory_space<vmem>>, vector<1x16xf32>,
    %broadcast_in_dim3A_199 = arith.constant 0.000000e+00 : f32
    %broadcast_in_dim3A_200 = vector.broadcast %broadcast_in_dim3A_199 : f32 to vector<16xf32>
    %swap3A_201 = arith.constant 3 : i32
    %swap3A_202 = arith.index_cast %swap3A_201 : i32 to index
    %swap3A_203 = arith.constant 16 : index
    %swap3A_204 = tpu.vector_load %arg11[%swap3A_202, %swap3A_203] {strides = array<i32>} : memref<16x128xf32, #tpu.memory_space<vmem>>, vector<1x16xf32>,
    %swap3A_205 = vector.shape_cast %swap3A_204 : vector<1x16xf32> to vector<16xf32>
    %swap3A_206 = vector.shape_cast %broadcast_in_dim3A_200 : vector<16xf32> to vector<1x16xf32>
    tpu.vector_store %arg11[%swap3A_202, %swap3A_203], %swap3A_206 {strides = array<i32>} : memref<16x128xf32, #tpu.memory_space<vmem>>, vector<1x16xf32>,
    %broadcast_in_dim3A_207 = arith.constant 0.000000e+00 : f32
    %broadcast_in_dim3A_208 = vector.broadcast %broadcast_in_dim3A_207 : f32 to vector<16xf32>
    %swap3A_209 = arith.constant 3 : i32
    %swap3A_210 = arith.index_cast %swap3A_209 : i32 to index
    %swap3A_211 = arith.constant 32 : index
    %swap3A_212 = tpu.vector_load %arg11[%swap3A_210, %swap3A_211] {strides = array<i32>} : memref<16x128xf32, #tpu.memory_space<vmem>>, vector<1x16xf32>,
    %swap3A_213 = vector.shape_cast %swap3A_212 : vector<1x16xf32> to vector<16xf32>
    %swap3A_214 = vector.shape_cast %broadcast_in_dim3A_208 : vector<16xf32> to vector<1x16xf32>
    tpu.vector_store %arg11[%swap3A_210, %swap3A_211], %swap3A_214 {strides = array<i32>} : memref<16x128xf32, #tpu.memory_space<vmem>>, vector<1x16xf32>,
    %broadcast_in_dim3A_215 = arith.constant 0.000000e+00 : f32
    %broadcast_in_dim3A_216 = vector.broadcast %broadcast_in_dim3A_215 : f32 to vector<16xf32>
    %swap3A_217 = arith.constant 3 : i32
    %swap3A_218 = arith.index_cast %swap3A_217 : i32 to index
    %swap3A_219 = arith.constant 48 : index
    %swap3A_220 = tpu.vector_load %arg11[%swap3A_218, %swap3A_219] {strides = array<i32>} : memref<16x128xf32, #tpu.memory_space<vmem>>, vector<1x16xf32>,
    %swap3A_221 = vector.shape_cast %swap3A_220 : vector<1x16xf32> to vector<16xf32>
    %swap3A_222 = vector.shape_cast %broadcast_in_dim3A_216 : vector<16xf32> to vector<1x16xf32>
    tpu.vector_store %arg11[%swap3A_218, %swap3A_219], %swap3A_222 {strides = array<i32>} : memref<16x128xf32, #tpu.memory_space<vmem>>, vector<1x16xf32>,
    %broadcast_in_dim3A_223 = arith.constant 0.000000e+00 : f32
    %broadcast_in_dim3A_224 = vector.broadcast %broadcast_in_dim3A_223 : f32 to vector<16xf32>
    %swap3A_225 = arith.constant 3 : i32
    %swap3A_226 = arith.index_cast %swap3A_225 : i32 to index
    %swap3A_227 = arith.constant 64 : index
    %swap3A_228 = tpu.vector_load %arg11[%swap3A_226, %swap3A_227] {strides = array<i32>} : memref<16x128xf32, #tpu.memory_space<vmem>>, vector<1x16xf32>,
    %swap3A_229 = vector.shape_cast %swap3A_228 : vector<1x16xf32> to vector<16xf32>
    %swap3A_230 = vector.shape_cast %broadcast_in_dim3A_224 : vector<16xf32> to vector<1x16xf32>
    tpu.vector_store %arg11[%swap3A_226, %swap3A_227], %swap3A_230 {strides = array<i32>} : memref<16x128xf32, #tpu.memory_space<vmem>>, vector<1x16xf32>,
    %broadcast_in_dim3A_231 = arith.constant 0.000000e+00 : f32
    %broadcast_in_dim3A_232 = vector.broadcast %broadcast_in_dim3A_231 : f32 to vector<16xf32>
    %swap3A_233 = arith.constant 3 : i32
    %swap3A_234 = arith.index_cast %swap3A_233 : i32 to index
    %swap3A_235 = arith.constant 80 : index
    %swap3A_236 = tpu.vector_load %arg11[%swap3A_234, %swap3A_235] {strides = array<i32>} : memref<16x128xf32, #tpu.memory_space<vmem>>, vector<1x16xf32>,
    %swap3A_237 = vector.shape_cast %swap3A_236 : vector<1x16xf32> to vector<16xf32>
    %swap3A_238 = vector.shape_cast %broadcast_in_dim3A_232 : vector<16xf32> to vector<1x16xf32>
    tpu.vector_store %arg11[%swap3A_234, %swap3A_235], %swap3A_238 {strides = array<i32>} : memref<16x128xf32, #tpu.memory_space<vmem>>, vector<1x16xf32>,
    %broadcast_in_dim3A_239 = arith.constant 0.000000e+00 : f32
    %broadcast_in_dim3A_240 = vector.broadcast %broadcast_in_dim3A_239 : f32 to vector<16xf32>
    %swap3A_241 = arith.constant 3 : i32
    %swap3A_242 = arith.index_cast %swap3A_241 : i32 to index
    %swap3A_243 = arith.constant 96 : index
    %swap3A_244 = tpu.vector_load %arg11[%swap3A_242, %swap3A_243] {strides = array<i32>} : memref<16x128xf32, #tpu.memory_space<vmem>>, vector<1x16xf32>,
    %swap3A_245 = vector.shape_cast %swap3A_244 : vector<1x16xf32> to vector<16xf32>
    %swap3A_246 = vector.shape_cast %broadcast_in_dim3A_240 : vector<16xf32> to vector<1x16xf32>
    tpu.vector_store %arg11[%swap3A_242, %swap3A_243], %swap3A_246 {strides = array<i32>} : memref<16x128xf32, #tpu.memory_space<vmem>>, vector<1x16xf32>,
    %broadcast_in_dim3A_247 = arith.constant 0.000000e+00 : f32
    %broadcast_in_dim3A_248 = vector.broadcast %broadcast_in_dim3A_247 : f32 to vector<16xf32>
    %swap3A_249 = arith.constant 3 : i32
    %swap3A_250 = arith.index_cast %swap3A_249 : i32 to index
    %swap3A_251 = arith.constant 112 : index
    %swap3A_252 = tpu.vector_load %arg11[%swap3A_250, %swap3A_251] {strides = array<i32>} : memref<16x128xf32, #tpu.memory_space<vmem>>, vector<1x16xf32>,
    %swap3A_253 = vector.shape_cast %swap3A_252 : vector<1x16xf32> to vector<16xf32>
    %swap3A_254 = vector.shape_cast %broadcast_in_dim3A_248 : vector<16xf32> to vector<1x16xf32>
    tpu.vector_store %arg11[%swap3A_250, %swap3A_251], %swap3A_254 {strides = array<i32>} : memref<16x128xf32, #tpu.memory_space<vmem>>, vector<1x16xf32>,
    %broadcast_in_dim3A_255 = arith.constant 0.000000e+00 : f32
    %broadcast_in_dim3A_256 = vector.broadcast %broadcast_in_dim3A_255 : f32 to vector<16xf32>
    %swap3A_257 = arith.constant 4 : i32
    %swap3A_258 = arith.index_cast %swap3A_257 : i32 to index
    %swap3A_259 = arith.constant 0 : index
    %swap3A_260 = tpu.vector_load %arg11[%swap3A_258, %swap3A_259] {strides = array<i32>} : memref<16x128xf32, #tpu.memory_space<vmem>>, vector<1x16xf32>,
    %swap3A_261 = vector.shape_cast %swap3A_260 : vector<1x16xf32> to vector<16xf32>
    %swap3A_262 = vector.shape_cast %broadcast_in_dim3A_256 : vector<16xf32> to vector<1x16xf32>
    tpu.vector_store %arg11[%swap3A_258, %swap3A_259], %swap3A_262 {strides = array<i32>} : memref<16x128xf32, #tpu.memory_space<vmem>>, vector<1x16xf32>,
    %broadcast_in_dim3A_263 = arith.constant 0.000000e+00 : f32
    %broadcast_in_dim3A_264 = vector.broadcast %broadcast_in_dim3A_263 : f32 to vector<16xf32>
    %swap3A_265 = arith.constant 4 : i32
    %swap3A_266 = arith.index_cast %swap3A_265 : i32 to index
    %swap3A_267 = arith.constant 16 : index
    %swap3A_268 = tpu.vector_load %arg11[%swap3A_266, %swap3A_267] {strides = array<i32>} : memref<16x128xf32, #tpu.memory_space<vmem>>, vector<1x16xf32>,
    %swap3A_269 = vector.shape_cast %swap3A_268 : vector<1x16xf32> to vector<16xf32>
    %swap3A_270 = vector.shape_cast %broadcast_in_dim3A_264 : vector<16xf32> to vector<1x16xf32>
    tpu.vector_store %arg11[%swap3A_266, %swap3A_267], %swap3A_270 {strides = array<i32>} : memref<16x128xf32, #tpu.memory_space<vmem>>, vector<1x16xf32>,
    %broadcast_in_dim3A_271 = arith.constant 0.000000e+00 : f32
    %broadcast_in_dim3A_272 = vector.broadcast %broadcast_in_dim3A_271 : f32 to vector<16xf32>
    %swap3A_273 = arith.constant 4 : i32
    %swap3A_274 = arith.index_cast %swap3A_273 : i32 to index
    %swap3A_275 = arith.constant 32 : index
    %swap3A_276 = tpu.vector_load %arg11[%swap3A_274, %swap3A_275] {strides = array<i32>} : memref<16x128xf32, #tpu.memory_space<vmem>>, vector<1x16xf32>,
    %swap3A_277 = vector.shape_cast %swap3A_276 : vector<1x16xf32> to vector<16xf32>
    %swap3A_278 = vector.shape_cast %broadcast_in_dim3A_272 : vector<16xf32> to vector<1x16xf32>
    tpu.vector_store %arg11[%swap3A_274, %swap3A_275], %swap3A_278 {strides = array<i32>} : memref<16x128xf32, #tpu.memory_space<vmem>>, vector<1x16xf32>,
    %broadcast_in_dim3A_279 = arith.constant 0.000000e+00 : f32
    %broadcast_in_dim3A_280 = vector.broadcast %broadcast_in_dim3A_279 : f32 to vector<16xf32>
    %swap3A_281 = arith.constant 4 : i32
    %swap3A_282 = arith.index_cast %swap3A_281 : i32 to index
    %swap3A_283 = arith.constant 48 : index
    %swap3A_284 = tpu.vector_load %arg11[%swap3A_282, %swap3A_283] {strides = array<i32>} : memref<16x128xf32, #tpu.memory_space<vmem>>, vector<1x16xf32>,
    %swap3A_285 = vector.shape_cast %swap3A_284 : vector<1x16xf32> to vector<16xf32>
    %swap3A_286 = vector.shape_cast %broadcast_in_dim3A_280 : vector<16xf32> to vector<1x16xf32>
    tpu.vector_store %arg11[%swap3A_282, %swap3A_283], %swap3A_286 {strides = array<i32>} : memref<16x128xf32, #tpu.memory_space<vmem>>, vector<1x16xf32>,
    %broadcast_in_dim3A_287 = arith.constant 0.000000e+00 : f32
    %broadcast_in_dim3A_288 = vector.broadcast %broadcast_in_dim3A_287 : f32 to vector<16xf32>
    %swap3A_289 = arith.constant 4 : i32
    %swap3A_290 = arith.index_cast %swap3A_289 : i32 to index
    %swap3A_291 = arith.constant 64 : index
    %swap3A_292 = tpu.vector_load %arg11[%swap3A_290, %swap3A_291] {strides = array<i32>} : memref<16x128xf32, #tpu.memory_space<vmem>>, vector<1x16xf32>,
    %swap3A_293 = vector.shape_cast %swap3A_292 : vector<1x16xf32> to vector<16xf32>
    %swap3A_294 = vector.shape_cast %broadcast_in_dim3A_288 : vector<16xf32> to vector<1x16xf32>
    tpu.vector_store %arg11[%swap3A_290, %swap3A_291], %swap3A_294 {strides = array<i32>} : memref<16x128xf32, #tpu.memory_space<vmem>>, vector<1x16xf32>,
    %broadcast_in_dim3A_295 = arith.constant 0.000000e+00 : f32
    %broadcast_in_dim3A_296 = vector.broadcast %broadcast_in_dim3A_295 : f32 to vector<16xf32>
    %swap3A_297 = arith.constant 4 : i32
    %swap3A_298 = arith.index_cast %swap3A_297 : i32 to index
    %swap3A_299 = arith.constant 80 : index
    %swap3A_300 = tpu.vector_load %arg11[%swap3A_298, %swap3A_299] {strides = array<i32>} : memref<16x128xf32, #tpu.memory_space<vmem>>, vector<1x16xf32>,
    %swap3A_301 = vector.shape_cast %swap3A_300 : vector<1x16xf32> to vector<16xf32>
    %swap3A_302 = vector.shape_cast %broadcast_in_dim3A_296 : vector<16xf32> to vector<1x16xf32>
    tpu.vector_store %arg11[%swap3A_298, %swap3A_299], %swap3A_302 {strides = array<i32>} : memref<16x128xf32, #tpu.memory_space<vmem>>, vector<1x16xf32>,
    %broadcast_in_dim3A_303 = arith.constant 0.000000e+00 : f32
    %broadcast_in_dim3A_304 = vector.broadcast %broadcast_in_dim3A_303 : f32 to vector<16xf32>
    %swap3A_305 = arith.constant 4 : i32
    %swap3A_306 = arith.index_cast %swap3A_305 : i32 to index
    %swap3A_307 = arith.constant 96 : index
    %swap3A_308 = tpu.vector_load %arg11[%swap3A_306, %swap3A_307] {strides = array<i32>} : memref<16x128xf32, #tpu.memory_space<vmem>>, vector<1x16xf32>,
    %swap3A_309 = vector.shape_cast %swap3A_308 : vector<1x16xf32> to vector<16xf32>
    %swap3A_310 = vector.shape_cast %broadcast_in_dim3A_304 : vector<16xf32> to vector<1x16xf32>
    tpu.vector_store %arg11[%swap3A_306, %swap3A_307], %swap3A_310 {strides = array<i32>} : memref<16x128xf32, #tpu.memory_space<vmem>>, vector<1x16xf32>,
    %broadcast_in_dim3A_311 = arith.constant 0.000000e+00 : f32
    %broadcast_in_dim3A_312 = vector.broadcast %broadcast_in_dim3A_311 : f32 to vector<16xf32>
    %swap3A_313 = arith.constant 4 : i32
    %swap3A_314 = arith.index_cast %swap3A_313 : i32 to index
    %swap3A_315 = arith.constant 112 : index
    %swap3A_316 = tpu.vector_load %arg11[%swap3A_314, %swap3A_315] {strides = array<i32>} : memref<16x128xf32, #tpu.memory_space<vmem>>, vector<1x16xf32>,
    %swap3A_317 = vector.shape_cast %swap3A_316 : vector<1x16xf32> to vector<16xf32>
    %swap3A_318 = vector.shape_cast %broadcast_in_dim3A_312 : vector<16xf32> to vector<1x16xf32>
    tpu.vector_store %arg11[%swap3A_314, %swap3A_315], %swap3A_318 {strides = array<i32>} : memref<16x128xf32, #tpu.memory_space<vmem>>, vector<1x16xf32>,
    %broadcast_in_dim3A_319 = arith.constant 0.000000e+00 : f32
    %broadcast_in_dim3A_320 = vector.broadcast %broadcast_in_dim3A_319 : f32 to vector<16xf32>
    %swap3A_321 = arith.constant 5 : i32
    %swap3A_322 = arith.index_cast %swap3A_321 : i32 to index
    %swap3A_323 = arith.constant 0 : index
    %swap3A_324 = tpu.vector_load %arg11[%swap3A_322, %swap3A_323] {strides = array<i32>} : memref<16x128xf32, #tpu.memory_space<vmem>>, vector<1x16xf32>,
    %swap3A_325 = vector.shape_cast %swap3A_324 : vector<1x16xf32> to vector<16xf32>
    %swap3A_326 = vector.shape_cast %broadcast_in_dim3A_320 : vector<16xf32> to vector<1x16xf32>
    tpu.vector_store %arg11[%swap3A_322, %swap3A_323], %swap3A_326 {strides = array<i32>} : memref<16x128xf32, #tpu.memory_space<vmem>>, vector<1x16xf32>,
    %broadcast_in_dim3A_327 = arith.constant 0.000000e+00 : f32
    %broadcast_in_dim3A_328 = vector.broadcast %broadcast_in_dim3A_327 : f32 to vector<16xf32>
    %swap3A_329 = arith.constant 5 : i32
    %swap3A_330 = arith.index_cast %swap3A_329 : i32 to index
    %swap3A_331 = arith.constant 16 : index
    %swap3A_332 = tpu.vector_load %arg11[%swap3A_330, %swap3A_331] {strides = array<i32>} : memref<16x128xf32, #tpu.memory_space<vmem>>, vector<1x16xf32>,
    %swap3A_333 = vector.shape_cast %swap3A_332 : vector<1x16xf32> to vector<16xf32>
    %swap3A_334 = vector.shape_cast %broadcast_in_dim3A_328 : vector<16xf32> to vector<1x16xf32>
    tpu.vector_store %arg11[%swap3A_330, %swap3A_331], %swap3A_334 {strides = array<i32>} : memref<16x128xf32, #tpu.memory_space<vmem>>, vector<1x16xf32>,
    %broadcast_in_dim3A_335 = arith.constant 0.000000e+00 : f32
    %broadcast_in_dim3A_336 = vector.broadcast %broadcast_in_dim3A_335 : f32 to vector<16xf32>
    %swap3A_337 = arith.constant 5 : i32
    %swap3A_338 = arith.index_cast %swap3A_337 : i32 to index
    %swap3A_339 = arith.constant 32 : index
    %swap3A_340 = tpu.vector_load %arg11[%swap3A_338, %swap3A_339] {strides = array<i32>} : memref<16x128xf32, #tpu.memory_space<vmem>>, vector<1x16xf32>,
    %swap3A_341 = vector.shape_cast %swap3A_340 : vector<1x16xf32> to vector<16xf32>
    %swap3A_342 = vector.shape_cast %broadcast_in_dim3A_336 : vector<16xf32> to vector<1x16xf32>
    tpu.vector_store %arg11[%swap3A_338, %swap3A_339], %swap3A_342 {strides = array<i32>} : memref<16x128xf32, #tpu.memory_space<vmem>>, vector<1x16xf32>,
    %broadcast_in_dim3A_343 = arith.constant 0.000000e+00 : f32
    %broadcast_in_dim3A_344 = vector.broadcast %broadcast_in_dim3A_343 : f32 to vector<16xf32>
    %swap3A_345 = arith.constant 5 : i32
    %swap3A_346 = arith.index_cast %swap3A_345 : i32 to index
    %swap3A_347 = arith.constant 48 : index
    %swap3A_348 = tpu.vector_load %arg11[%swap3A_346, %swap3A_347] {strides = array<i32>} : memref<16x128xf32, #tpu.memory_space<vmem>>, vector<1x16xf32>,
    %swap3A_349 = vector.shape_cast %swap3A_348 : vector<1x16xf32> to vector<16xf32>
    %swap3A_350 = vector.shape_cast %broadcast_in_dim3A_344 : vector<16xf32> to vector<1x16xf32>
    tpu.vector_store %arg11[%swap3A_346, %swap3A_347], %swap3A_350 {strides = array<i32>} : memref<16x128xf32, #tpu.memory_space<vmem>>, vector<1x16xf32>,
    %broadcast_in_dim3A_351 = arith.constant 0.000000e+00 : f32
    %broadcast_in_dim3A_352 = vector.broadcast %broadcast_in_dim3A_351 : f32 to vector<16xf32>
    %swap3A_353 = arith.constant 5 : i32
    %swap3A_354 = arith.index_cast %swap3A_353 : i32 to index
    %swap3A_355 = arith.constant 64 : index
    %swap3A_356 = tpu.vector_load %arg11[%swap3A_354, %swap3A_355] {strides = array<i32>} : memref<16x128xf32, #tpu.memory_space<vmem>>, vector<1x16xf32>,
    %swap3A_357 = vector.shape_cast %swap3A_356 : vector<1x16xf32> to vector<16xf32>
    %swap3A_358 = vector.shape_cast %broadcast_in_dim3A_352 : vector<16xf32> to vector<1x16xf32>
    tpu.vector_store %arg11[%swap3A_354, %swap3A_355], %swap3A_358 {strides = array<i32>} : memref<16x128xf32, #tpu.memory_space<vmem>>, vector<1x16xf32>,
    %broadcast_in_dim3A_359 = arith.constant 0.000000e+00 : f32
    %broadcast_in_dim3A_360 = vector.broadcast %broadcast_in_dim3A_359 : f32 to vector<16xf32>
    %swap3A_361 = arith.constant 5 : i32
    %swap3A_362 = arith.index_cast %swap3A_361 : i32 to index
    %swap3A_363 = arith.constant 80 : index
    %swap3A_364 = tpu.vector_load %arg11[%swap3A_362, %swap3A_363] {strides = array<i32>} : memref<16x128xf32, #tpu.memory_space<vmem>>, vector<1x16xf32>,
    %swap3A_365 = vector.shape_cast %swap3A_364 : vector<1x16xf32> to vector<16xf32>
    %swap3A_366 = vector.shape_cast %broadcast_in_dim3A_360 : vector<16xf32> to vector<1x16xf32>
    tpu.vector_store %arg11[%swap3A_362, %swap3A_363], %swap3A_366 {strides = array<i32>} : memref<16x128xf32, #tpu.memory_space<vmem>>, vector<1x16xf32>,
    %broadcast_in_dim3A_367 = arith.constant 0.000000e+00 : f32
    %broadcast_in_dim3A_368 = vector.broadcast %broadcast_in_dim3A_367 : f32 to vector<16xf32>
    %swap3A_369 = arith.constant 5 : i32
    %swap3A_370 = arith.index_cast %swap3A_369 : i32 to index
    %swap3A_371 = arith.constant 96 : index
    %swap3A_372 = tpu.vector_load %arg11[%swap3A_370, %swap3A_371] {strides = array<i32>} : memref<16x128xf32, #tpu.memory_space<vmem>>, vector<1x16xf32>,
    %swap3A_373 = vector.shape_cast %swap3A_372 : vector<1x16xf32> to vector<16xf32>
    %swap3A_374 = vector.shape_cast %broadcast_in_dim3A_368 : vector<16xf32> to vector<1x16xf32>
    tpu.vector_store %arg11[%swap3A_370, %swap3A_371], %swap3A_374 {strides = array<i32>} : memref<16x128xf32, #tpu.memory_space<vmem>>, vector<1x16xf32>,
    %broadcast_in_dim3A_375 = arith.constant 0.000000e+00 : f32
    %broadcast_in_dim3A_376 = vector.broadcast %broadcast_in_dim3A_375 : f32 to vector<16xf32>
    %swap3A_377 = arith.constant 5 : i32
    %swap3A_378 = arith.index_cast %swap3A_377 : i32 to index
    %swap3A_379 = arith.constant 112 : index
    %swap3A_380 = tpu.vector_load %arg11[%swap3A_378, %swap3A_379] {strides = array<i32>} : memref<16x128xf32, #tpu.memory_space<vmem>>, vector<1x16xf32>,
    %swap3A_381 = vector.shape_cast %swap3A_380 : vector<1x16xf32> to vector<16xf32>
    %swap3A_382 = vector.shape_cast %broadcast_in_dim3A_376 : vector<16xf32> to vector<1x16xf32>
    tpu.vector_store %arg11[%swap3A_378, %swap3A_379], %swap3A_382 {strides = array<i32>} : memref<16x128xf32, #tpu.memory_space<vmem>>, vector<1x16xf32>,
    %broadcast_in_dim3A_383 = arith.constant 0.000000e+00 : f32
    %broadcast_in_dim3A_384 = vector.broadcast %broadcast_in_dim3A_383 : f32 to vector<16xf32>
    %swap3A_385 = arith.constant 6 : i32
    %swap3A_386 = arith.index_cast %swap3A_385 : i32 to index
    %swap3A_387 = arith.constant 0 : index
    %swap3A_388 = tpu.vector_load %arg11[%swap3A_386, %swap3A_387] {strides = array<i32>} : memref<16x128xf32, #tpu.memory_space<vmem>>, vector<1x16xf32>,
    %swap3A_389 = vector.shape_cast %swap3A_388 : vector<1x16xf32> to vector<16xf32>
    %swap3A_390 = vector.shape_cast %broadcast_in_dim3A_384 : vector<16xf32> to vector<1x16xf32>
    tpu.vector_store %arg11[%swap3A_386, %swap3A_387], %swap3A_390 {strides = array<i32>} : memref<16x128xf32, #tpu.memory_space<vmem>>, vector<1x16xf32>,
    %broadcast_in_dim3A_391 = arith.constant 0.000000e+00 : f32
    %broadcast_in_dim3A_392 = vector.broadcast %broadcast_in_dim3A_391 : f32 to vector<16xf32>
    %swap3A_393 = arith.constant 6 : i32
    %swap3A_394 = arith.index_cast %swap3A_393 : i32 to index
    %swap3A_395 = arith.constant 16 : index
    %swap3A_396 = tpu.vector_load %arg11[%swap3A_394, %swap3A_395] {strides = array<i32>} : memref<16x128xf32, #tpu.memory_space<vmem>>, vector<1x16xf32>,
    %swap3A_397 = vector.shape_cast %swap3A_396 : vector<1x16xf32> to vector<16xf32>
    %swap3A_398 = vector.shape_cast %broadcast_in_dim3A_392 : vector<16xf32> to vector<1x16xf32>
    tpu.vector_store %arg11[%swap3A_394, %swap3A_395], %swap3A_398 {strides = array<i32>} : memref<16x128xf32, #tpu.memory_space<vmem>>, vector<1x16xf32>,
    %broadcast_in_dim3A_399 = arith.constant 0.000000e+00 : f32
    %broadcast_in_dim3A_400 = vector.broadcast %broadcast_in_dim3A_399 : f32 to vector<16xf32>
    %swap3A_401 = arith.constant 6 : i32
    %swap3A_402 = arith.index_cast %swap3A_401 : i32 to index
    %swap3A_403 = arith.constant 32 : index
    %swap3A_404 = tpu.vector_load %arg11[%swap3A_402, %swap3A_403] {strides = array<i32>} : memref<16x128xf32, #tpu.memory_space<vmem>>, vector<1x16xf32>,
    %swap3A_405 = vector.shape_cast %swap3A_404 : vector<1x16xf32> to vector<16xf32>
    %swap3A_406 = vector.shape_cast %broadcast_in_dim3A_400 : vector<16xf32> to vector<1x16xf32>
    tpu.vector_store %arg11[%swap3A_402, %swap3A_403], %swap3A_406 {strides = array<i32>} : memref<16x128xf32, #tpu.memory_space<vmem>>, vector<1x16xf32>,
    %broadcast_in_dim3A_407 = arith.constant 0.000000e+00 : f32
    %broadcast_in_dim3A_408 = vector.broadcast %broadcast_in_dim3A_407 : f32 to vector<16xf32>
    %swap3A_409 = arith.constant 6 : i32
    %swap3A_410 = arith.index_cast %swap3A_409 : i32 to index
    %swap3A_411 = arith.constant 48 : index
    %swap3A_412 = tpu.vector_load %arg11[%swap3A_410, %swap3A_411] {strides = array<i32>} : memref<16x128xf32, #tpu.memory_space<vmem>>, vector<1x16xf32>,
    %swap3A_413 = vector.shape_cast %swap3A_412 : vector<1x16xf32> to vector<16xf32>
    %swap3A_414 = vector.shape_cast %broadcast_in_dim3A_408 : vector<16xf32> to vector<1x16xf32>
    tpu.vector_store %arg11[%swap3A_410, %swap3A_411], %swap3A_414 {strides = array<i32>} : memref<16x128xf32, #tpu.memory_space<vmem>>, vector<1x16xf32>,
    %broadcast_in_dim3A_415 = arith.constant 0.000000e+00 : f32
    %broadcast_in_dim3A_416 = vector.broadcast %broadcast_in_dim3A_415 : f32 to vector<16xf32>
    %swap3A_417 = arith.constant 6 : i32
    %swap3A_418 = arith.index_cast %swap3A_417 : i32 to index
    %swap3A_419 = arith.constant 64 : index
    %swap3A_420 = tpu.vector_load %arg11[%swap3A_418, %swap3A_419] {strides = array<i32>} : memref<16x128xf32, #tpu.memory_space<vmem>>, vector<1x16xf32>,
    %swap3A_421 = vector.shape_cast %swap3A_420 : vector<1x16xf32> to vector<16xf32>
    %swap3A_422 = vector.shape_cast %broadcast_in_dim3A_416 : vector<16xf32> to vector<1x16xf32>
    tpu.vector_store %arg11[%swap3A_418, %swap3A_419], %swap3A_422 {strides = array<i32>} : memref<16x128xf32, #tpu.memory_space<vmem>>, vector<1x16xf32>,
    %broadcast_in_dim3A_423 = arith.constant 0.000000e+00 : f32
    %broadcast_in_dim3A_424 = vector.broadcast %broadcast_in_dim3A_423 : f32 to vector<16xf32>
    %swap3A_425 = arith.constant 6 : i32
    %swap3A_426 = arith.index_cast %swap3A_425 : i32 to index
    %swap3A_427 = arith.constant 80 : index
    %swap3A_428 = tpu.vector_load %arg11[%swap3A_426, %swap3A_427] {strides = array<i32>} : memref<16x128xf32, #tpu.memory_space<vmem>>, vector<1x16xf32>,
    %swap3A_429 = vector.shape_cast %swap3A_428 : vector<1x16xf32> to vector<16xf32>
    %swap3A_430 = vector.shape_cast %broadcast_in_dim3A_424 : vector<16xf32> to vector<1x16xf32>
    tpu.vector_store %arg11[%swap3A_426, %swap3A_427], %swap3A_430 {strides = array<i32>} : memref<16x128xf32, #tpu.memory_space<vmem>>, vector<1x16xf32>,
    %broadcast_in_dim3A_431 = arith.constant 0.000000e+00 : f32
    %broadcast_in_dim3A_432 = vector.broadcast %broadcast_in_dim3A_431 : f32 to vector<16xf32>
    %swap3A_433 = arith.constant 6 : i32
    %swap3A_434 = arith.index_cast %swap3A_433 : i32 to index
    %swap3A_435 = arith.constant 96 : index
    %swap3A_436 = tpu.vector_load %arg11[%swap3A_434, %swap3A_435] {strides = array<i32>} : memref<16x128xf32, #tpu.memory_space<vmem>>, vector<1x16xf32>,
    %swap3A_437 = vector.shape_cast %swap3A_436 : vector<1x16xf32> to vector<16xf32>
    %swap3A_438 = vector.shape_cast %broadcast_in_dim3A_432 : vector<16xf32> to vector<1x16xf32>
    tpu.vector_store %arg11[%swap3A_434, %swap3A_435], %swap3A_438 {strides = array<i32>} : memref<16x128xf32, #tpu.memory_space<vmem>>, vector<1x16xf32>,
    %broadcast_in_dim3A_439 = arith.constant 0.000000e+00 : f32
    %broadcast_in_dim3A_440 = vector.broadcast %broadcast_in_dim3A_439 : f32 to vector<16xf32>
    %swap3A_441 = arith.constant 6 : i32
    %swap3A_442 = arith.index_cast %swap3A_441 : i32 to index
    %swap3A_443 = arith.constant 112 : index
    %swap3A_444 = tpu.vector_load %arg11[%swap3A_442, %swap3A_443] {strides = array<i32>} : memref<16x128xf32, #tpu.memory_space<vmem>>, vector<1x16xf32>,
    %swap3A_445 = vector.shape_cast %swap3A_444 : vector<1x16xf32> to vector<16xf32>
    %swap3A_446 = vector.shape_cast %broadcast_in_dim3A_440 : vector<16xf32> to vector<1x16xf32>
    tpu.vector_store %arg11[%swap3A_442, %swap3A_443], %swap3A_446 {strides = array<i32>} : memref<16x128xf32, #tpu.memory_space<vmem>>, vector<1x16xf32>,
    %broadcast_in_dim3A_447 = arith.constant 0.000000e+00 : f32
    %broadcast_in_dim3A_448 = vector.broadcast %broadcast_in_dim3A_447 : f32 to vector<16xf32>
    %swap3A_449 = arith.constant 7 : i32
    %swap3A_450 = arith.index_cast %swap3A_449 : i32 to index
    %swap3A_451 = arith.constant 0 : index
    %swap3A_452 = tpu.vector_load %arg11[%swap3A_450, %swap3A_451] {strides = array<i32>} : memref<16x128xf32, #tpu.memory_space<vmem>>, vector<1x16xf32>,
    %swap3A_453 = vector.shape_cast %swap3A_452 : vector<1x16xf32> to vector<16xf32>
    %swap3A_454 = vector.shape_cast %broadcast_in_dim3A_448 : vector<16xf32> to vector<1x16xf32>
    tpu.vector_store %arg11[%swap3A_450, %swap3A_451], %swap3A_454 {strides = array<i32>} : memref<16x128xf32, #tpu.memory_space<vmem>>, vector<1x16xf32>,
    %broadcast_in_dim3A_455 = arith.constant 0.000000e+00 : f32
    %broadcast_in_dim3A_456 = vector.broadcast %broadcast_in_dim3A_455 : f32 to vector<16xf32>
    %swap3A_457 = arith.constant 7 : i32
    %swap3A_458 = arith.index_cast %swap3A_457 : i32 to index
    %swap3A_459 = arith.constant 16 : index
    %swap3A_460 = tpu.vector_load %arg11[%swap3A_458, %swap3A_459] {strides = array<i32>} : memref<16x128xf32, #tpu.memory_space<vmem>>, vector<1x16xf32>,
    %swap3A_461 = vector.shape_cast %swap3A_460 : vector<1x16xf32> to vector<16xf32>
    %swap3A_462 = vector.shape_cast %broadcast_in_dim3A_456 : vector<16xf32> to vector<1x16xf32>
    tpu.vector_store %arg11[%swap3A_458, %swap3A_459], %swap3A_462 {strides = array<i32>} : memref<16x128xf32, #tpu.memory_space<vmem>>, vector<1x16xf32>,
    %broadcast_in_dim3A_463 = arith.constant 0.000000e+00 : f32
    %broadcast_in_dim3A_464 = vector.broadcast %broadcast_in_dim3A_463 : f32 to vector<16xf32>
    %swap3A_465 = arith.constant 7 : i32
    %swap3A_466 = arith.index_cast %swap3A_465 : i32 to index
    %swap3A_467 = arith.constant 32 : index
    %swap3A_468 = tpu.vector_load %arg11[%swap3A_466, %swap3A_467] {strides = array<i32>} : memref<16x128xf32, #tpu.memory_space<vmem>>, vector<1x16xf32>,
    %swap3A_469 = vector.shape_cast %swap3A_468 : vector<1x16xf32> to vector<16xf32>
    %swap3A_470 = vector.shape_cast %broadcast_in_dim3A_464 : vector<16xf32> to vector<1x16xf32>
    tpu.vector_store %arg11[%swap3A_466, %swap3A_467], %swap3A_470 {strides = array<i32>} : memref<16x128xf32, #tpu.memory_space<vmem>>, vector<1x16xf32>,
    %broadcast_in_dim3A_471 = arith.constant 0.000000e+00 : f32
    %broadcast_in_dim3A_472 = vector.broadcast %broadcast_in_dim3A_471 : f32 to vector<16xf32>
    %swap3A_473 = arith.constant 7 : i32
    %swap3A_474 = arith.index_cast %swap3A_473 : i32 to index
    %swap3A_475 = arith.constant 48 : index
    %swap3A_476 = tpu.vector_load %arg11[%swap3A_474, %swap3A_475] {strides = array<i32>} : memref<16x128xf32, #tpu.memory_space<vmem>>, vector<1x16xf32>,
    %swap3A_477 = vector.shape_cast %swap3A_476 : vector<1x16xf32> to vector<16xf32>
    %swap3A_478 = vector.shape_cast %broadcast_in_dim3A_472 : vector<16xf32> to vector<1x16xf32>
    tpu.vector_store %arg11[%swap3A_474, %swap3A_475], %swap3A_478 {strides = array<i32>} : memref<16x128xf32, #tpu.memory_space<vmem>>, vector<1x16xf32>,
    %broadcast_in_dim3A_479 = arith.constant 0.000000e+00 : f32
    %broadcast_in_dim3A_480 = vector.broadcast %broadcast_in_dim3A_479 : f32 to vector<16xf32>
    %swap3A_481 = arith.constant 7 : i32
    %swap3A_482 = arith.index_cast %swap3A_481 : i32 to index
    %swap3A_483 = arith.constant 64 : index
    %swap3A_484 = tpu.vector_load %arg11[%swap3A_482, %swap3A_483] {strides = array<i32>} : memref<16x128xf32, #tpu.memory_space<vmem>>, vector<1x16xf32>,
    %swap3A_485 = vector.shape_cast %swap3A_484 : vector<1x16xf32> to vector<16xf32>
    %swap3A_486 = vector.shape_cast %broadcast_in_dim3A_480 : vector<16xf32> to vector<1x16xf32>
    tpu.vector_store %arg11[%swap3A_482, %swap3A_483], %swap3A_486 {strides = array<i32>} : memref<16x128xf32, #tpu.memory_space<vmem>>, vector<1x16xf32>,
    %broadcast_in_dim3A_487 = arith.constant 0.000000e+00 : f32
    %broadcast_in_dim3A_488 = vector.broadcast %broadcast_in_dim3A_487 : f32 to vector<16xf32>
    %swap3A_489 = arith.constant 7 : i32
    %swap3A_490 = arith.index_cast %swap3A_489 : i32 to index
    %swap3A_491 = arith.constant 80 : index
    %swap3A_492 = tpu.vector_load %arg11[%swap3A_490, %swap3A_491] {strides = array<i32>} : memref<16x128xf32, #tpu.memory_space<vmem>>, vector<1x16xf32>,
    %swap3A_493 = vector.shape_cast %swap3A_492 : vector<1x16xf32> to vector<16xf32>
    %swap3A_494 = vector.shape_cast %broadcast_in_dim3A_488 : vector<16xf32> to vector<1x16xf32>
    tpu.vector_store %arg11[%swap3A_490, %swap3A_491], %swap3A_494 {strides = array<i32>} : memref<16x128xf32, #tpu.memory_space<vmem>>, vector<1x16xf32>,
    %broadcast_in_dim3A_495 = arith.constant 0.000000e+00 : f32
    %broadcast_in_dim3A_496 = vector.broadcast %broadcast_in_dim3A_495 : f32 to vector<16xf32>
    %swap3A_497 = arith.constant 7 : i32
    %swap3A_498 = arith.index_cast %swap3A_497 : i32 to index
    %swap3A_499 = arith.constant 96 : index
    %swap3A_500 = tpu.vector_load %arg11[%swap3A_498, %swap3A_499] {strides = array<i32>} : memref<16x128xf32, #tpu.memory_space<vmem>>, vector<1x16xf32>,
    %swap3A_501 = vector.shape_cast %swap3A_500 : vector<1x16xf32> to vector<16xf32>
    %swap3A_502 = vector.shape_cast %broadcast_in_dim3A_496 : vector<16xf32> to vector<1x16xf32>
    tpu.vector_store %arg11[%swap3A_498, %swap3A_499], %swap3A_502 {strides = array<i32>} : memref<16x128xf32, #tpu.memory_space<vmem>>, vector<1x16xf32>,
    %broadcast_in_dim3A_503 = arith.constant 0.000000e+00 : f32
    %broadcast_in_dim3A_504 = vector.broadcast %broadcast_in_dim3A_503 : f32 to vector<16xf32>
    %swap3A_505 = arith.constant 7 : i32
    %swap3A_506 = arith.index_cast %swap3A_505 : i32 to index
    %swap3A_507 = arith.constant 112 : index
    %swap3A_508 = tpu.vector_load %arg11[%swap3A_506, %swap3A_507] {strides = array<i32>} : memref<16x128xf32, #tpu.memory_space<vmem>>, vector<1x16xf32>,
    %swap3A_509 = vector.shape_cast %swap3A_508 : vector<1x16xf32> to vector<16xf32>
    %swap3A_510 = vector.shape_cast %broadcast_in_dim3A_504 : vector<16xf32> to vector<1x16xf32>
    tpu.vector_store %arg11[%swap3A_506, %swap3A_507], %swap3A_510 {strides = array<i32>} : memref<16x128xf32, #tpu.memory_space<vmem>>, vector<1x16xf32>,
    %broadcast_in_dim3A_511 = arith.constant 0.000000e+00 : f32
    %broadcast_in_dim3A_512 = vector.broadcast %broadcast_in_dim3A_511 : f32 to vector<16xf32>
    %swap3A_513 = arith.constant 8 : i32
    %swap3A_514 = arith.index_cast %swap3A_513 : i32 to index
    %swap3A_515 = arith.constant 0 : index
    %swap3A_516 = tpu.vector_load %arg11[%swap3A_514, %swap3A_515] {strides = array<i32>} : memref<16x128xf32, #tpu.memory_space<vmem>>, vector<1x16xf32>,
    %swap3A_517 = vector.shape_cast %swap3A_516 : vector<1x16xf32> to vector<16xf32>
    %swap3A_518 = vector.shape_cast %broadcast_in_dim3A_512 : vector<16xf32> to vector<1x16xf32>
    tpu.vector_store %arg11[%swap3A_514, %swap3A_515], %swap3A_518 {strides = array<i32>} : memref<16x128xf32, #tpu.memory_space<vmem>>, vector<1x16xf32>,
    %broadcast_in_dim3A_519 = arith.constant 0.000000e+00 : f32
    %broadcast_in_dim3A_520 = vector.broadcast %broadcast_in_dim3A_519 : f32 to vector<16xf32>
    %swap3A_521 = arith.constant 8 : i32
    %swap3A_522 = arith.index_cast %swap3A_521 : i32 to index
    %swap3A_523 = arith.constant 16 : index
    %swap3A_524 = tpu.vector_load %arg11[%swap3A_522, %swap3A_523] {strides = array<i32>} : memref<16x128xf32, #tpu.memory_space<vmem>>, vector<1x16xf32>,
    %swap3A_525 = vector.shape_cast %swap3A_524 : vector<1x16xf32> to vector<16xf32>
    %swap3A_526 = vector.shape_cast %broadcast_in_dim3A_520 : vector<16xf32> to vector<1x16xf32>
    tpu.vector_store %arg11[%swap3A_522, %swap3A_523], %swap3A_526 {strides = array<i32>} : memref<16x128xf32, #tpu.memory_space<vmem>>, vector<1x16xf32>,
    %broadcast_in_dim3A_527 = arith.constant 0.000000e+00 : f32
    %broadcast_in_dim3A_528 = vector.broadcast %broadcast_in_dim3A_527 : f32 to vector<16xf32>
    %swap3A_529 = arith.constant 8 : i32
    %swap3A_530 = arith.index_cast %swap3A_529 : i32 to index
    %swap3A_531 = arith.constant 32 : index
    %swap3A_532 = tpu.vector_load %arg11[%swap3A_530, %swap3A_531] {strides = array<i32>} : memref<16x128xf32, #tpu.memory_space<vmem>>, vector<1x16xf32>,
    %swap3A_533 = vector.shape_cast %swap3A_532 : vector<1x16xf32> to vector<16xf32>
    %swap3A_534 = vector.shape_cast %broadcast_in_dim3A_528 : vector<16xf32> to vector<1x16xf32>
    tpu.vector_store %arg11[%swap3A_530, %swap3A_531], %swap3A_534 {strides = array<i32>} : memref<16x128xf32, #tpu.memory_space<vmem>>, vector<1x16xf32>,
    %broadcast_in_dim3A_535 = arith.constant 0.000000e+00 : f32
    %broadcast_in_dim3A_536 = vector.broadcast %broadcast_in_dim3A_535 : f32 to vector<16xf32>
    %swap3A_537 = arith.constant 8 : i32
    %swap3A_538 = arith.index_cast %swap3A_537 : i32 to index
    %swap3A_539 = arith.constant 48 : index
    %swap3A_540 = tpu.vector_load %arg11[%swap3A_538, %swap3A_539] {strides = array<i32>} : memref<16x128xf32, #tpu.memory_space<vmem>>, vector<1x16xf32>,
    %swap3A_541 = vector.shape_cast %swap3A_540 : vector<1x16xf32> to vector<16xf32>
    %swap3A_542 = vector.shape_cast %broadcast_in_dim3A_536 : vector<16xf32> to vector<1x16xf32>
    tpu.vector_store %arg11[%swap3A_538, %swap3A_539], %swap3A_542 {strides = array<i32>} : memref<16x128xf32, #tpu.memory_space<vmem>>, vector<1x16xf32>,
    %broadcast_in_dim3A_543 = arith.constant 0.000000e+00 : f32
    %broadcast_in_dim3A_544 = vector.broadcast %broadcast_in_dim3A_543 : f32 to vector<16xf32>
    %swap3A_545 = arith.constant 8 : i32
    %swap3A_546 = arith.index_cast %swap3A_545 : i32 to index
    %swap3A_547 = arith.constant 64 : index
    %swap3A_548 = tpu.vector_load %arg11[%swap3A_546, %swap3A_547] {strides = array<i32>} : memref<16x128xf32, #tpu.memory_space<vmem>>, vector<1x16xf32>,
    %swap3A_549 = vector.shape_cast %swap3A_548 : vector<1x16xf32> to vector<16xf32>
    %swap3A_550 = vector.shape_cast %broadcast_in_dim3A_544 : vector<16xf32> to vector<1x16xf32>
    tpu.vector_store %arg11[%swap3A_546, %swap3A_547], %swap3A_550 {strides = array<i32>} : memref<16x128xf32, #tpu.memory_space<vmem>>, vector<1x16xf32>,
    %broadcast_in_dim3A_551 = arith.constant 0.000000e+00 : f32
    %broadcast_in_dim3A_552 = vector.broadcast %broadcast_in_dim3A_551 : f32 to vector<16xf32>
    %swap3A_553 = arith.constant 8 : i32
    %swap3A_554 = arith.index_cast %swap3A_553 : i32 to index
    %swap3A_555 = arith.constant 80 : index
    %swap3A_556 = tpu.vector_load %arg11[%swap3A_554, %swap3A_555] {strides = array<i32>} : memref<16x128xf32, #tpu.memory_space<vmem>>, vector<1x16xf32>,
    %swap3A_557 = vector.shape_cast %swap3A_556 : vector<1x16xf32> to vector<16xf32>
    %swap3A_558 = vector.shape_cast %broadcast_in_dim3A_552 : vector<16xf32> to vector<1x16xf32>
    tpu.vector_store %arg11[%swap3A_554, %swap3A_555], %swap3A_558 {strides = array<i32>} : memref<16x128xf32, #tpu.memory_space<vmem>>, vector<1x16xf32>,
    %broadcast_in_dim3A_559 = arith.constant 0.000000e+00 : f32
    %broadcast_in_dim3A_560 = vector.broadcast %broadcast_in_dim3A_559 : f32 to vector<16xf32>
    %swap3A_561 = arith.constant 8 : i32
    %swap3A_562 = arith.index_cast %swap3A_561 : i32 to index
    %swap3A_563 = arith.constant 96 : index
    %swap3A_564 = tpu.vector_load %arg11[%swap3A_562, %swap3A_563] {strides = array<i32>} : memref<16x128xf32, #tpu.memory_space<vmem>>, vector<1x16xf32>,
    %swap3A_565 = vector.shape_cast %swap3A_564 : vector<1x16xf32> to vector<16xf32>
    %swap3A_566 = vector.shape_cast %broadcast_in_dim3A_560 : vector<16xf32> to vector<1x16xf32>
    tpu.vector_store %arg11[%swap3A_562, %swap3A_563], %swap3A_566 {strides = array<i32>} : memref<16x128xf32, #tpu.memory_space<vmem>>, vector<1x16xf32>,
    %broadcast_in_dim3A_567 = arith.constant 0.000000e+00 : f32
    %broadcast_in_dim3A_568 = vector.broadcast %broadcast_in_dim3A_567 : f32 to vector<16xf32>
    %swap3A_569 = arith.constant 8 : i32
    %swap3A_570 = arith.index_cast %swap3A_569 : i32 to index
    %swap3A_571 = arith.constant 112 : index
    %swap3A_572 = tpu.vector_load %arg11[%swap3A_570, %swap3A_571] {strides = array<i32>} : memref<16x128xf32, #tpu.memory_space<vmem>>, vector<1x16xf32>,
    %swap3A_573 = vector.shape_cast %swap3A_572 : vector<1x16xf32> to vector<16xf32>
    %swap3A_574 = vector.shape_cast %broadcast_in_dim3A_568 : vector<16xf32> to vector<1x16xf32>
    tpu.vector_store %arg11[%swap3A_570, %swap3A_571], %swap3A_574 {strides = array<i32>} : memref<16x128xf32, #tpu.memory_space<vmem>>, vector<1x16xf32>,
    %broadcast_in_dim3A_575 = arith.constant 0.000000e+00 : f32
    %broadcast_in_dim3A_576 = vector.broadcast %broadcast_in_dim3A_575 : f32 to vector<16xf32>
    %swap3A_577 = arith.constant 9 : i32
    %swap3A_578 = arith.index_cast %swap3A_577 : i32 to index
    %swap3A_579 = arith.constant 0 : index
    %swap3A_580 = tpu.vector_load %arg11[%swap3A_578, %swap3A_579] {strides = array<i32>} : memref<16x128xf32, #tpu.memory_space<vmem>>, vector<1x16xf32>,
    %swap3A_581 = vector.shape_cast %swap3A_580 : vector<1x16xf32> to vector<16xf32>
    %swap3A_582 = vector.shape_cast %broadcast_in_dim3A_576 : vector<16xf32> to vector<1x16xf32>
    tpu.vector_store %arg11[%swap3A_578, %swap3A_579], %swap3A_582 {strides = array<i32>} : memref<16x128xf32, #tpu.memory_space<vmem>>, vector<1x16xf32>,
    %broadcast_in_dim3A_583 = arith.constant 0.000000e+00 : f32
    %broadcast_in_dim3A_584 = vector.broadcast %broadcast_in_dim3A_583 : f32 to vector<16xf32>
    %swap3A_585 = arith.constant 9 : i32
    %swap3A_586 = arith.index_cast %swap3A_585 : i32 to index
    %swap3A_587 = arith.constant 16 : index
    %swap3A_588 = tpu.vector_load %arg11[%swap3A_586, %swap3A_587] {strides = array<i32>} : memref<16x128xf32, #tpu.memory_space<vmem>>, vector<1x16xf32>,
    %swap3A_589 = vector.shape_cast %swap3A_588 : vector<1x16xf32> to vector<16xf32>
    %swap3A_590 = vector.shape_cast %broadcast_in_dim3A_584 : vector<16xf32> to vector<1x16xf32>
    tpu.vector_store %arg11[%swap3A_586, %swap3A_587], %swap3A_590 {strides = array<i32>} : memref<16x128xf32, #tpu.memory_space<vmem>>, vector<1x16xf32>,
    %broadcast_in_dim3A_591 = arith.constant 0.000000e+00 : f32
    %broadcast_in_dim3A_592 = vector.broadcast %broadcast_in_dim3A_591 : f32 to vector<16xf32>
    %swap3A_593 = arith.constant 9 : i32
    %swap3A_594 = arith.index_cast %swap3A_593 : i32 to index
    %swap3A_595 = arith.constant 32 : index
    %swap3A_596 = tpu.vector_load %arg11[%swap3A_594, %swap3A_595] {strides = array<i32>} : memref<16x128xf32, #tpu.memory_space<vmem>>, vector<1x16xf32>,
    %swap3A_597 = vector.shape_cast %swap3A_596 : vector<1x16xf32> to vector<16xf32>
    %swap3A_598 = vector.shape_cast %broadcast_in_dim3A_592 : vector<16xf32> to vector<1x16xf32>
    tpu.vector_store %arg11[%swap3A_594, %swap3A_595], %swap3A_598 {strides = array<i32>} : memref<16x128xf32, #tpu.memory_space<vmem>>, vector<1x16xf32>,
    %broadcast_in_dim3A_599 = arith.constant 0.000000e+00 : f32
    %broadcast_in_dim3A_600 = vector.broadcast %broadcast_in_dim3A_599 : f32 to vector<16xf32>
    %swap3A_601 = arith.constant 9 : i32
    %swap3A_602 = arith.index_cast %swap3A_601 : i32 to index
    %swap3A_603 = arith.constant 48 : index
    %swap3A_604 = tpu.vector_load %arg11[%swap3A_602, %swap3A_603] {strides = array<i32>} : memref<16x128xf32, #tpu.memory_space<vmem>>, vector<1x16xf32>,
    %swap3A_605 = vector.shape_cast %swap3A_604 : vector<1x16xf32> to vector<16xf32>
    %swap3A_606 = vector.shape_cast %broadcast_in_dim3A_600 : vector<16xf32> to vector<1x16xf32>
    tpu.vector_store %arg11[%swap3A_602, %swap3A_603], %swap3A_606 {strides = array<i32>} : memref<16x128xf32, #tpu.memory_space<vmem>>, vector<1x16xf32>,
    %broadcast_in_dim3A_607 = arith.constant 0.000000e+00 : f32
    %broadcast_in_dim3A_608 = vector.broadcast %broadcast_in_dim3A_607 : f32 to vector<16xf32>
    %swap3A_609 = arith.constant 9 : i32
    %swap3A_610 = arith.index_cast %swap3A_609 : i32 to index
    %swap3A_611 = arith.constant 64 : index
    %swap3A_612 = tpu.vector_load %arg11[%swap3A_610, %swap3A_611] {strides = array<i32>} : memref<16x128xf32, #tpu.memory_space<vmem>>, vector<1x16xf32>,
    %swap3A_613 = vector.shape_cast %swap3A_612 : vector<1x16xf32> to vector<16xf32>
    %swap3A_614 = vector.shape_cast %broadcast_in_dim3A_608 : vector<16xf32> to vector<1x16xf32>
    tpu.vector_store %arg11[%swap3A_610, %swap3A_611], %swap3A_614 {strides = array<i32>} : memref<16x128xf32, #tpu.memory_space<vmem>>, vector<1x16xf32>,
    %broadcast_in_dim3A_615 = arith.constant 0.000000e+00 : f32
    %broadcast_in_dim3A_616 = vector.broadcast %broadcast_in_dim3A_615 : f32 to vector<16xf32>
    %swap3A_617 = arith.constant 9 : i32
    %swap3A_618 = arith.index_cast %swap3A_617 : i32 to index
    %swap3A_619 = arith.constant 80 : index
    %swap3A_620 = tpu.vector_load %arg11[%swap3A_618, %swap3A_619] {strides = array<i32>} : memref<16x128xf32, #tpu.memory_space<vmem>>, vector<1x16xf32>,
    %swap3A_621 = vector.shape_cast %swap3A_620 : vector<1x16xf32> to vector<16xf32>
    %swap3A_622 = vector.shape_cast %broadcast_in_dim3A_616 : vector<16xf32> to vector<1x16xf32>
    tpu.vector_store %arg11[%swap3A_618, %swap3A_619], %swap3A_622 {strides = array<i32>} : memref<16x128xf32, #tpu.memory_space<vmem>>, vector<1x16xf32>,
    %broadcast_in_dim3A_623 = arith.constant 0.000000e+00 : f32
    %broadcast_in_dim3A_624 = vector.broadcast %broadcast_in_dim3A_623 : f32 to vector<16xf32>
    %swap3A_625 = arith.constant 9 : i32
    %swap3A_626 = arith.index_cast %swap3A_625 : i32 to index
    %swap3A_627 = arith.constant 96 : index
    %swap3A_628 = tpu.vector_load %arg11[%swap3A_626, %swap3A_627] {strides = array<i32>} : memref<16x128xf32, #tpu.memory_space<vmem>>, vector<1x16xf32>,
    %swap3A_629 = vector.shape_cast %swap3A_628 : vector<1x16xf32> to vector<16xf32>
    %swap3A_630 = vector.shape_cast %broadcast_in_dim3A_624 : vector<16xf32> to vector<1x16xf32>
    tpu.vector_store %arg11[%swap3A_626, %swap3A_627], %swap3A_630 {strides = array<i32>} : memref<16x128xf32, #tpu.memory_space<vmem>>, vector<1x16xf32>,
    %broadcast_in_dim3A_631 = arith.constant 0.000000e+00 : f32
    %broadcast_in_dim3A_632 = vector.broadcast %broadcast_in_dim3A_631 : f32 to vector<16xf32>
    %swap3A_633 = arith.constant 9 : i32
    %swap3A_634 = arith.index_cast %swap3A_633 : i32 to index
    %swap3A_635 = arith.constant 112 : index
    %swap3A_636 = tpu.vector_load %arg11[%swap3A_634, %swap3A_635] {strides = array<i32>} : memref<16x128xf32, #tpu.memory_space<vmem>>, vector<1x16xf32>,
    %swap3A_637 = vector.shape_cast %swap3A_636 : vector<1x16xf32> to vector<16xf32>
    %swap3A_638 = vector.shape_cast %broadcast_in_dim3A_632 : vector<16xf32> to vector<1x16xf32>
    tpu.vector_store %arg11[%swap3A_634, %swap3A_635], %swap3A_638 {strides = array<i32>} : memref<16x128xf32, #tpu.memory_space<vmem>>, vector<1x16xf32>,
    %broadcast_in_dim3A_639 = arith.constant 0.000000e+00 : f32
    %broadcast_in_dim3A_640 = vector.broadcast %broadcast_in_dim3A_639 : f32 to vector<16xf32>
    %swap3A_641 = arith.constant 10 : i32
    %swap3A_642 = arith.index_cast %swap3A_641 : i32 to index
    %swap3A_643 = arith.constant 0 : index
    %swap3A_644 = tpu.vector_load %arg11[%swap3A_642, %swap3A_643] {strides = array<i32>} : memref<16x128xf32, #tpu.memory_space<vmem>>, vector<1x16xf32>,
    %swap3A_645 = vector.shape_cast %swap3A_644 : vector<1x16xf32> to vector<16xf32>
    %swap3A_646 = vector.shape_cast %broadcast_in_dim3A_640 : vector<16xf32> to vector<1x16xf32>
    tpu.vector_store %arg11[%swap3A_642, %swap3A_643], %swap3A_646 {strides = array<i32>} : memref<16x128xf32, #tpu.memory_space<vmem>>, vector<1x16xf32>,
    %broadcast_in_dim3A_647 = arith.constant 0.000000e+00 : f32
    %broadcast_in_dim3A_648 = vector.broadcast %broadcast_in_dim3A_647 : f32 to vector<16xf32>
    %swap3A_649 = arith.constant 10 : i32
    %swap3A_650 = arith.index_cast %swap3A_649 : i32 to index
    %swap3A_651 = arith.constant 16 : index
    %swap3A_652 = tpu.vector_load %arg11[%swap3A_650, %swap3A_651] {strides = array<i32>} : memref<16x128xf32, #tpu.memory_space<vmem>>, vector<1x16xf32>,
    %swap3A_653 = vector.shape_cast %swap3A_652 : vector<1x16xf32> to vector<16xf32>
    %swap3A_654 = vector.shape_cast %broadcast_in_dim3A_648 : vector<16xf32> to vector<1x16xf32>
    tpu.vector_store %arg11[%swap3A_650, %swap3A_651], %swap3A_654 {strides = array<i32>} : memref<16x128xf32, #tpu.memory_space<vmem>>, vector<1x16xf32>,
    %broadcast_in_dim3A_655 = arith.constant 0.000000e+00 : f32
    %broadcast_in_dim3A_656 = vector.broadcast %broadcast_in_dim3A_655 : f32 to vector<16xf32>
    %swap3A_657 = arith.constant 10 : i32
    %swap3A_658 = arith.index_cast %swap3A_657 : i32 to index
    %swap3A_659 = arith.constant 32 : index
    %swap3A_660 = tpu.vector_load %arg11[%swap3A_658, %swap3A_659] {strides = array<i32>} : memref<16x128xf32, #tpu.memory_space<vmem>>, vector<1x16xf32>,
    %swap3A_661 = vector.shape_cast %swap3A_660 : vector<1x16xf32> to vector<16xf32>
    %swap3A_662 = vector.shape_cast %broadcast_in_dim3A_656 : vector<16xf32> to vector<1x16xf32>
    tpu.vector_store %arg11[%swap3A_658, %swap3A_659], %swap3A_662 {strides = array<i32>} : memref<16x128xf32, #tpu.memory_space<vmem>>, vector<1x16xf32>,
    %broadcast_in_dim3A_663 = arith.constant 0.000000e+00 : f32
    %broadcast_in_dim3A_664 = vector.broadcast %broadcast_in_dim3A_663 : f32 to vector<16xf32>
    %swap3A_665 = arith.constant 10 : i32
    %swap3A_666 = arith.index_cast %swap3A_665 : i32 to index
    %swap3A_667 = arith.constant 48 : index
    %swap3A_668 = tpu.vector_load %arg11[%swap3A_666, %swap3A_667] {strides = array<i32>} : memref<16x128xf32, #tpu.memory_space<vmem>>, vector<1x16xf32>,
    %swap3A_669 = vector.shape_cast %swap3A_668 : vector<1x16xf32> to vector<16xf32>
    %swap3A_670 = vector.shape_cast %broadcast_in_dim3A_664 : vector<16xf32> to vector<1x16xf32>
    tpu.vector_store %arg11[%swap3A_666, %swap3A_667], %swap3A_670 {strides = array<i32>} : memref<16x128xf32, #tpu.memory_space<vmem>>, vector<1x16xf32>,
    %broadcast_in_dim3A_671 = arith.constant 0.000000e+00 : f32
    %broadcast_in_dim3A_672 = vector.broadcast %broadcast_in_dim3A_671 : f32 to vector<16xf32>
    %swap3A_673 = arith.constant 10 : i32
    %swap3A_674 = arith.index_cast %swap3A_673 : i32 to index
    %swap3A_675 = arith.constant 64 : index
    %swap3A_676 = tpu.vector_load %arg11[%swap3A_674, %swap3A_675] {strides = array<i32>} : memref<16x128xf32, #tpu.memory_space<vmem>>, vector<1x16xf32>,
    %swap3A_677 = vector.shape_cast %swap3A_676 : vector<1x16xf32> to vector<16xf32>
    %swap3A_678 = vector.shape_cast %broadcast_in_dim3A_672 : vector<16xf32> to vector<1x16xf32>
    tpu.vector_store %arg11[%swap3A_674, %swap3A_675], %swap3A_678 {strides = array<i32>} : memref<16x128xf32, #tpu.memory_space<vmem>>, vector<1x16xf32>,
    %broadcast_in_dim3A_679 = arith.constant 0.000000e+00 : f32
    %broadcast_in_dim3A_680 = vector.broadcast %broadcast_in_dim3A_679 : f32 to vector<16xf32>
    %swap3A_681 = arith.constant 10 : i32
    %swap3A_682 = arith.index_cast %swap3A_681 : i32 to index
    %swap3A_683 = arith.constant 80 : index
    %swap3A_684 = tpu.vector_load %arg11[%swap3A_682, %swap3A_683] {strides = array<i32>} : memref<16x128xf32, #tpu.memory_space<vmem>>, vector<1x16xf32>,
    %swap3A_685 = vector.shape_cast %swap3A_684 : vector<1x16xf32> to vector<16xf32>
    %swap3A_686 = vector.shape_cast %broadcast_in_dim3A_680 : vector<16xf32> to vector<1x16xf32>
    tpu.vector_store %arg11[%swap3A_682, %swap3A_683], %swap3A_686 {strides = array<i32>} : memref<16x128xf32, #tpu.memory_space<vmem>>, vector<1x16xf32>,
    %broadcast_in_dim3A_687 = arith.constant 0.000000e+00 : f32
    %broadcast_in_dim3A_688 = vector.broadcast %broadcast_in_dim3A_687 : f32 to vector<16xf32>
    %swap3A_689 = arith.constant 10 : i32
    %swap3A_690 = arith.index_cast %swap3A_689 : i32 to index
    %swap3A_691 = arith.constant 96 : index
    %swap3A_692 = tpu.vector_load %arg11[%swap3A_690, %swap3A_691] {strides = array<i32>} : memref<16x128xf32, #tpu.memory_space<vmem>>, vector<1x16xf32>,
    %swap3A_693 = vector.shape_cast %swap3A_692 : vector<1x16xf32> to vector<16xf32>
    %swap3A_694 = vector.shape_cast %broadcast_in_dim3A_688 : vector<16xf32> to vector<1x16xf32>
    tpu.vector_store %arg11[%swap3A_690, %swap3A_691], %swap3A_694 {strides = array<i32>} : memref<16x128xf32, #tpu.memory_space<vmem>>, vector<1x16xf32>,
    %broadcast_in_dim3A_695 = arith.constant 0.000000e+00 : f32
    %broadcast_in_dim3A_696 = vector.broadcast %broadcast_in_dim3A_695 : f32 to vector<16xf32>
    %swap3A_697 = arith.constant 10 : i32
    %swap3A_698 = arith.index_cast %swap3A_697 : i32 to index
    %swap3A_699 = arith.constant 112 : index
    %swap3A_700 = tpu.vector_load %arg11[%swap3A_698, %swap3A_699] {strides = array<i32>} : memref<16x128xf32, #tpu.memory_space<vmem>>, vector<1x16xf32>,
    %swap3A_701 = vector.shape_cast %swap3A_700 : vector<1x16xf32> to vector<16xf32>
    %swap3A_702 = vector.shape_cast %broadcast_in_dim3A_696 : vector<16xf32> to vector<1x16xf32>
    tpu.vector_store %arg11[%swap3A_698, %swap3A_699], %swap3A_702 {strides = array<i32>} : memref<16x128xf32, #tpu.memory_space<vmem>>, vector<1x16xf32>,
    %broadcast_in_dim3A_703 = arith.constant 0.000000e+00 : f32
    %broadcast_in_dim3A_704 = vector.broadcast %broadcast_in_dim3A_703 : f32 to vector<16xf32>
    %swap3A_705 = arith.constant 11 : i32
    %swap3A_706 = arith.index_cast %swap3A_705 : i32 to index
    %swap3A_707 = arith.constant 0 : index
    %swap3A_708 = tpu.vector_load %arg11[%swap3A_706, %swap3A_707] {strides = array<i32>} : memref<16x128xf32, #tpu.memory_space<vmem>>, vector<1x16xf32>,
    %swap3A_709 = vector.shape_cast %swap3A_708 : vector<1x16xf32> to vector<16xf32>
    %swap3A_710 = vector.shape_cast %broadcast_in_dim3A_704 : vector<16xf32> to vector<1x16xf32>
    tpu.vector_store %arg11[%swap3A_706, %swap3A_707], %swap3A_710 {strides = array<i32>} : memref<16x128xf32, #tpu.memory_space<vmem>>, vector<1x16xf32>,
    %broadcast_in_dim3A_711 = arith.constant 0.000000e+00 : f32
    %broadcast_in_dim3A_712 = vector.broadcast %broadcast_in_dim3A_711 : f32 to vector<16xf32>
    %swap3A_713 = arith.constant 11 : i32
    %swap3A_714 = arith.index_cast %swap3A_713 : i32 to index
    %swap3A_715 = arith.constant 16 : index
    %swap3A_716 = tpu.vector_load %arg11[%swap3A_714, %swap3A_715] {strides = array<i32>} : memref<16x128xf32, #tpu.memory_space<vmem>>, vector<1x16xf32>,
    %swap3A_717 = vector.shape_cast %swap3A_716 : vector<1x16xf32> to vector<16xf32>
    %swap3A_718 = vector.shape_cast %broadcast_in_dim3A_712 : vector<16xf32> to vector<1x16xf32>
    tpu.vector_store %arg11[%swap3A_714, %swap3A_715], %swap3A_718 {strides = array<i32>} : memref<16x128xf32, #tpu.memory_space<vmem>>, vector<1x16xf32>,
    %broadcast_in_dim3A_719 = arith.constant 0.000000e+00 : f32
    %broadcast_in_dim3A_720 = vector.broadcast %broadcast_in_dim3A_719 : f32 to vector<16xf32>
    %swap3A_721 = arith.constant 11 : i32
    %swap3A_722 = arith.index_cast %swap3A_721 : i32 to index
    %swap3A_723 = arith.constant 32 : index
    %swap3A_724 = tpu.vector_load %arg11[%swap3A_722, %swap3A_723] {strides = array<i32>} : memref<16x128xf32, #tpu.memory_space<vmem>>, vector<1x16xf32>,
    %swap3A_725 = vector.shape_cast %swap3A_724 : vector<1x16xf32> to vector<16xf32>
    %swap3A_726 = vector.shape_cast %broadcast_in_dim3A_720 : vector<16xf32> to vector<1x16xf32>
    tpu.vector_store %arg11[%swap3A_722, %swap3A_723], %swap3A_726 {strides = array<i32>} : memref<16x128xf32, #tpu.memory_space<vmem>>, vector<1x16xf32>,
    %broadcast_in_dim3A_727 = arith.constant 0.000000e+00 : f32
    %broadcast_in_dim3A_728 = vector.broadcast %broadcast_in_dim3A_727 : f32 to vector<16xf32>
    %swap3A_729 = arith.constant 11 : i32
    %swap3A_730 = arith.index_cast %swap3A_729 : i32 to index
    %swap3A_731 = arith.constant 48 : index
    %swap3A_732 = tpu.vector_load %arg11[%swap3A_730, %swap3A_731] {strides = array<i32>} : memref<16x128xf32, #tpu.memory_space<vmem>>, vector<1x16xf32>,
    %swap3A_733 = vector.shape_cast %swap3A_732 : vector<1x16xf32> to vector<16xf32>
    %swap3A_734 = vector.shape_cast %broadcast_in_dim3A_728 : vector<16xf32> to vector<1x16xf32>
    tpu.vector_store %arg11[%swap3A_730, %swap3A_731], %swap3A_734 {strides = array<i32>} : memref<16x128xf32, #tpu.memory_space<vmem>>, vector<1x16xf32>,
    %broadcast_in_dim3A_735 = arith.constant 0.000000e+00 : f32
    %broadcast_in_dim3A_736 = vector.broadcast %broadcast_in_dim3A_735 : f32 to vector<16xf32>
    %swap3A_737 = arith.constant 11 : i32
    %swap3A_738 = arith.index_cast %swap3A_737 : i32 to index
    %swap3A_739 = arith.constant 64 : index
    %swap3A_740 = tpu.vector_load %arg11[%swap3A_738, %swap3A_739] {strides = array<i32>} : memref<16x128xf32, #tpu.memory_space<vmem>>, vector<1x16xf32>,
    %swap3A_741 = vector.shape_cast %swap3A_740 : vector<1x16xf32> to vector<16xf32>
    %swap3A_742 = vector.shape_cast %broadcast_in_dim3A_736 : vector<16xf32> to vector<1x16xf32>
    tpu.vector_store %arg11[%swap3A_738, %swap3A_739], %swap3A_742 {strides = array<i32>} : memref<16x128xf32, #tpu.memory_space<vmem>>, vector<1x16xf32>,
    %broadcast_in_dim3A_743 = arith.constant 0.000000e+00 : f32
    %broadcast_in_dim3A_744 = vector.broadcast %broadcast_in_dim3A_743 : f32 to vector<16xf32>
    %swap3A_745 = arith.constant 11 : i32
    %swap3A_746 = arith.index_cast %swap3A_745 : i32 to index
    %swap3A_747 = arith.constant 80 : index
    %swap3A_748 = tpu.vector_load %arg11[%swap3A_746, %swap3A_747] {strides = array<i32>} : memref<16x128xf32, #tpu.memory_space<vmem>>, vector<1x16xf32>,
    %swap3A_749 = vector.shape_cast %swap3A_748 : vector<1x16xf32> to vector<16xf32>
    %swap3A_750 = vector.shape_cast %broadcast_in_dim3A_744 : vector<16xf32> to vector<1x16xf32>
    tpu.vector_store %arg11[%swap3A_746, %swap3A_747], %swap3A_750 {strides = array<i32>} : memref<16x128xf32, #tpu.memory_space<vmem>>, vector<1x16xf32>,
    %broadcast_in_dim3A_751 = arith.constant 0.000000e+00 : f32
    %broadcast_in_dim3A_752 = vector.broadcast %broadcast_in_dim3A_751 : f32 to vector<16xf32>
    %swap3A_753 = arith.constant 11 : i32
    %swap3A_754 = arith.index_cast %swap3A_753 : i32 to index
    %swap3A_755 = arith.constant 96 : index
    %swap3A_756 = tpu.vector_load %arg11[%swap3A_754, %swap3A_755] {strides = array<i32>} : memref<16x128xf32, #tpu.memory_space<vmem>>, vector<1x16xf32>,
    %swap3A_757 = vector.shape_cast %swap3A_756 : vector<1x16xf32> to vector<16xf32>
    %swap3A_758 = vector.shape_cast %broadcast_in_dim3A_752 : vector<16xf32> to vector<1x16xf32>
    tpu.vector_store %arg11[%swap3A_754, %swap3A_755], %swap3A_758 {strides = array<i32>} : memref<16x128xf32, #tpu.memory_space<vmem>>, vector<1x16xf32>,
    %broadcast_in_dim3A_759 = arith.constant 0.000000e+00 : f32
    %broadcast_in_dim3A_760 = vector.broadcast %broadcast_in_dim3A_759 : f32 to vector<16xf32>
    %swap3A_761 = arith.constant 11 : i32
    %swap3A_762 = arith.index_cast %swap3A_761 : i32 to index
    %swap3A_763 = arith.constant 112 : index
    %swap3A_764 = tpu.vector_load %arg11[%swap3A_762, %swap3A_763] {strides = array<i32>} : memref<16x128xf32, #tpu.memory_space<vmem>>, vector<1x16xf32>,
    %swap3A_765 = vector.shape_cast %swap3A_764 : vector<1x16xf32> to vector<16xf32>
    %swap3A_766 = vector.shape_cast %broadcast_in_dim3A_760 : vector<16xf32> to vector<1x16xf32>
    tpu.vector_store %arg11[%swap3A_762, %swap3A_763], %swap3A_766 {strides = array<i32>} : memref<16x128xf32, #tpu.memory_space<vmem>>, vector<1x16xf32>,
    %broadcast_in_dim3A_767 = arith.constant 0.000000e+00 : f32
    %broadcast_in_dim3A_768 = vector.broadcast %broadcast_in_dim3A_767 : f32 to vector<16xf32>
    %swap3A_769 = arith.constant 12 : i32
    %swap3A_770 = arith.index_cast %swap3A_769 : i32 to index
    %swap3A_771 = arith.constant 0 : index
    %swap3A_772 = tpu.vector_load %arg11[%swap3A_770, %swap3A_771] {strides = array<i32>} : memref<16x128xf32, #tpu.memory_space<vmem>>, vector<1x16xf32>,
    %swap3A_773 = vector.shape_cast %swap3A_772 : vector<1x16xf32> to vector<16xf32>
    %swap3A_774 = vector.shape_cast %broadcast_in_dim3A_768 : vector<16xf32> to vector<1x16xf32>
    tpu.vector_store %arg11[%swap3A_770, %swap3A_771], %swap3A_774 {strides = array<i32>} : memref<16x128xf32, #tpu.memory_space<vmem>>, vector<1x16xf32>,
    %broadcast_in_dim3A_775 = arith.constant 0.000000e+00 : f32
    %broadcast_in_dim3A_776 = vector.broadcast %broadcast_in_dim3A_775 : f32 to vector<16xf32>
    %swap3A_777 = arith.constant 12 : i32
    %swap3A_778 = arith.index_cast %swap3A_777 : i32 to index
    %swap3A_779 = arith.constant 16 : index
    %swap3A_780 = tpu.vector_load %arg11[%swap3A_778, %swap3A_779] {strides = array<i32>} : memref<16x128xf32, #tpu.memory_space<vmem>>, vector<1x16xf32>,
    %swap3A_781 = vector.shape_cast %swap3A_780 : vector<1x16xf32> to vector<16xf32>
    %swap3A_782 = vector.shape_cast %broadcast_in_dim3A_776 : vector<16xf32> to vector<1x16xf32>
    tpu.vector_store %arg11[%swap3A_778, %swap3A_779], %swap3A_782 {strides = array<i32>} : memref<16x128xf32, #tpu.memory_space<vmem>>, vector<1x16xf32>,
    %broadcast_in_dim3A_783 = arith.constant 0.000000e+00 : f32
    %broadcast_in_dim3A_784 = vector.broadcast %broadcast_in_dim3A_783 : f32 to vector<16xf32>
    %swap3A_785 = arith.constant 12 : i32
    %swap3A_786 = arith.index_cast %swap3A_785 : i32 to index
    %swap3A_787 = arith.constant 32 : index
    %swap3A_788 = tpu.vector_load %arg11[%swap3A_786, %swap3A_787] {strides = array<i32>} : memref<16x128xf32, #tpu.memory_space<vmem>>, vector<1x16xf32>,
    %swap3A_789 = vector.shape_cast %swap3A_788 : vector<1x16xf32> to vector<16xf32>
    %swap3A_790 = vector.shape_cast %broadcast_in_dim3A_784 : vector<16xf32> to vector<1x16xf32>
    tpu.vector_store %arg11[%swap3A_786, %swap3A_787], %swap3A_790 {strides = array<i32>} : memref<16x128xf32, #tpu.memory_space<vmem>>, vector<1x16xf32>,
    %broadcast_in_dim3A_791 = arith.constant 0.000000e+00 : f32
    %broadcast_in_dim3A_792 = vector.broadcast %broadcast_in_dim3A_791 : f32 to vector<16xf32>
    %swap3A_793 = arith.constant 12 : i32
    %swap3A_794 = arith.index_cast %swap3A_793 : i32 to index
    %swap3A_795 = arith.constant 48 : index
    %swap3A_796 = tpu.vector_load %arg11[%swap3A_794, %swap3A_795] {strides = array<i32>} : memref<16x128xf32, #tpu.memory_space<vmem>>, vector<1x16xf32>,
    %swap3A_797 = vector.shape_cast %swap3A_796 : vector<1x16xf32> to vector<16xf32>
    %swap3A_798 = vector.shape_cast %broadcast_in_dim3A_792 : vector<16xf32> to vector<1x16xf32>
    tpu.vector_store %arg11[%swap3A_794, %swap3A_795], %swap3A_798 {strides = array<i32>} : memref<16x128xf32, #tpu.memory_space<vmem>>, vector<1x16xf32>,
    %broadcast_in_dim3A_799 = arith.constant 0.000000e+00 : f32
    %broadcast_in_dim3A_800 = vector.broadcast %broadcast_in_dim3A_799 : f32 to vector<16xf32>
    %swap3A_801 = arith.constant 12 : i32
    %swap3A_802 = arith.index_cast %swap3A_801 : i32 to index
    %swap3A_803 = arith.constant 64 : index
    %swap3A_804 = tpu.vector_load %arg11[%swap3A_802, %swap3A_803] {strides = array<i32>} : memref<16x128xf32, #tpu.memory_space<vmem>>, vector<1x16xf32>,
    %swap3A_805 = vector.shape_cast %swap3A_804 : vector<1x16xf32> to vector<16xf32>
    %swap3A_806 = vector.shape_cast %broadcast_in_dim3A_800 : vector<16xf32> to vector<1x16xf32>
    tpu.vector_store %arg11[%swap3A_802, %swap3A_803], %swap3A_806 {strides = array<i32>} : memref<16x128xf32, #tpu.memory_space<vmem>>, vector<1x16xf32>,
    %broadcast_in_dim3A_807 = arith.constant 0.000000e+00 : f32
    %broadcast_in_dim3A_808 = vector.broadcast %broadcast_in_dim3A_807 : f32 to vector<16xf32>
    %swap3A_809 = arith.constant 12 : i32
    %swap3A_810 = arith.index_cast %swap3A_809 : i32 to index
    %swap3A_811 = arith.constant 80 : index
    %swap3A_812 = tpu.vector_load %arg11[%swap3A_810, %swap3A_811] {strides = array<i32>} : memref<16x128xf32, #tpu.memory_space<vmem>>, vector<1x16xf32>,
    %swap3A_813 = vector.shape_cast %swap3A_812 : vector<1x16xf32> to vector<16xf32>
    %swap3A_814 = vector.shape_cast %broadcast_in_dim3A_808 : vector<16xf32> to vector<1x16xf32>
    tpu.vector_store %arg11[%swap3A_810, %swap3A_811], %swap3A_814 {strides = array<i32>} : memref<16x128xf32, #tpu.memory_space<vmem>>, vector<1x16xf32>,
    %broadcast_in_dim3A_815 = arith.constant 0.000000e+00 : f32
    %broadcast_in_dim3A_816 = vector.broadcast %broadcast_in_dim3A_815 : f32 to vector<16xf32>
    %swap3A_817 = arith.constant 12 : i32
    %swap3A_818 = arith.index_cast %swap3A_817 : i32 to index
    %swap3A_819 = arith.constant 96 : index
    %swap3A_820 = tpu.vector_load %arg11[%swap3A_818, %swap3A_819] {strides = array<i32>} : memref<16x128xf32, #tpu.memory_space<vmem>>, vector<1x16xf32>,
    %swap3A_821 = vector.shape_cast %swap3A_820 : vector<1x16xf32> to vector<16xf32>
    %swap3A_822 = vector.shape_cast %broadcast_in_dim3A_816 : vector<16xf32> to vector<1x16xf32>
    tpu.vector_store %arg11[%swap3A_818, %swap3A_819], %swap3A_822 {strides = array<i32>} : memref<16x128xf32, #tpu.memory_space<vmem>>, vector<1x16xf32>,
    %broadcast_in_dim3A_823 = arith.constant 0.000000e+00 : f32
    %broadcast_in_dim3A_824 = vector.broadcast %broadcast_in_dim3A_823 : f32 to vector<16xf32>
    %swap3A_825 = arith.constant 12 : i32
    %swap3A_826 = arith.index_cast %swap3A_825 : i32 to index
    %swap3A_827 = arith.constant 112 : index
    %swap3A_828 = tpu.vector_load %arg11[%swap3A_826, %swap3A_827] {strides = array<i32>} : memref<16x128xf32, #tpu.memory_space<vmem>>, vector<1x16xf32>,
    %swap3A_829 = vector.shape_cast %swap3A_828 : vector<1x16xf32> to vector<16xf32>
    %swap3A_830 = vector.shape_cast %broadcast_in_dim3A_824 : vector<16xf32> to vector<1x16xf32>
    tpu.vector_store %arg11[%swap3A_826, %swap3A_827], %swap3A_830 {strides = array<i32>} : memref<16x128xf32, #tpu.memory_space<vmem>>, vector<1x16xf32>,
    %broadcast_in_dim3A_831 = arith.constant 0.000000e+00 : f32
    %broadcast_in_dim3A_832 = vector.broadcast %broadcast_in_dim3A_831 : f32 to vector<16xf32>
    %swap3A_833 = arith.constant 13 : i32
    %swap3A_834 = arith.index_cast %swap3A_833 : i32 to index
    %swap3A_835 = arith.constant 0 : index
    %swap3A_836 = tpu.vector_load %arg11[%swap3A_834, %swap3A_835] {strides = array<i32>} : memref<16x128xf32, #tpu.memory_space<vmem>>, vector<1x16xf32>,
    %swap3A_837 = vector.shape_cast %swap3A_836 : vector<1x16xf32> to vector<16xf32>
    %swap3A_838 = vector.shape_cast %broadcast_in_dim3A_832 : vector<16xf32> to vector<1x16xf32>
    tpu.vector_store %arg11[%swap3A_834, %swap3A_835], %swap3A_838 {strides = array<i32>} : memref<16x128xf32, #tpu.memory_space<vmem>>, vector<1x16xf32>,
    %broadcast_in_dim3A_839 = arith.constant 0.000000e+00 : f32
    %broadcast_in_dim3A_840 = vector.broadcast %broadcast_in_dim3A_839 : f32 to vector<16xf32>
    %swap3A_841 = arith.constant 13 : i32
    %swap3A_842 = arith.index_cast %swap3A_841 : i32 to index
    %swap3A_843 = arith.constant 16 : index
    %swap3A_844 = tpu.vector_load %arg11[%swap3A_842, %swap3A_843] {strides = array<i32>} : memref<16x128xf32, #tpu.memory_space<vmem>>, vector<1x16xf32>,
    %swap3A_845 = vector.shape_cast %swap3A_844 : vector<1x16xf32> to vector<16xf32>
    %swap3A_846 = vector.shape_cast %broadcast_in_dim3A_840 : vector<16xf32> to vector<1x16xf32>
    tpu.vector_store %arg11[%swap3A_842, %swap3A_843], %swap3A_846 {strides = array<i32>} : memref<16x128xf32, #tpu.memory_space<vmem>>, vector<1x16xf32>,
    %broadcast_in_dim3A_847 = arith.constant 0.000000e+00 : f32
    %broadcast_in_dim3A_848 = vector.broadcast %broadcast_in_dim3A_847 : f32 to vector<16xf32>
    %swap3A_849 = arith.constant 13 : i32
    %swap3A_850 = arith.index_cast %swap3A_849 : i32 to index
    %swap3A_851 = arith.constant 32 : index
    %swap3A_852 = tpu.vector_load %arg11[%swap3A_850, %swap3A_851] {strides = array<i32>} : memref<16x128xf32, #tpu.memory_space<vmem>>, vector<1x16xf32>,
    %swap3A_853 = vector.shape_cast %swap3A_852 : vector<1x16xf32> to vector<16xf32>
    %swap3A_854 = vector.shape_cast %broadcast_in_dim3A_848 : vector<16xf32> to vector<1x16xf32>
    tpu.vector_store %arg11[%swap3A_850, %swap3A_851], %swap3A_854 {strides = array<i32>} : memref<16x128xf32, #tpu.memory_space<vmem>>, vector<1x16xf32>,
    %broadcast_in_dim3A_855 = arith.constant 0.000000e+00 : f32
    %broadcast_in_dim3A_856 = vector.broadcast %broadcast_in_dim3A_855 : f32 to vector<16xf32>
    %swap3A_857 = arith.constant 13 : i32
    %swap3A_858 = arith.index_cast %swap3A_857 : i32 to index
    %swap3A_859 = arith.constant 48 : index
    %swap3A_860 = tpu.vector_load %arg11[%swap3A_858, %swap3A_859] {strides = array<i32>} : memref<16x128xf32, #tpu.memory_space<vmem>>, vector<1x16xf32>,
    %swap3A_861 = vector.shape_cast %swap3A_860 : vector<1x16xf32> to vector<16xf32>
    %swap3A_862 = vector.shape_cast %broadcast_in_dim3A_856 : vector<16xf32> to vector<1x16xf32>
    tpu.vector_store %arg11[%swap3A_858, %swap3A_859], %swap3A_862 {strides = array<i32>} : memref<16x128xf32, #tpu.memory_space<vmem>>, vector<1x16xf32>,
    %broadcast_in_dim3A_863 = arith.constant 0.000000e+00 : f32
    %broadcast_in_dim3A_864 = vector.broadcast %broadcast_in_dim3A_863 : f32 to vector<16xf32>
    %swap3A_865 = arith.constant 13 : i32
    %swap3A_866 = arith.index_cast %swap3A_865 : i32 to index
    %swap3A_867 = arith.constant 64 : index
    %swap3A_868 = tpu.vector_load %arg11[%swap3A_866, %swap3A_867] {strides = array<i32>} : memref<16x128xf32, #tpu.memory_space<vmem>>, vector<1x16xf32>,
    %swap3A_869 = vector.shape_cast %swap3A_868 : vector<1x16xf32> to vector<16xf32>
    %swap3A_870 = vector.shape_cast %broadcast_in_dim3A_864 : vector<16xf32> to vector<1x16xf32>
    tpu.vector_store %arg11[%swap3A_866, %swap3A_867], %swap3A_870 {strides = array<i32>} : memref<16x128xf32, #tpu.memory_space<vmem>>, vector<1x16xf32>,
    %broadcast_in_dim3A_871 = arith.constant 0.000000e+00 : f32
    %broadcast_in_dim3A_872 = vector.broadcast %broadcast_in_dim3A_871 : f32 to vector<16xf32>
    %swap3A_873 = arith.constant 13 : i32
    %swap3A_874 = arith.index_cast %swap3A_873 : i32 to index
    %swap3A_875 = arith.constant 80 : index
    %swap3A_876 = tpu.vector_load %arg11[%swap3A_874, %swap3A_875] {strides = array<i32>} : memref<16x128xf32, #tpu.memory_space<vmem>>, vector<1x16xf32>,
    %swap3A_877 = vector.shape_cast %swap3A_876 : vector<1x16xf32> to vector<16xf32>
    %swap3A_878 = vector.shape_cast %broadcast_in_dim3A_872 : vector<16xf32> to vector<1x16xf32>
    tpu.vector_store %arg11[%swap3A_874, %swap3A_875], %swap3A_878 {strides = array<i32>} : memref<16x128xf32, #tpu.memory_space<vmem>>, vector<1x16xf32>,
    %broadcast_in_dim3A_879 = arith.constant 0.000000e+00 : f32
    %broadcast_in_dim3A_880 = vector.broadcast %broadcast_in_dim3A_879 : f32 to vector<16xf32>
    %swap3A_881 = arith.constant 13 : i32
    %swap3A_882 = arith.index_cast %swap3A_881 : i32 to index
    %swap3A_883 = arith.constant 96 : index
    %swap3A_884 = tpu.vector_load %arg11[%swap3A_882, %swap3A_883] {strides = array<i32>} : memref<16x128xf32, #tpu.memory_space<vmem>>, vector<1x16xf32>,
    %swap3A_885 = vector.shape_cast %swap3A_884 : vector<1x16xf32> to vector<16xf32>
    %swap3A_886 = vector.shape_cast %broadcast_in_dim3A_880 : vector<16xf32> to vector<1x16xf32>
    tpu.vector_store %arg11[%swap3A_882, %swap3A_883], %swap3A_886 {strides = array<i32>} : memref<16x128xf32, #tpu.memory_space<vmem>>, vector<1x16xf32>,
    %broadcast_in_dim3A_887 = arith.constant 0.000000e+00 : f32
    %broadcast_in_dim3A_888 = vector.broadcast %broadcast_in_dim3A_887 : f32 to vector<16xf32>
    %swap3A_889 = arith.constant 13 : i32
    %swap3A_890 = arith.index_cast %swap3A_889 : i32 to index
    %swap3A_891 = arith.constant 112 : index
    %swap3A_892 = tpu.vector_load %arg11[%swap3A_890, %swap3A_891] {strides = array<i32>} : memref<16x128xf32, #tpu.memory_space<vmem>>, vector<1x16xf32>,
    %swap3A_893 = vector.shape_cast %swap3A_892 : vector<1x16xf32> to vector<16xf32>
    %swap3A_894 = vector.shape_cast %broadcast_in_dim3A_888 : vector<16xf32> to vector<1x16xf32>
    tpu.vector_store %arg11[%swap3A_890, %swap3A_891], %swap3A_894 {strides = array<i32>} : memref<16x128xf32, #tpu.memory_space<vmem>>, vector<1x16xf32>,
    %broadcast_in_dim3A_895 = arith.constant 0.000000e+00 : f32
    %broadcast_in_dim3A_896 = vector.broadcast %broadcast_in_dim3A_895 : f32 to vector<16xf32>
    %swap3A_897 = arith.constant 14 : i32
    %swap3A_898 = arith.index_cast %swap3A_897 : i32 to index
    %swap3A_899 = arith.constant 0 : index
    %swap3A_900 = tpu.vector_load %arg11[%swap3A_898, %swap3A_899] {strides = array<i32>} : memref<16x128xf32, #tpu.memory_space<vmem>>, vector<1x16xf32>,
    %swap3A_901 = vector.shape_cast %swap3A_900 : vector<1x16xf32> to vector<16xf32>
    %swap3A_902 = vector.shape_cast %broadcast_in_dim3A_896 : vector<16xf32> to vector<1x16xf32>
    tpu.vector_store %arg11[%swap3A_898, %swap3A_899], %swap3A_902 {strides = array<i32>} : memref<16x128xf32, #tpu.memory_space<vmem>>, vector<1x16xf32>,
    %broadcast_in_dim3A_903 = arith.constant 0.000000e+00 : f32
    %broadcast_in_dim3A_904 = vector.broadcast %broadcast_in_dim3A_903 : f32 to vector<16xf32>
    %swap3A_905 = arith.constant 14 : i32
    %swap3A_906 = arith.index_cast %swap3A_905 : i32 to index
    %swap3A_907 = arith.constant 16 : index
    %swap3A_908 = tpu.vector_load %arg11[%swap3A_906, %swap3A_907] {strides = array<i32>} : memref<16x128xf32, #tpu.memory_space<vmem>>, vector<1x16xf32>,
    %swap3A_909 = vector.shape_cast %swap3A_908 : vector<1x16xf32> to vector<16xf32>
    %swap3A_910 = vector.shape_cast %broadcast_in_dim3A_904 : vector<16xf32> to vector<1x16xf32>
    tpu.vector_store %arg11[%swap3A_906, %swap3A_907], %swap3A_910 {strides = array<i32>} : memref<16x128xf32, #tpu.memory_space<vmem>>, vector<1x16xf32>,
    %broadcast_in_dim3A_911 = arith.constant 0.000000e+00 : f32
    %broadcast_in_dim3A_912 = vector.broadcast %broadcast_in_dim3A_911 : f32 to vector<16xf32>
    %swap3A_913 = arith.constant 14 : i32
    %swap3A_914 = arith.index_cast %swap3A_913 : i32 to index
    %swap3A_915 = arith.constant 32 : index
    %swap3A_916 = tpu.vector_load %arg11[%swap3A_914, %swap3A_915] {strides = array<i32>} : memref<16x128xf32, #tpu.memory_space<vmem>>, vector<1x16xf32>,
    %swap3A_917 = vector.shape_cast %swap3A_916 : vector<1x16xf32> to vector<16xf32>
    %swap3A_918 = vector.shape_cast %broadcast_in_dim3A_912 : vector<16xf32> to vector<1x16xf32>
    tpu.vector_store %arg11[%swap3A_914, %swap3A_915], %swap3A_918 {strides = array<i32>} : memref<16x128xf32, #tpu.memory_space<vmem>>, vector<1x16xf32>,
    %broadcast_in_dim3A_919 = arith.constant 0.000000e+00 : f32
    %broadcast_in_dim3A_920 = vector.broadcast %broadcast_in_dim3A_919 : f32 to vector<16xf32>
    %swap3A_921 = arith.constant 14 : i32
    %swap3A_922 = arith.index_cast %swap3A_921 : i32 to index
    %swap3A_923 = arith.constant 48 : index
    %swap3A_924 = tpu.vector_load %arg11[%swap3A_922, %swap3A_923] {strides = array<i32>} : memref<16x128xf32, #tpu.memory_space<vmem>>, vector<1x16xf32>,
    %swap3A_925 = vector.shape_cast %swap3A_924 : vector<1x16xf32> to vector<16xf32>
    %swap3A_926 = vector.shape_cast %broadcast_in_dim3A_920 : vector<16xf32> to vector<1x16xf32>
    tpu.vector_store %arg11[%swap3A_922, %swap3A_923], %swap3A_926 {strides = array<i32>} : memref<16x128xf32, #tpu.memory_space<vmem>>, vector<1x16xf32>,
    %broadcast_in_dim3A_927 = arith.constant 0.000000e+00 : f32
    %broadcast_in_dim3A_928 = vector.broadcast %broadcast_in_dim3A_927 : f32 to vector<16xf32>
    %swap3A_929 = arith.constant 14 : i32
    %swap3A_930 = arith.index_cast %swap3A_929 : i32 to index
    %swap3A_931 = arith.constant 64 : index
    %swap3A_932 = tpu.vector_load %arg11[%swap3A_930, %swap3A_931] {strides = array<i32>} : memref<16x128xf32, #tpu.memory_space<vmem>>, vector<1x16xf32>,
    %swap3A_933 = vector.shape_cast %swap3A_932 : vector<1x16xf32> to vector<16xf32>
    %swap3A_934 = vector.shape_cast %broadcast_in_dim3A_928 : vector<16xf32> to vector<1x16xf32>
    tpu.vector_store %arg11[%swap3A_930, %swap3A_931], %swap3A_934 {strides = array<i32>} : memref<16x128xf32, #tpu.memory_space<vmem>>, vector<1x16xf32>,
    %broadcast_in_dim3A_935 = arith.constant 0.000000e+00 : f32
    %broadcast_in_dim3A_936 = vector.broadcast %broadcast_in_dim3A_935 : f32 to vector<16xf32>
    %swap3A_937 = arith.constant 14 : i32
    %swap3A_938 = arith.index_cast %swap3A_937 : i32 to index
    %swap3A_939 = arith.constant 80 : index
    %swap3A_940 = tpu.vector_load %arg11[%swap3A_938, %swap3A_939] {strides = array<i32>} : memref<16x128xf32, #tpu.memory_space<vmem>>, vector<1x16xf32>,
    %swap3A_941 = vector.shape_cast %swap3A_940 : vector<1x16xf32> to vector<16xf32>
    %swap3A_942 = vector.shape_cast %broadcast_in_dim3A_936 : vector<16xf32> to vector<1x16xf32>
    tpu.vector_store %arg11[%swap3A_938, %swap3A_939], %swap3A_942 {strides = array<i32>} : memref<16x128xf32, #tpu.memory_space<vmem>>, vector<1x16xf32>,
    %broadcast_in_dim3A_943 = arith.constant 0.000000e+00 : f32
    %broadcast_in_dim3A_944 = vector.broadcast %broadcast_in_dim3A_943 : f32 to vector<16xf32>
    %swap3A_945 = arith.constant 14 : i32
    %swap3A_946 = arith.index_cast %swap3A_945 : i32 to index
    %swap3A_947 = arith.constant 96 : index
    %swap3A_948 = tpu.vector_load %arg11[%swap3A_946, %swap3A_947] {strides = array<i32>} : memref<16x128xf32, #tpu.memory_space<vmem>>, vector<1x16xf32>,
    %swap3A_949 = vector.shape_cast %swap3A_948 : vector<1x16xf32> to vector<16xf32>
    %swap3A_950 = vector.shape_cast %broadcast_in_dim3A_944 : vector<16xf32> to vector<1x16xf32>
    tpu.vector_store %arg11[%swap3A_946, %swap3A_947], %swap3A_950 {strides = array<i32>} : memref<16x128xf32, #tpu.memory_space<vmem>>, vector<1x16xf32>,
    %broadcast_in_dim3A_951 = arith.constant 0.000000e+00 : f32
    %broadcast_in_dim3A_952 = vector.broadcast %broadcast_in_dim3A_951 : f32 to vector<16xf32>
    %swap3A_953 = arith.constant 14 : i32
    %swap3A_954 = arith.index_cast %swap3A_953 : i32 to index
    %swap3A_955 = arith.constant 112 : index
    %swap3A_956 = tpu.vector_load %arg11[%swap3A_954, %swap3A_955] {strides = array<i32>} : memref<16x128xf32, #tpu.memory_space<vmem>>, vector<1x16xf32>,
    %swap3A_957 = vector.shape_cast %swap3A_956 : vector<1x16xf32> to vector<16xf32>
    %swap3A_958 = vector.shape_cast %broadcast_in_dim3A_952 : vector<16xf32> to vector<1x16xf32>
    tpu.vector_store %arg11[%swap3A_954, %swap3A_955], %swap3A_958 {strides = array<i32>} : memref<16x128xf32, #tpu.memory_space<vmem>>, vector<1x16xf32>,
    %broadcast_in_dim3A_959 = arith.constant 0.000000e+00 : f32
    %broadcast_in_dim3A_960 = vector.broadcast %broadcast_in_dim3A_959 : f32 to vector<16xf32>
    %swap3A_961 = arith.constant 15 : i32
    %swap3A_962 = arith.index_cast %swap3A_961 : i32 to index
    %swap3A_963 = arith.constant 0 : index
    %swap3A_964 = tpu.vector_load %arg11[%swap3A_962, %swap3A_963] {strides = array<i32>} : memref<16x128xf32, #tpu.memory_space<vmem>>, vector<1x16xf32>,
    %swap3A_965 = vector.shape_cast %swap3A_964 : vector<1x16xf32> to vector<16xf32>
    %swap3A_966 = vector.shape_cast %broadcast_in_dim3A_960 : vector<16xf32> to vector<1x16xf32>
    tpu.vector_store %arg11[%swap3A_962, %swap3A_963], %swap3A_966 {strides = array<i32>} : memref<16x128xf32, #tpu.memory_space<vmem>>, vector<1x16xf32>,
    %broadcast_in_dim3A_967 = arith.constant 0.000000e+00 : f32
    %broadcast_in_dim3A_968 = vector.broadcast %broadcast_in_dim3A_967 : f32 to vector<16xf32>
    %swap3A_969 = arith.constant 15 : i32
    %swap3A_970 = arith.index_cast %swap3A_969 : i32 to index
    %swap3A_971 = arith.constant 16 : index
    %swap3A_972 = tpu.vector_load %arg11[%swap3A_970, %swap3A_971] {strides = array<i32>} : memref<16x128xf32, #tpu.memory_space<vmem>>, vector<1x16xf32>,
    %swap3A_973 = vector.shape_cast %swap3A_972 : vector<1x16xf32> to vector<16xf32>
    %swap3A_974 = vector.shape_cast %broadcast_in_dim3A_968 : vector<16xf32> to vector<1x16xf32>
    tpu.vector_store %arg11[%swap3A_970, %swap3A_971], %swap3A_974 {strides = array<i32>} : memref<16x128xf32, #tpu.memory_space<vmem>>, vector<1x16xf32>,
    %broadcast_in_dim3A_975 = arith.constant 0.000000e+00 : f32
    %broadcast_in_dim3A_976 = vector.broadcast %broadcast_in_dim3A_975 : f32 to vector<16xf32>
    %swap3A_977 = arith.constant 15 : i32
    %swap3A_978 = arith.index_cast %swap3A_977 : i32 to index
    %swap3A_979 = arith.constant 32 : index
    %swap3A_980 = tpu.vector_load %arg11[%swap3A_978, %swap3A_979] {strides = array<i32>} : memref<16x128xf32, #tpu.memory_space<vmem>>, vector<1x16xf32>,
    %swap3A_981 = vector.shape_cast %swap3A_980 : vector<1x16xf32> to vector<16xf32>
    %swap3A_982 = vector.shape_cast %broadcast_in_dim3A_976 : vector<16xf32> to vector<1x16xf32>
    tpu.vector_store %arg11[%swap3A_978, %swap3A_979], %swap3A_982 {strides = array<i32>} : memref<16x128xf32, #tpu.memory_space<vmem>>, vector<1x16xf32>,
    %broadcast_in_dim3A_983 = arith.constant 0.000000e+00 : f32
    %broadcast_in_dim3A_984 = vector.broadcast %broadcast_in_dim3A_983 : f32 to vector<16xf32>
    %swap3A_985 = arith.constant 15 : i32
    %swap3A_986 = arith.index_cast %swap3A_985 : i32 to index
    %swap3A_987 = arith.constant 48 : index
    %swap3A_988 = tpu.vector_load %arg11[%swap3A_986, %swap3A_987] {strides = array<i32>} : memref<16x128xf32, #tpu.memory_space<vmem>>, vector<1x16xf32>,
    %swap3A_989 = vector.shape_cast %swap3A_988 : vector<1x16xf32> to vector<16xf32>
    %swap3A_990 = vector.shape_cast %broadcast_in_dim3A_984 : vector<16xf32> to vector<1x16xf32>
    tpu.vector_store %arg11[%swap3A_986, %swap3A_987], %swap3A_990 {strides = array<i32>} : memref<16x128xf32, #tpu.memory_space<vmem>>, vector<1x16xf32>,
    %broadcast_in_dim3A_991 = arith.constant 0.000000e+00 : f32
    %broadcast_in_dim3A_992 = vector.broadcast %broadcast_in_dim3A_991 : f32 to vector<16xf32>
    %swap3A_993 = arith.constant 15 : i32
    %swap3A_994 = arith.index_cast %swap3A_993 : i32 to index
    %swap3A_995 = arith.constant 64 : index
    %swap3A_996 = tpu.vector_load %arg11[%swap3A_994, %swap3A_995] {strides = array<i32>} : memref<16x128xf32, #tpu.memory_space<vmem>>, vector<1x16xf32>,
    %swap3A_997 = vector.shape_cast %swap3A_996 : vector<1x16xf32> to vector<16xf32>
    %swap3A_998 = vector.shape_cast %broadcast_in_dim3A_992 : vector<16xf32> to vector<1x16xf32>
    tpu.vector_store %arg11[%swap3A_994, %swap3A_995], %swap3A_998 {strides = array<i32>} : memref<16x128xf32, #tpu.memory_space<vmem>>, vector<1x16xf32>,
    %broadcast_in_dim3A_999 = arith.constant 0.000000e+00 : f32
    %broadcast_in_dim3A_1000 = vector.broadcast %broadcast_in_dim3A_999 : f32 to vector<16xf32>
    %swap3A_1001 = arith.constant 15 : i32
    %swap3A_1002 = arith.index_cast %swap3A_1001 : i32 to index
    %swap3A_1003 = arith.constant 80 : index
    %swap3A_1004 = tpu.vector_load %arg11[%swap3A_1002, %swap3A_1003] {strides = array<i32>} : memref<16x128xf32, #tpu.memory_space<vmem>>, vector<1x16xf32>,
    %swap3A_1005 = vector.shape_cast %swap3A_1004 : vector<1x16xf32> to vector<16xf32>
    %swap3A_1006 = vector.shape_cast %broadcast_in_dim3A_1000 : vector<16xf32> to vector<1x16xf32>
    tpu.vector_store %arg11[%swap3A_1002, %swap3A_1003], %swap3A_1006 {strides = array<i32>} : memref<16x128xf32, #tpu.memory_space<vmem>>, vector<1x16xf32>,
    %broadcast_in_dim3A_1007 = arith.constant 0.000000e+00 : f32
    %broadcast_in_dim3A_1008 = vector.broadcast %broadcast_in_dim3A_1007 : f32 to vector<16xf32>
    %swap3A_1009 = arith.constant 15 : i32
    %swap3A_1010 = arith.index_cast %swap3A_1009 : i32 to index
    %swap3A_1011 = arith.constant 96 : index
    %swap3A_1012 = tpu.vector_load %arg11[%swap3A_1010, %swap3A_1011] {strides = array<i32>} : memref<16x128xf32, #tpu.memory_space<vmem>>, vector<1x16xf32>,
    %swap3A_1013 = vector.shape_cast %swap3A_1012 : vector<1x16xf32> to vector<16xf32>
    %swap3A_1014 = vector.shape_cast %broadcast_in_dim3A_1008 : vector<16xf32> to vector<1x16xf32>
    tpu.vector_store %arg11[%swap3A_1010, %swap3A_1011], %swap3A_1014 {strides = array<i32>} : memref<16x128xf32, #tpu.memory_space<vmem>>, vector<1x16xf32>,
    %broadcast_in_dim3A_1015 = arith.constant 0.000000e+00 : f32
    %broadcast_in_dim3A_1016 = vector.broadcast %broadcast_in_dim3A_1015 : f32 to vector<16xf32>
    %swap3A_1017 = arith.constant 15 : i32
    %swap3A_1018 = arith.index_cast %swap3A_1017 : i32 to index
    %swap3A_1019 = arith.constant 112 : index
    %swap3A_1020 = tpu.vector_load %arg11[%swap3A_1018, %swap3A_1019] {strides = array<i32>} : memref<16x128xf32, #tpu.memory_space<vmem>>, vector<1x16xf32>,
    %swap3A_1021 = vector.shape_cast %swap3A_1020 : vector<1x16xf32> to vector<16xf32>
    %swap3A_1022 = vector.shape_cast %broadcast_in_dim3A_1016 : vector<16xf32> to vector<1x16xf32>
    tpu.vector_store %arg11[%swap3A_1018, %swap3A_1019], %swap3A_1022 {strides = array<i32>} : memref<16x128xf32, #tpu.memory_space<vmem>>, vector<1x16xf32>,
    %scan3A = arith.constant 0 : i32
    %scan3A_1023 = arith.constant 0 : i32
    %scan3A_1024 = arith.constant 39 : i32
    %scan3A_1025 = arith.addi %scan3A_1023, %scan3A_1024 : i32
    %scan3A_1026 = arith.constant 1 : i32
    scf.for %scan3A_1262 = %scan3A_1023 to %scan3A_1025 step %scan3A_1026  : i32 {
      %mul3A_1263 = arith.constant 16 : i32
      %mul3A_1264 = arith.muli %scan3A_1262, %mul3A_1263 : i32
      %add3A_1265 = arith.addi %mul3A_0, %mul3A_1264 : i32
      %dma_start3A_1266 = arith.constant 0 : i32
      %dma_start3A_1267 = tpu.memref_slice %arg12[%add3A_1265, %dma_start3A_1266] : memref<10000x128xf32, #tpu.memory_space<vmem_shared>> -> memref<16x128xf32, #tpu.memory_space<vmem_shared>>
      %dma_start3A_1268 = arith.constant 0 : i32
      %dma_start3A_1269 = tpu.memref_slice %arg12[%add3A_1265, %dma_start3A_1268] : memref<10000x128xf32, #tpu.memory_space<vmem_shared>> -> memref<16x128xf32, #tpu.memory_space<vmem_shared>>
      tpu.enqueue_dma source(%arg11 : memref<16x128xf32, #tpu.memory_space<vmem>>) target(%dma_start3A_1269 : memref<16x128xf32, #tpu.memory_space<vmem_shared>>) target_semaphore(%arg13 : memref<!tpu.dma_semaphore, #tpu.memory_space<semaphore_mem>>)
    }
    %scan3A_1027 = arith.constant 39 : i32
    %eq3A = arith.constant 15 : i32
    %eq3A_1028 = arith.cmpi eq, %arg1, %eq3A : i32
    %convert_element_type3A = arith.extui %eq3A_1028 : i1 to i32
    %cond3A = arith.constant 0 : i32
    %cond3A_1029 = arith.cmpi ne, %convert_element_type3A, %cond3A : i32
    scf.if %cond3A_1029 {
      %dma_start3A_1262 = arith.constant 9984 : i32
      %dma_start3A_1263 = arith.constant 0 : i32
      %dma_start3A_1264 = tpu.memref_slice %arg12[%dma_start3A_1262, %dma_start3A_1263] : memref<10000x128xf32, #tpu.memory_space<vmem_shared>> -> memref<16x128xf32, #tpu.memory_space<vmem_shared>>
      %dma_start3A_1265 = arith.constant 9984 : i32
      %dma_start3A_1266 = arith.constant 0 : i32
      %dma_start3A_1267 = tpu.memref_slice %arg12[%dma_start3A_1265, %dma_start3A_1266] : memref<10000x128xf32, #tpu.memory_space<vmem_shared>> -> memref<16x128xf32, #tpu.memory_space<vmem_shared>>
      tpu.enqueue_dma source(%arg11 : memref<16x128xf32, #tpu.memory_space<vmem>>) target(%dma_start3A_1267 : memref<16x128xf32, #tpu.memory_space<vmem_shared>>) target_semaphore(%arg13 : memref<!tpu.dma_semaphore, #tpu.memory_space<semaphore_mem>>)
    } else {
    }
    %scan3A_1030 = arith.constant 0 : i32
    %scan3A_1031 = arith.constant 0 : i32
    %scan3A_1032 = arith.constant 39 : i32
    %scan3A_1033 = arith.addi %scan3A_1031, %scan3A_1032 : i32
    %scan3A_1034 = arith.constant 1 : i32
    scf.for %scan3A_1262 = %scan3A_1031 to %scan3A_1033 step %scan3A_1034  : i32 {
      %dma_wait3A_1263 = arith.constant 0 : i32
      %dma_wait3A_1264 = tpu.memref_slice %arg12[%mul3A_0, %dma_wait3A_1263] : memref<10000x128xf32, #tpu.memory_space<vmem_shared>> -> memref<16x128xf32, #tpu.memory_space<vmem_shared>>
      %dma_wait3A_1265 = arith.constant 0 : i32
      %dma_wait3A_1266 = tpu.memref_slice %arg12[%mul3A_0, %dma_wait3A_1265] : memref<10000x128xf32, #tpu.memory_space<vmem_shared>> -> memref<16x128xf32, #tpu.memory_space<vmem_shared>>
      tpu.wait_dma2 semaphore(%arg13 : memref<!tpu.dma_semaphore, #tpu.memory_space<semaphore_mem>>) src(%arg11 : memref<16x128xf32, #tpu.memory_space<vmem>>) dst(%dma_wait3A_1266 : memref<16x128xf32, #tpu.memory_space<vmem_shared>>)
    }
    %scan3A_1035 = arith.constant 39 : i32
    %eq3A_1036 = arith.constant 15 : i32
    %eq3A_1037 = arith.cmpi eq, %arg1, %eq3A_1036 : i32
    %convert_element_type3A_1038 = arith.extui %eq3A_1037 : i1 to i32
    %cond3A_1039 = arith.constant 0 : i32
    %cond3A_1040 = arith.cmpi ne, %convert_element_type3A_1038, %cond3A_1039 : i32
    scf.if %cond3A_1040 {
      %dma_wait3A_1262 = arith.constant 0 : i32
      %dma_wait3A_1263 = tpu.memref_slice %arg12[%mul3A_0, %dma_wait3A_1262] : memref<10000x128xf32, #tpu.memory_space<vmem_shared>> -> memref<16x128xf32, #tpu.memory_space<vmem_shared>>
      %dma_wait3A_1264 = arith.constant 0 : i32
      %dma_wait3A_1265 = tpu.memref_slice %arg12[%mul3A_0, %dma_wait3A_1264] : memref<10000x128xf32, #tpu.memory_space<vmem_shared>> -> memref<16x128xf32, #tpu.memory_space<vmem_shared>>
      tpu.wait_dma2 semaphore(%arg13 : memref<!tpu.dma_semaphore, #tpu.memory_space<semaphore_mem>>) src(%arg11 : memref<16x128xf32, #tpu.memory_space<vmem>>) dst(%dma_wait3A_1265 : memref<16x128xf32, #tpu.memory_space<vmem_shared>>)
    } else {
    }
    %barrier3A = arith.constant 0 : index
    tpu.barrier barrier_id(%barrier3A)
    %mul3A_1041 = arith.constant 16 : i32
    %mul3A_1042 = arith.muli %arg0, %mul3A_1041 : i32
    %add3A = arith.addi %mul3A_1042, %arg1 : i32
    %mul3A_1043 = arith.constant 10000 : i32
    %mul3A_1044 = arith.muli %add3A, %mul3A_1043 : i32
    %add3A_1045 = arith.constant 0 : i32
    %add3A_1046 = arith.addi %mul3A_1044, %add3A_1045 : i32
    "tpu.region"() ({
      %run_scoped3A = tpu.sem_alloc : memref<!tpu.dma_semaphore, #tpu.memory_space<semaphore_mem>>
      %dma_start3A_1262 = arith.constant 0 : i32
      %dma_start3A_1263 = tpu.memref_slice %arg6[%dma_start3A_1262] : memref<5120xi32, #tpu.memory_space<vmem>> -> memref<5120xi32, #tpu.memory_space<vmem>>
      %dma_start3A_1264 = tpu.memref_slice %arg3[%add3A_1046] : memref<320000xi32, #tpu.memory_space<hbm>> -> memref<5120xi32, #tpu.memory_space<hbm>>
      %dma_start3A_1265 = arith.constant 0 : i32
      %dma_start3A_1266 = tpu.memref_slice %arg6[%dma_start3A_1265] : memref<5120xi32, #tpu.memory_space<vmem>> -> memref<5120xi32, #tpu.memory_space<vmem>>
      %dma_start3A_1267 = tpu.memref_slice %arg3[%add3A_1046] : memref<320000xi32, #tpu.memory_space<hbm>> -> memref<5120xi32, #tpu.memory_space<hbm>>
      tpu.enqueue_dma source(%dma_start3A_1267 : memref<5120xi32, #tpu.memory_space<hbm>>) target(%dma_start3A_1266 : memref<5120xi32, #tpu.memory_space<vmem>>) target_semaphore(%run_scoped3A : memref<!tpu.dma_semaphore, #tpu.memory_space<semaphore_mem>>)
      %dma_wait3A_1268 = arith.constant 0 : i32
      %dma_wait3A_1269 = tpu.memref_slice %arg6[%dma_wait3A_1268] : memref<5120xi32, #tpu.memory_space<vmem>> -> memref<5120xi32, #tpu.memory_space<vmem>>
      %dma_wait3A_1270 = tpu.memref_slice %arg3[%add3A_1046] : memref<320000xi32, #tpu.memory_space<hbm>> -> memref<5120xi32, #tpu.memory_space<hbm>>
      %dma_wait3A_1271 = arith.constant 0 : i32
      %dma_wait3A_1272 = tpu.memref_slice %arg6[%dma_wait3A_1271] : memref<5120xi32, #tpu.memory_space<vmem>> -> memref<5120xi32, #tpu.memory_space<vmem>>
      %dma_wait3A_1273 = tpu.memref_slice %arg3[%add3A_1046] : memref<320000xi32, #tpu.memory_space<hbm>> -> memref<5120xi32, #tpu.memory_space<hbm>>
      tpu.wait_dma2 semaphore(%run_scoped3A : memref<!tpu.dma_semaphore, #tpu.memory_space<semaphore_mem>>) src(%dma_wait3A_1273 : memref<5120xi32, #tpu.memory_space<hbm>>) dst(%dma_wait3A_1272 : memref<5120xi32, #tpu.memory_space<vmem>>)
      tpu.yield
    }) : () -> ()
    "tpu.region"() ({
      %run_scoped3A = tpu.sem_alloc : memref<!tpu.dma_semaphore, #tpu.memory_space<semaphore_mem>>
      %dma_start3A_1262 = arith.constant 0 : i32
      %dma_start3A_1263 = arith.constant 0 : i32
      %dma_start3A_1264 = tpu.memref_slice %arg7[%dma_start3A_1262, %dma_start3A_1263] : memref<64x80xi32, #tpu.memory_space<vmem>> -> memref<64x80xi32, #tpu.memory_space<vmem>>
      %dma_start3A_1265 = arith.constant 0 : i32
      %dma_start3A_1266 = arith.constant 0 : i32
      %dma_start3A_1267 = tpu.memref_slice %arg4[%add3A, %dma_start3A_1265, %dma_start3A_1266] : memref<32x125x80xi32, #tpu.memory_space<hbm>> -> memref<1x64x80xi32, #tpu.memory_space<hbm>>
      %dma_start3A_1268 = tpu.memref_squeeze %dma_start3A_1267 : memref<1x64x80xi32, #tpu.memory_space<hbm>> -> memref<64x80xi32, #tpu.memory_space<hbm>>
      %dma_start3A_1269 = arith.constant 0 : i32
      %dma_start3A_1270 = arith.constant 0 : i32
      %dma_start3A_1271 = tpu.memref_slice %arg7[%dma_start3A_1269, %dma_start3A_1270] : memref<64x80xi32, #tpu.memory_space<vmem>> -> memref<64x80xi32, #tpu.memory_space<vmem>>
      %dma_start3A_1272 = arith.constant 0 : i32
      %dma_start3A_1273 = arith.constant 0 : i32
      %dma_start3A_1274 = tpu.memref_slice %arg4[%add3A, %dma_start3A_1272, %dma_start3A_1273] : memref<32x125x80xi32, #tpu.memory_space<hbm>> -> memref<1x64x80xi32, #tpu.memory_space<hbm>>
      %dma_start3A_1275 = tpu.memref_squeeze %dma_start3A_1274 : memref<1x64x80xi32, #tpu.memory_space<hbm>> -> memref<64x80xi32, #tpu.memory_space<hbm>>
      tpu.enqueue_dma source(%dma_start3A_1275 : memref<64x80xi32, #tpu.memory_space<hbm>>) target(%dma_start3A_1271 : memref<64x80xi32, #tpu.memory_space<vmem>>) target_semaphore(%run_scoped3A : memref<!tpu.dma_semaphore, #tpu.memory_space<semaphore_mem>>)
      %dma_wait3A_1276 = arith.constant 0 : i32
      %dma_wait3A_1277 = arith.constant 0 : i32
      %dma_wait3A_1278 = tpu.memref_slice %arg7[%dma_wait3A_1276, %dma_wait3A_1277] : memref<64x80xi32, #tpu.memory_space<vmem>> -> memref<64x80xi32, #tpu.memory_space<vmem>>
      %dma_wait3A_1279 = arith.constant 0 : i32
      %dma_wait3A_1280 = arith.constant 0 : i32
      %dma_wait3A_1281 = tpu.memref_slice %arg4[%add3A, %dma_wait3A_1279, %dma_wait3A_1280] : memref<32x125x80xi32, #tpu.memory_space<hbm>> -> memref<1x64x80xi32, #tpu.memory_space<hbm>>
      %dma_wait3A_1282 = tpu.memref_squeeze %dma_wait3A_1281 : memref<1x64x80xi32, #tpu.memory_space<hbm>> -> memref<64x80xi32, #tpu.memory_space<hbm>>
      %dma_wait3A_1283 = arith.constant 0 : i32
      %dma_wait3A_1284 = arith.constant 0 : i32
      %dma_wait3A_1285 = tpu.memref_slice %arg7[%dma_wait3A_1283, %dma_wait3A_1284] : memref<64x80xi32, #tpu.memory_space<vmem>> -> memref<64x80xi32, #tpu.memory_space<vmem>>
      %dma_wait3A_1286 = arith.constant 0 : i32
      %dma_wait3A_1287 = arith.constant 0 : i32
      %dma_wait3A_1288 = tpu.memref_slice %arg4[%add3A, %dma_wait3A_1286, %dma_wait3A_1287] : memref<32x125x80xi32, #tpu.memory_space<hbm>> -> memref<1x64x80xi32, #tpu.memory_space<hbm>>
      %dma_wait3A_1289 = tpu.memref_squeeze %dma_wait3A_1288 : memref<1x64x80xi32, #tpu.memory_space<hbm>> -> memref<64x80xi32, #tpu.memory_space<hbm>>
      tpu.wait_dma2 semaphore(%run_scoped3A : memref<!tpu.dma_semaphore, #tpu.memory_space<semaphore_mem>>) src(%dma_wait3A_1289 : memref<64x80xi32, #tpu.memory_space<hbm>>) dst(%dma_wait3A_1285 : memref<64x80xi32, #tpu.memory_space<vmem>>)
      tpu.yield
    }) : () -> ()
    %dma_start3A = arith.constant 0 : i32
    %dma_start3A_1047 = tpu.memref_slice %arg6[%dma_start3A] : memref<5120xi32, #tpu.memory_space<vmem>> -> memref<80xi32, #tpu.memory_space<vmem>>
    %dma_start3A_1048 = arith.constant 0 : i32
    %dma_start3A_1049 = arith.constant 0 : i32
    %dma_start3A_1050 = tpu.memref_slice %arg2[%dma_start3A_1048, %dma_start3A_1049] : memref<10000x128xf32, #tpu.memory_space<hbm>> -> memref<10000x128xf32, #tpu.memory_space<hbm>>
    tpu.enqueue_indirect_dma source(%dma_start3A_1050 : memref<10000x128xf32, #tpu.memory_space<hbm>>) target(%arg8 : memref<80x128xf32, #tpu.memory_space<vmem>>) offsets(%dma_start3A_1047 : memref<80xi32, #tpu.memory_space<vmem>>) semaphore(%arg13 : memref<!tpu.dma_semaphore, #tpu.memory_space<semaphore_mem>>)
    %dma_start3A_1051 = arith.constant 80 : i32
    %dma_start3A_1052 = tpu.memref_slice %arg6[%dma_start3A_1051] : memref<5120xi32, #tpu.memory_space<vmem>> -> memref<80xi32, #tpu.memory_space<vmem>>
    %dma_start3A_1053 = arith.constant 0 : i32
    %dma_start3A_1054 = arith.constant 0 : i32
    %dma_start3A_1055 = tpu.memref_slice %arg2[%dma_start3A_1053, %dma_start3A_1054] : memref<10000x128xf32, #tpu.memory_space<hbm>> -> memref<10000x128xf32, #tpu.memory_space<hbm>>
    tpu.enqueue_indirect_dma source(%dma_start3A_1055 : memref<10000x128xf32, #tpu.memory_space<hbm>>) target(%arg9 : memref<80x128xf32, #tpu.memory_space<vmem>>) offsets(%dma_start3A_1052 : memref<80xi32, #tpu.memory_space<vmem>>) semaphore(%arg14 : memref<!tpu.dma_semaphore, #tpu.memory_space<semaphore_mem>>)
    %dma_start3A_1056 = arith.constant 160 : i32
    %dma_start3A_1057 = tpu.memref_slice %arg6[%dma_start3A_1056] : memref<5120xi32, #tpu.memory_space<vmem>> -> memref<80xi32, #tpu.memory_space<vmem>>
    %dma_start3A_1058 = arith.constant 0 : i32
    %dma_start3A_1059 = arith.constant 0 : i32
    %dma_start3A_1060 = tpu.memref_slice %arg2[%dma_start3A_1058, %dma_start3A_1059] : memref<10000x128xf32, #tpu.memory_space<hbm>> -> memref<10000x128xf32, #tpu.memory_space<hbm>>
    tpu.enqueue_indirect_dma source(%dma_start3A_1060 : memref<10000x128xf32, #tpu.memory_space<hbm>>) target(%arg10 : memref<80x128xf32, #tpu.memory_space<vmem>>) offsets(%dma_start3A_1057 : memref<80xi32, #tpu.memory_space<vmem>>) semaphore(%arg15 : memref<!tpu.dma_semaphore, #tpu.memory_space<semaphore_mem>>)
    %dma_wait3A = arith.constant 0 : i32
    %dma_wait3A_1061 = tpu.memref_slice %arg6[%dma_wait3A] : memref<5120xi32, #tpu.memory_space<vmem>> -> memref<80xi32, #tpu.memory_space<vmem>>
    %dma_wait3A_1062 = arith.constant 0 : i32
    %dma_wait3A_1063 = arith.constant 0 : i32
    %dma_wait3A_1064 = tpu.memref_slice %arg2[%dma_wait3A_1062, %dma_wait3A_1063] : memref<10000x128xf32, #tpu.memory_space<hbm>> -> memref<10000x128xf32, #tpu.memory_space<hbm>>
    tpu.wait_indirect_dma semaphore(%arg13 : memref<!tpu.dma_semaphore, #tpu.memory_space<semaphore_mem>>) src(%dma_wait3A_1064 : memref<10000x128xf32, #tpu.memory_space<hbm>>) dst(%arg8 : memref<80x128xf32, #tpu.memory_space<vmem>>)
    %dma_start3A_1065 = arith.constant 0 : i32
    %dma_start3A_1066 = arith.constant 0 : i32
    %dma_start3A_1067 = tpu.memref_slice %arg7[%dma_start3A_1065, %dma_start3A_1066] : memref<64x80xi32, #tpu.memory_space<vmem>> -> memref<1x80xi32, #tpu.memory_space<vmem>>
    %dma_start3A_1068 = tpu.memref_squeeze %dma_start3A_1067 : memref<1x80xi32, #tpu.memory_space<vmem>> -> memref<80xi32, #tpu.memory_space<vmem>>
    %dma_start3A_1069 = arith.constant 0 : i32
    %dma_start3A_1070 = arith.constant 0 : i32
    %dma_start3A_1071 = tpu.memref_slice %arg12[%dma_start3A_1069, %dma_start3A_1070] : memref<10000x128xf32, #tpu.memory_space<vmem_shared>> -> memref<10000x128xf32, #tpu.memory_space<vmem_shared>>
    tpu.enqueue_indirect_dma source(%arg8 : memref<80x128xf32, #tpu.memory_space<vmem>>) target(%dma_start3A_1071 : memref<10000x128xf32, #tpu.memory_space<vmem_shared>>) offsets(%dma_start3A_1068 : memref<80xi32, #tpu.memory_space<vmem>>) semaphore(%arg16 : memref<!tpu.dma_semaphore, #tpu.memory_space<semaphore_mem>>) {add = true}
    %dma_wait3A_1072 = arith.constant 0 : i32
    %dma_wait3A_1073 = tpu.memref_slice %arg6[%dma_wait3A_1072] : memref<5120xi32, #tpu.memory_space<vmem>> -> memref<80xi32, #tpu.memory_space<vmem>>
    %dma_wait3A_1074 = arith.constant 0 : i32
    %dma_wait3A_1075 = arith.constant 0 : i32
    %dma_wait3A_1076 = tpu.memref_slice %arg2[%dma_wait3A_1074, %dma_wait3A_1075] : memref<10000x128xf32, #tpu.memory_space<hbm>> -> memref<10000x128xf32, #tpu.memory_space<hbm>>
    tpu.wait_indirect_dma semaphore(%arg14 : memref<!tpu.dma_semaphore, #tpu.memory_space<semaphore_mem>>) src(%dma_wait3A_1076 : memref<10000x128xf32, #tpu.memory_space<hbm>>) dst(%arg9 : memref<80x128xf32, #tpu.memory_space<vmem>>)
    %dma_start3A_1077 = arith.constant 1 : i32
    %dma_start3A_1078 = arith.constant 0 : i32
    %dma_start3A_1079 = tpu.memref_slice %arg7[%dma_start3A_1077, %dma_start3A_1078] : memref<64x80xi32, #tpu.memory_space<vmem>> -> memref<1x80xi32, #tpu.memory_space<vmem>>
    %dma_start3A_1080 = tpu.memref_squeeze %dma_start3A_1079 : memref<1x80xi32, #tpu.memory_space<vmem>> -> memref<80xi32, #tpu.memory_space<vmem>>
    %dma_start3A_1081 = arith.constant 0 : i32
    %dma_start3A_1082 = arith.constant 0 : i32
    %dma_start3A_1083 = tpu.memref_slice %arg12[%dma_start3A_1081, %dma_start3A_1082] : memref<10000x128xf32, #tpu.memory_space<vmem_shared>> -> memref<10000x128xf32, #tpu.memory_space<vmem_shared>>
    tpu.enqueue_indirect_dma source(%arg9 : memref<80x128xf32, #tpu.memory_space<vmem>>) target(%dma_start3A_1083 : memref<10000x128xf32, #tpu.memory_space<vmem_shared>>) offsets(%dma_start3A_1080 : memref<80xi32, #tpu.memory_space<vmem>>) semaphore(%arg17 : memref<!tpu.dma_semaphore, #tpu.memory_space<semaphore_mem>>) {add = true}
    %dma_wait3A_1084 = arith.constant 0 : i32
    %dma_wait3A_1085 = tpu.memref_slice %arg6[%dma_wait3A_1084] : memref<5120xi32, #tpu.memory_space<vmem>> -> memref<80xi32, #tpu.memory_space<vmem>>
    %dma_wait3A_1086 = arith.constant 0 : i32
    %dma_wait3A_1087 = arith.constant 0 : i32
    %dma_wait3A_1088 = tpu.memref_slice %arg2[%dma_wait3A_1086, %dma_wait3A_1087] : memref<10000x128xf32, #tpu.memory_space<hbm>> -> memref<10000x128xf32, #tpu.memory_space<hbm>>
    tpu.wait_indirect_dma semaphore(%arg15 : memref<!tpu.dma_semaphore, #tpu.memory_space<semaphore_mem>>) src(%dma_wait3A_1088 : memref<10000x128xf32, #tpu.memory_space<hbm>>) dst(%arg10 : memref<80x128xf32, #tpu.memory_space<vmem>>)
    %dma_start3A_1089 = arith.constant 2 : i32
    %dma_start3A_1090 = arith.constant 0 : i32
    %dma_start3A_1091 = tpu.memref_slice %arg7[%dma_start3A_1089, %dma_start3A_1090] : memref<64x80xi32, #tpu.memory_space<vmem>> -> memref<1x80xi32, #tpu.memory_space<vmem>>
    %dma_start3A_1092 = tpu.memref_squeeze %dma_start3A_1091 : memref<1x80xi32, #tpu.memory_space<vmem>> -> memref<80xi32, #tpu.memory_space<vmem>>
    %dma_start3A_1093 = arith.constant 0 : i32
    %dma_start3A_1094 = arith.constant 0 : i32
    %dma_start3A_1095 = tpu.memref_slice %arg12[%dma_start3A_1093, %dma_start3A_1094] : memref<10000x128xf32, #tpu.memory_space<vmem_shared>> -> memref<10000x128xf32, #tpu.memory_space<vmem_shared>>
    tpu.enqueue_indirect_dma source(%arg10 : memref<80x128xf32, #tpu.memory_space<vmem>>) target(%dma_start3A_1095 : memref<10000x128xf32, #tpu.memory_space<vmem_shared>>) offsets(%dma_start3A_1092 : memref<80xi32, #tpu.memory_space<vmem>>) semaphore(%arg18 : memref<!tpu.dma_semaphore, #tpu.memory_space<semaphore_mem>>) {add = true}
    %scan3A_1096 = arith.constant 0 : i32
    %scan3A_1097 = arith.constant 1 : i32
    %scan3A_1098 = arith.constant 20 : i32
    %scan3A_1099 = arith.addi %scan3A_1097, %scan3A_1098 : i32
    %scan3A_1100 = arith.constant 1 : i32
    scf.for %scan3A_1262 = %scan3A_1097 to %scan3A_1099 step %scan3A_1100  : i32 {
      %mul3A_1263 = arith.constant 3 : i32
      %mul3A_1264 = arith.muli %mul3A_1263, %scan3A_1262 : i32
      %dma_wait3A_1265 = arith.constant 0 : i32
      %dma_wait3A_1266 = arith.constant 0 : i32
      %dma_wait3A_1267 = tpu.memref_slice %arg7[%dma_wait3A_1265, %dma_wait3A_1266] : memref<64x80xi32, #tpu.memory_space<vmem>> -> memref<1x80xi32, #tpu.memory_space<vmem>>
      %dma_wait3A_1268 = tpu.memref_squeeze %dma_wait3A_1267 : memref<1x80xi32, #tpu.memory_space<vmem>> -> memref<80xi32, #tpu.memory_space<vmem>>
      %dma_wait3A_1269 = arith.constant 0 : i32
      %dma_wait3A_1270 = arith.constant 0 : i32
      %dma_wait3A_1271 = tpu.memref_slice %arg12[%dma_wait3A_1269, %dma_wait3A_1270] : memref<10000x128xf32, #tpu.memory_space<vmem_shared>> -> memref<10000x128xf32, #tpu.memory_space<vmem_shared>>
      tpu.wait_indirect_dma semaphore(%arg16 : memref<!tpu.dma_semaphore, #tpu.memory_space<semaphore_mem>>) src(%arg8 : memref<80x128xf32, #tpu.memory_space<vmem>>) dst(%dma_wait3A_1271 : memref<10000x128xf32, #tpu.memory_space<vmem_shared>>)
      %add3A_1272 = arith.constant 0 : i32
      %add3A_1273 = arith.addi %mul3A_1264, %add3A_1272 : i32
      %mul3A_1274 = arith.constant 80 : i32
      %mul3A_1275 = arith.muli %add3A_1273, %mul3A_1274 : i32
      %dma_start3A_1276 = tpu.memref_slice %arg6[%mul3A_1275] : memref<5120xi32, #tpu.memory_space<vmem>> -> memref<80xi32, #tpu.memory_space<vmem>>
      %dma_start3A_1277 = arith.constant 0 : i32
      %dma_start3A_1278 = arith.constant 0 : i32
      %dma_start3A_1279 = tpu.memref_slice %arg2[%dma_start3A_1277, %dma_start3A_1278] : memref<10000x128xf32, #tpu.memory_space<hbm>> -> memref<10000x128xf32, #tpu.memory_space<hbm>>
      tpu.enqueue_indirect_dma source(%dma_start3A_1279 : memref<10000x128xf32, #tpu.memory_space<hbm>>) target(%arg8 : memref<80x128xf32, #tpu.memory_space<vmem>>) offsets(%dma_start3A_1276 : memref<80xi32, #tpu.memory_space<vmem>>) semaphore(%arg13 : memref<!tpu.dma_semaphore, #tpu.memory_space<semaphore_mem>>)
      %dma_wait3A_1280 = arith.constant 0 : i32
      %dma_wait3A_1281 = arith.constant 0 : i32
      %dma_wait3A_1282 = tpu.memref_slice %arg7[%dma_wait3A_1280, %dma_wait3A_1281] : memref<64x80xi32, #tpu.memory_space<vmem>> -> memref<1x80xi32, #tpu.memory_space<vmem>>
      %dma_wait3A_1283 = tpu.memref_squeeze %dma_wait3A_1282 : memref<1x80xi32, #tpu.memory_space<vmem>> -> memref<80xi32, #tpu.memory_space<vmem>>
      %dma_wait3A_1284 = arith.constant 0 : i32
      %dma_wait3A_1285 = arith.constant 0 : i32
      %dma_wait3A_1286 = tpu.memref_slice %arg12[%dma_wait3A_1284, %dma_wait3A_1285] : memref<10000x128xf32, #tpu.memory_space<vmem_shared>> -> memref<10000x128xf32, #tpu.memory_space<vmem_shared>>
      tpu.wait_indirect_dma semaphore(%arg17 : memref<!tpu.dma_semaphore, #tpu.memory_space<semaphore_mem>>) src(%arg9 : memref<80x128xf32, #tpu.memory_space<vmem>>) dst(%dma_wait3A_1286 : memref<10000x128xf32, #tpu.memory_space<vmem_shared>>)
      %add3A_1287 = arith.constant 1 : i32
      %add3A_1288 = arith.addi %mul3A_1264, %add3A_1287 : i32
      %mul3A_1289 = arith.constant 80 : i32
      %mul3A_1290 = arith.muli %add3A_1288, %mul3A_1289 : i32
      %dma_start3A_1291 = tpu.memref_slice %arg6[%mul3A_1290] : memref<5120xi32, #tpu.memory_space<vmem>> -> memref<80xi32, #tpu.memory_space<vmem>>
      %dma_start3A_1292 = arith.constant 0 : i32
      %dma_start3A_1293 = arith.constant 0 : i32
      %dma_start3A_1294 = tpu.memref_slice %arg2[%dma_start3A_1292, %dma_start3A_1293] : memref<10000x128xf32, #tpu.memory_space<hbm>> -> memref<10000x128xf32, #tpu.memory_space<hbm>>
      tpu.enqueue_indirect_dma source(%dma_start3A_1294 : memref<10000x128xf32, #tpu.memory_space<hbm>>) target(%arg9 : memref<80x128xf32, #tpu.memory_space<vmem>>) offsets(%dma_start3A_1291 : memref<80xi32, #tpu.memory_space<vmem>>) semaphore(%arg14 : memref<!tpu.dma_semaphore, #tpu.memory_space<semaphore_mem>>)
      %dma_wait3A_1295 = arith.constant 0 : i32
      %dma_wait3A_1296 = arith.constant 0 : i32
      %dma_wait3A_1297 = tpu.memref_slice %arg7[%dma_wait3A_1295, %dma_wait3A_1296] : memref<64x80xi32, #tpu.memory_space<vmem>> -> memref<1x80xi32, #tpu.memory_space<vmem>>
      %dma_wait3A_1298 = tpu.memref_squeeze %dma_wait3A_1297 : memref<1x80xi32, #tpu.memory_space<vmem>> -> memref<80xi32, #tpu.memory_space<vmem>>
      %dma_wait3A_1299 = arith.constant 0 : i32
      %dma_wait3A_1300 = arith.constant 0 : i32
      %dma_wait3A_1301 = tpu.memref_slice %arg12[%dma_wait3A_1299, %dma_wait3A_1300] : memref<10000x128xf32, #tpu.memory_space<vmem_shared>> -> memref<10000x128xf32, #tpu.memory_space<vmem_shared>>
      tpu.wait_indirect_dma semaphore(%arg18 : memref<!tpu.dma_semaphore, #tpu.memory_space<semaphore_mem>>) src(%arg10 : memref<80x128xf32, #tpu.memory_space<vmem>>) dst(%dma_wait3A_1301 : memref<10000x128xf32, #tpu.memory_space<vmem_shared>>)
      %add3A_1302 = arith.constant 2 : i32
      %add3A_1303 = arith.addi %mul3A_1264, %add3A_1302 : i32
      %mul3A_1304 = arith.constant 80 : i32
      %mul3A_1305 = arith.muli %add3A_1303, %mul3A_1304 : i32
      %dma_start3A_1306 = tpu.memref_slice %arg6[%mul3A_1305] : memref<5120xi32, #tpu.memory_space<vmem>> -> memref<80xi32, #tpu.memory_space<vmem>>
      %dma_start3A_1307 = arith.constant 0 : i32
      %dma_start3A_1308 = arith.constant 0 : i32
      %dma_start3A_1309 = tpu.memref_slice %arg2[%dma_start3A_1307, %dma_start3A_1308] : memref<10000x128xf32, #tpu.memory_space<hbm>> -> memref<10000x128xf32, #tpu.memory_space<hbm>>
      tpu.enqueue_indirect_dma source(%dma_start3A_1309 : memref<10000x128xf32, #tpu.memory_space<hbm>>) target(%arg10 : memref<80x128xf32, #tpu.memory_space<vmem>>) offsets(%dma_start3A_1306 : memref<80xi32, #tpu.memory_space<vmem>>) semaphore(%arg15 : memref<!tpu.dma_semaphore, #tpu.memory_space<semaphore_mem>>)
      %dma_wait3A_1310 = arith.constant 0 : i32
      %dma_wait3A_1311 = tpu.memref_slice %arg6[%dma_wait3A_1310] : memref<5120xi32, #tpu.memory_space<vmem>> -> memref<80xi32, #tpu.memory_space<vmem>>
      %dma_wait3A_1312 = arith.constant 0 : i32
      %dma_wait3A_1313 = arith.constant 0 : i32
      %dma_wait3A_1314 = tpu.memref_slice %arg2[%dma_wait3A_1312, %dma_wait3A_1313] : memref<10000x128xf32, #tpu.memory_space<hbm>> -> memref<10000x128xf32, #tpu.memory_space<hbm>>
      tpu.wait_indirect_dma semaphore(%arg13 : memref<!tpu.dma_semaphore, #tpu.memory_space<semaphore_mem>>) src(%dma_wait3A_1314 : memref<10000x128xf32, #tpu.memory_space<hbm>>) dst(%arg8 : memref<80x128xf32, #tpu.memory_space<vmem>>)
      %add3A_1315 = arith.constant 0 : i32
      %add3A_1316 = arith.addi %mul3A_1264, %add3A_1315 : i32
      %dma_start3A_1317 = arith.constant 0 : i32
      %dma_start3A_1318 = tpu.memref_slice %arg7[%add3A_1316, %dma_start3A_1317] : memref<64x80xi32, #tpu.memory_space<vmem>> -> memref<1x80xi32, #tpu.memory_space<vmem>>
      %dma_start3A_1319 = tpu.memref_squeeze %dma_start3A_1318 : memref<1x80xi32, #tpu.memory_space<vmem>> -> memref<80xi32, #tpu.memory_space<vmem>>
      %dma_start3A_1320 = arith.constant 0 : i32
      %dma_start3A_1321 = arith.constant 0 : i32
      %dma_start3A_1322 = tpu.memref_slice %arg12[%dma_start3A_1320, %dma_start3A_1321] : memref<10000x128xf32, #tpu.memory_space<vmem_shared>> -> memref<10000x128xf32, #tpu.memory_space<vmem_shared>>
      tpu.enqueue_indirect_dma source(%arg8 : memref<80x128xf32, #tpu.memory_space<vmem>>) target(%dma_start3A_1322 : memref<10000x128xf32, #tpu.memory_space<vmem_shared>>) offsets(%dma_start3A_1319 : memref<80xi32, #tpu.memory_space<vmem>>) semaphore(%arg16 : memref<!tpu.dma_semaphore, #tpu.memory_space<semaphore_mem>>) {add = true}
      %dma_wait3A_1323 = arith.constant 0 : i32
      %dma_wait3A_1324 = tpu.memref_slice %arg6[%dma_wait3A_1323] : memref<5120xi32, #tpu.memory_space<vmem>> -> memref<80xi32, #tpu.memory_space<vmem>>
      %dma_wait3A_1325 = arith.constant 0 : i32
      %dma_wait3A_1326 = arith.constant 0 : i32
      %dma_wait3A_1327 = tpu.memref_slice %arg2[%dma_wait3A_1325, %dma_wait3A_1326] : memref<10000x128xf32, #tpu.memory_space<hbm>> -> memref<10000x128xf32, #tpu.memory_space<hbm>>
      tpu.wait_indirect_dma semaphore(%arg14 : memref<!tpu.dma_semaphore, #tpu.memory_space<semaphore_mem>>) src(%dma_wait3A_1327 : memref<10000x128xf32, #tpu.memory_space<hbm>>) dst(%arg9 : memref<80x128xf32, #tpu.memory_space<vmem>>)
      %add3A_1328 = arith.constant 1 : i32
      %add3A_1329 = arith.addi %mul3A_1264, %add3A_1328 : i32
      %dma_start3A_1330 = arith.constant 0 : i32
      %dma_start3A_1331 = tpu.memref_slice %arg7[%add3A_1329, %dma_start3A_1330] : memref<64x80xi32, #tpu.memory_space<vmem>> -> memref<1x80xi32, #tpu.memory_space<vmem>>
      %dma_start3A_1332 = tpu.memref_squeeze %dma_start3A_1331 : memref<1x80xi32, #tpu.memory_space<vmem>> -> memref<80xi32, #tpu.memory_space<vmem>>
      %dma_start3A_1333 = arith.constant 0 : i32
      %dma_start3A_1334 = arith.constant 0 : i32
      %dma_start3A_1335 = tpu.memref_slice %arg12[%dma_start3A_1333, %dma_start3A_1334] : memref<10000x128xf32, #tpu.memory_space<vmem_shared>> -> memref<10000x128xf32, #tpu.memory_space<vmem_shared>>
      tpu.enqueue_indirect_dma source(%arg9 : memref<80x128xf32, #tpu.memory_space<vmem>>) target(%dma_start3A_1335 : memref<10000x128xf32, #tpu.memory_space<vmem_shared>>) offsets(%dma_start3A_1332 : memref<80xi32, #tpu.memory_space<vmem>>) semaphore(%arg17 : memref<!tpu.dma_semaphore, #tpu.memory_space<semaphore_mem>>) {add = true}
      %dma_wait3A_1336 = arith.constant 0 : i32
      %dma_wait3A_1337 = tpu.memref_slice %arg6[%dma_wait3A_1336] : memref<5120xi32, #tpu.memory_space<vmem>> -> memref<80xi32, #tpu.memory_space<vmem>>
      %dma_wait3A_1338 = arith.constant 0 : i32
      %dma_wait3A_1339 = arith.constant 0 : i32
      %dma_wait3A_1340 = tpu.memref_slice %arg2[%dma_wait3A_1338, %dma_wait3A_1339] : memref<10000x128xf32, #tpu.memory_space<hbm>> -> memref<10000x128xf32, #tpu.memory_space<hbm>>
      tpu.wait_indirect_dma semaphore(%arg15 : memref<!tpu.dma_semaphore, #tpu.memory_space<semaphore_mem>>) src(%dma_wait3A_1340 : memref<10000x128xf32, #tpu.memory_space<hbm>>) dst(%arg10 : memref<80x128xf32, #tpu.memory_space<vmem>>)
      %add3A_1341 = arith.constant 2 : i32
      %add3A_1342 = arith.addi %mul3A_1264, %add3A_1341 : i32
      %dma_start3A_1343 = arith.constant 0 : i32
      %dma_start3A_1344 = tpu.memref_slice %arg7[%add3A_1342, %dma_start3A_1343] : memref<64x80xi32, #tpu.memory_space<vmem>> -> memref<1x80xi32, #tpu.memory_space<vmem>>
      %dma_start3A_1345 = tpu.memref_squeeze %dma_start3A_1344 : memref<1x80xi32, #tpu.memory_space<vmem>> -> memref<80xi32, #tpu.memory_space<vmem>>
      %dma_start3A_1346 = arith.constant 0 : i32
      %dma_start3A_1347 = arith.constant 0 : i32
      %dma_start3A_1348 = tpu.memref_slice %arg12[%dma_start3A_1346, %dma_start3A_1347] : memref<10000x128xf32, #tpu.memory_space<vmem_shared>> -> memref<10000x128xf32, #tpu.memory_space<vmem_shared>>
      tpu.enqueue_indirect_dma source(%arg10 : memref<80x128xf32, #tpu.memory_space<vmem>>) target(%dma_start3A_1348 : memref<10000x128xf32, #tpu.memory_space<vmem_shared>>) offsets(%dma_start3A_1345 : memref<80xi32, #tpu.memory_space<vmem>>) semaphore(%arg18 : memref<!tpu.dma_semaphore, #tpu.memory_space<semaphore_mem>>) {add = true}
    }
    %scan3A_1101 = arith.constant 20 : i32
    %dma_wait3A_1102 = arith.constant 0 : i32
    %dma_wait3A_1103 = arith.constant 0 : i32
    %dma_wait3A_1104 = tpu.memref_slice %arg7[%dma_wait3A_1102, %dma_wait3A_1103] : memref<64x80xi32, #tpu.memory_space<vmem>> -> memref<1x80xi32, #tpu.memory_space<vmem>>
    %dma_wait3A_1105 = tpu.memref_squeeze %dma_wait3A_1104 : memref<1x80xi32, #tpu.memory_space<vmem>> -> memref<80xi32, #tpu.memory_space<vmem>>
    %dma_wait3A_1106 = arith.constant 0 : i32
    %dma_wait3A_1107 = arith.constant 0 : i32
    %dma_wait3A_1108 = tpu.memref_slice %arg12[%dma_wait3A_1106, %dma_wait3A_1107] : memref<10000x128xf32, #tpu.memory_space<vmem_shared>> -> memref<10000x128xf32, #tpu.memory_space<vmem_shared>>
    tpu.wait_indirect_dma semaphore(%arg16 : memref<!tpu.dma_semaphore, #tpu.memory_space<semaphore_mem>>) src(%arg8 : memref<80x128xf32, #tpu.memory_space<vmem>>) dst(%dma_wait3A_1108 : memref<10000x128xf32, #tpu.memory_space<vmem_shared>>)
    %dma_start3A_1109 = arith.constant 5040 : i32
    %dma_start3A_1110 = tpu.memref_slice %arg6[%dma_start3A_1109] : memref<5120xi32, #tpu.memory_space<vmem>> -> memref<80xi32, #tpu.memory_space<vmem>>
    %dma_start3A_1111 = arith.constant 0 : i32
    %dma_start3A_1112 = arith.constant 0 : i32
    %dma_start3A_1113 = tpu.memref_slice %arg2[%dma_start3A_1111, %dma_start3A_1112] : memref<10000x128xf32, #tpu.memory_space<hbm>> -> memref<10000x128xf32, #tpu.memory_space<hbm>>
    tpu.enqueue_indirect_dma source(%dma_start3A_1113 : memref<10000x128xf32, #tpu.memory_space<hbm>>) target(%arg8 : memref<80x128xf32, #tpu.memory_space<vmem>>) offsets(%dma_start3A_1110 : memref<80xi32, #tpu.memory_space<vmem>>) semaphore(%arg13 : memref<!tpu.dma_semaphore, #tpu.memory_space<semaphore_mem>>)
    %dma_wait3A_1114 = arith.constant 0 : i32
    %dma_wait3A_1115 = tpu.memref_slice %arg6[%dma_wait3A_1114] : memref<5120xi32, #tpu.memory_space<vmem>> -> memref<80xi32, #tpu.memory_space<vmem>>
    %dma_wait3A_1116 = arith.constant 0 : i32
    %dma_wait3A_1117 = arith.constant 0 : i32
    %dma_wait3A_1118 = tpu.memref_slice %arg2[%dma_wait3A_1116, %dma_wait3A_1117] : memref<10000x128xf32, #tpu.memory_space<hbm>> -> memref<10000x128xf32, #tpu.memory_space<hbm>>
    tpu.wait_indirect_dma semaphore(%arg13 : memref<!tpu.dma_semaphore, #tpu.memory_space<semaphore_mem>>) src(%dma_wait3A_1118 : memref<10000x128xf32, #tpu.memory_space<hbm>>) dst(%arg8 : memref<80x128xf32, #tpu.memory_space<vmem>>)
    %dma_start3A_1119 = arith.constant 63 : i32
    %dma_start3A_1120 = arith.constant 0 : i32
    %dma_start3A_1121 = tpu.memref_slice %arg7[%dma_start3A_1119, %dma_start3A_1120] : memref<64x80xi32, #tpu.memory_space<vmem>> -> memref<1x80xi32, #tpu.memory_space<vmem>>
    %dma_start3A_1122 = tpu.memref_squeeze %dma_start3A_1121 : memref<1x80xi32, #tpu.memory_space<vmem>> -> memref<80xi32, #tpu.memory_space<vmem>>
    %dma_start3A_1123 = arith.constant 0 : i32
    %dma_start3A_1124 = arith.constant 0 : i32
    %dma_start3A_1125 = tpu.memref_slice %arg12[%dma_start3A_1123, %dma_start3A_1124] : memref<10000x128xf32, #tpu.memory_space<vmem_shared>> -> memref<10000x128xf32, #tpu.memory_space<vmem_shared>>
    tpu.enqueue_indirect_dma source(%arg8 : memref<80x128xf32, #tpu.memory_space<vmem>>) target(%dma_start3A_1125 : memref<10000x128xf32, #tpu.memory_space<vmem_shared>>) offsets(%dma_start3A_1122 : memref<80xi32, #tpu.memory_space<vmem>>) semaphore(%arg16 : memref<!tpu.dma_semaphore, #tpu.memory_space<semaphore_mem>>) {add = true}
    %dma_wait3A_1126 = arith.constant 0 : i32
    %dma_wait3A_1127 = arith.constant 0 : i32
    %dma_wait3A_1128 = tpu.memref_slice %arg7[%dma_wait3A_1126, %dma_wait3A_1127] : memref<64x80xi32, #tpu.memory_space<vmem>> -> memref<1x80xi32, #tpu.memory_space<vmem>>
    %dma_wait3A_1129 = tpu.memref_squeeze %dma_wait3A_1128 : memref<1x80xi32, #tpu.memory_space<vmem>> -> memref<80xi32, #tpu.memory_space<vmem>>
    %dma_wait3A_1130 = arith.constant 0 : i32
    %dma_wait3A_1131 = arith.constant 0 : i32
    %dma_wait3A_1132 = tpu.memref_slice %arg12[%dma_wait3A_1130, %dma_wait3A_1131] : memref<10000x128xf32, #tpu.memory_space<vmem_shared>> -> memref<10000x128xf32, #tpu.memory_space<vmem_shared>>
    tpu.wait_indirect_dma semaphore(%arg16 : memref<!tpu.dma_semaphore, #tpu.memory_space<semaphore_mem>>) src(%arg8 : memref<80x128xf32, #tpu.memory_space<vmem>>) dst(%dma_wait3A_1132 : memref<10000x128xf32, #tpu.memory_space<vmem_shared>>)
    %dma_wait3A_1133 = arith.constant 0 : i32
    %dma_wait3A_1134 = arith.constant 0 : i32
    %dma_wait3A_1135 = tpu.memref_slice %arg7[%dma_wait3A_1133, %dma_wait3A_1134] : memref<64x80xi32, #tpu.memory_space<vmem>> -> memref<1x80xi32, #tpu.memory_space<vmem>>
    %dma_wait3A_1136 = tpu.memref_squeeze %dma_wait3A_1135 : memref<1x80xi32, #tpu.memory_space<vmem>> -> memref<80xi32, #tpu.memory_space<vmem>>
    %dma_wait3A_1137 = arith.constant 0 : i32
    %dma_wait3A_1138 = arith.constant 0 : i32
    %dma_wait3A_1139 = tpu.memref_slice %arg12[%dma_wait3A_1137, %dma_wait3A_1138] : memref<10000x128xf32, #tpu.memory_space<vmem_shared>> -> memref<10000x128xf32, #tpu.memory_space<vmem_shared>>
    tpu.wait_indirect_dma semaphore(%arg17 : memref<!tpu.dma_semaphore, #tpu.memory_space<semaphore_mem>>) src(%arg9 : memref<80x128xf32, #tpu.memory_space<vmem>>) dst(%dma_wait3A_1139 : memref<10000x128xf32, #tpu.memory_space<vmem_shared>>)
    %dma_wait3A_1140 = arith.constant 0 : i32
    %dma_wait3A_1141 = arith.constant 0 : i32
    %dma_wait3A_1142 = tpu.memref_slice %arg7[%dma_wait3A_1140, %dma_wait3A_1141] : memref<64x80xi32, #tpu.memory_space<vmem>> -> memref<1x80xi32, #tpu.memory_space<vmem>>
    %dma_wait3A_1143 = tpu.memref_squeeze %dma_wait3A_1142 : memref<1x80xi32, #tpu.memory_space<vmem>> -> memref<80xi32, #tpu.memory_space<vmem>>
    %dma_wait3A_1144 = arith.constant 0 : i32
    %dma_wait3A_1145 = arith.constant 0 : i32
    %dma_wait3A_1146 = tpu.memref_slice %arg12[%dma_wait3A_1144, %dma_wait3A_1145] : memref<10000x128xf32, #tpu.memory_space<vmem_shared>> -> memref<10000x128xf32, #tpu.memory_space<vmem_shared>>
    tpu.wait_indirect_dma semaphore(%arg18 : memref<!tpu.dma_semaphore, #tpu.memory_space<semaphore_mem>>) src(%arg10 : memref<80x128xf32, #tpu.memory_space<vmem>>) dst(%dma_wait3A_1146 : memref<10000x128xf32, #tpu.memory_space<vmem_shared>>)
    %mul3A_1147 = arith.constant 10000 : i32
    %mul3A_1148 = arith.muli %add3A, %mul3A_1147 : i32
    %add3A_1149 = arith.constant 5120 : i32
    %add3A_1150 = arith.addi %mul3A_1148, %add3A_1149 : i32
    "tpu.region"() ({
      %run_scoped3A = tpu.sem_alloc : memref<!tpu.dma_semaphore, #tpu.memory_space<semaphore_mem>>
      %dma_start3A_1262 = arith.constant 0 : i32
      %dma_start3A_1263 = tpu.memref_slice %arg6[%dma_start3A_1262] : memref<5120xi32, #tpu.memory_space<vmem>> -> memref<4880xi32, #tpu.memory_space<vmem>>
      %dma_start3A_1264 = tpu.memref_slice %arg3[%add3A_1150] : memref<320000xi32, #tpu.memory_space<hbm>> -> memref<4880xi32, #tpu.memory_space<hbm>>
      %dma_start3A_1265 = arith.constant 0 : i32
      %dma_start3A_1266 = tpu.memref_slice %arg6[%dma_start3A_1265] : memref<5120xi32, #tpu.memory_space<vmem>> -> memref<4880xi32, #tpu.memory_space<vmem>>
      %dma_start3A_1267 = tpu.memref_slice %arg3[%add3A_1150] : memref<320000xi32, #tpu.memory_space<hbm>> -> memref<4880xi32, #tpu.memory_space<hbm>>
      tpu.enqueue_dma source(%dma_start3A_1267 : memref<4880xi32, #tpu.memory_space<hbm>>) target(%dma_start3A_1266 : memref<4880xi32, #tpu.memory_space<vmem>>) target_semaphore(%run_scoped3A : memref<!tpu.dma_semaphore, #tpu.memory_space<semaphore_mem>>)
      %dma_wait3A_1268 = arith.constant 0 : i32
      %dma_wait3A_1269 = tpu.memref_slice %arg6[%dma_wait3A_1268] : memref<5120xi32, #tpu.memory_space<vmem>> -> memref<4880xi32, #tpu.memory_space<vmem>>
      %dma_wait3A_1270 = tpu.memref_slice %arg3[%add3A_1150] : memref<320000xi32, #tpu.memory_space<hbm>> -> memref<4880xi32, #tpu.memory_space<hbm>>
      %dma_wait3A_1271 = arith.constant 0 : i32
      %dma_wait3A_1272 = tpu.memref_slice %arg6[%dma_wait3A_1271] : memref<5120xi32, #tpu.memory_space<vmem>> -> memref<4880xi32, #tpu.memory_space<vmem>>
      %dma_wait3A_1273 = tpu.memref_slice %arg3[%add3A_1150] : memref<320000xi32, #tpu.memory_space<hbm>> -> memref<4880xi32, #tpu.memory_space<hbm>>
      tpu.wait_dma2 semaphore(%run_scoped3A : memref<!tpu.dma_semaphore, #tpu.memory_space<semaphore_mem>>) src(%dma_wait3A_1273 : memref<4880xi32, #tpu.memory_space<hbm>>) dst(%dma_wait3A_1272 : memref<4880xi32, #tpu.memory_space<vmem>>)
      tpu.yield
    }) : () -> ()
    "tpu.region"() ({
      %run_scoped3A = tpu.sem_alloc : memref<!tpu.dma_semaphore, #tpu.memory_space<semaphore_mem>>
      %dma_start3A_1262 = arith.constant 0 : i32
      %dma_start3A_1263 = arith.constant 0 : i32
      %dma_start3A_1264 = tpu.memref_slice %arg7[%dma_start3A_1262, %dma_start3A_1263] : memref<64x80xi32, #tpu.memory_space<vmem>> -> memref<61x80xi32, #tpu.memory_space<vmem>>
      %dma_start3A_1265 = arith.constant 64 : i32
      %dma_start3A_1266 = arith.constant 0 : i32
      %dma_start3A_1267 = tpu.memref_slice %arg4[%add3A, %dma_start3A_1265, %dma_start3A_1266] : memref<32x125x80xi32, #tpu.memory_space<hbm>> -> memref<1x61x80xi32, #tpu.memory_space<hbm>>
      %dma_start3A_1268 = tpu.memref_squeeze %dma_start3A_1267 : memref<1x61x80xi32, #tpu.memory_space<hbm>> -> memref<61x80xi32, #tpu.memory_space<hbm>>
      %dma_start3A_1269 = arith.constant 0 : i32
      %dma_start3A_1270 = arith.constant 0 : i32
      %dma_start3A_1271 = tpu.memref_slice %arg7[%dma_start3A_1269, %dma_start3A_1270] : memref<64x80xi32, #tpu.memory_space<vmem>> -> memref<61x80xi32, #tpu.memory_space<vmem>>
      %dma_start3A_1272 = arith.constant 64 : i32
      %dma_start3A_1273 = arith.constant 0 : i32
      %dma_start3A_1274 = tpu.memref_slice %arg4[%add3A, %dma_start3A_1272, %dma_start3A_1273] : memref<32x125x80xi32, #tpu.memory_space<hbm>> -> memref<1x61x80xi32, #tpu.memory_space<hbm>>
      %dma_start3A_1275 = tpu.memref_squeeze %dma_start3A_1274 : memref<1x61x80xi32, #tpu.memory_space<hbm>> -> memref<61x80xi32, #tpu.memory_space<hbm>>
      tpu.enqueue_dma source(%dma_start3A_1275 : memref<61x80xi32, #tpu.memory_space<hbm>>) target(%dma_start3A_1271 : memref<61x80xi32, #tpu.memory_space<vmem>>) target_semaphore(%run_scoped3A : memref<!tpu.dma_semaphore, #tpu.memory_space<semaphore_mem>>)
      %dma_wait3A_1276 = arith.constant 0 : i32
      %dma_wait3A_1277 = arith.constant 0 : i32
      %dma_wait3A_1278 = tpu.memref_slice %arg7[%dma_wait3A_1276, %dma_wait3A_1277] : memref<64x80xi32, #tpu.memory_space<vmem>> -> memref<61x80xi32, #tpu.memory_space<vmem>>
      %dma_wait3A_1279 = arith.constant 64 : i32
      %dma_wait3A_1280 = arith.constant 0 : i32
      %dma_wait3A_1281 = tpu.memref_slice %arg4[%add3A, %dma_wait3A_1279, %dma_wait3A_1280] : memref<32x125x80xi32, #tpu.memory_space<hbm>> -> memref<1x61x80xi32, #tpu.memory_space<hbm>>
      %dma_wait3A_1282 = tpu.memref_squeeze %dma_wait3A_1281 : memref<1x61x80xi32, #tpu.memory_space<hbm>> -> memref<61x80xi32, #tpu.memory_space<hbm>>
      %dma_wait3A_1283 = arith.constant 0 : i32
      %dma_wait3A_1284 = arith.constant 0 : i32
      %dma_wait3A_1285 = tpu.memref_slice %arg7[%dma_wait3A_1283, %dma_wait3A_1284] : memref<64x80xi32, #tpu.memory_space<vmem>> -> memref<61x80xi32, #tpu.memory_space<vmem>>
      %dma_wait3A_1286 = arith.constant 64 : i32
      %dma_wait3A_1287 = arith.constant 0 : i32
      %dma_wait3A_1288 = tpu.memref_slice %arg4[%add3A, %dma_wait3A_1286, %dma_wait3A_1287] : memref<32x125x80xi32, #tpu.memory_space<hbm>> -> memref<1x61x80xi32, #tpu.memory_space<hbm>>
      %dma_wait3A_1289 = tpu.memref_squeeze %dma_wait3A_1288 : memref<1x61x80xi32, #tpu.memory_space<hbm>> -> memref<61x80xi32, #tpu.memory_space<hbm>>
      tpu.wait_dma2 semaphore(%run_scoped3A : memref<!tpu.dma_semaphore, #tpu.memory_space<semaphore_mem>>) src(%dma_wait3A_1289 : memref<61x80xi32, #tpu.memory_space<hbm>>) dst(%dma_wait3A_1285 : memref<61x80xi32, #tpu.memory_space<vmem>>)
      tpu.yield
    }) : () -> ()
    %dma_start3A_1151 = arith.constant 0 : i32
    %dma_start3A_1152 = tpu.memref_slice %arg6[%dma_start3A_1151] : memref<5120xi32, #tpu.memory_space<vmem>> -> memref<80xi32, #tpu.memory_space<vmem>>
    %dma_start3A_1153 = arith.constant 0 : i32
    %dma_start3A_1154 = arith.constant 0 : i32
    %dma_start3A_1155 = tpu.memref_slice %arg2[%dma_start3A_1153, %dma_start3A_1154] : memref<10000x128xf32, #tpu.memory_space<hbm>> -> memref<10000x128xf32, #tpu.memory_space<hbm>>
    tpu.enqueue_indirect_dma source(%dma_start3A_1155 : memref<10000x128xf32, #tpu.memory_space<hbm>>) target(%arg8 : memref<80x128xf32, #tpu.memory_space<vmem>>) offsets(%dma_start3A_1152 : memref<80xi32, #tpu.memory_space<vmem>>) semaphore(%arg13 : memref<!tpu.dma_semaphore, #tpu.memory_space<semaphore_mem>>)
    %dma_start3A_1156 = arith.constant 80 : i32
    %dma_start3A_1157 = tpu.memref_slice %arg6[%dma_start3A_1156] : memref<5120xi32, #tpu.memory_space<vmem>> -> memref<80xi32, #tpu.memory_space<vmem>>
    %dma_start3A_1158 = arith.constant 0 : i32
    %dma_start3A_1159 = arith.constant 0 : i32
    %dma_start3A_1160 = tpu.memref_slice %arg2[%dma_start3A_1158, %dma_start3A_1159] : memref<10000x128xf32, #tpu.memory_space<hbm>> -> memref<10000x128xf32, #tpu.memory_space<hbm>>
    tpu.enqueue_indirect_dma source(%dma_start3A_1160 : memref<10000x128xf32, #tpu.memory_space<hbm>>) target(%arg9 : memref<80x128xf32, #tpu.memory_space<vmem>>) offsets(%dma_start3A_1157 : memref<80xi32, #tpu.memory_space<vmem>>) semaphore(%arg14 : memref<!tpu.dma_semaphore, #tpu.memory_space<semaphore_mem>>)
    %dma_start3A_1161 = arith.constant 160 : i32
    %dma_start3A_1162 = tpu.memref_slice %arg6[%dma_start3A_1161] : memref<5120xi32, #tpu.memory_space<vmem>> -> memref<80xi32, #tpu.memory_space<vmem>>
    %dma_start3A_1163 = arith.constant 0 : i32
    %dma_start3A_1164 = arith.constant 0 : i32
    %dma_start3A_1165 = tpu.memref_slice %arg2[%dma_start3A_1163, %dma_start3A_1164] : memref<10000x128xf32, #tpu.memory_space<hbm>> -> memref<10000x128xf32, #tpu.memory_space<hbm>>
    tpu.enqueue_indirect_dma source(%dma_start3A_1165 : memref<10000x128xf32, #tpu.memory_space<hbm>>) target(%arg10 : memref<80x128xf32, #tpu.memory_space<vmem>>) offsets(%dma_start3A_1162 : memref<80xi32, #tpu.memory_space<vmem>>) semaphore(%arg15 : memref<!tpu.dma_semaphore, #tpu.memory_space<semaphore_mem>>)
    %dma_wait3A_1166 = arith.constant 0 : i32
    %dma_wait3A_1167 = tpu.memref_slice %arg6[%dma_wait3A_1166] : memref<5120xi32, #tpu.memory_space<vmem>> -> memref<80xi32, #tpu.memory_space<vmem>>
    %dma_wait3A_1168 = arith.constant 0 : i32
    %dma_wait3A_1169 = arith.constant 0 : i32
    %dma_wait3A_1170 = tpu.memref_slice %arg2[%dma_wait3A_1168, %dma_wait3A_1169] : memref<10000x128xf32, #tpu.memory_space<hbm>> -> memref<10000x128xf32, #tpu.memory_space<hbm>>
    tpu.wait_indirect_dma semaphore(%arg13 : memref<!tpu.dma_semaphore, #tpu.memory_space<semaphore_mem>>) src(%dma_wait3A_1170 : memref<10000x128xf32, #tpu.memory_space<hbm>>) dst(%arg8 : memref<80x128xf32, #tpu.memory_space<vmem>>)
    %dma_start3A_1171 = arith.constant 0 : i32
    %dma_start3A_1172 = arith.constant 0 : i32
    %dma_start3A_1173 = tpu.memref_slice %arg7[%dma_start3A_1171, %dma_start3A_1172] : memref<64x80xi32, #tpu.memory_space<vmem>> -> memref<1x80xi32, #tpu.memory_space<vmem>>
    %dma_start3A_1174 = tpu.memref_squeeze %dma_start3A_1173 : memref<1x80xi32, #tpu.memory_space<vmem>> -> memref<80xi32, #tpu.memory_space<vmem>>
    %dma_start3A_1175 = arith.constant 0 : i32
    %dma_start3A_1176 = arith.constant 0 : i32
    %dma_start3A_1177 = tpu.memref_slice %arg12[%dma_start3A_1175, %dma_start3A_1176] : memref<10000x128xf32, #tpu.memory_space<vmem_shared>> -> memref<10000x128xf32, #tpu.memory_space<vmem_shared>>
    tpu.enqueue_indirect_dma source(%arg8 : memref<80x128xf32, #tpu.memory_space<vmem>>) target(%dma_start3A_1177 : memref<10000x128xf32, #tpu.memory_space<vmem_shared>>) offsets(%dma_start3A_1174 : memref<80xi32, #tpu.memory_space<vmem>>) semaphore(%arg16 : memref<!tpu.dma_semaphore, #tpu.memory_space<semaphore_mem>>) {add = true}
    %dma_wait3A_1178 = arith.constant 0 : i32
    %dma_wait3A_1179 = tpu.memref_slice %arg6[%dma_wait3A_1178] : memref<5120xi32, #tpu.memory_space<vmem>> -> memref<80xi32, #tpu.memory_space<vmem>>
    %dma_wait3A_1180 = arith.constant 0 : i32
    %dma_wait3A_1181 = arith.constant 0 : i32
    %dma_wait3A_1182 = tpu.memref_slice %arg2[%dma_wait3A_1180, %dma_wait3A_1181] : memref<10000x128xf32, #tpu.memory_space<hbm>> -> memref<10000x128xf32, #tpu.memory_space<hbm>>
    tpu.wait_indirect_dma semaphore(%arg14 : memref<!tpu.dma_semaphore, #tpu.memory_space<semaphore_mem>>) src(%dma_wait3A_1182 : memref<10000x128xf32, #tpu.memory_space<hbm>>) dst(%arg9 : memref<80x128xf32, #tpu.memory_space<vmem>>)
    %dma_start3A_1183 = arith.constant 1 : i32
    %dma_start3A_1184 = arith.constant 0 : i32
    %dma_start3A_1185 = tpu.memref_slice %arg7[%dma_start3A_1183, %dma_start3A_1184] : memref<64x80xi32, #tpu.memory_space<vmem>> -> memref<1x80xi32, #tpu.memory_space<vmem>>
    %dma_start3A_1186 = tpu.memref_squeeze %dma_start3A_1185 : memref<1x80xi32, #tpu.memory_space<vmem>> -> memref<80xi32, #tpu.memory_space<vmem>>
    %dma_start3A_1187 = arith.constant 0 : i32
    %dma_start3A_1188 = arith.constant 0 : i32
    %dma_start3A_1189 = tpu.memref_slice %arg12[%dma_start3A_1187, %dma_start3A_1188] : memref<10000x128xf32, #tpu.memory_space<vmem_shared>> -> memref<10000x128xf32, #tpu.memory_space<vmem_shared>>
    tpu.enqueue_indirect_dma source(%arg9 : memref<80x128xf32, #tpu.memory_space<vmem>>) target(%dma_start3A_1189 : memref<10000x128xf32, #tpu.memory_space<vmem_shared>>) offsets(%dma_start3A_1186 : memref<80xi32, #tpu.memory_space<vmem>>) semaphore(%arg17 : memref<!tpu.dma_semaphore, #tpu.memory_space<semaphore_mem>>) {add = true}
    %dma_wait3A_1190 = arith.constant 0 : i32
    %dma_wait3A_1191 = tpu.memref_slice %arg6[%dma_wait3A_1190] : memref<5120xi32, #tpu.memory_space<vmem>> -> memref<80xi32, #tpu.memory_space<vmem>>
    %dma_wait3A_1192 = arith.constant 0 : i32
    %dma_wait3A_1193 = arith.constant 0 : i32
    %dma_wait3A_1194 = tpu.memref_slice %arg2[%dma_wait3A_1192, %dma_wait3A_1193] : memref<10000x128xf32, #tpu.memory_space<hbm>> -> memref<10000x128xf32, #tpu.memory_space<hbm>>
    tpu.wait_indirect_dma semaphore(%arg15 : memref<!tpu.dma_semaphore, #tpu.memory_space<semaphore_mem>>) src(%dma_wait3A_1194 : memref<10000x128xf32, #tpu.memory_space<hbm>>) dst(%arg10 : memref<80x128xf32, #tpu.memory_space<vmem>>)
    %dma_start3A_1195 = arith.constant 2 : i32
    %dma_start3A_1196 = arith.constant 0 : i32
    %dma_start3A_1197 = tpu.memref_slice %arg7[%dma_start3A_1195, %dma_start3A_1196] : memref<64x80xi32, #tpu.memory_space<vmem>> -> memref<1x80xi32, #tpu.memory_space<vmem>>
    %dma_start3A_1198 = tpu.memref_squeeze %dma_start3A_1197 : memref<1x80xi32, #tpu.memory_space<vmem>> -> memref<80xi32, #tpu.memory_space<vmem>>
    %dma_start3A_1199 = arith.constant 0 : i32
    %dma_start3A_1200 = arith.constant 0 : i32
    %dma_start3A_1201 = tpu.memref_slice %arg12[%dma_start3A_1199, %dma_start3A_1200] : memref<10000x128xf32, #tpu.memory_space<vmem_shared>> -> memref<10000x128xf32, #tpu.memory_space<vmem_shared>>
    tpu.enqueue_indirect_dma source(%arg10 : memref<80x128xf32, #tpu.memory_space<vmem>>) target(%dma_start3A_1201 : memref<10000x128xf32, #tpu.memory_space<vmem_shared>>) offsets(%dma_start3A_1198 : memref<80xi32, #tpu.memory_space<vmem>>) semaphore(%arg18 : memref<!tpu.dma_semaphore, #tpu.memory_space<semaphore_mem>>) {add = true}
    %scan3A_1202 = arith.constant 0 : i32
    %scan3A_1203 = arith.constant 1 : i32
    %scan3A_1204 = arith.constant 19 : i32
    %scan3A_1205 = arith.addi %scan3A_1203, %scan3A_1204 : i32
    %scan3A_1206 = arith.constant 1 : i32
    scf.for %scan3A_1262 = %scan3A_1203 to %scan3A_1205 step %scan3A_1206  : i32 {
      %mul3A_1263 = arith.constant 3 : i32
      %mul3A_1264 = arith.muli %mul3A_1263, %scan3A_1262 : i32
      %dma_wait3A_1265 = arith.constant 0 : i32
      %dma_wait3A_1266 = arith.constant 0 : i32
      %dma_wait3A_1267 = tpu.memref_slice %arg7[%dma_wait3A_1265, %dma_wait3A_1266] : memref<64x80xi32, #tpu.memory_space<vmem>> -> memref<1x80xi32, #tpu.memory_space<vmem>>
      %dma_wait3A_1268 = tpu.memref_squeeze %dma_wait3A_1267 : memref<1x80xi32, #tpu.memory_space<vmem>> -> memref<80xi32, #tpu.memory_space<vmem>>
      %dma_wait3A_1269 = arith.constant 0 : i32
      %dma_wait3A_1270 = arith.constant 0 : i32
      %dma_wait3A_1271 = tpu.memref_slice %arg12[%dma_wait3A_1269, %dma_wait3A_1270] : memref<10000x128xf32, #tpu.memory_space<vmem_shared>> -> memref<10000x128xf32, #tpu.memory_space<vmem_shared>>
      tpu.wait_indirect_dma semaphore(%arg16 : memref<!tpu.dma_semaphore, #tpu.memory_space<semaphore_mem>>) src(%arg8 : memref<80x128xf32, #tpu.memory_space<vmem>>) dst(%dma_wait3A_1271 : memref<10000x128xf32, #tpu.memory_space<vmem_shared>>)
      %add3A_1272 = arith.constant 0 : i32
      %add3A_1273 = arith.addi %mul3A_1264, %add3A_1272 : i32
      %mul3A_1274 = arith.constant 80 : i32
      %mul3A_1275 = arith.muli %add3A_1273, %mul3A_1274 : i32
      %dma_start3A_1276 = tpu.memref_slice %arg6[%mul3A_1275] : memref<5120xi32, #tpu.memory_space<vmem>> -> memref<80xi32, #tpu.memory_space<vmem>>
      %dma_start3A_1277 = arith.constant 0 : i32
      %dma_start3A_1278 = arith.constant 0 : i32
      %dma_start3A_1279 = tpu.memref_slice %arg2[%dma_start3A_1277, %dma_start3A_1278] : memref<10000x128xf32, #tpu.memory_space<hbm>> -> memref<10000x128xf32, #tpu.memory_space<hbm>>
      tpu.enqueue_indirect_dma source(%dma_start3A_1279 : memref<10000x128xf32, #tpu.memory_space<hbm>>) target(%arg8 : memref<80x128xf32, #tpu.memory_space<vmem>>) offsets(%dma_start3A_1276 : memref<80xi32, #tpu.memory_space<vmem>>) semaphore(%arg13 : memref<!tpu.dma_semaphore, #tpu.memory_space<semaphore_mem>>)
      %dma_wait3A_1280 = arith.constant 0 : i32
      %dma_wait3A_1281 = arith.constant 0 : i32
      %dma_wait3A_1282 = tpu.memref_slice %arg7[%dma_wait3A_1280, %dma_wait3A_1281] : memref<64x80xi32, #tpu.memory_space<vmem>> -> memref<1x80xi32, #tpu.memory_space<vmem>>
      %dma_wait3A_1283 = tpu.memref_squeeze %dma_wait3A_1282 : memref<1x80xi32, #tpu.memory_space<vmem>> -> memref<80xi32, #tpu.memory_space<vmem>>
      %dma_wait3A_1284 = arith.constant 0 : i32
      %dma_wait3A_1285 = arith.constant 0 : i32
      %dma_wait3A_1286 = tpu.memref_slice %arg12[%dma_wait3A_1284, %dma_wait3A_1285] : memref<10000x128xf32, #tpu.memory_space<vmem_shared>> -> memref<10000x128xf32, #tpu.memory_space<vmem_shared>>
      tpu.wait_indirect_dma semaphore(%arg17 : memref<!tpu.dma_semaphore, #tpu.memory_space<semaphore_mem>>) src(%arg9 : memref<80x128xf32, #tpu.memory_space<vmem>>) dst(%dma_wait3A_1286 : memref<10000x128xf32, #tpu.memory_space<vmem_shared>>)
      %add3A_1287 = arith.constant 1 : i32
      %add3A_1288 = arith.addi %mul3A_1264, %add3A_1287 : i32
      %mul3A_1289 = arith.constant 80 : i32
      %mul3A_1290 = arith.muli %add3A_1288, %mul3A_1289 : i32
      %dma_start3A_1291 = tpu.memref_slice %arg6[%mul3A_1290] : memref<5120xi32, #tpu.memory_space<vmem>> -> memref<80xi32, #tpu.memory_space<vmem>>
      %dma_start3A_1292 = arith.constant 0 : i32
      %dma_start3A_1293 = arith.constant 0 : i32
      %dma_start3A_1294 = tpu.memref_slice %arg2[%dma_start3A_1292, %dma_start3A_1293] : memref<10000x128xf32, #tpu.memory_space<hbm>> -> memref<10000x128xf32, #tpu.memory_space<hbm>>
      tpu.enqueue_indirect_dma source(%dma_start3A_1294 : memref<10000x128xf32, #tpu.memory_space<hbm>>) target(%arg9 : memref<80x128xf32, #tpu.memory_space<vmem>>) offsets(%dma_start3A_1291 : memref<80xi32, #tpu.memory_space<vmem>>) semaphore(%arg14 : memref<!tpu.dma_semaphore, #tpu.memory_space<semaphore_mem>>)
      %dma_wait3A_1295 = arith.constant 0 : i32
      %dma_wait3A_1296 = arith.constant 0 : i32
      %dma_wait3A_1297 = tpu.memref_slice %arg7[%dma_wait3A_1295, %dma_wait3A_1296] : memref<64x80xi32, #tpu.memory_space<vmem>> -> memref<1x80xi32, #tpu.memory_space<vmem>>
      %dma_wait3A_1298 = tpu.memref_squeeze %dma_wait3A_1297 : memref<1x80xi32, #tpu.memory_space<vmem>> -> memref<80xi32, #tpu.memory_space<vmem>>
      %dma_wait3A_1299 = arith.constant 0 : i32
      %dma_wait3A_1300 = arith.constant 0 : i32
      %dma_wait3A_1301 = tpu.memref_slice %arg12[%dma_wait3A_1299, %dma_wait3A_1300] : memref<10000x128xf32, #tpu.memory_space<vmem_shared>> -> memref<10000x128xf32, #tpu.memory_space<vmem_shared>>
      tpu.wait_indirect_dma semaphore(%arg18 : memref<!tpu.dma_semaphore, #tpu.memory_space<semaphore_mem>>) src(%arg10 : memref<80x128xf32, #tpu.memory_space<vmem>>) dst(%dma_wait3A_1301 : memref<10000x128xf32, #tpu.memory_space<vmem_shared>>)
      %add3A_1302 = arith.constant 2 : i32
      %add3A_1303 = arith.addi %mul3A_1264, %add3A_1302 : i32
      %mul3A_1304 = arith.constant 80 : i32
      %mul3A_1305 = arith.muli %add3A_1303, %mul3A_1304 : i32
      %dma_start3A_1306 = tpu.memref_slice %arg6[%mul3A_1305] : memref<5120xi32, #tpu.memory_space<vmem>> -> memref<80xi32, #tpu.memory_space<vmem>>
      %dma_start3A_1307 = arith.constant 0 : i32
      %dma_start3A_1308 = arith.constant 0 : i32
      %dma_start3A_1309 = tpu.memref_slice %arg2[%dma_start3A_1307, %dma_start3A_1308] : memref<10000x128xf32, #tpu.memory_space<hbm>> -> memref<10000x128xf32, #tpu.memory_space<hbm>>
      tpu.enqueue_indirect_dma source(%dma_start3A_1309 : memref<10000x128xf32, #tpu.memory_space<hbm>>) target(%arg10 : memref<80x128xf32, #tpu.memory_space<vmem>>) offsets(%dma_start3A_1306 : memref<80xi32, #tpu.memory_space<vmem>>) semaphore(%arg15 : memref<!tpu.dma_semaphore, #tpu.memory_space<semaphore_mem>>)
      %dma_wait3A_1310 = arith.constant 0 : i32
      %dma_wait3A_1311 = tpu.memref_slice %arg6[%dma_wait3A_1310] : memref<5120xi32, #tpu.memory_space<vmem>> -> memref<80xi32, #tpu.memory_space<vmem>>
      %dma_wait3A_1312 = arith.constant 0 : i32
      %dma_wait3A_1313 = arith.constant 0 : i32
      %dma_wait3A_1314 = tpu.memref_slice %arg2[%dma_wait3A_1312, %dma_wait3A_1313] : memref<10000x128xf32, #tpu.memory_space<hbm>> -> memref<10000x128xf32, #tpu.memory_space<hbm>>
      tpu.wait_indirect_dma semaphore(%arg13 : memref<!tpu.dma_semaphore, #tpu.memory_space<semaphore_mem>>) src(%dma_wait3A_1314 : memref<10000x128xf32, #tpu.memory_space<hbm>>) dst(%arg8 : memref<80x128xf32, #tpu.memory_space<vmem>>)
      %add3A_1315 = arith.constant 0 : i32
      %add3A_1316 = arith.addi %mul3A_1264, %add3A_1315 : i32
      %dma_start3A_1317 = arith.constant 0 : i32
      %dma_start3A_1318 = tpu.memref_slice %arg7[%add3A_1316, %dma_start3A_1317] : memref<64x80xi32, #tpu.memory_space<vmem>> -> memref<1x80xi32, #tpu.memory_space<vmem>>
      %dma_start3A_1319 = tpu.memref_squeeze %dma_start3A_1318 : memref<1x80xi32, #tpu.memory_space<vmem>> -> memref<80xi32, #tpu.memory_space<vmem>>
      %dma_start3A_1320 = arith.constant 0 : i32
      %dma_start3A_1321 = arith.constant 0 : i32
      %dma_start3A_1322 = tpu.memref_slice %arg12[%dma_start3A_1320, %dma_start3A_1321] : memref<10000x128xf32, #tpu.memory_space<vmem_shared>> -> memref<10000x128xf32, #tpu.memory_space<vmem_shared>>
      tpu.enqueue_indirect_dma source(%arg8 : memref<80x128xf32, #tpu.memory_space<vmem>>) target(%dma_start3A_1322 : memref<10000x128xf32, #tpu.memory_space<vmem_shared>>) offsets(%dma_start3A_1319 : memref<80xi32, #tpu.memory_space<vmem>>) semaphore(%arg16 : memref<!tpu.dma_semaphore, #tpu.memory_space<semaphore_mem>>) {add = true}
      %dma_wait3A_1323 = arith.constant 0 : i32
      %dma_wait3A_1324 = tpu.memref_slice %arg6[%dma_wait3A_1323] : memref<5120xi32, #tpu.memory_space<vmem>> -> memref<80xi32, #tpu.memory_space<vmem>>
      %dma_wait3A_1325 = arith.constant 0 : i32
      %dma_wait3A_1326 = arith.constant 0 : i32
      %dma_wait3A_1327 = tpu.memref_slice %arg2[%dma_wait3A_1325, %dma_wait3A_1326] : memref<10000x128xf32, #tpu.memory_space<hbm>> -> memref<10000x128xf32, #tpu.memory_space<hbm>>
      tpu.wait_indirect_dma semaphore(%arg14 : memref<!tpu.dma_semaphore, #tpu.memory_space<semaphore_mem>>) src(%dma_wait3A_1327 : memref<10000x128xf32, #tpu.memory_space<hbm>>) dst(%arg9 : memref<80x128xf32, #tpu.memory_space<vmem>>)
      %add3A_1328 = arith.constant 1 : i32
      %add3A_1329 = arith.addi %mul3A_1264, %add3A_1328 : i32
      %dma_start3A_1330 = arith.constant 0 : i32
      %dma_start3A_1331 = tpu.memref_slice %arg7[%add3A_1329, %dma_start3A_1330] : memref<64x80xi32, #tpu.memory_space<vmem>> -> memref<1x80xi32, #tpu.memory_space<vmem>>
      %dma_start3A_1332 = tpu.memref_squeeze %dma_start3A_1331 : memref<1x80xi32, #tpu.memory_space<vmem>> -> memref<80xi32, #tpu.memory_space<vmem>>
      %dma_start3A_1333 = arith.constant 0 : i32
      %dma_start3A_1334 = arith.constant 0 : i32
      %dma_start3A_1335 = tpu.memref_slice %arg12[%dma_start3A_1333, %dma_start3A_1334] : memref<10000x128xf32, #tpu.memory_space<vmem_shared>> -> memref<10000x128xf32, #tpu.memory_space<vmem_shared>>
      tpu.enqueue_indirect_dma source(%arg9 : memref<80x128xf32, #tpu.memory_space<vmem>>) target(%dma_start3A_1335 : memref<10000x128xf32, #tpu.memory_space<vmem_shared>>) offsets(%dma_start3A_1332 : memref<80xi32, #tpu.memory_space<vmem>>) semaphore(%arg17 : memref<!tpu.dma_semaphore, #tpu.memory_space<semaphore_mem>>) {add = true}
      %dma_wait3A_1336 = arith.constant 0 : i32
      %dma_wait3A_1337 = tpu.memref_slice %arg6[%dma_wait3A_1336] : memref<5120xi32, #tpu.memory_space<vmem>> -> memref<80xi32, #tpu.memory_space<vmem>>
      %dma_wait3A_1338 = arith.constant 0 : i32
      %dma_wait3A_1339 = arith.constant 0 : i32
      %dma_wait3A_1340 = tpu.memref_slice %arg2[%dma_wait3A_1338, %dma_wait3A_1339] : memref<10000x128xf32, #tpu.memory_space<hbm>> -> memref<10000x128xf32, #tpu.memory_space<hbm>>
      tpu.wait_indirect_dma semaphore(%arg15 : memref<!tpu.dma_semaphore, #tpu.memory_space<semaphore_mem>>) src(%dma_wait3A_1340 : memref<10000x128xf32, #tpu.memory_space<hbm>>) dst(%arg10 : memref<80x128xf32, #tpu.memory_space<vmem>>)
      %add3A_1341 = arith.constant 2 : i32
      %add3A_1342 = arith.addi %mul3A_1264, %add3A_1341 : i32
      %dma_start3A_1343 = arith.constant 0 : i32
      %dma_start3A_1344 = tpu.memref_slice %arg7[%add3A_1342, %dma_start3A_1343] : memref<64x80xi32, #tpu.memory_space<vmem>> -> memref<1x80xi32, #tpu.memory_space<vmem>>
      %dma_start3A_1345 = tpu.memref_squeeze %dma_start3A_1344 : memref<1x80xi32, #tpu.memory_space<vmem>> -> memref<80xi32, #tpu.memory_space<vmem>>
      %dma_start3A_1346 = arith.constant 0 : i32
      %dma_start3A_1347 = arith.constant 0 : i32
      %dma_start3A_1348 = tpu.memref_slice %arg12[%dma_start3A_1346, %dma_start3A_1347] : memref<10000x128xf32, #tpu.memory_space<vmem_shared>> -> memref<10000x128xf32, #tpu.memory_space<vmem_shared>>
      tpu.enqueue_indirect_dma source(%arg10 : memref<80x128xf32, #tpu.memory_space<vmem>>) target(%dma_start3A_1348 : memref<10000x128xf32, #tpu.memory_space<vmem_shared>>) offsets(%dma_start3A_1345 : memref<80xi32, #tpu.memory_space<vmem>>) semaphore(%arg18 : memref<!tpu.dma_semaphore, #tpu.memory_space<semaphore_mem>>) {add = true}
    }
    %scan3A_1207 = arith.constant 19 : i32
    %dma_wait3A_1208 = arith.constant 0 : i32
    %dma_wait3A_1209 = arith.constant 0 : i32
    %dma_wait3A_1210 = tpu.memref_slice %arg7[%dma_wait3A_1208, %dma_wait3A_1209] : memref<64x80xi32, #tpu.memory_space<vmem>> -> memref<1x80xi32, #tpu.memory_space<vmem>>
    %dma_wait3A_1211 = tpu.memref_squeeze %dma_wait3A_1210 : memref<1x80xi32, #tpu.memory_space<vmem>> -> memref<80xi32, #tpu.memory_space<vmem>>
    %dma_wait3A_1212 = arith.constant 0 : i32
    %dma_wait3A_1213 = arith.constant 0 : i32
    %dma_wait3A_1214 = tpu.memref_slice %arg12[%dma_wait3A_1212, %dma_wait3A_1213] : memref<10000x128xf32, #tpu.memory_space<vmem_shared>> -> memref<10000x128xf32, #tpu.memory_space<vmem_shared>>
    tpu.wait_indirect_dma semaphore(%arg16 : memref<!tpu.dma_semaphore, #tpu.memory_space<semaphore_mem>>) src(%arg8 : memref<80x128xf32, #tpu.memory_space<vmem>>) dst(%dma_wait3A_1214 : memref<10000x128xf32, #tpu.memory_space<vmem_shared>>)
    %dma_start3A_1215 = arith.constant 4800 : i32
    %dma_start3A_1216 = tpu.memref_slice %arg6[%dma_start3A_1215] : memref<5120xi32, #tpu.memory_space<vmem>> -> memref<80xi32, #tpu.memory_space<vmem>>
    %dma_start3A_1217 = arith.constant 0 : i32
    %dma_start3A_1218 = arith.constant 0 : i32
    %dma_start3A_1219 = tpu.memref_slice %arg2[%dma_start3A_1217, %dma_start3A_1218] : memref<10000x128xf32, #tpu.memory_space<hbm>> -> memref<10000x128xf32, #tpu.memory_space<hbm>>
    tpu.enqueue_indirect_dma source(%dma_start3A_1219 : memref<10000x128xf32, #tpu.memory_space<hbm>>) target(%arg8 : memref<80x128xf32, #tpu.memory_space<vmem>>) offsets(%dma_start3A_1216 : memref<80xi32, #tpu.memory_space<vmem>>) semaphore(%arg13 : memref<!tpu.dma_semaphore, #tpu.memory_space<semaphore_mem>>)
    %dma_wait3A_1220 = arith.constant 0 : i32
    %dma_wait3A_1221 = tpu.memref_slice %arg6[%dma_wait3A_1220] : memref<5120xi32, #tpu.memory_space<vmem>> -> memref<80xi32, #tpu.memory_space<vmem>>
    %dma_wait3A_1222 = arith.constant 0 : i32
    %dma_wait3A_1223 = arith.constant 0 : i32
    %dma_wait3A_1224 = tpu.memref_slice %arg2[%dma_wait3A_1222, %dma_wait3A_1223] : memref<10000x128xf32, #tpu.memory_space<hbm>> -> memref<10000x128xf32, #tpu.memory_space<hbm>>
    tpu.wait_indirect_dma semaphore(%arg13 : memref<!tpu.dma_semaphore, #tpu.memory_space<semaphore_mem>>) src(%dma_wait3A_1224 : memref<10000x128xf32, #tpu.memory_space<hbm>>) dst(%arg8 : memref<80x128xf32, #tpu.memory_space<vmem>>)
    %dma_start3A_1225 = arith.constant 60 : i32
    %dma_start3A_1226 = arith.constant 0 : i32
    %dma_start3A_1227 = tpu.memref_slice %arg7[%dma_start3A_1225, %dma_start3A_1226] : memref<64x80xi32, #tpu.memory_space<vmem>> -> memref<1x80xi32, #tpu.memory_space<vmem>>
    %dma_start3A_1228 = tpu.memref_squeeze %dma_start3A_1227 : memref<1x80xi32, #tpu.memory_space<vmem>> -> memref<80xi32, #tpu.memory_space<vmem>>
    %dma_start3A_1229 = arith.constant 0 : i32
    %dma_start3A_1230 = arith.constant 0 : i32
    %dma_start3A_1231 = tpu.memref_slice %arg12[%dma_start3A_1229, %dma_start3A_1230] : memref<10000x128xf32, #tpu.memory_space<vmem_shared>> -> memref<10000x128xf32, #tpu.memory_space<vmem_shared>>
    tpu.enqueue_indirect_dma source(%arg8 : memref<80x128xf32, #tpu.memory_space<vmem>>) target(%dma_start3A_1231 : memref<10000x128xf32, #tpu.memory_space<vmem_shared>>) offsets(%dma_start3A_1228 : memref<80xi32, #tpu.memory_space<vmem>>) semaphore(%arg16 : memref<!tpu.dma_semaphore, #tpu.memory_space<semaphore_mem>>) {add = true}
    %dma_wait3A_1232 = arith.constant 0 : i32
    %dma_wait3A_1233 = arith.constant 0 : i32
    %dma_wait3A_1234 = tpu.memref_slice %arg7[%dma_wait3A_1232, %dma_wait3A_1233] : memref<64x80xi32, #tpu.memory_space<vmem>> -> memref<1x80xi32, #tpu.memory_space<vmem>>
    %dma_wait3A_1235 = tpu.memref_squeeze %dma_wait3A_1234 : memref<1x80xi32, #tpu.memory_space<vmem>> -> memref<80xi32, #tpu.memory_space<vmem>>
    %dma_wait3A_1236 = arith.constant 0 : i32
    %dma_wait3A_1237 = arith.constant 0 : i32
    %dma_wait3A_1238 = tpu.memref_slice %arg12[%dma_wait3A_1236, %dma_wait3A_1237] : memref<10000x128xf32, #tpu.memory_space<vmem_shared>> -> memref<10000x128xf32, #tpu.memory_space<vmem_shared>>
    tpu.wait_indirect_dma semaphore(%arg16 : memref<!tpu.dma_semaphore, #tpu.memory_space<semaphore_mem>>) src(%arg8 : memref<80x128xf32, #tpu.memory_space<vmem>>) dst(%dma_wait3A_1238 : memref<10000x128xf32, #tpu.memory_space<vmem_shared>>)
    %dma_wait3A_1239 = arith.constant 0 : i32
    %dma_wait3A_1240 = arith.constant 0 : i32
    %dma_wait3A_1241 = tpu.memref_slice %arg7[%dma_wait3A_1239, %dma_wait3A_1240] : memref<64x80xi32, #tpu.memory_space<vmem>> -> memref<1x80xi32, #tpu.memory_space<vmem>>
    %dma_wait3A_1242 = tpu.memref_squeeze %dma_wait3A_1241 : memref<1x80xi32, #tpu.memory_space<vmem>> -> memref<80xi32, #tpu.memory_space<vmem>>
    %dma_wait3A_1243 = arith.constant 0 : i32
    %dma_wait3A_1244 = arith.constant 0 : i32
    %dma_wait3A_1245 = tpu.memref_slice %arg12[%dma_wait3A_1243, %dma_wait3A_1244] : memref<10000x128xf32, #tpu.memory_space<vmem_shared>> -> memref<10000x128xf32, #tpu.memory_space<vmem_shared>>
    tpu.wait_indirect_dma semaphore(%arg17 : memref<!tpu.dma_semaphore, #tpu.memory_space<semaphore_mem>>) src(%arg9 : memref<80x128xf32, #tpu.memory_space<vmem>>) dst(%dma_wait3A_1245 : memref<10000x128xf32, #tpu.memory_space<vmem_shared>>)
    %dma_wait3A_1246 = arith.constant 0 : i32
    %dma_wait3A_1247 = arith.constant 0 : i32
    %dma_wait3A_1248 = tpu.memref_slice %arg7[%dma_wait3A_1246, %dma_wait3A_1247] : memref<64x80xi32, #tpu.memory_space<vmem>> -> memref<1x80xi32, #tpu.memory_space<vmem>>
    %dma_wait3A_1249 = tpu.memref_squeeze %dma_wait3A_1248 : memref<1x80xi32, #tpu.memory_space<vmem>> -> memref<80xi32, #tpu.memory_space<vmem>>
    %dma_wait3A_1250 = arith.constant 0 : i32
    %dma_wait3A_1251 = arith.constant 0 : i32
    %dma_wait3A_1252 = tpu.memref_slice %arg12[%dma_wait3A_1250, %dma_wait3A_1251] : memref<10000x128xf32, #tpu.memory_space<vmem_shared>> -> memref<10000x128xf32, #tpu.memory_space<vmem_shared>>
    tpu.wait_indirect_dma semaphore(%arg18 : memref<!tpu.dma_semaphore, #tpu.memory_space<semaphore_mem>>) src(%arg10 : memref<80x128xf32, #tpu.memory_space<vmem>>) dst(%dma_wait3A_1252 : memref<10000x128xf32, #tpu.memory_space<vmem_shared>>)
    %barrier3A_1253 = arith.constant 0 : index
    tpu.barrier barrier_id(%barrier3A_1253)
    %mul3A_1254 = arith.constant 10000 : i32
    %mul3A_1255 = arith.muli %arg0, %mul3A_1254 : i32
    %add3A_1256 = arith.addi %mul3A_1255, %mul3A_0 : i32
    "tpu.region"() ({
      %run_scoped3A = tpu.sem_alloc : memref<!tpu.dma_semaphore, #tpu.memory_space<semaphore_mem>>
      %dma_start3A_1262 = arith.constant 0 : i32
      %dma_start3A_1263 = tpu.memref_slice %arg5[%add3A_1256, %dma_start3A_1262] : memref<20000x128xf32, #tpu.memory_space<hbm>> -> memref<624x128xf32, #tpu.memory_space<hbm>>
      %dma_start3A_1264 = arith.constant 0 : i32
      %dma_start3A_1265 = tpu.memref_slice %arg12[%mul3A_0, %dma_start3A_1264] : memref<10000x128xf32, #tpu.memory_space<vmem_shared>> -> memref<624x128xf32, #tpu.memory_space<vmem_shared>>
      tpu.enqueue_dma source(%dma_start3A_1265 : memref<624x128xf32, #tpu.memory_space<vmem_shared>>) target(%dma_start3A_1263 : memref<624x128xf32, #tpu.memory_space<hbm>>) target_semaphore(%run_scoped3A : memref<!tpu.dma_semaphore, #tpu.memory_space<semaphore_mem>>)
      %dma_wait3A_1266 = arith.constant 0 : i32
      %dma_wait3A_1267 = tpu.memref_slice %arg5[%add3A_1256, %dma_wait3A_1266] : memref<20000x128xf32, #tpu.memory_space<hbm>> -> memref<624x128xf32, #tpu.memory_space<hbm>>
      %dma_wait3A_1268 = arith.constant 0 : i32
      %dma_wait3A_1269 = tpu.memref_slice %arg12[%mul3A_0, %dma_wait3A_1268] : memref<10000x128xf32, #tpu.memory_space<vmem_shared>> -> memref<624x128xf32, #tpu.memory_space<vmem_shared>>
      tpu.wait_dma2 semaphore(%run_scoped3A : memref<!tpu.dma_semaphore, #tpu.memory_space<semaphore_mem>>) src(%dma_wait3A_1269 : memref<624x128xf32, #tpu.memory_space<vmem_shared>>) dst(%dma_wait3A_1267 : memref<624x128xf32, #tpu.memory_space<hbm>>)
      tpu.yield
    }) : () -> ()
    %eq3A_1257 = arith.constant 15 : i32
    %eq3A_1258 = arith.cmpi eq, %arg1, %eq3A_1257 : i32
    %convert_element_type3A_1259 = arith.extui %eq3A_1258 : i1 to i32
    %cond3A_1260 = arith.constant 0 : i32
    %cond3A_1261 = arith.cmpi ne, %convert_element_type3A_1259, %cond3A_1260 : i32
    scf.if %cond3A_1261 {
      %mul3A_1262 = arith.constant 10000 : i32
      %mul3A_1263 = arith.muli %arg0, %mul3A_1262 : i32
      %add3A_1264 = arith.constant 9984 : i32
      %add3A_1265 = arith.addi %mul3A_1263, %add3A_1264 : i32
      "tpu.region"() ({
        %run_scoped3A = tpu.sem_alloc : memref<!tpu.dma_semaphore, #tpu.memory_space<semaphore_mem>>
        %dma_start3A_1266 = arith.constant 0 : i32
        %dma_start3A_1267 = tpu.memref_slice %arg5[%add3A_1265, %dma_start3A_1266] : memref<20000x128xf32, #tpu.memory_space<hbm>> -> memref<16x128xf32, #tpu.memory_space<hbm>>
        %dma_start3A_1268 = arith.constant 9984 : i32
        %dma_start3A_1269 = arith.constant 0 : i32
        %dma_start3A_1270 = tpu.memref_slice %arg12[%dma_start3A_1268, %dma_start3A_1269] : memref<10000x128xf32, #tpu.memory_space<vmem_shared>> -> memref<16x128xf32, #tpu.memory_space<vmem_shared>>
        tpu.enqueue_dma source(%dma_start3A_1270 : memref<16x128xf32, #tpu.memory_space<vmem_shared>>) target(%dma_start3A_1267 : memref<16x128xf32, #tpu.memory_space<hbm>>) target_semaphore(%run_scoped3A : memref<!tpu.dma_semaphore, #tpu.memory_space<semaphore_mem>>)
        %dma_wait3A_1271 = arith.constant 0 : i32
        %dma_wait3A_1272 = tpu.memref_slice %arg5[%add3A_1265, %dma_wait3A_1271] : memref<20000x128xf32, #tpu.memory_space<hbm>> -> memref<16x128xf32, #tpu.memory_space<hbm>>
        %dma_wait3A_1273 = arith.constant 9984 : i32
        %dma_wait3A_1274 = arith.constant 0 : i32
        %dma_wait3A_1275 = tpu.memref_slice %arg12[%dma_wait3A_1273, %dma_wait3A_1274] : memref<10000x128xf32, #tpu.memory_space<vmem_shared>> -> memref<16x128xf32, #tpu.memory_space<vmem_shared>>
        tpu.wait_dma2 semaphore(%run_scoped3A : memref<!tpu.dma_semaphore, #tpu.memory_space<semaphore_mem>>) src(%dma_wait3A_1275 : memref<16x128xf32, #tpu.memory_space<vmem_shared>>) dst(%dma_wait3A_1272 : memref<16x128xf32, #tpu.memory_space<hbm>>)
        tpu.yield
      }) : () -> ()
    } else {
    }
    return
  }
}

#map = affine_map<(d0, d1) -> (0, 0, 0)>
#map1 = affine_map<(d0, d1) -> (0)>
module attributes {stable_mosaic.version = 14 : i64} {
  func.func @_sc_degree_body(%arg0: i32, %arg1: i32, %arg2: memref<32x125x80xi32, #tpu.memory_space<hbm>>, %arg3: memref<20000xf32, #tpu.memory_space<hbm>>, %arg4: memref<125x80xi32, #tpu.memory_space<vmem>>, %arg5: memref<80xf32, #tpu.memory_space<vmem>>, %arg6: memref<256xf32, #tpu.memory_space<vmem>>, %arg7: memref<624xf32, #tpu.memory_space<vmem>>, %arg8: memref<10000xf32, #tpu.memory_space<vmem_shared>>, %arg9: memref<!tpu.dma_semaphore, #tpu.memory_space<semaphore_mem>>) attributes {dimension_semantics = [#tpu.dimension_semantics<core_parallel>, #tpu.dimension_semantics<subcore_parallel>], iteration_bounds = array<i64: 2, 16>, scalar_prefetch = 0 : i64, scratch_operands = 6 : i64, tpu.core_type = #tpu.core_type<sc_vector_subcore>, window_params = [{transform_indices = #map}, {transform_indices = #map1}]} {
    %mul3A = arith.constant 624 : i32
    %mul3A_0 = arith.muli %arg1, %mul3A : i32
    %broadcast_in_dim3A = arith.constant 0.000000e+00 : f32
    %broadcast_in_dim3A_1 = vector.broadcast %broadcast_in_dim3A : f32 to vector<16xf32>
    %swap3A = arith.constant 0 : index
    %swap3A_2 = tpu.vector_load %arg6[%swap3A] {strides = array<i32>} : memref<256xf32, #tpu.memory_space<vmem>>, vector<16xf32>,
    %swap3A_3 = vector.shape_cast %swap3A_2 : vector<16xf32> to vector<16xf32>
    %swap3A_4 = vector.shape_cast %broadcast_in_dim3A_1 : vector<16xf32> to vector<16xf32>
    tpu.vector_store %arg6[%swap3A], %swap3A_4 {strides = array<i32>} : memref<256xf32, #tpu.memory_space<vmem>>, vector<16xf32>,
    %broadcast_in_dim3A_5 = arith.constant 0.000000e+00 : f32
    %broadcast_in_dim3A_6 = vector.broadcast %broadcast_in_dim3A_5 : f32 to vector<16xf32>
    %swap3A_7 = arith.constant 16 : index
    %swap3A_8 = tpu.vector_load %arg6[%swap3A_7] {strides = array<i32>} : memref<256xf32, #tpu.memory_space<vmem>>, vector<16xf32>,
    %swap3A_9 = vector.shape_cast %swap3A_8 : vector<16xf32> to vector<16xf32>
    %swap3A_10 = vector.shape_cast %broadcast_in_dim3A_6 : vector<16xf32> to vector<16xf32>
    tpu.vector_store %arg6[%swap3A_7], %swap3A_10 {strides = array<i32>} : memref<256xf32, #tpu.memory_space<vmem>>, vector<16xf32>,
    %broadcast_in_dim3A_11 = arith.constant 0.000000e+00 : f32
    %broadcast_in_dim3A_12 = vector.broadcast %broadcast_in_dim3A_11 : f32 to vector<16xf32>
    %swap3A_13 = arith.constant 32 : index
    %swap3A_14 = tpu.vector_load %arg6[%swap3A_13] {strides = array<i32>} : memref<256xf32, #tpu.memory_space<vmem>>, vector<16xf32>,
    %swap3A_15 = vector.shape_cast %swap3A_14 : vector<16xf32> to vector<16xf32>
    %swap3A_16 = vector.shape_cast %broadcast_in_dim3A_12 : vector<16xf32> to vector<16xf32>
    tpu.vector_store %arg6[%swap3A_13], %swap3A_16 {strides = array<i32>} : memref<256xf32, #tpu.memory_space<vmem>>, vector<16xf32>,
    %broadcast_in_dim3A_17 = arith.constant 0.000000e+00 : f32
    %broadcast_in_dim3A_18 = vector.broadcast %broadcast_in_dim3A_17 : f32 to vector<16xf32>
    %swap3A_19 = arith.constant 48 : index
    %swap3A_20 = tpu.vector_load %arg6[%swap3A_19] {strides = array<i32>} : memref<256xf32, #tpu.memory_space<vmem>>, vector<16xf32>,
    %swap3A_21 = vector.shape_cast %swap3A_20 : vector<16xf32> to vector<16xf32>
    %swap3A_22 = vector.shape_cast %broadcast_in_dim3A_18 : vector<16xf32> to vector<16xf32>
    tpu.vector_store %arg6[%swap3A_19], %swap3A_22 {strides = array<i32>} : memref<256xf32, #tpu.memory_space<vmem>>, vector<16xf32>,
    %broadcast_in_dim3A_23 = arith.constant 0.000000e+00 : f32
    %broadcast_in_dim3A_24 = vector.broadcast %broadcast_in_dim3A_23 : f32 to vector<16xf32>
    %swap3A_25 = arith.constant 64 : index
    %swap3A_26 = tpu.vector_load %arg6[%swap3A_25] {strides = array<i32>} : memref<256xf32, #tpu.memory_space<vmem>>, vector<16xf32>,
    %swap3A_27 = vector.shape_cast %swap3A_26 : vector<16xf32> to vector<16xf32>
    %swap3A_28 = vector.shape_cast %broadcast_in_dim3A_24 : vector<16xf32> to vector<16xf32>
    tpu.vector_store %arg6[%swap3A_25], %swap3A_28 {strides = array<i32>} : memref<256xf32, #tpu.memory_space<vmem>>, vector<16xf32>,
    %broadcast_in_dim3A_29 = arith.constant 0.000000e+00 : f32
    %broadcast_in_dim3A_30 = vector.broadcast %broadcast_in_dim3A_29 : f32 to vector<16xf32>
    %swap3A_31 = arith.constant 80 : index
    %swap3A_32 = tpu.vector_load %arg6[%swap3A_31] {strides = array<i32>} : memref<256xf32, #tpu.memory_space<vmem>>, vector<16xf32>,
    %swap3A_33 = vector.shape_cast %swap3A_32 : vector<16xf32> to vector<16xf32>
    %swap3A_34 = vector.shape_cast %broadcast_in_dim3A_30 : vector<16xf32> to vector<16xf32>
    tpu.vector_store %arg6[%swap3A_31], %swap3A_34 {strides = array<i32>} : memref<256xf32, #tpu.memory_space<vmem>>, vector<16xf32>,
    %broadcast_in_dim3A_35 = arith.constant 0.000000e+00 : f32
    %broadcast_in_dim3A_36 = vector.broadcast %broadcast_in_dim3A_35 : f32 to vector<16xf32>
    %swap3A_37 = arith.constant 96 : index
    %swap3A_38 = tpu.vector_load %arg6[%swap3A_37] {strides = array<i32>} : memref<256xf32, #tpu.memory_space<vmem>>, vector<16xf32>,
    %swap3A_39 = vector.shape_cast %swap3A_38 : vector<16xf32> to vector<16xf32>
    %swap3A_40 = vector.shape_cast %broadcast_in_dim3A_36 : vector<16xf32> to vector<16xf32>
    tpu.vector_store %arg6[%swap3A_37], %swap3A_40 {strides = array<i32>} : memref<256xf32, #tpu.memory_space<vmem>>, vector<16xf32>,
    %broadcast_in_dim3A_41 = arith.constant 0.000000e+00 : f32
    %broadcast_in_dim3A_42 = vector.broadcast %broadcast_in_dim3A_41 : f32 to vector<16xf32>
    %swap3A_43 = arith.constant 112 : index
    %swap3A_44 = tpu.vector_load %arg6[%swap3A_43] {strides = array<i32>} : memref<256xf32, #tpu.memory_space<vmem>>, vector<16xf32>,
    %swap3A_45 = vector.shape_cast %swap3A_44 : vector<16xf32> to vector<16xf32>
    %swap3A_46 = vector.shape_cast %broadcast_in_dim3A_42 : vector<16xf32> to vector<16xf32>
    tpu.vector_store %arg6[%swap3A_43], %swap3A_46 {strides = array<i32>} : memref<256xf32, #tpu.memory_space<vmem>>, vector<16xf32>,
    %broadcast_in_dim3A_47 = arith.constant 0.000000e+00 : f32
    %broadcast_in_dim3A_48 = vector.broadcast %broadcast_in_dim3A_47 : f32 to vector<16xf32>
    %swap3A_49 = arith.constant 128 : index
    %swap3A_50 = tpu.vector_load %arg6[%swap3A_49] {strides = array<i32>} : memref<256xf32, #tpu.memory_space<vmem>>, vector<16xf32>,
    %swap3A_51 = vector.shape_cast %swap3A_50 : vector<16xf32> to vector<16xf32>
    %swap3A_52 = vector.shape_cast %broadcast_in_dim3A_48 : vector<16xf32> to vector<16xf32>
    tpu.vector_store %arg6[%swap3A_49], %swap3A_52 {strides = array<i32>} : memref<256xf32, #tpu.memory_space<vmem>>, vector<16xf32>,
    %broadcast_in_dim3A_53 = arith.constant 0.000000e+00 : f32
    %broadcast_in_dim3A_54 = vector.broadcast %broadcast_in_dim3A_53 : f32 to vector<16xf32>
    %swap3A_55 = arith.constant 144 : index
    %swap3A_56 = tpu.vector_load %arg6[%swap3A_55] {strides = array<i32>} : memref<256xf32, #tpu.memory_space<vmem>>, vector<16xf32>,
    %swap3A_57 = vector.shape_cast %swap3A_56 : vector<16xf32> to vector<16xf32>
    %swap3A_58 = vector.shape_cast %broadcast_in_dim3A_54 : vector<16xf32> to vector<16xf32>
    tpu.vector_store %arg6[%swap3A_55], %swap3A_58 {strides = array<i32>} : memref<256xf32, #tpu.memory_space<vmem>>, vector<16xf32>,
    %broadcast_in_dim3A_59 = arith.constant 0.000000e+00 : f32
    %broadcast_in_dim3A_60 = vector.broadcast %broadcast_in_dim3A_59 : f32 to vector<16xf32>
    %swap3A_61 = arith.constant 160 : index
    %swap3A_62 = tpu.vector_load %arg6[%swap3A_61] {strides = array<i32>} : memref<256xf32, #tpu.memory_space<vmem>>, vector<16xf32>,
    %swap3A_63 = vector.shape_cast %swap3A_62 : vector<16xf32> to vector<16xf32>
    %swap3A_64 = vector.shape_cast %broadcast_in_dim3A_60 : vector<16xf32> to vector<16xf32>
    tpu.vector_store %arg6[%swap3A_61], %swap3A_64 {strides = array<i32>} : memref<256xf32, #tpu.memory_space<vmem>>, vector<16xf32>,
    %broadcast_in_dim3A_65 = arith.constant 0.000000e+00 : f32
    %broadcast_in_dim3A_66 = vector.broadcast %broadcast_in_dim3A_65 : f32 to vector<16xf32>
    %swap3A_67 = arith.constant 176 : index
    %swap3A_68 = tpu.vector_load %arg6[%swap3A_67] {strides = array<i32>} : memref<256xf32, #tpu.memory_space<vmem>>, vector<16xf32>,
    %swap3A_69 = vector.shape_cast %swap3A_68 : vector<16xf32> to vector<16xf32>
    %swap3A_70 = vector.shape_cast %broadcast_in_dim3A_66 : vector<16xf32> to vector<16xf32>
    tpu.vector_store %arg6[%swap3A_67], %swap3A_70 {strides = array<i32>} : memref<256xf32, #tpu.memory_space<vmem>>, vector<16xf32>,
    %broadcast_in_dim3A_71 = arith.constant 0.000000e+00 : f32
    %broadcast_in_dim3A_72 = vector.broadcast %broadcast_in_dim3A_71 : f32 to vector<16xf32>
    %swap3A_73 = arith.constant 192 : index
    %swap3A_74 = tpu.vector_load %arg6[%swap3A_73] {strides = array<i32>} : memref<256xf32, #tpu.memory_space<vmem>>, vector<16xf32>,
    %swap3A_75 = vector.shape_cast %swap3A_74 : vector<16xf32> to vector<16xf32>
    %swap3A_76 = vector.shape_cast %broadcast_in_dim3A_72 : vector<16xf32> to vector<16xf32>
    tpu.vector_store %arg6[%swap3A_73], %swap3A_76 {strides = array<i32>} : memref<256xf32, #tpu.memory_space<vmem>>, vector<16xf32>,
    %broadcast_in_dim3A_77 = arith.constant 0.000000e+00 : f32
    %broadcast_in_dim3A_78 = vector.broadcast %broadcast_in_dim3A_77 : f32 to vector<16xf32>
    %swap3A_79 = arith.constant 208 : index
    %swap3A_80 = tpu.vector_load %arg6[%swap3A_79] {strides = array<i32>} : memref<256xf32, #tpu.memory_space<vmem>>, vector<16xf32>,
    %swap3A_81 = vector.shape_cast %swap3A_80 : vector<16xf32> to vector<16xf32>
    %swap3A_82 = vector.shape_cast %broadcast_in_dim3A_78 : vector<16xf32> to vector<16xf32>
    tpu.vector_store %arg6[%swap3A_79], %swap3A_82 {strides = array<i32>} : memref<256xf32, #tpu.memory_space<vmem>>, vector<16xf32>,
    %broadcast_in_dim3A_83 = arith.constant 0.000000e+00 : f32
    %broadcast_in_dim3A_84 = vector.broadcast %broadcast_in_dim3A_83 : f32 to vector<16xf32>
    %swap3A_85 = arith.constant 224 : index
    %swap3A_86 = tpu.vector_load %arg6[%swap3A_85] {strides = array<i32>} : memref<256xf32, #tpu.memory_space<vmem>>, vector<16xf32>,
    %swap3A_87 = vector.shape_cast %swap3A_86 : vector<16xf32> to vector<16xf32>
    %swap3A_88 = vector.shape_cast %broadcast_in_dim3A_84 : vector<16xf32> to vector<16xf32>
    tpu.vector_store %arg6[%swap3A_85], %swap3A_88 {strides = array<i32>} : memref<256xf32, #tpu.memory_space<vmem>>, vector<16xf32>,
    %broadcast_in_dim3A_89 = arith.constant 0.000000e+00 : f32
    %broadcast_in_dim3A_90 = vector.broadcast %broadcast_in_dim3A_89 : f32 to vector<16xf32>
    %swap3A_91 = arith.constant 240 : index
    %swap3A_92 = tpu.vector_load %arg6[%swap3A_91] {strides = array<i32>} : memref<256xf32, #tpu.memory_space<vmem>>, vector<16xf32>,
    %swap3A_93 = vector.shape_cast %swap3A_92 : vector<16xf32> to vector<16xf32>
    %swap3A_94 = vector.shape_cast %broadcast_in_dim3A_90 : vector<16xf32> to vector<16xf32>
    tpu.vector_store %arg6[%swap3A_91], %swap3A_94 {strides = array<i32>} : memref<256xf32, #tpu.memory_space<vmem>>, vector<16xf32>,
    %broadcast_in_dim3A_95 = arith.constant 1.000000e+00 : f32
    %broadcast_in_dim3A_96 = vector.broadcast %broadcast_in_dim3A_95 : f32 to vector<16xf32>
    %swap3A_97 = arith.constant 0 : index
    %swap3A_98 = tpu.vector_load %arg5[%swap3A_97] {strides = array<i32>} : memref<80xf32, #tpu.memory_space<vmem>>, vector<16xf32>,
    %swap3A_99 = vector.shape_cast %swap3A_98 : vector<16xf32> to vector<16xf32>
    %swap3A_100 = vector.shape_cast %broadcast_in_dim3A_96 : vector<16xf32> to vector<16xf32>
    tpu.vector_store %arg5[%swap3A_97], %swap3A_100 {strides = array<i32>} : memref<80xf32, #tpu.memory_space<vmem>>, vector<16xf32>,
    %broadcast_in_dim3A_101 = arith.constant 1.000000e+00 : f32
    %broadcast_in_dim3A_102 = vector.broadcast %broadcast_in_dim3A_101 : f32 to vector<16xf32>
    %swap3A_103 = arith.constant 16 : index
    %swap3A_104 = tpu.vector_load %arg5[%swap3A_103] {strides = array<i32>} : memref<80xf32, #tpu.memory_space<vmem>>, vector<16xf32>,
    %swap3A_105 = vector.shape_cast %swap3A_104 : vector<16xf32> to vector<16xf32>
    %swap3A_106 = vector.shape_cast %broadcast_in_dim3A_102 : vector<16xf32> to vector<16xf32>
    tpu.vector_store %arg5[%swap3A_103], %swap3A_106 {strides = array<i32>} : memref<80xf32, #tpu.memory_space<vmem>>, vector<16xf32>,
    %broadcast_in_dim3A_107 = arith.constant 1.000000e+00 : f32
    %broadcast_in_dim3A_108 = vector.broadcast %broadcast_in_dim3A_107 : f32 to vector<16xf32>
    %swap3A_109 = arith.constant 32 : index
    %swap3A_110 = tpu.vector_load %arg5[%swap3A_109] {strides = array<i32>} : memref<80xf32, #tpu.memory_space<vmem>>, vector<16xf32>,
    %swap3A_111 = vector.shape_cast %swap3A_110 : vector<16xf32> to vector<16xf32>
    %swap3A_112 = vector.shape_cast %broadcast_in_dim3A_108 : vector<16xf32> to vector<16xf32>
    tpu.vector_store %arg5[%swap3A_109], %swap3A_112 {strides = array<i32>} : memref<80xf32, #tpu.memory_space<vmem>>, vector<16xf32>,
    %broadcast_in_dim3A_113 = arith.constant 1.000000e+00 : f32
    %broadcast_in_dim3A_114 = vector.broadcast %broadcast_in_dim3A_113 : f32 to vector<16xf32>
    %swap3A_115 = arith.constant 48 : index
    %swap3A_116 = tpu.vector_load %arg5[%swap3A_115] {strides = array<i32>} : memref<80xf32, #tpu.memory_space<vmem>>, vector<16xf32>,
    %swap3A_117 = vector.shape_cast %swap3A_116 : vector<16xf32> to vector<16xf32>
    %swap3A_118 = vector.shape_cast %broadcast_in_dim3A_114 : vector<16xf32> to vector<16xf32>
    tpu.vector_store %arg5[%swap3A_115], %swap3A_118 {strides = array<i32>} : memref<80xf32, #tpu.memory_space<vmem>>, vector<16xf32>,
    %broadcast_in_dim3A_119 = arith.constant 1.000000e+00 : f32
    %broadcast_in_dim3A_120 = vector.broadcast %broadcast_in_dim3A_119 : f32 to vector<16xf32>
    %swap3A_121 = arith.constant 64 : index
    %swap3A_122 = tpu.vector_load %arg5[%swap3A_121] {strides = array<i32>} : memref<80xf32, #tpu.memory_space<vmem>>, vector<16xf32>,
    %swap3A_123 = vector.shape_cast %swap3A_122 : vector<16xf32> to vector<16xf32>
    %swap3A_124 = vector.shape_cast %broadcast_in_dim3A_120 : vector<16xf32> to vector<16xf32>
    tpu.vector_store %arg5[%swap3A_121], %swap3A_124 {strides = array<i32>} : memref<80xf32, #tpu.memory_space<vmem>>, vector<16xf32>,
    %scan3A = arith.constant 0 : i32
    %scan3A_125 = arith.constant 0 : i32
    %scan3A_126 = arith.constant 2 : i32
    %scan3A_127 = arith.addi %scan3A_125, %scan3A_126 : i32
    %scan3A_128 = arith.constant 1 : i32
    scf.for %scan3A_179 = %scan3A_125 to %scan3A_127 step %scan3A_128  : i32 {
      %mul3A_180 = arith.constant 256 : i32
      %mul3A_181 = arith.muli %scan3A_179, %mul3A_180 : i32
      %add3A_182 = arith.addi %mul3A_0, %mul3A_181 : i32
      %dma_start3A_183 = tpu.memref_slice %arg8[%add3A_182] : memref<10000xf32, #tpu.memory_space<vmem_shared>> -> memref<256xf32, #tpu.memory_space<vmem_shared>>
      %dma_start3A_184 = tpu.memref_slice %arg8[%add3A_182] : memref<10000xf32, #tpu.memory_space<vmem_shared>> -> memref<256xf32, #tpu.memory_space<vmem_shared>>
      tpu.enqueue_dma source(%arg6 : memref<256xf32, #tpu.memory_space<vmem>>) target(%dma_start3A_184 : memref<256xf32, #tpu.memory_space<vmem_shared>>) target_semaphore(%arg9 : memref<!tpu.dma_semaphore, #tpu.memory_space<semaphore_mem>>)
    }
    %scan3A_129 = arith.constant 2 : i32
    %add3A = arith.constant 624 : i32
    %add3A_130 = arith.addi %mul3A_0, %add3A : i32
    %sub3A = arith.constant 112 : i32
    %sub3A_131 = arith.subi %add3A_130, %sub3A : i32
    %dma_start3A = arith.constant 0 : i32
    %dma_start3A_132 = tpu.memref_slice %arg6[%dma_start3A] : memref<256xf32, #tpu.memory_space<vmem>> -> memref<112xf32, #tpu.memory_space<vmem>>
    %dma_start3A_133 = tpu.memref_slice %arg8[%sub3A_131] : memref<10000xf32, #tpu.memory_space<vmem_shared>> -> memref<112xf32, #tpu.memory_space<vmem_shared>>
    %dma_start3A_134 = tpu.memref_slice %arg8[%sub3A_131] : memref<10000xf32, #tpu.memory_space<vmem_shared>> -> memref<112xf32, #tpu.memory_space<vmem_shared>>
    %dma_start3A_135 = arith.constant 0 : i32
    %dma_start3A_136 = tpu.memref_slice %arg6[%dma_start3A_135] : memref<256xf32, #tpu.memory_space<vmem>> -> memref<112xf32, #tpu.memory_space<vmem>>
    tpu.enqueue_dma source(%dma_start3A_136 : memref<112xf32, #tpu.memory_space<vmem>>) target(%dma_start3A_134 : memref<112xf32, #tpu.memory_space<vmem_shared>>) target_semaphore(%arg9 : memref<!tpu.dma_semaphore, #tpu.memory_space<semaphore_mem>>)
    %eq3A = arith.constant 15 : i32
    %eq3A_137 = arith.cmpi eq, %arg1, %eq3A : i32
    %convert_element_type3A = arith.extui %eq3A_137 : i1 to i32
    %cond3A = arith.constant 0 : i32
    %cond3A_138 = arith.cmpi ne, %convert_element_type3A, %cond3A : i32
    scf.if %cond3A_138 {
      %dma_start3A_179 = arith.constant 0 : i32
      %dma_start3A_180 = tpu.memref_slice %arg6[%dma_start3A_179] : memref<256xf32, #tpu.memory_space<vmem>> -> memref<16xf32, #tpu.memory_space<vmem>>
      %dma_start3A_181 = arith.constant 9984 : i32
      %dma_start3A_182 = tpu.memref_slice %arg8[%dma_start3A_181] : memref<10000xf32, #tpu.memory_space<vmem_shared>> -> memref<16xf32, #tpu.memory_space<vmem_shared>>
      %dma_start3A_183 = arith.constant 9984 : i32
      %dma_start3A_184 = tpu.memref_slice %arg8[%dma_start3A_183] : memref<10000xf32, #tpu.memory_space<vmem_shared>> -> memref<16xf32, #tpu.memory_space<vmem_shared>>
      %dma_start3A_185 = arith.constant 0 : i32
      %dma_start3A_186 = tpu.memref_slice %arg6[%dma_start3A_185] : memref<256xf32, #tpu.memory_space<vmem>> -> memref<16xf32, #tpu.memory_space<vmem>>
      tpu.enqueue_dma source(%dma_start3A_186 : memref<16xf32, #tpu.memory_space<vmem>>) target(%dma_start3A_184 : memref<16xf32, #tpu.memory_space<vmem_shared>>) target_semaphore(%arg9 : memref<!tpu.dma_semaphore, #tpu.memory_space<semaphore_mem>>)
    } else {
    }
    %scan3A_139 = arith.constant 0 : i32
    %scan3A_140 = arith.constant 0 : i32
    %scan3A_141 = arith.constant 2 : i32
    %scan3A_142 = arith.addi %scan3A_140, %scan3A_141 : i32
    %scan3A_143 = arith.constant 1 : i32
    scf.for %scan3A_179 = %scan3A_140 to %scan3A_142 step %scan3A_143  : i32 {
      %dma_wait3A_180 = tpu.memref_slice %arg8[%mul3A_0] : memref<10000xf32, #tpu.memory_space<vmem_shared>> -> memref<256xf32, #tpu.memory_space<vmem_shared>>
      %dma_wait3A_181 = tpu.memref_slice %arg8[%mul3A_0] : memref<10000xf32, #tpu.memory_space<vmem_shared>> -> memref<256xf32, #tpu.memory_space<vmem_shared>>
      tpu.wait_dma2 semaphore(%arg9 : memref<!tpu.dma_semaphore, #tpu.memory_space<semaphore_mem>>) src(%arg6 : memref<256xf32, #tpu.memory_space<vmem>>) dst(%dma_wait3A_181 : memref<256xf32, #tpu.memory_space<vmem_shared>>)
    }
    %scan3A_144 = arith.constant 2 : i32
    %dma_wait3A = arith.constant 0 : i32
    %dma_wait3A_145 = tpu.memref_slice %arg6[%dma_wait3A] : memref<256xf32, #tpu.memory_space<vmem>> -> memref<112xf32, #tpu.memory_space<vmem>>
    %dma_wait3A_146 = tpu.memref_slice %arg8[%mul3A_0] : memref<10000xf32, #tpu.memory_space<vmem_shared>> -> memref<112xf32, #tpu.memory_space<vmem_shared>>
    %dma_wait3A_147 = tpu.memref_slice %arg8[%mul3A_0] : memref<10000xf32, #tpu.memory_space<vmem_shared>> -> memref<112xf32, #tpu.memory_space<vmem_shared>>
    %dma_wait3A_148 = arith.constant 0 : i32
    %dma_wait3A_149 = tpu.memref_slice %arg6[%dma_wait3A_148] : memref<256xf32, #tpu.memory_space<vmem>> -> memref<112xf32, #tpu.memory_space<vmem>>
    tpu.wait_dma2 semaphore(%arg9 : memref<!tpu.dma_semaphore, #tpu.memory_space<semaphore_mem>>) src(%dma_wait3A_149 : memref<112xf32, #tpu.memory_space<vmem>>) dst(%dma_wait3A_147 : memref<112xf32, #tpu.memory_space<vmem_shared>>)
    %eq3A_150 = arith.constant 15 : i32
    %eq3A_151 = arith.cmpi eq, %arg1, %eq3A_150 : i32
    %convert_element_type3A_152 = arith.extui %eq3A_151 : i1 to i32
    %cond3A_153 = arith.constant 0 : i32
    %cond3A_154 = arith.cmpi ne, %convert_element_type3A_152, %cond3A_153 : i32
    scf.if %cond3A_154 {
      %dma_wait3A_179 = arith.constant 0 : i32
      %dma_wait3A_180 = tpu.memref_slice %arg6[%dma_wait3A_179] : memref<256xf32, #tpu.memory_space<vmem>> -> memref<16xf32, #tpu.memory_space<vmem>>
      %dma_wait3A_181 = tpu.memref_slice %arg8[%mul3A_0] : memref<10000xf32, #tpu.memory_space<vmem_shared>> -> memref<16xf32, #tpu.memory_space<vmem_shared>>
      %dma_wait3A_182 = tpu.memref_slice %arg8[%mul3A_0] : memref<10000xf32, #tpu.memory_space<vmem_shared>> -> memref<16xf32, #tpu.memory_space<vmem_shared>>
      %dma_wait3A_183 = arith.constant 0 : i32
      %dma_wait3A_184 = tpu.memref_slice %arg6[%dma_wait3A_183] : memref<256xf32, #tpu.memory_space<vmem>> -> memref<16xf32, #tpu.memory_space<vmem>>
      tpu.wait_dma2 semaphore(%arg9 : memref<!tpu.dma_semaphore, #tpu.memory_space<semaphore_mem>>) src(%dma_wait3A_184 : memref<16xf32, #tpu.memory_space<vmem>>) dst(%dma_wait3A_182 : memref<16xf32, #tpu.memory_space<vmem_shared>>)
    } else {
    }
    %barrier3A = arith.constant 0 : index
    tpu.barrier barrier_id(%barrier3A)
    %mul3A_155 = arith.constant 16 : i32
    %mul3A_156 = arith.muli %arg0, %mul3A_155 : i32
    %add3A_157 = arith.addi %mul3A_156, %arg1 : i32
    "tpu.region"() ({
      %run_scoped3A = tpu.sem_alloc : memref<!tpu.dma_semaphore, #tpu.memory_space<semaphore_mem>>
      %dma_start3A_179 = arith.constant 0 : i32
      %dma_start3A_180 = arith.constant 0 : i32
      %dma_start3A_181 = tpu.memref_slice %arg2[%add3A_157, %dma_start3A_179, %dma_start3A_180] : memref<32x125x80xi32, #tpu.memory_space<hbm>> -> memref<1x125x80xi32, #tpu.memory_space<hbm>>
      %dma_start3A_182 = tpu.memref_squeeze %dma_start3A_181 : memref<1x125x80xi32, #tpu.memory_space<hbm>> -> memref<125x80xi32, #tpu.memory_space<hbm>>
      %dma_start3A_183 = arith.constant 0 : i32
      %dma_start3A_184 = arith.constant 0 : i32
      %dma_start3A_185 = tpu.memref_slice %arg2[%add3A_157, %dma_start3A_183, %dma_start3A_184] : memref<32x125x80xi32, #tpu.memory_space<hbm>> -> memref<1x125x80xi32, #tpu.memory_space<hbm>>
      %dma_start3A_186 = tpu.memref_squeeze %dma_start3A_185 : memref<1x125x80xi32, #tpu.memory_space<hbm>> -> memref<125x80xi32, #tpu.memory_space<hbm>>
      tpu.enqueue_dma source(%dma_start3A_186 : memref<125x80xi32, #tpu.memory_space<hbm>>) target(%arg4 : memref<125x80xi32, #tpu.memory_space<vmem>>) target_semaphore(%run_scoped3A : memref<!tpu.dma_semaphore, #tpu.memory_space<semaphore_mem>>)
      %dma_wait3A_187 = arith.constant 0 : i32
      %dma_wait3A_188 = arith.constant 0 : i32
      %dma_wait3A_189 = tpu.memref_slice %arg2[%add3A_157, %dma_wait3A_187, %dma_wait3A_188] : memref<32x125x80xi32, #tpu.memory_space<hbm>> -> memref<1x125x80xi32, #tpu.memory_space<hbm>>
      %dma_wait3A_190 = tpu.memref_squeeze %dma_wait3A_189 : memref<1x125x80xi32, #tpu.memory_space<hbm>> -> memref<125x80xi32, #tpu.memory_space<hbm>>
      %dma_wait3A_191 = arith.constant 0 : i32
      %dma_wait3A_192 = arith.constant 0 : i32
      %dma_wait3A_193 = tpu.memref_slice %arg2[%add3A_157, %dma_wait3A_191, %dma_wait3A_192] : memref<32x125x80xi32, #tpu.memory_space<hbm>> -> memref<1x125x80xi32, #tpu.memory_space<hbm>>
      %dma_wait3A_194 = tpu.memref_squeeze %dma_wait3A_193 : memref<1x125x80xi32, #tpu.memory_space<hbm>> -> memref<125x80xi32, #tpu.memory_space<hbm>>
      tpu.wait_dma2 semaphore(%run_scoped3A : memref<!tpu.dma_semaphore, #tpu.memory_space<semaphore_mem>>) src(%dma_wait3A_194 : memref<125x80xi32, #tpu.memory_space<hbm>>) dst(%arg4 : memref<125x80xi32, #tpu.memory_space<vmem>>)
      tpu.yield
    }) : () -> ()
    %scan3A_158 = arith.constant 0 : i32
    %scan3A_159 = arith.constant 0 : i32
    %scan3A_160 = arith.constant 125 : i32
    %scan3A_161 = arith.addi %scan3A_159, %scan3A_160 : i32
    %scan3A_162 = arith.constant 1 : i32
    scf.for %scan3A_179 = %scan3A_159 to %scan3A_161 step %scan3A_162  : i32 {
      %dma_start3A_180 = arith.constant 0 : i32
      %dma_start3A_181 = tpu.memref_slice %arg4[%scan3A_179, %dma_start3A_180] : memref<125x80xi32, #tpu.memory_space<vmem>> -> memref<1x80xi32, #tpu.memory_space<vmem>>
      %dma_start3A_182 = tpu.memref_squeeze %dma_start3A_181 : memref<1x80xi32, #tpu.memory_space<vmem>> -> memref<80xi32, #tpu.memory_space<vmem>>
      %dma_start3A_183 = arith.constant 0 : i32
      %dma_start3A_184 = tpu.memref_slice %arg8[%dma_start3A_183] : memref<10000xf32, #tpu.memory_space<vmem_shared>> -> memref<10000xf32, #tpu.memory_space<vmem_shared>>
      tpu.enqueue_indirect_dma source(%arg5 : memref<80xf32, #tpu.memory_space<vmem>>) target(%dma_start3A_184 : memref<10000xf32, #tpu.memory_space<vmem_shared>>) offsets(%dma_start3A_182 : memref<80xi32, #tpu.memory_space<vmem>>) semaphore(%arg9 : memref<!tpu.dma_semaphore, #tpu.memory_space<semaphore_mem>>) {add = true}
    }
    %scan3A_163 = arith.constant 125 : i32
    %scan3A_164 = arith.constant 0 : i32
    %scan3A_165 = arith.constant 0 : i32
    %scan3A_166 = arith.constant 125 : i32
    %scan3A_167 = arith.addi %scan3A_165, %scan3A_166 : i32
    %scan3A_168 = arith.constant 1 : i32
    scf.for %scan3A_179 = %scan3A_165 to %scan3A_167 step %scan3A_168  : i32 {
      %dma_wait3A_180 = arith.constant 0 : i32
      %dma_wait3A_181 = arith.constant 0 : i32
      %dma_wait3A_182 = tpu.memref_slice %arg4[%dma_wait3A_180, %dma_wait3A_181] : memref<125x80xi32, #tpu.memory_space<vmem>> -> memref<1x80xi32, #tpu.memory_space<vmem>>
      %dma_wait3A_183 = tpu.memref_squeeze %dma_wait3A_182 : memref<1x80xi32, #tpu.memory_space<vmem>> -> memref<80xi32, #tpu.memory_space<vmem>>
      %dma_wait3A_184 = arith.constant 0 : i32
      %dma_wait3A_185 = tpu.memref_slice %arg8[%dma_wait3A_184] : memref<10000xf32, #tpu.memory_space<vmem_shared>> -> memref<10000xf32, #tpu.memory_space<vmem_shared>>
      tpu.wait_indirect_dma semaphore(%arg9 : memref<!tpu.dma_semaphore, #tpu.memory_space<semaphore_mem>>) src(%arg5 : memref<80xf32, #tpu.memory_space<vmem>>) dst(%dma_wait3A_185 : memref<10000xf32, #tpu.memory_space<vmem_shared>>)
    }
    %scan3A_169 = arith.constant 125 : i32
    %barrier3A_170 = arith.constant 0 : index
    tpu.barrier barrier_id(%barrier3A_170)
    "tpu.region"() ({
      %run_scoped3A = tpu.sem_alloc : memref<!tpu.dma_semaphore, #tpu.memory_space<semaphore_mem>>
      %dma_start3A_179 = arith.constant 0 : i32
      %dma_start3A_180 = tpu.memref_slice %arg7[%dma_start3A_179] : memref<624xf32, #tpu.memory_space<vmem>> -> memref<624xf32, #tpu.memory_space<vmem>>
      %dma_start3A_181 = tpu.memref_slice %arg8[%mul3A_0] : memref<10000xf32, #tpu.memory_space<vmem_shared>> -> memref<624xf32, #tpu.memory_space<vmem_shared>>
      %dma_start3A_182 = arith.constant 0 : i32
      %dma_start3A_183 = tpu.memref_slice %arg7[%dma_start3A_182] : memref<624xf32, #tpu.memory_space<vmem>> -> memref<624xf32, #tpu.memory_space<vmem>>
      %dma_start3A_184 = tpu.memref_slice %arg8[%mul3A_0] : memref<10000xf32, #tpu.memory_space<vmem_shared>> -> memref<624xf32, #tpu.memory_space<vmem_shared>>
      tpu.enqueue_dma source(%dma_start3A_184 : memref<624xf32, #tpu.memory_space<vmem_shared>>) target(%dma_start3A_183 : memref<624xf32, #tpu.memory_space<vmem>>) target_semaphore(%run_scoped3A : memref<!tpu.dma_semaphore, #tpu.memory_space<semaphore_mem>>)
      %dma_wait3A_185 = arith.constant 0 : i32
      %dma_wait3A_186 = tpu.memref_slice %arg7[%dma_wait3A_185] : memref<624xf32, #tpu.memory_space<vmem>> -> memref<624xf32, #tpu.memory_space<vmem>>
      %dma_wait3A_187 = tpu.memref_slice %arg8[%mul3A_0] : memref<10000xf32, #tpu.memory_space<vmem_shared>> -> memref<624xf32, #tpu.memory_space<vmem_shared>>
      %dma_wait3A_188 = arith.constant 0 : i32
      %dma_wait3A_189 = tpu.memref_slice %arg7[%dma_wait3A_188] : memref<624xf32, #tpu.memory_space<vmem>> -> memref<624xf32, #tpu.memory_space<vmem>>
      %dma_wait3A_190 = tpu.memref_slice %arg8[%mul3A_0] : memref<10000xf32, #tpu.memory_space<vmem_shared>> -> memref<624xf32, #tpu.memory_space<vmem_shared>>
      tpu.wait_dma2 semaphore(%run_scoped3A : memref<!tpu.dma_semaphore, #tpu.memory_space<semaphore_mem>>) src(%dma_wait3A_190 : memref<624xf32, #tpu.memory_space<vmem_shared>>) dst(%dma_wait3A_189 : memref<624xf32, #tpu.memory_space<vmem>>)
      tpu.yield
    }) : () -> ()
    %mul3A_171 = arith.constant 10000 : i32
    %mul3A_172 = arith.muli %arg0, %mul3A_171 : i32
    %add3A_173 = arith.addi %mul3A_172, %mul3A_0 : i32
    "tpu.region"() ({
      %run_scoped3A = tpu.sem_alloc : memref<!tpu.dma_semaphore, #tpu.memory_space<semaphore_mem>>
      %dma_start3A_179 = arith.constant 0 : i32
      %dma_start3A_180 = tpu.memref_slice %arg7[%dma_start3A_179] : memref<624xf32, #tpu.memory_space<vmem>> -> memref<624xf32, #tpu.memory_space<vmem>>
      %dma_start3A_181 = tpu.memref_slice %arg3[%add3A_173] : memref<20000xf32, #tpu.memory_space<hbm>> -> memref<624xf32, #tpu.memory_space<hbm>>
      %dma_start3A_182 = tpu.memref_slice %arg3[%add3A_173] : memref<20000xf32, #tpu.memory_space<hbm>> -> memref<624xf32, #tpu.memory_space<hbm>>
      %dma_start3A_183 = arith.constant 0 : i32
      %dma_start3A_184 = tpu.memref_slice %arg7[%dma_start3A_183] : memref<624xf32, #tpu.memory_space<vmem>> -> memref<624xf32, #tpu.memory_space<vmem>>
      tpu.enqueue_dma source(%dma_start3A_184 : memref<624xf32, #tpu.memory_space<vmem>>) target(%dma_start3A_182 : memref<624xf32, #tpu.memory_space<hbm>>) target_semaphore(%run_scoped3A : memref<!tpu.dma_semaphore, #tpu.memory_space<semaphore_mem>>)
      %dma_wait3A_185 = arith.constant 0 : i32
      %dma_wait3A_186 = tpu.memref_slice %arg7[%dma_wait3A_185] : memref<624xf32, #tpu.memory_space<vmem>> -> memref<624xf32, #tpu.memory_space<vmem>>
      %dma_wait3A_187 = tpu.memref_slice %arg3[%add3A_173] : memref<20000xf32, #tpu.memory_space<hbm>> -> memref<624xf32, #tpu.memory_space<hbm>>
      %dma_wait3A_188 = tpu.memref_slice %arg3[%add3A_173] : memref<20000xf32, #tpu.memory_space<hbm>> -> memref<624xf32, #tpu.memory_space<hbm>>
      %dma_wait3A_189 = arith.constant 0 : i32
      %dma_wait3A_190 = tpu.memref_slice %arg7[%dma_wait3A_189] : memref<624xf32, #tpu.memory_space<vmem>> -> memref<624xf32, #tpu.memory_space<vmem>>
      tpu.wait_dma2 semaphore(%run_scoped3A : memref<!tpu.dma_semaphore, #tpu.memory_space<semaphore_mem>>) src(%dma_wait3A_190 : memref<624xf32, #tpu.memory_space<vmem>>) dst(%dma_wait3A_188 : memref<624xf32, #tpu.memory_space<hbm>>)
      tpu.yield
    }) : () -> ()
    %eq3A_174 = arith.constant 15 : i32
    %eq3A_175 = arith.cmpi eq, %arg1, %eq3A_174 : i32
    %convert_element_type3A_176 = arith.extui %eq3A_175 : i1 to i32
    %cond3A_177 = arith.constant 0 : i32
    %cond3A_178 = arith.cmpi ne, %convert_element_type3A_176, %cond3A_177 : i32
    scf.if %cond3A_178 {
      "tpu.region"() ({
        %run_scoped3A = tpu.sem_alloc : memref<!tpu.dma_semaphore, #tpu.memory_space<semaphore_mem>>
        %dma_start3A_183 = arith.constant 0 : i32
        %dma_start3A_184 = tpu.memref_slice %arg7[%dma_start3A_183] : memref<624xf32, #tpu.memory_space<vmem>> -> memref<16xf32, #tpu.memory_space<vmem>>
        %dma_start3A_185 = arith.constant 9984 : i32
        %dma_start3A_186 = tpu.memref_slice %arg8[%dma_start3A_185] : memref<10000xf32, #tpu.memory_space<vmem_shared>> -> memref<16xf32, #tpu.memory_space<vmem_shared>>
        %dma_start3A_187 = arith.constant 0 : i32
        %dma_start3A_188 = tpu.memref_slice %arg7[%dma_start3A_187] : memref<624xf32, #tpu.memory_space<vmem>> -> memref<16xf32, #tpu.memory_space<vmem>>
        %dma_start3A_189 = arith.constant 9984 : i32
        %dma_start3A_190 = tpu.memref_slice %arg8[%dma_start3A_189] : memref<10000xf32, #tpu.memory_space<vmem_shared>> -> memref<16xf32, #tpu.memory_space<vmem_shared>>
        tpu.enqueue_dma source(%dma_start3A_190 : memref<16xf32, #tpu.memory_space<vmem_shared>>) target(%dma_start3A_188 : memref<16xf32, #tpu.memory_space<vmem>>) target_semaphore(%run_scoped3A : memref<!tpu.dma_semaphore, #tpu.memory_space<semaphore_mem>>)
        %dma_wait3A_191 = arith.constant 0 : i32
        %dma_wait3A_192 = tpu.memref_slice %arg7[%dma_wait3A_191] : memref<624xf32, #tpu.memory_space<vmem>> -> memref<16xf32, #tpu.memory_space<vmem>>
        %dma_wait3A_193 = arith.constant 9984 : i32
        %dma_wait3A_194 = tpu.memref_slice %arg8[%dma_wait3A_193] : memref<10000xf32, #tpu.memory_space<vmem_shared>> -> memref<16xf32, #tpu.memory_space<vmem_shared>>
        %dma_wait3A_195 = arith.constant 0 : i32
        %dma_wait3A_196 = tpu.memref_slice %arg7[%dma_wait3A_195] : memref<624xf32, #tpu.memory_space<vmem>> -> memref<16xf32, #tpu.memory_space<vmem>>
        %dma_wait3A_197 = arith.constant 9984 : i32
        %dma_wait3A_198 = tpu.memref_slice %arg8[%dma_wait3A_197] : memref<10000xf32, #tpu.memory_space<vmem_shared>> -> memref<16xf32, #tpu.memory_space<vmem_shared>>
        tpu.wait_dma2 semaphore(%run_scoped3A : memref<!tpu.dma_semaphore, #tpu.memory_space<semaphore_mem>>) src(%dma_wait3A_198 : memref<16xf32, #tpu.memory_space<vmem_shared>>) dst(%dma_wait3A_196 : memref<16xf32, #tpu.memory_space<vmem>>)
        tpu.yield
      }) : () -> ()
      %mul3A_179 = arith.constant 10000 : i32
      %mul3A_180 = arith.muli %arg0, %mul3A_179 : i32
      %add3A_181 = arith.constant 9984 : i32
      %add3A_182 = arith.addi %mul3A_180, %add3A_181 : i32
      "tpu.region"() ({
        %run_scoped3A = tpu.sem_alloc : memref<!tpu.dma_semaphore, #tpu.memory_space<semaphore_mem>>
        %dma_start3A_183 = arith.constant 0 : i32
        %dma_start3A_184 = tpu.memref_slice %arg7[%dma_start3A_183] : memref<624xf32, #tpu.memory_space<vmem>> -> memref<16xf32, #tpu.memory_space<vmem>>
        %dma_start3A_185 = tpu.memref_slice %arg3[%add3A_182] : memref<20000xf32, #tpu.memory_space<hbm>> -> memref<16xf32, #tpu.memory_space<hbm>>
        %dma_start3A_186 = tpu.memref_slice %arg3[%add3A_182] : memref<20000xf32, #tpu.memory_space<hbm>> -> memref<16xf32, #tpu.memory_space<hbm>>
        %dma_start3A_187 = arith.constant 0 : i32
        %dma_start3A_188 = tpu.memref_slice %arg7[%dma_start3A_187] : memref<624xf32, #tpu.memory_space<vmem>> -> memref<16xf32, #tpu.memory_space<vmem>>
        tpu.enqueue_dma source(%dma_start3A_188 : memref<16xf32, #tpu.memory_space<vmem>>) target(%dma_start3A_186 : memref<16xf32, #tpu.memory_space<hbm>>) target_semaphore(%run_scoped3A : memref<!tpu.dma_semaphore, #tpu.memory_space<semaphore_mem>>)
        %dma_wait3A_189 = arith.constant 0 : i32
        %dma_wait3A_190 = tpu.memref_slice %arg7[%dma_wait3A_189] : memref<624xf32, #tpu.memory_space<vmem>> -> memref<16xf32, #tpu.memory_space<vmem>>
        %dma_wait3A_191 = tpu.memref_slice %arg3[%add3A_182] : memref<20000xf32, #tpu.memory_space<hbm>> -> memref<16xf32, #tpu.memory_space<hbm>>
        %dma_wait3A_192 = tpu.memref_slice %arg3[%add3A_182] : memref<20000xf32, #tpu.memory_space<hbm>> -> memref<16xf32, #tpu.memory_space<hbm>>
        %dma_wait3A_193 = arith.constant 0 : i32
        %dma_wait3A_194 = tpu.memref_slice %arg7[%dma_wait3A_193] : memref<624xf32, #tpu.memory_space<vmem>> -> memref<16xf32, #tpu.memory_space<vmem>>
        tpu.wait_dma2 semaphore(%run_scoped3A : memref<!tpu.dma_semaphore, #tpu.memory_space<semaphore_mem>>) src(%dma_wait3A_194 : memref<16xf32, #tpu.memory_space<vmem>>) dst(%dma_wait3A_192 : memref<16xf32, #tpu.memory_space<hbm>>)
        tpu.yield
      }) : () -> ()
    } else {
    }
    return
  }
}

#map = affine_map<(d0, d1) -> (0, 0)>
#map1 = affine_map<(d0, d1) -> (0)>
#map2 = affine_map<(d0, d1) -> (0, 0, 0)>
module attributes {stable_mosaic.version = 14 : i64} {
  func.func @_sc_edge_scatter_body(%arg0: i32, %arg1: i32, %arg2: memref<10000x128xf32, #tpu.memory_space<hbm>>, %arg3: memref<320000xi32, #tpu.memory_space<hbm>>, %arg4: memref<32x125x80xi32, #tpu.memory_space<hbm>>, %arg5: memref<20000x128xf32, #tpu.memory_space<hbm>>, %arg6: memref<5120xi32, #tpu.memory_space<vmem>>, %arg7: memref<64x80xi32, #tpu.memory_space<vmem>>, %arg8: memref<80x128xf32, #tpu.memory_space<vmem>>, %arg9: memref<80x128xf32, #tpu.memory_space<vmem>>, %arg10: memref<80x128xf32, #tpu.memory_space<vmem>>, %arg11: memref<16x128xf32, #tpu.memory_space<vmem>>, %arg12: memref<10000x128xf32, #tpu.memory_space<vmem_shared>>, %arg13: memref<!tpu.dma_semaphore, #tpu.memory_space<semaphore_mem>>, %arg14: memref<!tpu.dma_semaphore, #tpu.memory_space<semaphore_mem>>, %arg15: memref<!tpu.dma_semaphore, #tpu.memory_space<semaphore_mem>>, %arg16: memref<!tpu.dma_semaphore, #tpu.memory_space<semaphore_mem>>, %arg17: memref<!tpu.dma_semaphore, #tpu.memory_space<semaphore_mem>>, %arg18: memref<!tpu.dma_semaphore, #tpu.memory_space<semaphore_mem>>) attributes {dimension_semantics = [#tpu.dimension_semantics<core_parallel>, #tpu.dimension_semantics<subcore_parallel>], iteration_bounds = array<i64: 2, 16>, scalar_prefetch = 0 : i64, scratch_operands = 13 : i64, tpu.core_type = #tpu.core_type<sc_vector_subcore>, window_params = [{transform_indices = #map}, {transform_indices = #map1}, {transform_indices = #map2}, {transform_indices = #map}]} {
    %mul3A = arith.constant 624 : i32
    %mul3A_0 = arith.muli %arg1, %mul3A : i32
    %broadcast_in_dim3A = arith.constant 0.000000e+00 : f32
    %broadcast_in_dim3A_1 = vector.broadcast %broadcast_in_dim3A : f32 to vector<16xf32>
    %swap3A = arith.constant 0 : i32
    %swap3A_2 = arith.index_cast %swap3A : i32 to index
    %swap3A_3 = arith.constant 0 : index
    %swap3A_4 = tpu.vector_load %arg11[%swap3A_2, %swap3A_3] {strides = array<i32>} : memref<16x128xf32, #tpu.memory_space<vmem>>, vector<1x16xf32>,
    %swap3A_5 = vector.shape_cast %swap3A_4 : vector<1x16xf32> to vector<16xf32>
    %swap3A_6 = vector.shape_cast %broadcast_in_dim3A_1 : vector<16xf32> to vector<1x16xf32>
    tpu.vector_store %arg11[%swap3A_2, %swap3A_3], %swap3A_6 {strides = array<i32>} : memref<16x128xf32, #tpu.memory_space<vmem>>, vector<1x16xf32>,
    %broadcast_in_dim3A_7 = arith.constant 0.000000e+00 : f32
    %broadcast_in_dim3A_8 = vector.broadcast %broadcast_in_dim3A_7 : f32 to vector<16xf32>
    %swap3A_9 = arith.constant 0 : i32
    %swap3A_10 = arith.index_cast %swap3A_9 : i32 to index
    %swap3A_11 = arith.constant 16 : index
    %swap3A_12 = tpu.vector_load %arg11[%swap3A_10, %swap3A_11] {strides = array<i32>} : memref<16x128xf32, #tpu.memory_space<vmem>>, vector<1x16xf32>,
    %swap3A_13 = vector.shape_cast %swap3A_12 : vector<1x16xf32> to vector<16xf32>
    %swap3A_14 = vector.shape_cast %broadcast_in_dim3A_8 : vector<16xf32> to vector<1x16xf32>
    tpu.vector_store %arg11[%swap3A_10, %swap3A_11], %swap3A_14 {strides = array<i32>} : memref<16x128xf32, #tpu.memory_space<vmem>>, vector<1x16xf32>,
    %broadcast_in_dim3A_15 = arith.constant 0.000000e+00 : f32
    %broadcast_in_dim3A_16 = vector.broadcast %broadcast_in_dim3A_15 : f32 to vector<16xf32>
    %swap3A_17 = arith.constant 0 : i32
    %swap3A_18 = arith.index_cast %swap3A_17 : i32 to index
    %swap3A_19 = arith.constant 32 : index
    %swap3A_20 = tpu.vector_load %arg11[%swap3A_18, %swap3A_19] {strides = array<i32>} : memref<16x128xf32, #tpu.memory_space<vmem>>, vector<1x16xf32>,
    %swap3A_21 = vector.shape_cast %swap3A_20 : vector<1x16xf32> to vector<16xf32>
    %swap3A_22 = vector.shape_cast %broadcast_in_dim3A_16 : vector<16xf32> to vector<1x16xf32>
    tpu.vector_store %arg11[%swap3A_18, %swap3A_19], %swap3A_22 {strides = array<i32>} : memref<16x128xf32, #tpu.memory_space<vmem>>, vector<1x16xf32>,
    %broadcast_in_dim3A_23 = arith.constant 0.000000e+00 : f32
    %broadcast_in_dim3A_24 = vector.broadcast %broadcast_in_dim3A_23 : f32 to vector<16xf32>
    %swap3A_25 = arith.constant 0 : i32
    %swap3A_26 = arith.index_cast %swap3A_25 : i32 to index
    %swap3A_27 = arith.constant 48 : index
    %swap3A_28 = tpu.vector_load %arg11[%swap3A_26, %swap3A_27] {strides = array<i32>} : memref<16x128xf32, #tpu.memory_space<vmem>>, vector<1x16xf32>,
    %swap3A_29 = vector.shape_cast %swap3A_28 : vector<1x16xf32> to vector<16xf32>
    %swap3A_30 = vector.shape_cast %broadcast_in_dim3A_24 : vector<16xf32> to vector<1x16xf32>
    tpu.vector_store %arg11[%swap3A_26, %swap3A_27], %swap3A_30 {strides = array<i32>} : memref<16x128xf32, #tpu.memory_space<vmem>>, vector<1x16xf32>,
    %broadcast_in_dim3A_31 = arith.constant 0.000000e+00 : f32
    %broadcast_in_dim3A_32 = vector.broadcast %broadcast_in_dim3A_31 : f32 to vector<16xf32>
    %swap3A_33 = arith.constant 0 : i32
    %swap3A_34 = arith.index_cast %swap3A_33 : i32 to index
    %swap3A_35 = arith.constant 64 : index
    %swap3A_36 = tpu.vector_load %arg11[%swap3A_34, %swap3A_35] {strides = array<i32>} : memref<16x128xf32, #tpu.memory_space<vmem>>, vector<1x16xf32>,
    %swap3A_37 = vector.shape_cast %swap3A_36 : vector<1x16xf32> to vector<16xf32>
    %swap3A_38 = vector.shape_cast %broadcast_in_dim3A_32 : vector<16xf32> to vector<1x16xf32>
    tpu.vector_store %arg11[%swap3A_34, %swap3A_35], %swap3A_38 {strides = array<i32>} : memref<16x128xf32, #tpu.memory_space<vmem>>, vector<1x16xf32>,
    %broadcast_in_dim3A_39 = arith.constant 0.000000e+00 : f32
    %broadcast_in_dim3A_40 = vector.broadcast %broadcast_in_dim3A_39 : f32 to vector<16xf32>
    %swap3A_41 = arith.constant 0 : i32
    %swap3A_42 = arith.index_cast %swap3A_41 : i32 to index
    %swap3A_43 = arith.constant 80 : index
    %swap3A_44 = tpu.vector_load %arg11[%swap3A_42, %swap3A_43] {strides = array<i32>} : memref<16x128xf32, #tpu.memory_space<vmem>>, vector<1x16xf32>,
    %swap3A_45 = vector.shape_cast %swap3A_44 : vector<1x16xf32> to vector<16xf32>
    %swap3A_46 = vector.shape_cast %broadcast_in_dim3A_40 : vector<16xf32> to vector<1x16xf32>
    tpu.vector_store %arg11[%swap3A_42, %swap3A_43], %swap3A_46 {strides = array<i32>} : memref<16x128xf32, #tpu.memory_space<vmem>>, vector<1x16xf32>,
    %broadcast_in_dim3A_47 = arith.constant 0.000000e+00 : f32
    %broadcast_in_dim3A_48 = vector.broadcast %broadcast_in_dim3A_47 : f32 to vector<16xf32>
    %swap3A_49 = arith.constant 0 : i32
    %swap3A_50 = arith.index_cast %swap3A_49 : i32 to index
    %swap3A_51 = arith.constant 96 : index
    %swap3A_52 = tpu.vector_load %arg11[%swap3A_50, %swap3A_51] {strides = array<i32>} : memref<16x128xf32, #tpu.memory_space<vmem>>, vector<1x16xf32>,
    %swap3A_53 = vector.shape_cast %swap3A_52 : vector<1x16xf32> to vector<16xf32>
    %swap3A_54 = vector.shape_cast %broadcast_in_dim3A_48 : vector<16xf32> to vector<1x16xf32>
    tpu.vector_store %arg11[%swap3A_50, %swap3A_51], %swap3A_54 {strides = array<i32>} : memref<16x128xf32, #tpu.memory_space<vmem>>, vector<1x16xf32>,
    %broadcast_in_dim3A_55 = arith.constant 0.000000e+00 : f32
    %broadcast_in_dim3A_56 = vector.broadcast %broadcast_in_dim3A_55 : f32 to vector<16xf32>
    %swap3A_57 = arith.constant 0 : i32
    %swap3A_58 = arith.index_cast %swap3A_57 : i32 to index
    %swap3A_59 = arith.constant 112 : index
    %swap3A_60 = tpu.vector_load %arg11[%swap3A_58, %swap3A_59] {strides = array<i32>} : memref<16x128xf32, #tpu.memory_space<vmem>>, vector<1x16xf32>,
    %swap3A_61 = vector.shape_cast %swap3A_60 : vector<1x16xf32> to vector<16xf32>
    %swap3A_62 = vector.shape_cast %broadcast_in_dim3A_56 : vector<16xf32> to vector<1x16xf32>
    tpu.vector_store %arg11[%swap3A_58, %swap3A_59], %swap3A_62 {strides = array<i32>} : memref<16x128xf32, #tpu.memory_space<vmem>>, vector<1x16xf32>,
    %broadcast_in_dim3A_63 = arith.constant 0.000000e+00 : f32
    %broadcast_in_dim3A_64 = vector.broadcast %broadcast_in_dim3A_63 : f32 to vector<16xf32>
    %swap3A_65 = arith.constant 1 : i32
    %swap3A_66 = arith.index_cast %swap3A_65 : i32 to index
    %swap3A_67 = arith.constant 0 : index
    %swap3A_68 = tpu.vector_load %arg11[%swap3A_66, %swap3A_67] {strides = array<i32>} : memref<16x128xf32, #tpu.memory_space<vmem>>, vector<1x16xf32>,
    %swap3A_69 = vector.shape_cast %swap3A_68 : vector<1x16xf32> to vector<16xf32>
    %swap3A_70 = vector.shape_cast %broadcast_in_dim3A_64 : vector<16xf32> to vector<1x16xf32>
    tpu.vector_store %arg11[%swap3A_66, %swap3A_67], %swap3A_70 {strides = array<i32>} : memref<16x128xf32, #tpu.memory_space<vmem>>, vector<1x16xf32>,
    %broadcast_in_dim3A_71 = arith.constant 0.000000e+00 : f32
    %broadcast_in_dim3A_72 = vector.broadcast %broadcast_in_dim3A_71 : f32 to vector<16xf32>
    %swap3A_73 = arith.constant 1 : i32
    %swap3A_74 = arith.index_cast %swap3A_73 : i32 to index
    %swap3A_75 = arith.constant 16 : index
    %swap3A_76 = tpu.vector_load %arg11[%swap3A_74, %swap3A_75] {strides = array<i32>} : memref<16x128xf32, #tpu.memory_space<vmem>>, vector<1x16xf32>,
    %swap3A_77 = vector.shape_cast %swap3A_76 : vector<1x16xf32> to vector<16xf32>
    %swap3A_78 = vector.shape_cast %broadcast_in_dim3A_72 : vector<16xf32> to vector<1x16xf32>
    tpu.vector_store %arg11[%swap3A_74, %swap3A_75], %swap3A_78 {strides = array<i32>} : memref<16x128xf32, #tpu.memory_space<vmem>>, vector<1x16xf32>,
    %broadcast_in_dim3A_79 = arith.constant 0.000000e+00 : f32
    %broadcast_in_dim3A_80 = vector.broadcast %broadcast_in_dim3A_79 : f32 to vector<16xf32>
    %swap3A_81 = arith.constant 1 : i32
    %swap3A_82 = arith.index_cast %swap3A_81 : i32 to index
    %swap3A_83 = arith.constant 32 : index
    %swap3A_84 = tpu.vector_load %arg11[%swap3A_82, %swap3A_83] {strides = array<i32>} : memref<16x128xf32, #tpu.memory_space<vmem>>, vector<1x16xf32>,
    %swap3A_85 = vector.shape_cast %swap3A_84 : vector<1x16xf32> to vector<16xf32>
    %swap3A_86 = vector.shape_cast %broadcast_in_dim3A_80 : vector<16xf32> to vector<1x16xf32>
    tpu.vector_store %arg11[%swap3A_82, %swap3A_83], %swap3A_86 {strides = array<i32>} : memref<16x128xf32, #tpu.memory_space<vmem>>, vector<1x16xf32>,
    %broadcast_in_dim3A_87 = arith.constant 0.000000e+00 : f32
    %broadcast_in_dim3A_88 = vector.broadcast %broadcast_in_dim3A_87 : f32 to vector<16xf32>
    %swap3A_89 = arith.constant 1 : i32
    %swap3A_90 = arith.index_cast %swap3A_89 : i32 to index
    %swap3A_91 = arith.constant 48 : index
    %swap3A_92 = tpu.vector_load %arg11[%swap3A_90, %swap3A_91] {strides = array<i32>} : memref<16x128xf32, #tpu.memory_space<vmem>>, vector<1x16xf32>,
    %swap3A_93 = vector.shape_cast %swap3A_92 : vector<1x16xf32> to vector<16xf32>
    %swap3A_94 = vector.shape_cast %broadcast_in_dim3A_88 : vector<16xf32> to vector<1x16xf32>
    tpu.vector_store %arg11[%swap3A_90, %swap3A_91], %swap3A_94 {strides = array<i32>} : memref<16x128xf32, #tpu.memory_space<vmem>>, vector<1x16xf32>,
    %broadcast_in_dim3A_95 = arith.constant 0.000000e+00 : f32
    %broadcast_in_dim3A_96 = vector.broadcast %broadcast_in_dim3A_95 : f32 to vector<16xf32>
    %swap3A_97 = arith.constant 1 : i32
    %swap3A_98 = arith.index_cast %swap3A_97 : i32 to index
    %swap3A_99 = arith.constant 64 : index
    %swap3A_100 = tpu.vector_load %arg11[%swap3A_98, %swap3A_99] {strides = array<i32>} : memref<16x128xf32, #tpu.memory_space<vmem>>, vector<1x16xf32>,
    %swap3A_101 = vector.shape_cast %swap3A_100 : vector<1x16xf32> to vector<16xf32>
    %swap3A_102 = vector.shape_cast %broadcast_in_dim3A_96 : vector<16xf32> to vector<1x16xf32>
    tpu.vector_store %arg11[%swap3A_98, %swap3A_99], %swap3A_102 {strides = array<i32>} : memref<16x128xf32, #tpu.memory_space<vmem>>, vector<1x16xf32>,
    %broadcast_in_dim3A_103 = arith.constant 0.000000e+00 : f32
    %broadcast_in_dim3A_104 = vector.broadcast %broadcast_in_dim3A_103 : f32 to vector<16xf32>
    %swap3A_105 = arith.constant 1 : i32
    %swap3A_106 = arith.index_cast %swap3A_105 : i32 to index
    %swap3A_107 = arith.constant 80 : index
    %swap3A_108 = tpu.vector_load %arg11[%swap3A_106, %swap3A_107] {strides = array<i32>} : memref<16x128xf32, #tpu.memory_space<vmem>>, vector<1x16xf32>,
    %swap3A_109 = vector.shape_cast %swap3A_108 : vector<1x16xf32> to vector<16xf32>
    %swap3A_110 = vector.shape_cast %broadcast_in_dim3A_104 : vector<16xf32> to vector<1x16xf32>
    tpu.vector_store %arg11[%swap3A_106, %swap3A_107], %swap3A_110 {strides = array<i32>} : memref<16x128xf32, #tpu.memory_space<vmem>>, vector<1x16xf32>,
    %broadcast_in_dim3A_111 = arith.constant 0.000000e+00 : f32
    %broadcast_in_dim3A_112 = vector.broadcast %broadcast_in_dim3A_111 : f32 to vector<16xf32>
    %swap3A_113 = arith.constant 1 : i32
    %swap3A_114 = arith.index_cast %swap3A_113 : i32 to index
    %swap3A_115 = arith.constant 96 : index
    %swap3A_116 = tpu.vector_load %arg11[%swap3A_114, %swap3A_115] {strides = array<i32>} : memref<16x128xf32, #tpu.memory_space<vmem>>, vector<1x16xf32>,
    %swap3A_117 = vector.shape_cast %swap3A_116 : vector<1x16xf32> to vector<16xf32>
    %swap3A_118 = vector.shape_cast %broadcast_in_dim3A_112 : vector<16xf32> to vector<1x16xf32>
    tpu.vector_store %arg11[%swap3A_114, %swap3A_115], %swap3A_118 {strides = array<i32>} : memref<16x128xf32, #tpu.memory_space<vmem>>, vector<1x16xf32>,
    %broadcast_in_dim3A_119 = arith.constant 0.000000e+00 : f32
    %broadcast_in_dim3A_120 = vector.broadcast %broadcast_in_dim3A_119 : f32 to vector<16xf32>
    %swap3A_121 = arith.constant 1 : i32
    %swap3A_122 = arith.index_cast %swap3A_121 : i32 to index
    %swap3A_123 = arith.constant 112 : index
    %swap3A_124 = tpu.vector_load %arg11[%swap3A_122, %swap3A_123] {strides = array<i32>} : memref<16x128xf32, #tpu.memory_space<vmem>>, vector<1x16xf32>,
    %swap3A_125 = vector.shape_cast %swap3A_124 : vector<1x16xf32> to vector<16xf32>
    %swap3A_126 = vector.shape_cast %broadcast_in_dim3A_120 : vector<16xf32> to vector<1x16xf32>
    tpu.vector_store %arg11[%swap3A_122, %swap3A_123], %swap3A_126 {strides = array<i32>} : memref<16x128xf32, #tpu.memory_space<vmem>>, vector<1x16xf32>,
    %broadcast_in_dim3A_127 = arith.constant 0.000000e+00 : f32
    %broadcast_in_dim3A_128 = vector.broadcast %broadcast_in_dim3A_127 : f32 to vector<16xf32>
    %swap3A_129 = arith.constant 2 : i32
    %swap3A_130 = arith.index_cast %swap3A_129 : i32 to index
    %swap3A_131 = arith.constant 0 : index
    %swap3A_132 = tpu.vector_load %arg11[%swap3A_130, %swap3A_131] {strides = array<i32>} : memref<16x128xf32, #tpu.memory_space<vmem>>, vector<1x16xf32>,
    %swap3A_133 = vector.shape_cast %swap3A_132 : vector<1x16xf32> to vector<16xf32>
    %swap3A_134 = vector.shape_cast %broadcast_in_dim3A_128 : vector<16xf32> to vector<1x16xf32>
    tpu.vector_store %arg11[%swap3A_130, %swap3A_131], %swap3A_134 {strides = array<i32>} : memref<16x128xf32, #tpu.memory_space<vmem>>, vector<1x16xf32>,
    %broadcast_in_dim3A_135 = arith.constant 0.000000e+00 : f32
    %broadcast_in_dim3A_136 = vector.broadcast %broadcast_in_dim3A_135 : f32 to vector<16xf32>
    %swap3A_137 = arith.constant 2 : i32
    %swap3A_138 = arith.index_cast %swap3A_137 : i32 to index
    %swap3A_139 = arith.constant 16 : index
    %swap3A_140 = tpu.vector_load %arg11[%swap3A_138, %swap3A_139] {strides = array<i32>} : memref<16x128xf32, #tpu.memory_space<vmem>>, vector<1x16xf32>,
    %swap3A_141 = vector.shape_cast %swap3A_140 : vector<1x16xf32> to vector<16xf32>
    %swap3A_142 = vector.shape_cast %broadcast_in_dim3A_136 : vector<16xf32> to vector<1x16xf32>
    tpu.vector_store %arg11[%swap3A_138, %swap3A_139], %swap3A_142 {strides = array<i32>} : memref<16x128xf32, #tpu.memory_space<vmem>>, vector<1x16xf32>,
    %broadcast_in_dim3A_143 = arith.constant 0.000000e+00 : f32
    %broadcast_in_dim3A_144 = vector.broadcast %broadcast_in_dim3A_143 : f32 to vector<16xf32>
    %swap3A_145 = arith.constant 2 : i32
    %swap3A_146 = arith.index_cast %swap3A_145 : i32 to index
    %swap3A_147 = arith.constant 32 : index
    %swap3A_148 = tpu.vector_load %arg11[%swap3A_146, %swap3A_147] {strides = array<i32>} : memref<16x128xf32, #tpu.memory_space<vmem>>, vector<1x16xf32>,
    %swap3A_149 = vector.shape_cast %swap3A_148 : vector<1x16xf32> to vector<16xf32>
    %swap3A_150 = vector.shape_cast %broadcast_in_dim3A_144 : vector<16xf32> to vector<1x16xf32>
    tpu.vector_store %arg11[%swap3A_146, %swap3A_147], %swap3A_150 {strides = array<i32>} : memref<16x128xf32, #tpu.memory_space<vmem>>, vector<1x16xf32>,
    %broadcast_in_dim3A_151 = arith.constant 0.000000e+00 : f32
    %broadcast_in_dim3A_152 = vector.broadcast %broadcast_in_dim3A_151 : f32 to vector<16xf32>
    %swap3A_153 = arith.constant 2 : i32
    %swap3A_154 = arith.index_cast %swap3A_153 : i32 to index
    %swap3A_155 = arith.constant 48 : index
    %swap3A_156 = tpu.vector_load %arg11[%swap3A_154, %swap3A_155] {strides = array<i32>} : memref<16x128xf32, #tpu.memory_space<vmem>>, vector<1x16xf32>,
    %swap3A_157 = vector.shape_cast %swap3A_156 : vector<1x16xf32> to vector<16xf32>
    %swap3A_158 = vector.shape_cast %broadcast_in_dim3A_152 : vector<16xf32> to vector<1x16xf32>
    tpu.vector_store %arg11[%swap3A_154, %swap3A_155], %swap3A_158 {strides = array<i32>} : memref<16x128xf32, #tpu.memory_space<vmem>>, vector<1x16xf32>,
    %broadcast_in_dim3A_159 = arith.constant 0.000000e+00 : f32
    %broadcast_in_dim3A_160 = vector.broadcast %broadcast_in_dim3A_159 : f32 to vector<16xf32>
    %swap3A_161 = arith.constant 2 : i32
    %swap3A_162 = arith.index_cast %swap3A_161 : i32 to index
    %swap3A_163 = arith.constant 64 : index
    %swap3A_164 = tpu.vector_load %arg11[%swap3A_162, %swap3A_163] {strides = array<i32>} : memref<16x128xf32, #tpu.memory_space<vmem>>, vector<1x16xf32>,
    %swap3A_165 = vector.shape_cast %swap3A_164 : vector<1x16xf32> to vector<16xf32>
    %swap3A_166 = vector.shape_cast %broadcast_in_dim3A_160 : vector<16xf32> to vector<1x16xf32>
    tpu.vector_store %arg11[%swap3A_162, %swap3A_163], %swap3A_166 {strides = array<i32>} : memref<16x128xf32, #tpu.memory_space<vmem>>, vector<1x16xf32>,
    %broadcast_in_dim3A_167 = arith.constant 0.000000e+00 : f32
    %broadcast_in_dim3A_168 = vector.broadcast %broadcast_in_dim3A_167 : f32 to vector<16xf32>
    %swap3A_169 = arith.constant 2 : i32
    %swap3A_170 = arith.index_cast %swap3A_169 : i32 to index
    %swap3A_171 = arith.constant 80 : index
    %swap3A_172 = tpu.vector_load %arg11[%swap3A_170, %swap3A_171] {strides = array<i32>} : memref<16x128xf32, #tpu.memory_space<vmem>>, vector<1x16xf32>,
    %swap3A_173 = vector.shape_cast %swap3A_172 : vector<1x16xf32> to vector<16xf32>
    %swap3A_174 = vector.shape_cast %broadcast_in_dim3A_168 : vector<16xf32> to vector<1x16xf32>
    tpu.vector_store %arg11[%swap3A_170, %swap3A_171], %swap3A_174 {strides = array<i32>} : memref<16x128xf32, #tpu.memory_space<vmem>>, vector<1x16xf32>,
    %broadcast_in_dim3A_175 = arith.constant 0.000000e+00 : f32
    %broadcast_in_dim3A_176 = vector.broadcast %broadcast_in_dim3A_175 : f32 to vector<16xf32>
    %swap3A_177 = arith.constant 2 : i32
    %swap3A_178 = arith.index_cast %swap3A_177 : i32 to index
    %swap3A_179 = arith.constant 96 : index
    %swap3A_180 = tpu.vector_load %arg11[%swap3A_178, %swap3A_179] {strides = array<i32>} : memref<16x128xf32, #tpu.memory_space<vmem>>, vector<1x16xf32>,
    %swap3A_181 = vector.shape_cast %swap3A_180 : vector<1x16xf32> to vector<16xf32>
    %swap3A_182 = vector.shape_cast %broadcast_in_dim3A_176 : vector<16xf32> to vector<1x16xf32>
    tpu.vector_store %arg11[%swap3A_178, %swap3A_179], %swap3A_182 {strides = array<i32>} : memref<16x128xf32, #tpu.memory_space<vmem>>, vector<1x16xf32>,
    %broadcast_in_dim3A_183 = arith.constant 0.000000e+00 : f32
    %broadcast_in_dim3A_184 = vector.broadcast %broadcast_in_dim3A_183 : f32 to vector<16xf32>
    %swap3A_185 = arith.constant 2 : i32
    %swap3A_186 = arith.index_cast %swap3A_185 : i32 to index
    %swap3A_187 = arith.constant 112 : index
    %swap3A_188 = tpu.vector_load %arg11[%swap3A_186, %swap3A_187] {strides = array<i32>} : memref<16x128xf32, #tpu.memory_space<vmem>>, vector<1x16xf32>,
    %swap3A_189 = vector.shape_cast %swap3A_188 : vector<1x16xf32> to vector<16xf32>
    %swap3A_190 = vector.shape_cast %broadcast_in_dim3A_184 : vector<16xf32> to vector<1x16xf32>
    tpu.vector_store %arg11[%swap3A_186, %swap3A_187], %swap3A_190 {strides = array<i32>} : memref<16x128xf32, #tpu.memory_space<vmem>>, vector<1x16xf32>,
    %broadcast_in_dim3A_191 = arith.constant 0.000000e+00 : f32
    %broadcast_in_dim3A_192 = vector.broadcast %broadcast_in_dim3A_191 : f32 to vector<16xf32>
    %swap3A_193 = arith.constant 3 : i32
    %swap3A_194 = arith.index_cast %swap3A_193 : i32 to index
    %swap3A_195 = arith.constant 0 : index
    %swap3A_196 = tpu.vector_load %arg11[%swap3A_194, %swap3A_195] {strides = array<i32>} : memref<16x128xf32, #tpu.memory_space<vmem>>, vector<1x16xf32>,
    %swap3A_197 = vector.shape_cast %swap3A_196 : vector<1x16xf32> to vector<16xf32>
    %swap3A_198 = vector.shape_cast %broadcast_in_dim3A_192 : vector<16xf32> to vector<1x16xf32>
    tpu.vector_store %arg11[%swap3A_194, %swap3A_195], %swap3A_198 {strides = array<i32>} : memref<16x128xf32, #tpu.memory_space<vmem>>, vector<1x16xf32>,
    %broadcast_in_dim3A_199 = arith.constant 0.000000e+00 : f32
    %broadcast_in_dim3A_200 = vector.broadcast %broadcast_in_dim3A_199 : f32 to vector<16xf32>
    %swap3A_201 = arith.constant 3 : i32
    %swap3A_202 = arith.index_cast %swap3A_201 : i32 to index
    %swap3A_203 = arith.constant 16 : index
    %swap3A_204 = tpu.vector_load %arg11[%swap3A_202, %swap3A_203] {strides = array<i32>} : memref<16x128xf32, #tpu.memory_space<vmem>>, vector<1x16xf32>,
    %swap3A_205 = vector.shape_cast %swap3A_204 : vector<1x16xf32> to vector<16xf32>
    %swap3A_206 = vector.shape_cast %broadcast_in_dim3A_200 : vector<16xf32> to vector<1x16xf32>
    tpu.vector_store %arg11[%swap3A_202, %swap3A_203], %swap3A_206 {strides = array<i32>} : memref<16x128xf32, #tpu.memory_space<vmem>>, vector<1x16xf32>,
    %broadcast_in_dim3A_207 = arith.constant 0.000000e+00 : f32
    %broadcast_in_dim3A_208 = vector.broadcast %broadcast_in_dim3A_207 : f32 to vector<16xf32>
    %swap3A_209 = arith.constant 3 : i32
    %swap3A_210 = arith.index_cast %swap3A_209 : i32 to index
    %swap3A_211 = arith.constant 32 : index
    %swap3A_212 = tpu.vector_load %arg11[%swap3A_210, %swap3A_211] {strides = array<i32>} : memref<16x128xf32, #tpu.memory_space<vmem>>, vector<1x16xf32>,
    %swap3A_213 = vector.shape_cast %swap3A_212 : vector<1x16xf32> to vector<16xf32>
    %swap3A_214 = vector.shape_cast %broadcast_in_dim3A_208 : vector<16xf32> to vector<1x16xf32>
    tpu.vector_store %arg11[%swap3A_210, %swap3A_211], %swap3A_214 {strides = array<i32>} : memref<16x128xf32, #tpu.memory_space<vmem>>, vector<1x16xf32>,
    %broadcast_in_dim3A_215 = arith.constant 0.000000e+00 : f32
    %broadcast_in_dim3A_216 = vector.broadcast %broadcast_in_dim3A_215 : f32 to vector<16xf32>
    %swap3A_217 = arith.constant 3 : i32
    %swap3A_218 = arith.index_cast %swap3A_217 : i32 to index
    %swap3A_219 = arith.constant 48 : index
    %swap3A_220 = tpu.vector_load %arg11[%swap3A_218, %swap3A_219] {strides = array<i32>} : memref<16x128xf32, #tpu.memory_space<vmem>>, vector<1x16xf32>,
    %swap3A_221 = vector.shape_cast %swap3A_220 : vector<1x16xf32> to vector<16xf32>
    %swap3A_222 = vector.shape_cast %broadcast_in_dim3A_216 : vector<16xf32> to vector<1x16xf32>
    tpu.vector_store %arg11[%swap3A_218, %swap3A_219], %swap3A_222 {strides = array<i32>} : memref<16x128xf32, #tpu.memory_space<vmem>>, vector<1x16xf32>,
    %broadcast_in_dim3A_223 = arith.constant 0.000000e+00 : f32
    %broadcast_in_dim3A_224 = vector.broadcast %broadcast_in_dim3A_223 : f32 to vector<16xf32>
    %swap3A_225 = arith.constant 3 : i32
    %swap3A_226 = arith.index_cast %swap3A_225 : i32 to index
    %swap3A_227 = arith.constant 64 : index
    %swap3A_228 = tpu.vector_load %arg11[%swap3A_226, %swap3A_227] {strides = array<i32>} : memref<16x128xf32, #tpu.memory_space<vmem>>, vector<1x16xf32>,
    %swap3A_229 = vector.shape_cast %swap3A_228 : vector<1x16xf32> to vector<16xf32>
    %swap3A_230 = vector.shape_cast %broadcast_in_dim3A_224 : vector<16xf32> to vector<1x16xf32>
    tpu.vector_store %arg11[%swap3A_226, %swap3A_227], %swap3A_230 {strides = array<i32>} : memref<16x128xf32, #tpu.memory_space<vmem>>, vector<1x16xf32>,
    %broadcast_in_dim3A_231 = arith.constant 0.000000e+00 : f32
    %broadcast_in_dim3A_232 = vector.broadcast %broadcast_in_dim3A_231 : f32 to vector<16xf32>
    %swap3A_233 = arith.constant 3 : i32
    %swap3A_234 = arith.index_cast %swap3A_233 : i32 to index
    %swap3A_235 = arith.constant 80 : index
    %swap3A_236 = tpu.vector_load %arg11[%swap3A_234, %swap3A_235] {strides = array<i32>} : memref<16x128xf32, #tpu.memory_space<vmem>>, vector<1x16xf32>,
    %swap3A_237 = vector.shape_cast %swap3A_236 : vector<1x16xf32> to vector<16xf32>
    %swap3A_238 = vector.shape_cast %broadcast_in_dim3A_232 : vector<16xf32> to vector<1x16xf32>
    tpu.vector_store %arg11[%swap3A_234, %swap3A_235], %swap3A_238 {strides = array<i32>} : memref<16x128xf32, #tpu.memory_space<vmem>>, vector<1x16xf32>,
    %broadcast_in_dim3A_239 = arith.constant 0.000000e+00 : f32
    %broadcast_in_dim3A_240 = vector.broadcast %broadcast_in_dim3A_239 : f32 to vector<16xf32>
    %swap3A_241 = arith.constant 3 : i32
    %swap3A_242 = arith.index_cast %swap3A_241 : i32 to index
    %swap3A_243 = arith.constant 96 : index
    %swap3A_244 = tpu.vector_load %arg11[%swap3A_242, %swap3A_243] {strides = array<i32>} : memref<16x128xf32, #tpu.memory_space<vmem>>, vector<1x16xf32>,
    %swap3A_245 = vector.shape_cast %swap3A_244 : vector<1x16xf32> to vector<16xf32>
    %swap3A_246 = vector.shape_cast %broadcast_in_dim3A_240 : vector<16xf32> to vector<1x16xf32>
    tpu.vector_store %arg11[%swap3A_242, %swap3A_243], %swap3A_246 {strides = array<i32>} : memref<16x128xf32, #tpu.memory_space<vmem>>, vector<1x16xf32>,
    %broadcast_in_dim3A_247 = arith.constant 0.000000e+00 : f32
    %broadcast_in_dim3A_248 = vector.broadcast %broadcast_in_dim3A_247 : f32 to vector<16xf32>
    %swap3A_249 = arith.constant 3 : i32
    %swap3A_250 = arith.index_cast %swap3A_249 : i32 to index
    %swap3A_251 = arith.constant 112 : index
    %swap3A_252 = tpu.vector_load %arg11[%swap3A_250, %swap3A_251] {strides = array<i32>} : memref<16x128xf32, #tpu.memory_space<vmem>>, vector<1x16xf32>,
    %swap3A_253 = vector.shape_cast %swap3A_252 : vector<1x16xf32> to vector<16xf32>
    %swap3A_254 = vector.shape_cast %broadcast_in_dim3A_248 : vector<16xf32> to vector<1x16xf32>
    tpu.vector_store %arg11[%swap3A_250, %swap3A_251], %swap3A_254 {strides = array<i32>} : memref<16x128xf32, #tpu.memory_space<vmem>>, vector<1x16xf32>,
    %broadcast_in_dim3A_255 = arith.constant 0.000000e+00 : f32
    %broadcast_in_dim3A_256 = vector.broadcast %broadcast_in_dim3A_255 : f32 to vector<16xf32>
    %swap3A_257 = arith.constant 4 : i32
    %swap3A_258 = arith.index_cast %swap3A_257 : i32 to index
    %swap3A_259 = arith.constant 0 : index
    %swap3A_260 = tpu.vector_load %arg11[%swap3A_258, %swap3A_259] {strides = array<i32>} : memref<16x128xf32, #tpu.memory_space<vmem>>, vector<1x16xf32>,
    %swap3A_261 = vector.shape_cast %swap3A_260 : vector<1x16xf32> to vector<16xf32>
    %swap3A_262 = vector.shape_cast %broadcast_in_dim3A_256 : vector<16xf32> to vector<1x16xf32>
    tpu.vector_store %arg11[%swap3A_258, %swap3A_259], %swap3A_262 {strides = array<i32>} : memref<16x128xf32, #tpu.memory_space<vmem>>, vector<1x16xf32>,
    %broadcast_in_dim3A_263 = arith.constant 0.000000e+00 : f32
    %broadcast_in_dim3A_264 = vector.broadcast %broadcast_in_dim3A_263 : f32 to vector<16xf32>
    %swap3A_265 = arith.constant 4 : i32
    %swap3A_266 = arith.index_cast %swap3A_265 : i32 to index
    %swap3A_267 = arith.constant 16 : index
    %swap3A_268 = tpu.vector_load %arg11[%swap3A_266, %swap3A_267] {strides = array<i32>} : memref<16x128xf32, #tpu.memory_space<vmem>>, vector<1x16xf32>,
    %swap3A_269 = vector.shape_cast %swap3A_268 : vector<1x16xf32> to vector<16xf32>
    %swap3A_270 = vector.shape_cast %broadcast_in_dim3A_264 : vector<16xf32> to vector<1x16xf32>
    tpu.vector_store %arg11[%swap3A_266, %swap3A_267], %swap3A_270 {strides = array<i32>} : memref<16x128xf32, #tpu.memory_space<vmem>>, vector<1x16xf32>,
    %broadcast_in_dim3A_271 = arith.constant 0.000000e+00 : f32
    %broadcast_in_dim3A_272 = vector.broadcast %broadcast_in_dim3A_271 : f32 to vector<16xf32>
    %swap3A_273 = arith.constant 4 : i32
    %swap3A_274 = arith.index_cast %swap3A_273 : i32 to index
    %swap3A_275 = arith.constant 32 : index
    %swap3A_276 = tpu.vector_load %arg11[%swap3A_274, %swap3A_275] {strides = array<i32>} : memref<16x128xf32, #tpu.memory_space<vmem>>, vector<1x16xf32>,
    %swap3A_277 = vector.shape_cast %swap3A_276 : vector<1x16xf32> to vector<16xf32>
    %swap3A_278 = vector.shape_cast %broadcast_in_dim3A_272 : vector<16xf32> to vector<1x16xf32>
    tpu.vector_store %arg11[%swap3A_274, %swap3A_275], %swap3A_278 {strides = array<i32>} : memref<16x128xf32, #tpu.memory_space<vmem>>, vector<1x16xf32>,
    %broadcast_in_dim3A_279 = arith.constant 0.000000e+00 : f32
    %broadcast_in_dim3A_280 = vector.broadcast %broadcast_in_dim3A_279 : f32 to vector<16xf32>
    %swap3A_281 = arith.constant 4 : i32
    %swap3A_282 = arith.index_cast %swap3A_281 : i32 to index
    %swap3A_283 = arith.constant 48 : index
    %swap3A_284 = tpu.vector_load %arg11[%swap3A_282, %swap3A_283] {strides = array<i32>} : memref<16x128xf32, #tpu.memory_space<vmem>>, vector<1x16xf32>,
    %swap3A_285 = vector.shape_cast %swap3A_284 : vector<1x16xf32> to vector<16xf32>
    %swap3A_286 = vector.shape_cast %broadcast_in_dim3A_280 : vector<16xf32> to vector<1x16xf32>
    tpu.vector_store %arg11[%swap3A_282, %swap3A_283], %swap3A_286 {strides = array<i32>} : memref<16x128xf32, #tpu.memory_space<vmem>>, vector<1x16xf32>,
    %broadcast_in_dim3A_287 = arith.constant 0.000000e+00 : f32
    %broadcast_in_dim3A_288 = vector.broadcast %broadcast_in_dim3A_287 : f32 to vector<16xf32>
    %swap3A_289 = arith.constant 4 : i32
    %swap3A_290 = arith.index_cast %swap3A_289 : i32 to index
    %swap3A_291 = arith.constant 64 : index
    %swap3A_292 = tpu.vector_load %arg11[%swap3A_290, %swap3A_291] {strides = array<i32>} : memref<16x128xf32, #tpu.memory_space<vmem>>, vector<1x16xf32>,
    %swap3A_293 = vector.shape_cast %swap3A_292 : vector<1x16xf32> to vector<16xf32>
    %swap3A_294 = vector.shape_cast %broadcast_in_dim3A_288 : vector<16xf32> to vector<1x16xf32>
    tpu.vector_store %arg11[%swap3A_290, %swap3A_291], %swap3A_294 {strides = array<i32>} : memref<16x128xf32, #tpu.memory_space<vmem>>, vector<1x16xf32>,
    %broadcast_in_dim3A_295 = arith.constant 0.000000e+00 : f32
    %broadcast_in_dim3A_296 = vector.broadcast %broadcast_in_dim3A_295 : f32 to vector<16xf32>
    %swap3A_297 = arith.constant 4 : i32
    %swap3A_298 = arith.index_cast %swap3A_297 : i32 to index
    %swap3A_299 = arith.constant 80 : index
    %swap3A_300 = tpu.vector_load %arg11[%swap3A_298, %swap3A_299] {strides = array<i32>} : memref<16x128xf32, #tpu.memory_space<vmem>>, vector<1x16xf32>,
    %swap3A_301 = vector.shape_cast %swap3A_300 : vector<1x16xf32> to vector<16xf32>
    %swap3A_302 = vector.shape_cast %broadcast_in_dim3A_296 : vector<16xf32> to vector<1x16xf32>
    tpu.vector_store %arg11[%swap3A_298, %swap3A_299], %swap3A_302 {strides = array<i32>} : memref<16x128xf32, #tpu.memory_space<vmem>>, vector<1x16xf32>,
    %broadcast_in_dim3A_303 = arith.constant 0.000000e+00 : f32
    %broadcast_in_dim3A_304 = vector.broadcast %broadcast_in_dim3A_303 : f32 to vector<16xf32>
    %swap3A_305 = arith.constant 4 : i32
    %swap3A_306 = arith.index_cast %swap3A_305 : i32 to index
    %swap3A_307 = arith.constant 96 : index
    %swap3A_308 = tpu.vector_load %arg11[%swap3A_306, %swap3A_307] {strides = array<i32>} : memref<16x128xf32, #tpu.memory_space<vmem>>, vector<1x16xf32>,
    %swap3A_309 = vector.shape_cast %swap3A_308 : vector<1x16xf32> to vector<16xf32>
    %swap3A_310 = vector.shape_cast %broadcast_in_dim3A_304 : vector<16xf32> to vector<1x16xf32>
    tpu.vector_store %arg11[%swap3A_306, %swap3A_307], %swap3A_310 {strides = array<i32>} : memref<16x128xf32, #tpu.memory_space<vmem>>, vector<1x16xf32>,
    %broadcast_in_dim3A_311 = arith.constant 0.000000e+00 : f32
    %broadcast_in_dim3A_312 = vector.broadcast %broadcast_in_dim3A_311 : f32 to vector<16xf32>
    %swap3A_313 = arith.constant 4 : i32
    %swap3A_314 = arith.index_cast %swap3A_313 : i32 to index
    %swap3A_315 = arith.constant 112 : index
    %swap3A_316 = tpu.vector_load %arg11[%swap3A_314, %swap3A_315] {strides = array<i32>} : memref<16x128xf32, #tpu.memory_space<vmem>>, vector<1x16xf32>,
    %swap3A_317 = vector.shape_cast %swap3A_316 : vector<1x16xf32> to vector<16xf32>
    %swap3A_318 = vector.shape_cast %broadcast_in_dim3A_312 : vector<16xf32> to vector<1x16xf32>
    tpu.vector_store %arg11[%swap3A_314, %swap3A_315], %swap3A_318 {strides = array<i32>} : memref<16x128xf32, #tpu.memory_space<vmem>>, vector<1x16xf32>,
    %broadcast_in_dim3A_319 = arith.constant 0.000000e+00 : f32
    %broadcast_in_dim3A_320 = vector.broadcast %broadcast_in_dim3A_319 : f32 to vector<16xf32>
    %swap3A_321 = arith.constant 5 : i32
    %swap3A_322 = arith.index_cast %swap3A_321 : i32 to index
    %swap3A_323 = arith.constant 0 : index
    %swap3A_324 = tpu.vector_load %arg11[%swap3A_322, %swap3A_323] {strides = array<i32>} : memref<16x128xf32, #tpu.memory_space<vmem>>, vector<1x16xf32>,
    %swap3A_325 = vector.shape_cast %swap3A_324 : vector<1x16xf32> to vector<16xf32>
    %swap3A_326 = vector.shape_cast %broadcast_in_dim3A_320 : vector<16xf32> to vector<1x16xf32>
    tpu.vector_store %arg11[%swap3A_322, %swap3A_323], %swap3A_326 {strides = array<i32>} : memref<16x128xf32, #tpu.memory_space<vmem>>, vector<1x16xf32>,
    %broadcast_in_dim3A_327 = arith.constant 0.000000e+00 : f32
    %broadcast_in_dim3A_328 = vector.broadcast %broadcast_in_dim3A_327 : f32 to vector<16xf32>
    %swap3A_329 = arith.constant 5 : i32
    %swap3A_330 = arith.index_cast %swap3A_329 : i32 to index
    %swap3A_331 = arith.constant 16 : index
    %swap3A_332 = tpu.vector_load %arg11[%swap3A_330, %swap3A_331] {strides = array<i32>} : memref<16x128xf32, #tpu.memory_space<vmem>>, vector<1x16xf32>,
    %swap3A_333 = vector.shape_cast %swap3A_332 : vector<1x16xf32> to vector<16xf32>
    %swap3A_334 = vector.shape_cast %broadcast_in_dim3A_328 : vector<16xf32> to vector<1x16xf32>
    tpu.vector_store %arg11[%swap3A_330, %swap3A_331], %swap3A_334 {strides = array<i32>} : memref<16x128xf32, #tpu.memory_space<vmem>>, vector<1x16xf32>,
    %broadcast_in_dim3A_335 = arith.constant 0.000000e+00 : f32
    %broadcast_in_dim3A_336 = vector.broadcast %broadcast_in_dim3A_335 : f32 to vector<16xf32>
    %swap3A_337 = arith.constant 5 : i32
    %swap3A_338 = arith.index_cast %swap3A_337 : i32 to index
    %swap3A_339 = arith.constant 32 : index
    %swap3A_340 = tpu.vector_load %arg11[%swap3A_338, %swap3A_339] {strides = array<i32>} : memref<16x128xf32, #tpu.memory_space<vmem>>, vector<1x16xf32>,
    %swap3A_341 = vector.shape_cast %swap3A_340 : vector<1x16xf32> to vector<16xf32>
    %swap3A_342 = vector.shape_cast %broadcast_in_dim3A_336 : vector<16xf32> to vector<1x16xf32>
    tpu.vector_store %arg11[%swap3A_338, %swap3A_339], %swap3A_342 {strides = array<i32>} : memref<16x128xf32, #tpu.memory_space<vmem>>, vector<1x16xf32>,
    %broadcast_in_dim3A_343 = arith.constant 0.000000e+00 : f32
    %broadcast_in_dim3A_344 = vector.broadcast %broadcast_in_dim3A_343 : f32 to vector<16xf32>
    %swap3A_345 = arith.constant 5 : i32
    %swap3A_346 = arith.index_cast %swap3A_345 : i32 to index
    %swap3A_347 = arith.constant 48 : index
    %swap3A_348 = tpu.vector_load %arg11[%swap3A_346, %swap3A_347] {strides = array<i32>} : memref<16x128xf32, #tpu.memory_space<vmem>>, vector<1x16xf32>,
    %swap3A_349 = vector.shape_cast %swap3A_348 : vector<1x16xf32> to vector<16xf32>
    %swap3A_350 = vector.shape_cast %broadcast_in_dim3A_344 : vector<16xf32> to vector<1x16xf32>
    tpu.vector_store %arg11[%swap3A_346, %swap3A_347], %swap3A_350 {strides = array<i32>} : memref<16x128xf32, #tpu.memory_space<vmem>>, vector<1x16xf32>,
    %broadcast_in_dim3A_351 = arith.constant 0.000000e+00 : f32
    %broadcast_in_dim3A_352 = vector.broadcast %broadcast_in_dim3A_351 : f32 to vector<16xf32>
    %swap3A_353 = arith.constant 5 : i32
    %swap3A_354 = arith.index_cast %swap3A_353 : i32 to index
    %swap3A_355 = arith.constant 64 : index
    %swap3A_356 = tpu.vector_load %arg11[%swap3A_354, %swap3A_355] {strides = array<i32>} : memref<16x128xf32, #tpu.memory_space<vmem>>, vector<1x16xf32>,
    %swap3A_357 = vector.shape_cast %swap3A_356 : vector<1x16xf32> to vector<16xf32>
    %swap3A_358 = vector.shape_cast %broadcast_in_dim3A_352 : vector<16xf32> to vector<1x16xf32>
    tpu.vector_store %arg11[%swap3A_354, %swap3A_355], %swap3A_358 {strides = array<i32>} : memref<16x128xf32, #tpu.memory_space<vmem>>, vector<1x16xf32>,
    %broadcast_in_dim3A_359 = arith.constant 0.000000e+00 : f32
    %broadcast_in_dim3A_360 = vector.broadcast %broadcast_in_dim3A_359 : f32 to vector<16xf32>
    %swap3A_361 = arith.constant 5 : i32
    %swap3A_362 = arith.index_cast %swap3A_361 : i32 to index
    %swap3A_363 = arith.constant 80 : index
    %swap3A_364 = tpu.vector_load %arg11[%swap3A_362, %swap3A_363] {strides = array<i32>} : memref<16x128xf32, #tpu.memory_space<vmem>>, vector<1x16xf32>,
    %swap3A_365 = vector.shape_cast %swap3A_364 : vector<1x16xf32> to vector<16xf32>
    %swap3A_366 = vector.shape_cast %broadcast_in_dim3A_360 : vector<16xf32> to vector<1x16xf32>
    tpu.vector_store %arg11[%swap3A_362, %swap3A_363], %swap3A_366 {strides = array<i32>} : memref<16x128xf32, #tpu.memory_space<vmem>>, vector<1x16xf32>,
    %broadcast_in_dim3A_367 = arith.constant 0.000000e+00 : f32
    %broadcast_in_dim3A_368 = vector.broadcast %broadcast_in_dim3A_367 : f32 to vector<16xf32>
    %swap3A_369 = arith.constant 5 : i32
    %swap3A_370 = arith.index_cast %swap3A_369 : i32 to index
    %swap3A_371 = arith.constant 96 : index
    %swap3A_372 = tpu.vector_load %arg11[%swap3A_370, %swap3A_371] {strides = array<i32>} : memref<16x128xf32, #tpu.memory_space<vmem>>, vector<1x16xf32>,
    %swap3A_373 = vector.shape_cast %swap3A_372 : vector<1x16xf32> to vector<16xf32>
    %swap3A_374 = vector.shape_cast %broadcast_in_dim3A_368 : vector<16xf32> to vector<1x16xf32>
    tpu.vector_store %arg11[%swap3A_370, %swap3A_371], %swap3A_374 {strides = array<i32>} : memref<16x128xf32, #tpu.memory_space<vmem>>, vector<1x16xf32>,
    %broadcast_in_dim3A_375 = arith.constant 0.000000e+00 : f32
    %broadcast_in_dim3A_376 = vector.broadcast %broadcast_in_dim3A_375 : f32 to vector<16xf32>
    %swap3A_377 = arith.constant 5 : i32
    %swap3A_378 = arith.index_cast %swap3A_377 : i32 to index
    %swap3A_379 = arith.constant 112 : index
    %swap3A_380 = tpu.vector_load %arg11[%swap3A_378, %swap3A_379] {strides = array<i32>} : memref<16x128xf32, #tpu.memory_space<vmem>>, vector<1x16xf32>,
    %swap3A_381 = vector.shape_cast %swap3A_380 : vector<1x16xf32> to vector<16xf32>
    %swap3A_382 = vector.shape_cast %broadcast_in_dim3A_376 : vector<16xf32> to vector<1x16xf32>
    tpu.vector_store %arg11[%swap3A_378, %swap3A_379], %swap3A_382 {strides = array<i32>} : memref<16x128xf32, #tpu.memory_space<vmem>>, vector<1x16xf32>,
    %broadcast_in_dim3A_383 = arith.constant 0.000000e+00 : f32
    %broadcast_in_dim3A_384 = vector.broadcast %broadcast_in_dim3A_383 : f32 to vector<16xf32>
    %swap3A_385 = arith.constant 6 : i32
    %swap3A_386 = arith.index_cast %swap3A_385 : i32 to index
    %swap3A_387 = arith.constant 0 : index
    %swap3A_388 = tpu.vector_load %arg11[%swap3A_386, %swap3A_387] {strides = array<i32>} : memref<16x128xf32, #tpu.memory_space<vmem>>, vector<1x16xf32>,
    %swap3A_389 = vector.shape_cast %swap3A_388 : vector<1x16xf32> to vector<16xf32>
    %swap3A_390 = vector.shape_cast %broadcast_in_dim3A_384 : vector<16xf32> to vector<1x16xf32>
    tpu.vector_store %arg11[%swap3A_386, %swap3A_387], %swap3A_390 {strides = array<i32>} : memref<16x128xf32, #tpu.memory_space<vmem>>, vector<1x16xf32>,
    %broadcast_in_dim3A_391 = arith.constant 0.000000e+00 : f32
    %broadcast_in_dim3A_392 = vector.broadcast %broadcast_in_dim3A_391 : f32 to vector<16xf32>
    %swap3A_393 = arith.constant 6 : i32
    %swap3A_394 = arith.index_cast %swap3A_393 : i32 to index
    %swap3A_395 = arith.constant 16 : index
    %swap3A_396 = tpu.vector_load %arg11[%swap3A_394, %swap3A_395] {strides = array<i32>} : memref<16x128xf32, #tpu.memory_space<vmem>>, vector<1x16xf32>,
    %swap3A_397 = vector.shape_cast %swap3A_396 : vector<1x16xf32> to vector<16xf32>
    %swap3A_398 = vector.shape_cast %broadcast_in_dim3A_392 : vector<16xf32> to vector<1x16xf32>
    tpu.vector_store %arg11[%swap3A_394, %swap3A_395], %swap3A_398 {strides = array<i32>} : memref<16x128xf32, #tpu.memory_space<vmem>>, vector<1x16xf32>,
    %broadcast_in_dim3A_399 = arith.constant 0.000000e+00 : f32
    %broadcast_in_dim3A_400 = vector.broadcast %broadcast_in_dim3A_399 : f32 to vector<16xf32>
    %swap3A_401 = arith.constant 6 : i32
    %swap3A_402 = arith.index_cast %swap3A_401 : i32 to index
    %swap3A_403 = arith.constant 32 : index
    %swap3A_404 = tpu.vector_load %arg11[%swap3A_402, %swap3A_403] {strides = array<i32>} : memref<16x128xf32, #tpu.memory_space<vmem>>, vector<1x16xf32>,
    %swap3A_405 = vector.shape_cast %swap3A_404 : vector<1x16xf32> to vector<16xf32>
    %swap3A_406 = vector.shape_cast %broadcast_in_dim3A_400 : vector<16xf32> to vector<1x16xf32>
    tpu.vector_store %arg11[%swap3A_402, %swap3A_403], %swap3A_406 {strides = array<i32>} : memref<16x128xf32, #tpu.memory_space<vmem>>, vector<1x16xf32>,
    %broadcast_in_dim3A_407 = arith.constant 0.000000e+00 : f32
    %broadcast_in_dim3A_408 = vector.broadcast %broadcast_in_dim3A_407 : f32 to vector<16xf32>
    %swap3A_409 = arith.constant 6 : i32
    %swap3A_410 = arith.index_cast %swap3A_409 : i32 to index
    %swap3A_411 = arith.constant 48 : index
    %swap3A_412 = tpu.vector_load %arg11[%swap3A_410, %swap3A_411] {strides = array<i32>} : memref<16x128xf32, #tpu.memory_space<vmem>>, vector<1x16xf32>,
    %swap3A_413 = vector.shape_cast %swap3A_412 : vector<1x16xf32> to vector<16xf32>
    %swap3A_414 = vector.shape_cast %broadcast_in_dim3A_408 : vector<16xf32> to vector<1x16xf32>
    tpu.vector_store %arg11[%swap3A_410, %swap3A_411], %swap3A_414 {strides = array<i32>} : memref<16x128xf32, #tpu.memory_space<vmem>>, vector<1x16xf32>,
    %broadcast_in_dim3A_415 = arith.constant 0.000000e+00 : f32
    %broadcast_in_dim3A_416 = vector.broadcast %broadcast_in_dim3A_415 : f32 to vector<16xf32>
    %swap3A_417 = arith.constant 6 : i32
    %swap3A_418 = arith.index_cast %swap3A_417 : i32 to index
    %swap3A_419 = arith.constant 64 : index
    %swap3A_420 = tpu.vector_load %arg11[%swap3A_418, %swap3A_419] {strides = array<i32>} : memref<16x128xf32, #tpu.memory_space<vmem>>, vector<1x16xf32>,
    %swap3A_421 = vector.shape_cast %swap3A_420 : vector<1x16xf32> to vector<16xf32>
    %swap3A_422 = vector.shape_cast %broadcast_in_dim3A_416 : vector<16xf32> to vector<1x16xf32>
    tpu.vector_store %arg11[%swap3A_418, %swap3A_419], %swap3A_422 {strides = array<i32>} : memref<16x128xf32, #tpu.memory_space<vmem>>, vector<1x16xf32>,
    %broadcast_in_dim3A_423 = arith.constant 0.000000e+00 : f32
    %broadcast_in_dim3A_424 = vector.broadcast %broadcast_in_dim3A_423 : f32 to vector<16xf32>
    %swap3A_425 = arith.constant 6 : i32
    %swap3A_426 = arith.index_cast %swap3A_425 : i32 to index
    %swap3A_427 = arith.constant 80 : index
    %swap3A_428 = tpu.vector_load %arg11[%swap3A_426, %swap3A_427] {strides = array<i32>} : memref<16x128xf32, #tpu.memory_space<vmem>>, vector<1x16xf32>,
    %swap3A_429 = vector.shape_cast %swap3A_428 : vector<1x16xf32> to vector<16xf32>
    %swap3A_430 = vector.shape_cast %broadcast_in_dim3A_424 : vector<16xf32> to vector<1x16xf32>
    tpu.vector_store %arg11[%swap3A_426, %swap3A_427], %swap3A_430 {strides = array<i32>} : memref<16x128xf32, #tpu.memory_space<vmem>>, vector<1x16xf32>,
    %broadcast_in_dim3A_431 = arith.constant 0.000000e+00 : f32
    %broadcast_in_dim3A_432 = vector.broadcast %broadcast_in_dim3A_431 : f32 to vector<16xf32>
    %swap3A_433 = arith.constant 6 : i32
    %swap3A_434 = arith.index_cast %swap3A_433 : i32 to index
    %swap3A_435 = arith.constant 96 : index
    %swap3A_436 = tpu.vector_load %arg11[%swap3A_434, %swap3A_435] {strides = array<i32>} : memref<16x128xf32, #tpu.memory_space<vmem>>, vector<1x16xf32>,
    %swap3A_437 = vector.shape_cast %swap3A_436 : vector<1x16xf32> to vector<16xf32>
    %swap3A_438 = vector.shape_cast %broadcast_in_dim3A_432 : vector<16xf32> to vector<1x16xf32>
    tpu.vector_store %arg11[%swap3A_434, %swap3A_435], %swap3A_438 {strides = array<i32>} : memref<16x128xf32, #tpu.memory_space<vmem>>, vector<1x16xf32>,
    %broadcast_in_dim3A_439 = arith.constant 0.000000e+00 : f32
    %broadcast_in_dim3A_440 = vector.broadcast %broadcast_in_dim3A_439 : f32 to vector<16xf32>
    %swap3A_441 = arith.constant 6 : i32
    %swap3A_442 = arith.index_cast %swap3A_441 : i32 to index
    %swap3A_443 = arith.constant 112 : index
    %swap3A_444 = tpu.vector_load %arg11[%swap3A_442, %swap3A_443] {strides = array<i32>} : memref<16x128xf32, #tpu.memory_space<vmem>>, vector<1x16xf32>,
    %swap3A_445 = vector.shape_cast %swap3A_444 : vector<1x16xf32> to vector<16xf32>
    %swap3A_446 = vector.shape_cast %broadcast_in_dim3A_440 : vector<16xf32> to vector<1x16xf32>
    tpu.vector_store %arg11[%swap3A_442, %swap3A_443], %swap3A_446 {strides = array<i32>} : memref<16x128xf32, #tpu.memory_space<vmem>>, vector<1x16xf32>,
    %broadcast_in_dim3A_447 = arith.constant 0.000000e+00 : f32
    %broadcast_in_dim3A_448 = vector.broadcast %broadcast_in_dim3A_447 : f32 to vector<16xf32>
    %swap3A_449 = arith.constant 7 : i32
    %swap3A_450 = arith.index_cast %swap3A_449 : i32 to index
    %swap3A_451 = arith.constant 0 : index
    %swap3A_452 = tpu.vector_load %arg11[%swap3A_450, %swap3A_451] {strides = array<i32>} : memref<16x128xf32, #tpu.memory_space<vmem>>, vector<1x16xf32>,
    %swap3A_453 = vector.shape_cast %swap3A_452 : vector<1x16xf32> to vector<16xf32>
    %swap3A_454 = vector.shape_cast %broadcast_in_dim3A_448 : vector<16xf32> to vector<1x16xf32>
    tpu.vector_store %arg11[%swap3A_450, %swap3A_451], %swap3A_454 {strides = array<i32>} : memref<16x128xf32, #tpu.memory_space<vmem>>, vector<1x16xf32>,
    %broadcast_in_dim3A_455 = arith.constant 0.000000e+00 : f32
    %broadcast_in_dim3A_456 = vector.broadcast %broadcast_in_dim3A_455 : f32 to vector<16xf32>
    %swap3A_457 = arith.constant 7 : i32
    %swap3A_458 = arith.index_cast %swap3A_457 : i32 to index
    %swap3A_459 = arith.constant 16 : index
    %swap3A_460 = tpu.vector_load %arg11[%swap3A_458, %swap3A_459] {strides = array<i32>} : memref<16x128xf32, #tpu.memory_space<vmem>>, vector<1x16xf32>,
    %swap3A_461 = vector.shape_cast %swap3A_460 : vector<1x16xf32> to vector<16xf32>
    %swap3A_462 = vector.shape_cast %broadcast_in_dim3A_456 : vector<16xf32> to vector<1x16xf32>
    tpu.vector_store %arg11[%swap3A_458, %swap3A_459], %swap3A_462 {strides = array<i32>} : memref<16x128xf32, #tpu.memory_space<vmem>>, vector<1x16xf32>,
    %broadcast_in_dim3A_463 = arith.constant 0.000000e+00 : f32
    %broadcast_in_dim3A_464 = vector.broadcast %broadcast_in_dim3A_463 : f32 to vector<16xf32>
    %swap3A_465 = arith.constant 7 : i32
    %swap3A_466 = arith.index_cast %swap3A_465 : i32 to index
    %swap3A_467 = arith.constant 32 : index
    %swap3A_468 = tpu.vector_load %arg11[%swap3A_466, %swap3A_467] {strides = array<i32>} : memref<16x128xf32, #tpu.memory_space<vmem>>, vector<1x16xf32>,
    %swap3A_469 = vector.shape_cast %swap3A_468 : vector<1x16xf32> to vector<16xf32>
    %swap3A_470 = vector.shape_cast %broadcast_in_dim3A_464 : vector<16xf32> to vector<1x16xf32>
    tpu.vector_store %arg11[%swap3A_466, %swap3A_467], %swap3A_470 {strides = array<i32>} : memref<16x128xf32, #tpu.memory_space<vmem>>, vector<1x16xf32>,
    %broadcast_in_dim3A_471 = arith.constant 0.000000e+00 : f32
    %broadcast_in_dim3A_472 = vector.broadcast %broadcast_in_dim3A_471 : f32 to vector<16xf32>
    %swap3A_473 = arith.constant 7 : i32
    %swap3A_474 = arith.index_cast %swap3A_473 : i32 to index
    %swap3A_475 = arith.constant 48 : index
    %swap3A_476 = tpu.vector_load %arg11[%swap3A_474, %swap3A_475] {strides = array<i32>} : memref<16x128xf32, #tpu.memory_space<vmem>>, vector<1x16xf32>,
    %swap3A_477 = vector.shape_cast %swap3A_476 : vector<1x16xf32> to vector<16xf32>
    %swap3A_478 = vector.shape_cast %broadcast_in_dim3A_472 : vector<16xf32> to vector<1x16xf32>
    tpu.vector_store %arg11[%swap3A_474, %swap3A_475], %swap3A_478 {strides = array<i32>} : memref<16x128xf32, #tpu.memory_space<vmem>>, vector<1x16xf32>,
    %broadcast_in_dim3A_479 = arith.constant 0.000000e+00 : f32
    %broadcast_in_dim3A_480 = vector.broadcast %broadcast_in_dim3A_479 : f32 to vector<16xf32>
    %swap3A_481 = arith.constant 7 : i32
    %swap3A_482 = arith.index_cast %swap3A_481 : i32 to index
    %swap3A_483 = arith.constant 64 : index
    %swap3A_484 = tpu.vector_load %arg11[%swap3A_482, %swap3A_483] {strides = array<i32>} : memref<16x128xf32, #tpu.memory_space<vmem>>, vector<1x16xf32>,
    %swap3A_485 = vector.shape_cast %swap3A_484 : vector<1x16xf32> to vector<16xf32>
    %swap3A_486 = vector.shape_cast %broadcast_in_dim3A_480 : vector<16xf32> to vector<1x16xf32>
    tpu.vector_store %arg11[%swap3A_482, %swap3A_483], %swap3A_486 {strides = array<i32>} : memref<16x128xf32, #tpu.memory_space<vmem>>, vector<1x16xf32>,
    %broadcast_in_dim3A_487 = arith.constant 0.000000e+00 : f32
    %broadcast_in_dim3A_488 = vector.broadcast %broadcast_in_dim3A_487 : f32 to vector<16xf32>
    %swap3A_489 = arith.constant 7 : i32
    %swap3A_490 = arith.index_cast %swap3A_489 : i32 to index
    %swap3A_491 = arith.constant 80 : index
    %swap3A_492 = tpu.vector_load %arg11[%swap3A_490, %swap3A_491] {strides = array<i32>} : memref<16x128xf32, #tpu.memory_space<vmem>>, vector<1x16xf32>,
    %swap3A_493 = vector.shape_cast %swap3A_492 : vector<1x16xf32> to vector<16xf32>
    %swap3A_494 = vector.shape_cast %broadcast_in_dim3A_488 : vector<16xf32> to vector<1x16xf32>
    tpu.vector_store %arg11[%swap3A_490, %swap3A_491], %swap3A_494 {strides = array<i32>} : memref<16x128xf32, #tpu.memory_space<vmem>>, vector<1x16xf32>,
    %broadcast_in_dim3A_495 = arith.constant 0.000000e+00 : f32
    %broadcast_in_dim3A_496 = vector.broadcast %broadcast_in_dim3A_495 : f32 to vector<16xf32>
    %swap3A_497 = arith.constant 7 : i32
    %swap3A_498 = arith.index_cast %swap3A_497 : i32 to index
    %swap3A_499 = arith.constant 96 : index
    %swap3A_500 = tpu.vector_load %arg11[%swap3A_498, %swap3A_499] {strides = array<i32>} : memref<16x128xf32, #tpu.memory_space<vmem>>, vector<1x16xf32>,
    %swap3A_501 = vector.shape_cast %swap3A_500 : vector<1x16xf32> to vector<16xf32>
    %swap3A_502 = vector.shape_cast %broadcast_in_dim3A_496 : vector<16xf32> to vector<1x16xf32>
    tpu.vector_store %arg11[%swap3A_498, %swap3A_499], %swap3A_502 {strides = array<i32>} : memref<16x128xf32, #tpu.memory_space<vmem>>, vector<1x16xf32>,
    %broadcast_in_dim3A_503 = arith.constant 0.000000e+00 : f32
    %broadcast_in_dim3A_504 = vector.broadcast %broadcast_in_dim3A_503 : f32 to vector<16xf32>
    %swap3A_505 = arith.constant 7 : i32
    %swap3A_506 = arith.index_cast %swap3A_505 : i32 to index
    %swap3A_507 = arith.constant 112 : index
    %swap3A_508 = tpu.vector_load %arg11[%swap3A_506, %swap3A_507] {strides = array<i32>} : memref<16x128xf32, #tpu.memory_space<vmem>>, vector<1x16xf32>,
    %swap3A_509 = vector.shape_cast %swap3A_508 : vector<1x16xf32> to vector<16xf32>
    %swap3A_510 = vector.shape_cast %broadcast_in_dim3A_504 : vector<16xf32> to vector<1x16xf32>
    tpu.vector_store %arg11[%swap3A_506, %swap3A_507], %swap3A_510 {strides = array<i32>} : memref<16x128xf32, #tpu.memory_space<vmem>>, vector<1x16xf32>,
    %broadcast_in_dim3A_511 = arith.constant 0.000000e+00 : f32
    %broadcast_in_dim3A_512 = vector.broadcast %broadcast_in_dim3A_511 : f32 to vector<16xf32>
    %swap3A_513 = arith.constant 8 : i32
    %swap3A_514 = arith.index_cast %swap3A_513 : i32 to index
    %swap3A_515 = arith.constant 0 : index
    %swap3A_516 = tpu.vector_load %arg11[%swap3A_514, %swap3A_515] {strides = array<i32>} : memref<16x128xf32, #tpu.memory_space<vmem>>, vector<1x16xf32>,
    %swap3A_517 = vector.shape_cast %swap3A_516 : vector<1x16xf32> to vector<16xf32>
    %swap3A_518 = vector.shape_cast %broadcast_in_dim3A_512 : vector<16xf32> to vector<1x16xf32>
    tpu.vector_store %arg11[%swap3A_514, %swap3A_515], %swap3A_518 {strides = array<i32>} : memref<16x128xf32, #tpu.memory_space<vmem>>, vector<1x16xf32>,
    %broadcast_in_dim3A_519 = arith.constant 0.000000e+00 : f32
    %broadcast_in_dim3A_520 = vector.broadcast %broadcast_in_dim3A_519 : f32 to vector<16xf32>
    %swap3A_521 = arith.constant 8 : i32
    %swap3A_522 = arith.index_cast %swap3A_521 : i32 to index
    %swap3A_523 = arith.constant 16 : index
    %swap3A_524 = tpu.vector_load %arg11[%swap3A_522, %swap3A_523] {strides = array<i32>} : memref<16x128xf32, #tpu.memory_space<vmem>>, vector<1x16xf32>,
    %swap3A_525 = vector.shape_cast %swap3A_524 : vector<1x16xf32> to vector<16xf32>
    %swap3A_526 = vector.shape_cast %broadcast_in_dim3A_520 : vector<16xf32> to vector<1x16xf32>
    tpu.vector_store %arg11[%swap3A_522, %swap3A_523], %swap3A_526 {strides = array<i32>} : memref<16x128xf32, #tpu.memory_space<vmem>>, vector<1x16xf32>,
    %broadcast_in_dim3A_527 = arith.constant 0.000000e+00 : f32
    %broadcast_in_dim3A_528 = vector.broadcast %broadcast_in_dim3A_527 : f32 to vector<16xf32>
    %swap3A_529 = arith.constant 8 : i32
    %swap3A_530 = arith.index_cast %swap3A_529 : i32 to index
    %swap3A_531 = arith.constant 32 : index
    %swap3A_532 = tpu.vector_load %arg11[%swap3A_530, %swap3A_531] {strides = array<i32>} : memref<16x128xf32, #tpu.memory_space<vmem>>, vector<1x16xf32>,
    %swap3A_533 = vector.shape_cast %swap3A_532 : vector<1x16xf32> to vector<16xf32>
    %swap3A_534 = vector.shape_cast %broadcast_in_dim3A_528 : vector<16xf32> to vector<1x16xf32>
    tpu.vector_store %arg11[%swap3A_530, %swap3A_531], %swap3A_534 {strides = array<i32>} : memref<16x128xf32, #tpu.memory_space<vmem>>, vector<1x16xf32>,
    %broadcast_in_dim3A_535 = arith.constant 0.000000e+00 : f32
    %broadcast_in_dim3A_536 = vector.broadcast %broadcast_in_dim3A_535 : f32 to vector<16xf32>
    %swap3A_537 = arith.constant 8 : i32
    %swap3A_538 = arith.index_cast %swap3A_537 : i32 to index
    %swap3A_539 = arith.constant 48 : index
    %swap3A_540 = tpu.vector_load %arg11[%swap3A_538, %swap3A_539] {strides = array<i32>} : memref<16x128xf32, #tpu.memory_space<vmem>>, vector<1x16xf32>,
    %swap3A_541 = vector.shape_cast %swap3A_540 : vector<1x16xf32> to vector<16xf32>
    %swap3A_542 = vector.shape_cast %broadcast_in_dim3A_536 : vector<16xf32> to vector<1x16xf32>
    tpu.vector_store %arg11[%swap3A_538, %swap3A_539], %swap3A_542 {strides = array<i32>} : memref<16x128xf32, #tpu.memory_space<vmem>>, vector<1x16xf32>,
    %broadcast_in_dim3A_543 = arith.constant 0.000000e+00 : f32
    %broadcast_in_dim3A_544 = vector.broadcast %broadcast_in_dim3A_543 : f32 to vector<16xf32>
    %swap3A_545 = arith.constant 8 : i32
    %swap3A_546 = arith.index_cast %swap3A_545 : i32 to index
    %swap3A_547 = arith.constant 64 : index
    %swap3A_548 = tpu.vector_load %arg11[%swap3A_546, %swap3A_547] {strides = array<i32>} : memref<16x128xf32, #tpu.memory_space<vmem>>, vector<1x16xf32>,
    %swap3A_549 = vector.shape_cast %swap3A_548 : vector<1x16xf32> to vector<16xf32>
    %swap3A_550 = vector.shape_cast %broadcast_in_dim3A_544 : vector<16xf32> to vector<1x16xf32>
    tpu.vector_store %arg11[%swap3A_546, %swap3A_547], %swap3A_550 {strides = array<i32>} : memref<16x128xf32, #tpu.memory_space<vmem>>, vector<1x16xf32>,
    %broadcast_in_dim3A_551 = arith.constant 0.000000e+00 : f32
    %broadcast_in_dim3A_552 = vector.broadcast %broadcast_in_dim3A_551 : f32 to vector<16xf32>
    %swap3A_553 = arith.constant 8 : i32
    %swap3A_554 = arith.index_cast %swap3A_553 : i32 to index
    %swap3A_555 = arith.constant 80 : index
    %swap3A_556 = tpu.vector_load %arg11[%swap3A_554, %swap3A_555] {strides = array<i32>} : memref<16x128xf32, #tpu.memory_space<vmem>>, vector<1x16xf32>,
    %swap3A_557 = vector.shape_cast %swap3A_556 : vector<1x16xf32> to vector<16xf32>
    %swap3A_558 = vector.shape_cast %broadcast_in_dim3A_552 : vector<16xf32> to vector<1x16xf32>
    tpu.vector_store %arg11[%swap3A_554, %swap3A_555], %swap3A_558 {strides = array<i32>} : memref<16x128xf32, #tpu.memory_space<vmem>>, vector<1x16xf32>,
    %broadcast_in_dim3A_559 = arith.constant 0.000000e+00 : f32
    %broadcast_in_dim3A_560 = vector.broadcast %broadcast_in_dim3A_559 : f32 to vector<16xf32>
    %swap3A_561 = arith.constant 8 : i32
    %swap3A_562 = arith.index_cast %swap3A_561 : i32 to index
    %swap3A_563 = arith.constant 96 : index
    %swap3A_564 = tpu.vector_load %arg11[%swap3A_562, %swap3A_563] {strides = array<i32>} : memref<16x128xf32, #tpu.memory_space<vmem>>, vector<1x16xf32>,
    %swap3A_565 = vector.shape_cast %swap3A_564 : vector<1x16xf32> to vector<16xf32>
    %swap3A_566 = vector.shape_cast %broadcast_in_dim3A_560 : vector<16xf32> to vector<1x16xf32>
    tpu.vector_store %arg11[%swap3A_562, %swap3A_563], %swap3A_566 {strides = array<i32>} : memref<16x128xf32, #tpu.memory_space<vmem>>, vector<1x16xf32>,
    %broadcast_in_dim3A_567 = arith.constant 0.000000e+00 : f32
    %broadcast_in_dim3A_568 = vector.broadcast %broadcast_in_dim3A_567 : f32 to vector<16xf32>
    %swap3A_569 = arith.constant 8 : i32
    %swap3A_570 = arith.index_cast %swap3A_569 : i32 to index
    %swap3A_571 = arith.constant 112 : index
    %swap3A_572 = tpu.vector_load %arg11[%swap3A_570, %swap3A_571] {strides = array<i32>} : memref<16x128xf32, #tpu.memory_space<vmem>>, vector<1x16xf32>,
    %swap3A_573 = vector.shape_cast %swap3A_572 : vector<1x16xf32> to vector<16xf32>
    %swap3A_574 = vector.shape_cast %broadcast_in_dim3A_568 : vector<16xf32> to vector<1x16xf32>
    tpu.vector_store %arg11[%swap3A_570, %swap3A_571], %swap3A_574 {strides = array<i32>} : memref<16x128xf32, #tpu.memory_space<vmem>>, vector<1x16xf32>,
    %broadcast_in_dim3A_575 = arith.constant 0.000000e+00 : f32
    %broadcast_in_dim3A_576 = vector.broadcast %broadcast_in_dim3A_575 : f32 to vector<16xf32>
    %swap3A_577 = arith.constant 9 : i32
    %swap3A_578 = arith.index_cast %swap3A_577 : i32 to index
    %swap3A_579 = arith.constant 0 : index
    %swap3A_580 = tpu.vector_load %arg11[%swap3A_578, %swap3A_579] {strides = array<i32>} : memref<16x128xf32, #tpu.memory_space<vmem>>, vector<1x16xf32>,
    %swap3A_581 = vector.shape_cast %swap3A_580 : vector<1x16xf32> to vector<16xf32>
    %swap3A_582 = vector.shape_cast %broadcast_in_dim3A_576 : vector<16xf32> to vector<1x16xf32>
    tpu.vector_store %arg11[%swap3A_578, %swap3A_579], %swap3A_582 {strides = array<i32>} : memref<16x128xf32, #tpu.memory_space<vmem>>, vector<1x16xf32>,
    %broadcast_in_dim3A_583 = arith.constant 0.000000e+00 : f32
    %broadcast_in_dim3A_584 = vector.broadcast %broadcast_in_dim3A_583 : f32 to vector<16xf32>
    %swap3A_585 = arith.constant 9 : i32
    %swap3A_586 = arith.index_cast %swap3A_585 : i32 to index
    %swap3A_587 = arith.constant 16 : index
    %swap3A_588 = tpu.vector_load %arg11[%swap3A_586, %swap3A_587] {strides = array<i32>} : memref<16x128xf32, #tpu.memory_space<vmem>>, vector<1x16xf32>,
    %swap3A_589 = vector.shape_cast %swap3A_588 : vector<1x16xf32> to vector<16xf32>
    %swap3A_590 = vector.shape_cast %broadcast_in_dim3A_584 : vector<16xf32> to vector<1x16xf32>
    tpu.vector_store %arg11[%swap3A_586, %swap3A_587], %swap3A_590 {strides = array<i32>} : memref<16x128xf32, #tpu.memory_space<vmem>>, vector<1x16xf32>,
    %broadcast_in_dim3A_591 = arith.constant 0.000000e+00 : f32
    %broadcast_in_dim3A_592 = vector.broadcast %broadcast_in_dim3A_591 : f32 to vector<16xf32>
    %swap3A_593 = arith.constant 9 : i32
    %swap3A_594 = arith.index_cast %swap3A_593 : i32 to index
    %swap3A_595 = arith.constant 32 : index
    %swap3A_596 = tpu.vector_load %arg11[%swap3A_594, %swap3A_595] {strides = array<i32>} : memref<16x128xf32, #tpu.memory_space<vmem>>, vector<1x16xf32>,
    %swap3A_597 = vector.shape_cast %swap3A_596 : vector<1x16xf32> to vector<16xf32>
    %swap3A_598 = vector.shape_cast %broadcast_in_dim3A_592 : vector<16xf32> to vector<1x16xf32>
    tpu.vector_store %arg11[%swap3A_594, %swap3A_595], %swap3A_598 {strides = array<i32>} : memref<16x128xf32, #tpu.memory_space<vmem>>, vector<1x16xf32>,
    %broadcast_in_dim3A_599 = arith.constant 0.000000e+00 : f32
    %broadcast_in_dim3A_600 = vector.broadcast %broadcast_in_dim3A_599 : f32 to vector<16xf32>
    %swap3A_601 = arith.constant 9 : i32
    %swap3A_602 = arith.index_cast %swap3A_601 : i32 to index
    %swap3A_603 = arith.constant 48 : index
    %swap3A_604 = tpu.vector_load %arg11[%swap3A_602, %swap3A_603] {strides = array<i32>} : memref<16x128xf32, #tpu.memory_space<vmem>>, vector<1x16xf32>,
    %swap3A_605 = vector.shape_cast %swap3A_604 : vector<1x16xf32> to vector<16xf32>
    %swap3A_606 = vector.shape_cast %broadcast_in_dim3A_600 : vector<16xf32> to vector<1x16xf32>
    tpu.vector_store %arg11[%swap3A_602, %swap3A_603], %swap3A_606 {strides = array<i32>} : memref<16x128xf32, #tpu.memory_space<vmem>>, vector<1x16xf32>,
    %broadcast_in_dim3A_607 = arith.constant 0.000000e+00 : f32
    %broadcast_in_dim3A_608 = vector.broadcast %broadcast_in_dim3A_607 : f32 to vector<16xf32>
    %swap3A_609 = arith.constant 9 : i32
    %swap3A_610 = arith.index_cast %swap3A_609 : i32 to index
    %swap3A_611 = arith.constant 64 : index
    %swap3A_612 = tpu.vector_load %arg11[%swap3A_610, %swap3A_611] {strides = array<i32>} : memref<16x128xf32, #tpu.memory_space<vmem>>, vector<1x16xf32>,
    %swap3A_613 = vector.shape_cast %swap3A_612 : vector<1x16xf32> to vector<16xf32>
    %swap3A_614 = vector.shape_cast %broadcast_in_dim3A_608 : vector<16xf32> to vector<1x16xf32>
    tpu.vector_store %arg11[%swap3A_610, %swap3A_611], %swap3A_614 {strides = array<i32>} : memref<16x128xf32, #tpu.memory_space<vmem>>, vector<1x16xf32>,
    %broadcast_in_dim3A_615 = arith.constant 0.000000e+00 : f32
    %broadcast_in_dim3A_616 = vector.broadcast %broadcast_in_dim3A_615 : f32 to vector<16xf32>
    %swap3A_617 = arith.constant 9 : i32
    %swap3A_618 = arith.index_cast %swap3A_617 : i32 to index
    %swap3A_619 = arith.constant 80 : index
    %swap3A_620 = tpu.vector_load %arg11[%swap3A_618, %swap3A_619] {strides = array<i32>} : memref<16x128xf32, #tpu.memory_space<vmem>>, vector<1x16xf32>,
    %swap3A_621 = vector.shape_cast %swap3A_620 : vector<1x16xf32> to vector<16xf32>
    %swap3A_622 = vector.shape_cast %broadcast_in_dim3A_616 : vector<16xf32> to vector<1x16xf32>
    tpu.vector_store %arg11[%swap3A_618, %swap3A_619], %swap3A_622 {strides = array<i32>} : memref<16x128xf32, #tpu.memory_space<vmem>>, vector<1x16xf32>,
    %broadcast_in_dim3A_623 = arith.constant 0.000000e+00 : f32
    %broadcast_in_dim3A_624 = vector.broadcast %broadcast_in_dim3A_623 : f32 to vector<16xf32>
    %swap3A_625 = arith.constant 9 : i32
    %swap3A_626 = arith.index_cast %swap3A_625 : i32 to index
    %swap3A_627 = arith.constant 96 : index
    %swap3A_628 = tpu.vector_load %arg11[%swap3A_626, %swap3A_627] {strides = array<i32>} : memref<16x128xf32, #tpu.memory_space<vmem>>, vector<1x16xf32>,
    %swap3A_629 = vector.shape_cast %swap3A_628 : vector<1x16xf32> to vector<16xf32>
    %swap3A_630 = vector.shape_cast %broadcast_in_dim3A_624 : vector<16xf32> to vector<1x16xf32>
    tpu.vector_store %arg11[%swap3A_626, %swap3A_627], %swap3A_630 {strides = array<i32>} : memref<16x128xf32, #tpu.memory_space<vmem>>, vector<1x16xf32>,
    %broadcast_in_dim3A_631 = arith.constant 0.000000e+00 : f32
    %broadcast_in_dim3A_632 = vector.broadcast %broadcast_in_dim3A_631 : f32 to vector<16xf32>
    %swap3A_633 = arith.constant 9 : i32
    %swap3A_634 = arith.index_cast %swap3A_633 : i32 to index
    %swap3A_635 = arith.constant 112 : index
    %swap3A_636 = tpu.vector_load %arg11[%swap3A_634, %swap3A_635] {strides = array<i32>} : memref<16x128xf32, #tpu.memory_space<vmem>>, vector<1x16xf32>,
    %swap3A_637 = vector.shape_cast %swap3A_636 : vector<1x16xf32> to vector<16xf32>
    %swap3A_638 = vector.shape_cast %broadcast_in_dim3A_632 : vector<16xf32> to vector<1x16xf32>
    tpu.vector_store %arg11[%swap3A_634, %swap3A_635], %swap3A_638 {strides = array<i32>} : memref<16x128xf32, #tpu.memory_space<vmem>>, vector<1x16xf32>,
    %broadcast_in_dim3A_639 = arith.constant 0.000000e+00 : f32
    %broadcast_in_dim3A_640 = vector.broadcast %broadcast_in_dim3A_639 : f32 to vector<16xf32>
    %swap3A_641 = arith.constant 10 : i32
    %swap3A_642 = arith.index_cast %swap3A_641 : i32 to index
    %swap3A_643 = arith.constant 0 : index
    %swap3A_644 = tpu.vector_load %arg11[%swap3A_642, %swap3A_643] {strides = array<i32>} : memref<16x128xf32, #tpu.memory_space<vmem>>, vector<1x16xf32>,
    %swap3A_645 = vector.shape_cast %swap3A_644 : vector<1x16xf32> to vector<16xf32>
    %swap3A_646 = vector.shape_cast %broadcast_in_dim3A_640 : vector<16xf32> to vector<1x16xf32>
    tpu.vector_store %arg11[%swap3A_642, %swap3A_643], %swap3A_646 {strides = array<i32>} : memref<16x128xf32, #tpu.memory_space<vmem>>, vector<1x16xf32>,
    %broadcast_in_dim3A_647 = arith.constant 0.000000e+00 : f32
    %broadcast_in_dim3A_648 = vector.broadcast %broadcast_in_dim3A_647 : f32 to vector<16xf32>
    %swap3A_649 = arith.constant 10 : i32
    %swap3A_650 = arith.index_cast %swap3A_649 : i32 to index
    %swap3A_651 = arith.constant 16 : index
    %swap3A_652 = tpu.vector_load %arg11[%swap3A_650, %swap3A_651] {strides = array<i32>} : memref<16x128xf32, #tpu.memory_space<vmem>>, vector<1x16xf32>,
    %swap3A_653 = vector.shape_cast %swap3A_652 : vector<1x16xf32> to vector<16xf32>
    %swap3A_654 = vector.shape_cast %broadcast_in_dim3A_648 : vector<16xf32> to vector<1x16xf32>
    tpu.vector_store %arg11[%swap3A_650, %swap3A_651], %swap3A_654 {strides = array<i32>} : memref<16x128xf32, #tpu.memory_space<vmem>>, vector<1x16xf32>,
    %broadcast_in_dim3A_655 = arith.constant 0.000000e+00 : f32
    %broadcast_in_dim3A_656 = vector.broadcast %broadcast_in_dim3A_655 : f32 to vector<16xf32>
    %swap3A_657 = arith.constant 10 : i32
    %swap3A_658 = arith.index_cast %swap3A_657 : i32 to index
    %swap3A_659 = arith.constant 32 : index
    %swap3A_660 = tpu.vector_load %arg11[%swap3A_658, %swap3A_659] {strides = array<i32>} : memref<16x128xf32, #tpu.memory_space<vmem>>, vector<1x16xf32>,
    %swap3A_661 = vector.shape_cast %swap3A_660 : vector<1x16xf32> to vector<16xf32>
    %swap3A_662 = vector.shape_cast %broadcast_in_dim3A_656 : vector<16xf32> to vector<1x16xf32>
    tpu.vector_store %arg11[%swap3A_658, %swap3A_659], %swap3A_662 {strides = array<i32>} : memref<16x128xf32, #tpu.memory_space<vmem>>, vector<1x16xf32>,
    %broadcast_in_dim3A_663 = arith.constant 0.000000e+00 : f32
    %broadcast_in_dim3A_664 = vector.broadcast %broadcast_in_dim3A_663 : f32 to vector<16xf32>
    %swap3A_665 = arith.constant 10 : i32
    %swap3A_666 = arith.index_cast %swap3A_665 : i32 to index
    %swap3A_667 = arith.constant 48 : index
    %swap3A_668 = tpu.vector_load %arg11[%swap3A_666, %swap3A_667] {strides = array<i32>} : memref<16x128xf32, #tpu.memory_space<vmem>>, vector<1x16xf32>,
    %swap3A_669 = vector.shape_cast %swap3A_668 : vector<1x16xf32> to vector<16xf32>
    %swap3A_670 = vector.shape_cast %broadcast_in_dim3A_664 : vector<16xf32> to vector<1x16xf32>
    tpu.vector_store %arg11[%swap3A_666, %swap3A_667], %swap3A_670 {strides = array<i32>} : memref<16x128xf32, #tpu.memory_space<vmem>>, vector<1x16xf32>,
    %broadcast_in_dim3A_671 = arith.constant 0.000000e+00 : f32
    %broadcast_in_dim3A_672 = vector.broadcast %broadcast_in_dim3A_671 : f32 to vector<16xf32>
    %swap3A_673 = arith.constant 10 : i32
    %swap3A_674 = arith.index_cast %swap3A_673 : i32 to index
    %swap3A_675 = arith.constant 64 : index
    %swap3A_676 = tpu.vector_load %arg11[%swap3A_674, %swap3A_675] {strides = array<i32>} : memref<16x128xf32, #tpu.memory_space<vmem>>, vector<1x16xf32>,
    %swap3A_677 = vector.shape_cast %swap3A_676 : vector<1x16xf32> to vector<16xf32>
    %swap3A_678 = vector.shape_cast %broadcast_in_dim3A_672 : vector<16xf32> to vector<1x16xf32>
    tpu.vector_store %arg11[%swap3A_674, %swap3A_675], %swap3A_678 {strides = array<i32>} : memref<16x128xf32, #tpu.memory_space<vmem>>, vector<1x16xf32>,
    %broadcast_in_dim3A_679 = arith.constant 0.000000e+00 : f32
    %broadcast_in_dim3A_680 = vector.broadcast %broadcast_in_dim3A_679 : f32 to vector<16xf32>
    %swap3A_681 = arith.constant 10 : i32
    %swap3A_682 = arith.index_cast %swap3A_681 : i32 to index
    %swap3A_683 = arith.constant 80 : index
    %swap3A_684 = tpu.vector_load %arg11[%swap3A_682, %swap3A_683] {strides = array<i32>} : memref<16x128xf32, #tpu.memory_space<vmem>>, vector<1x16xf32>,
    %swap3A_685 = vector.shape_cast %swap3A_684 : vector<1x16xf32> to vector<16xf32>
    %swap3A_686 = vector.shape_cast %broadcast_in_dim3A_680 : vector<16xf32> to vector<1x16xf32>
    tpu.vector_store %arg11[%swap3A_682, %swap3A_683], %swap3A_686 {strides = array<i32>} : memref<16x128xf32, #tpu.memory_space<vmem>>, vector<1x16xf32>,
    %broadcast_in_dim3A_687 = arith.constant 0.000000e+00 : f32
    %broadcast_in_dim3A_688 = vector.broadcast %broadcast_in_dim3A_687 : f32 to vector<16xf32>
    %swap3A_689 = arith.constant 10 : i32
    %swap3A_690 = arith.index_cast %swap3A_689 : i32 to index
    %swap3A_691 = arith.constant 96 : index
    %swap3A_692 = tpu.vector_load %arg11[%swap3A_690, %swap3A_691] {strides = array<i32>} : memref<16x128xf32, #tpu.memory_space<vmem>>, vector<1x16xf32>,
    %swap3A_693 = vector.shape_cast %swap3A_692 : vector<1x16xf32> to vector<16xf32>
    %swap3A_694 = vector.shape_cast %broadcast_in_dim3A_688 : vector<16xf32> to vector<1x16xf32>
    tpu.vector_store %arg11[%swap3A_690, %swap3A_691], %swap3A_694 {strides = array<i32>} : memref<16x128xf32, #tpu.memory_space<vmem>>, vector<1x16xf32>,
    %broadcast_in_dim3A_695 = arith.constant 0.000000e+00 : f32
    %broadcast_in_dim3A_696 = vector.broadcast %broadcast_in_dim3A_695 : f32 to vector<16xf32>
    %swap3A_697 = arith.constant 10 : i32
    %swap3A_698 = arith.index_cast %swap3A_697 : i32 to index
    %swap3A_699 = arith.constant 112 : index
    %swap3A_700 = tpu.vector_load %arg11[%swap3A_698, %swap3A_699] {strides = array<i32>} : memref<16x128xf32, #tpu.memory_space<vmem>>, vector<1x16xf32>,
    %swap3A_701 = vector.shape_cast %swap3A_700 : vector<1x16xf32> to vector<16xf32>
    %swap3A_702 = vector.shape_cast %broadcast_in_dim3A_696 : vector<16xf32> to vector<1x16xf32>
    tpu.vector_store %arg11[%swap3A_698, %swap3A_699], %swap3A_702 {strides = array<i32>} : memref<16x128xf32, #tpu.memory_space<vmem>>, vector<1x16xf32>,
    %broadcast_in_dim3A_703 = arith.constant 0.000000e+00 : f32
    %broadcast_in_dim3A_704 = vector.broadcast %broadcast_in_dim3A_703 : f32 to vector<16xf32>
    %swap3A_705 = arith.constant 11 : i32
    %swap3A_706 = arith.index_cast %swap3A_705 : i32 to index
    %swap3A_707 = arith.constant 0 : index
    %swap3A_708 = tpu.vector_load %arg11[%swap3A_706, %swap3A_707] {strides = array<i32>} : memref<16x128xf32, #tpu.memory_space<vmem>>, vector<1x16xf32>,
    %swap3A_709 = vector.shape_cast %swap3A_708 : vector<1x16xf32> to vector<16xf32>
    %swap3A_710 = vector.shape_cast %broadcast_in_dim3A_704 : vector<16xf32> to vector<1x16xf32>
    tpu.vector_store %arg11[%swap3A_706, %swap3A_707], %swap3A_710 {strides = array<i32>} : memref<16x128xf32, #tpu.memory_space<vmem>>, vector<1x16xf32>,
    %broadcast_in_dim3A_711 = arith.constant 0.000000e+00 : f32
    %broadcast_in_dim3A_712 = vector.broadcast %broadcast_in_dim3A_711 : f32 to vector<16xf32>
    %swap3A_713 = arith.constant 11 : i32
    %swap3A_714 = arith.index_cast %swap3A_713 : i32 to index
    %swap3A_715 = arith.constant 16 : index
    %swap3A_716 = tpu.vector_load %arg11[%swap3A_714, %swap3A_715] {strides = array<i32>} : memref<16x128xf32, #tpu.memory_space<vmem>>, vector<1x16xf32>,
    %swap3A_717 = vector.shape_cast %swap3A_716 : vector<1x16xf32> to vector<16xf32>
    %swap3A_718 = vector.shape_cast %broadcast_in_dim3A_712 : vector<16xf32> to vector<1x16xf32>
    tpu.vector_store %arg11[%swap3A_714, %swap3A_715], %swap3A_718 {strides = array<i32>} : memref<16x128xf32, #tpu.memory_space<vmem>>, vector<1x16xf32>,
    %broadcast_in_dim3A_719 = arith.constant 0.000000e+00 : f32
    %broadcast_in_dim3A_720 = vector.broadcast %broadcast_in_dim3A_719 : f32 to vector<16xf32>
    %swap3A_721 = arith.constant 11 : i32
    %swap3A_722 = arith.index_cast %swap3A_721 : i32 to index
    %swap3A_723 = arith.constant 32 : index
    %swap3A_724 = tpu.vector_load %arg11[%swap3A_722, %swap3A_723] {strides = array<i32>} : memref<16x128xf32, #tpu.memory_space<vmem>>, vector<1x16xf32>,
    %swap3A_725 = vector.shape_cast %swap3A_724 : vector<1x16xf32> to vector<16xf32>
    %swap3A_726 = vector.shape_cast %broadcast_in_dim3A_720 : vector<16xf32> to vector<1x16xf32>
    tpu.vector_store %arg11[%swap3A_722, %swap3A_723], %swap3A_726 {strides = array<i32>} : memref<16x128xf32, #tpu.memory_space<vmem>>, vector<1x16xf32>,
    %broadcast_in_dim3A_727 = arith.constant 0.000000e+00 : f32
    %broadcast_in_dim3A_728 = vector.broadcast %broadcast_in_dim3A_727 : f32 to vector<16xf32>
    %swap3A_729 = arith.constant 11 : i32
    %swap3A_730 = arith.index_cast %swap3A_729 : i32 to index
    %swap3A_731 = arith.constant 48 : index
    %swap3A_732 = tpu.vector_load %arg11[%swap3A_730, %swap3A_731] {strides = array<i32>} : memref<16x128xf32, #tpu.memory_space<vmem>>, vector<1x16xf32>,
    %swap3A_733 = vector.shape_cast %swap3A_732 : vector<1x16xf32> to vector<16xf32>
    %swap3A_734 = vector.shape_cast %broadcast_in_dim3A_728 : vector<16xf32> to vector<1x16xf32>
    tpu.vector_store %arg11[%swap3A_730, %swap3A_731], %swap3A_734 {strides = array<i32>} : memref<16x128xf32, #tpu.memory_space<vmem>>, vector<1x16xf32>,
    %broadcast_in_dim3A_735 = arith.constant 0.000000e+00 : f32
    %broadcast_in_dim3A_736 = vector.broadcast %broadcast_in_dim3A_735 : f32 to vector<16xf32>
    %swap3A_737 = arith.constant 11 : i32
    %swap3A_738 = arith.index_cast %swap3A_737 : i32 to index
    %swap3A_739 = arith.constant 64 : index
    %swap3A_740 = tpu.vector_load %arg11[%swap3A_738, %swap3A_739] {strides = array<i32>} : memref<16x128xf32, #tpu.memory_space<vmem>>, vector<1x16xf32>,
    %swap3A_741 = vector.shape_cast %swap3A_740 : vector<1x16xf32> to vector<16xf32>
    %swap3A_742 = vector.shape_cast %broadcast_in_dim3A_736 : vector<16xf32> to vector<1x16xf32>
    tpu.vector_store %arg11[%swap3A_738, %swap3A_739], %swap3A_742 {strides = array<i32>} : memref<16x128xf32, #tpu.memory_space<vmem>>, vector<1x16xf32>,
    %broadcast_in_dim3A_743 = arith.constant 0.000000e+00 : f32
    %broadcast_in_dim3A_744 = vector.broadcast %broadcast_in_dim3A_743 : f32 to vector<16xf32>
    %swap3A_745 = arith.constant 11 : i32
    %swap3A_746 = arith.index_cast %swap3A_745 : i32 to index
    %swap3A_747 = arith.constant 80 : index
    %swap3A_748 = tpu.vector_load %arg11[%swap3A_746, %swap3A_747] {strides = array<i32>} : memref<16x128xf32, #tpu.memory_space<vmem>>, vector<1x16xf32>,
    %swap3A_749 = vector.shape_cast %swap3A_748 : vector<1x16xf32> to vector<16xf32>
    %swap3A_750 = vector.shape_cast %broadcast_in_dim3A_744 : vector<16xf32> to vector<1x16xf32>
    tpu.vector_store %arg11[%swap3A_746, %swap3A_747], %swap3A_750 {strides = array<i32>} : memref<16x128xf32, #tpu.memory_space<vmem>>, vector<1x16xf32>,
    %broadcast_in_dim3A_751 = arith.constant 0.000000e+00 : f32
    %broadcast_in_dim3A_752 = vector.broadcast %broadcast_in_dim3A_751 : f32 to vector<16xf32>
    %swap3A_753 = arith.constant 11 : i32
    %swap3A_754 = arith.index_cast %swap3A_753 : i32 to index
    %swap3A_755 = arith.constant 96 : index
    %swap3A_756 = tpu.vector_load %arg11[%swap3A_754, %swap3A_755] {strides = array<i32>} : memref<16x128xf32, #tpu.memory_space<vmem>>, vector<1x16xf32>,
    %swap3A_757 = vector.shape_cast %swap3A_756 : vector<1x16xf32> to vector<16xf32>
    %swap3A_758 = vector.shape_cast %broadcast_in_dim3A_752 : vector<16xf32> to vector<1x16xf32>
    tpu.vector_store %arg11[%swap3A_754, %swap3A_755], %swap3A_758 {strides = array<i32>} : memref<16x128xf32, #tpu.memory_space<vmem>>, vector<1x16xf32>,
    %broadcast_in_dim3A_759 = arith.constant 0.000000e+00 : f32
    %broadcast_in_dim3A_760 = vector.broadcast %broadcast_in_dim3A_759 : f32 to vector<16xf32>
    %swap3A_761 = arith.constant 11 : i32
    %swap3A_762 = arith.index_cast %swap3A_761 : i32 to index
    %swap3A_763 = arith.constant 112 : index
    %swap3A_764 = tpu.vector_load %arg11[%swap3A_762, %swap3A_763] {strides = array<i32>} : memref<16x128xf32, #tpu.memory_space<vmem>>, vector<1x16xf32>,
    %swap3A_765 = vector.shape_cast %swap3A_764 : vector<1x16xf32> to vector<16xf32>
    %swap3A_766 = vector.shape_cast %broadcast_in_dim3A_760 : vector<16xf32> to vector<1x16xf32>
    tpu.vector_store %arg11[%swap3A_762, %swap3A_763], %swap3A_766 {strides = array<i32>} : memref<16x128xf32, #tpu.memory_space<vmem>>, vector<1x16xf32>,
    %broadcast_in_dim3A_767 = arith.constant 0.000000e+00 : f32
    %broadcast_in_dim3A_768 = vector.broadcast %broadcast_in_dim3A_767 : f32 to vector<16xf32>
    %swap3A_769 = arith.constant 12 : i32
    %swap3A_770 = arith.index_cast %swap3A_769 : i32 to index
    %swap3A_771 = arith.constant 0 : index
    %swap3A_772 = tpu.vector_load %arg11[%swap3A_770, %swap3A_771] {strides = array<i32>} : memref<16x128xf32, #tpu.memory_space<vmem>>, vector<1x16xf32>,
    %swap3A_773 = vector.shape_cast %swap3A_772 : vector<1x16xf32> to vector<16xf32>
    %swap3A_774 = vector.shape_cast %broadcast_in_dim3A_768 : vector<16xf32> to vector<1x16xf32>
    tpu.vector_store %arg11[%swap3A_770, %swap3A_771], %swap3A_774 {strides = array<i32>} : memref<16x128xf32, #tpu.memory_space<vmem>>, vector<1x16xf32>,
    %broadcast_in_dim3A_775 = arith.constant 0.000000e+00 : f32
    %broadcast_in_dim3A_776 = vector.broadcast %broadcast_in_dim3A_775 : f32 to vector<16xf32>
    %swap3A_777 = arith.constant 12 : i32
    %swap3A_778 = arith.index_cast %swap3A_777 : i32 to index
    %swap3A_779 = arith.constant 16 : index
    %swap3A_780 = tpu.vector_load %arg11[%swap3A_778, %swap3A_779] {strides = array<i32>} : memref<16x128xf32, #tpu.memory_space<vmem>>, vector<1x16xf32>,
    %swap3A_781 = vector.shape_cast %swap3A_780 : vector<1x16xf32> to vector<16xf32>
    %swap3A_782 = vector.shape_cast %broadcast_in_dim3A_776 : vector<16xf32> to vector<1x16xf32>
    tpu.vector_store %arg11[%swap3A_778, %swap3A_779], %swap3A_782 {strides = array<i32>} : memref<16x128xf32, #tpu.memory_space<vmem>>, vector<1x16xf32>,
    %broadcast_in_dim3A_783 = arith.constant 0.000000e+00 : f32
    %broadcast_in_dim3A_784 = vector.broadcast %broadcast_in_dim3A_783 : f32 to vector<16xf32>
    %swap3A_785 = arith.constant 12 : i32
    %swap3A_786 = arith.index_cast %swap3A_785 : i32 to index
    %swap3A_787 = arith.constant 32 : index
    %swap3A_788 = tpu.vector_load %arg11[%swap3A_786, %swap3A_787] {strides = array<i32>} : memref<16x128xf32, #tpu.memory_space<vmem>>, vector<1x16xf32>,
    %swap3A_789 = vector.shape_cast %swap3A_788 : vector<1x16xf32> to vector<16xf32>
    %swap3A_790 = vector.shape_cast %broadcast_in_dim3A_784 : vector<16xf32> to vector<1x16xf32>
    tpu.vector_store %arg11[%swap3A_786, %swap3A_787], %swap3A_790 {strides = array<i32>} : memref<16x128xf32, #tpu.memory_space<vmem>>, vector<1x16xf32>,
    %broadcast_in_dim3A_791 = arith.constant 0.000000e+00 : f32
    %broadcast_in_dim3A_792 = vector.broadcast %broadcast_in_dim3A_791 : f32 to vector<16xf32>
    %swap3A_793 = arith.constant 12 : i32
    %swap3A_794 = arith.index_cast %swap3A_793 : i32 to index
    %swap3A_795 = arith.constant 48 : index
    %swap3A_796 = tpu.vector_load %arg11[%swap3A_794, %swap3A_795] {strides = array<i32>} : memref<16x128xf32, #tpu.memory_space<vmem>>, vector<1x16xf32>,
    %swap3A_797 = vector.shape_cast %swap3A_796 : vector<1x16xf32> to vector<16xf32>
    %swap3A_798 = vector.shape_cast %broadcast_in_dim3A_792 : vector<16xf32> to vector<1x16xf32>
    tpu.vector_store %arg11[%swap3A_794, %swap3A_795], %swap3A_798 {strides = array<i32>} : memref<16x128xf32, #tpu.memory_space<vmem>>, vector<1x16xf32>,
    %broadcast_in_dim3A_799 = arith.constant 0.000000e+00 : f32
    %broadcast_in_dim3A_800 = vector.broadcast %broadcast_in_dim3A_799 : f32 to vector<16xf32>
    %swap3A_801 = arith.constant 12 : i32
    %swap3A_802 = arith.index_cast %swap3A_801 : i32 to index
    %swap3A_803 = arith.constant 64 : index
    %swap3A_804 = tpu.vector_load %arg11[%swap3A_802, %swap3A_803] {strides = array<i32>} : memref<16x128xf32, #tpu.memory_space<vmem>>, vector<1x16xf32>,
    %swap3A_805 = vector.shape_cast %swap3A_804 : vector<1x16xf32> to vector<16xf32>
    %swap3A_806 = vector.shape_cast %broadcast_in_dim3A_800 : vector<16xf32> to vector<1x16xf32>
    tpu.vector_store %arg11[%swap3A_802, %swap3A_803], %swap3A_806 {strides = array<i32>} : memref<16x128xf32, #tpu.memory_space<vmem>>, vector<1x16xf32>,
    %broadcast_in_dim3A_807 = arith.constant 0.000000e+00 : f32
    %broadcast_in_dim3A_808 = vector.broadcast %broadcast_in_dim3A_807 : f32 to vector<16xf32>
    %swap3A_809 = arith.constant 12 : i32
    %swap3A_810 = arith.index_cast %swap3A_809 : i32 to index
    %swap3A_811 = arith.constant 80 : index
    %swap3A_812 = tpu.vector_load %arg11[%swap3A_810, %swap3A_811] {strides = array<i32>} : memref<16x128xf32, #tpu.memory_space<vmem>>, vector<1x16xf32>,
    %swap3A_813 = vector.shape_cast %swap3A_812 : vector<1x16xf32> to vector<16xf32>
    %swap3A_814 = vector.shape_cast %broadcast_in_dim3A_808 : vector<16xf32> to vector<1x16xf32>
    tpu.vector_store %arg11[%swap3A_810, %swap3A_811], %swap3A_814 {strides = array<i32>} : memref<16x128xf32, #tpu.memory_space<vmem>>, vector<1x16xf32>,
    %broadcast_in_dim3A_815 = arith.constant 0.000000e+00 : f32
    %broadcast_in_dim3A_816 = vector.broadcast %broadcast_in_dim3A_815 : f32 to vector<16xf32>
    %swap3A_817 = arith.constant 12 : i32
    %swap3A_818 = arith.index_cast %swap3A_817 : i32 to index
    %swap3A_819 = arith.constant 96 : index
    %swap3A_820 = tpu.vector_load %arg11[%swap3A_818, %swap3A_819] {strides = array<i32>} : memref<16x128xf32, #tpu.memory_space<vmem>>, vector<1x16xf32>,
    %swap3A_821 = vector.shape_cast %swap3A_820 : vector<1x16xf32> to vector<16xf32>
    %swap3A_822 = vector.shape_cast %broadcast_in_dim3A_816 : vector<16xf32> to vector<1x16xf32>
    tpu.vector_store %arg11[%swap3A_818, %swap3A_819], %swap3A_822 {strides = array<i32>} : memref<16x128xf32, #tpu.memory_space<vmem>>, vector<1x16xf32>,
    %broadcast_in_dim3A_823 = arith.constant 0.000000e+00 : f32
    %broadcast_in_dim3A_824 = vector.broadcast %broadcast_in_dim3A_823 : f32 to vector<16xf32>
    %swap3A_825 = arith.constant 12 : i32
    %swap3A_826 = arith.index_cast %swap3A_825 : i32 to index
    %swap3A_827 = arith.constant 112 : index
    %swap3A_828 = tpu.vector_load %arg11[%swap3A_826, %swap3A_827] {strides = array<i32>} : memref<16x128xf32, #tpu.memory_space<vmem>>, vector<1x16xf32>,
    %swap3A_829 = vector.shape_cast %swap3A_828 : vector<1x16xf32> to vector<16xf32>
    %swap3A_830 = vector.shape_cast %broadcast_in_dim3A_824 : vector<16xf32> to vector<1x16xf32>
    tpu.vector_store %arg11[%swap3A_826, %swap3A_827], %swap3A_830 {strides = array<i32>} : memref<16x128xf32, #tpu.memory_space<vmem>>, vector<1x16xf32>,
    %broadcast_in_dim3A_831 = arith.constant 0.000000e+00 : f32
    %broadcast_in_dim3A_832 = vector.broadcast %broadcast_in_dim3A_831 : f32 to vector<16xf32>
    %swap3A_833 = arith.constant 13 : i32
    %swap3A_834 = arith.index_cast %swap3A_833 : i32 to index
    %swap3A_835 = arith.constant 0 : index
    %swap3A_836 = tpu.vector_load %arg11[%swap3A_834, %swap3A_835] {strides = array<i32>} : memref<16x128xf32, #tpu.memory_space<vmem>>, vector<1x16xf32>,
    %swap3A_837 = vector.shape_cast %swap3A_836 : vector<1x16xf32> to vector<16xf32>
    %swap3A_838 = vector.shape_cast %broadcast_in_dim3A_832 : vector<16xf32> to vector<1x16xf32>
    tpu.vector_store %arg11[%swap3A_834, %swap3A_835], %swap3A_838 {strides = array<i32>} : memref<16x128xf32, #tpu.memory_space<vmem>>, vector<1x16xf32>,
    %broadcast_in_dim3A_839 = arith.constant 0.000000e+00 : f32
    %broadcast_in_dim3A_840 = vector.broadcast %broadcast_in_dim3A_839 : f32 to vector<16xf32>
    %swap3A_841 = arith.constant 13 : i32
    %swap3A_842 = arith.index_cast %swap3A_841 : i32 to index
    %swap3A_843 = arith.constant 16 : index
    %swap3A_844 = tpu.vector_load %arg11[%swap3A_842, %swap3A_843] {strides = array<i32>} : memref<16x128xf32, #tpu.memory_space<vmem>>, vector<1x16xf32>,
    %swap3A_845 = vector.shape_cast %swap3A_844 : vector<1x16xf32> to vector<16xf32>
    %swap3A_846 = vector.shape_cast %broadcast_in_dim3A_840 : vector<16xf32> to vector<1x16xf32>
    tpu.vector_store %arg11[%swap3A_842, %swap3A_843], %swap3A_846 {strides = array<i32>} : memref<16x128xf32, #tpu.memory_space<vmem>>, vector<1x16xf32>,
    %broadcast_in_dim3A_847 = arith.constant 0.000000e+00 : f32
    %broadcast_in_dim3A_848 = vector.broadcast %broadcast_in_dim3A_847 : f32 to vector<16xf32>
    %swap3A_849 = arith.constant 13 : i32
    %swap3A_850 = arith.index_cast %swap3A_849 : i32 to index
    %swap3A_851 = arith.constant 32 : index
    %swap3A_852 = tpu.vector_load %arg11[%swap3A_850, %swap3A_851] {strides = array<i32>} : memref<16x128xf32, #tpu.memory_space<vmem>>, vector<1x16xf32>,
    %swap3A_853 = vector.shape_cast %swap3A_852 : vector<1x16xf32> to vector<16xf32>
    %swap3A_854 = vector.shape_cast %broadcast_in_dim3A_848 : vector<16xf32> to vector<1x16xf32>
    tpu.vector_store %arg11[%swap3A_850, %swap3A_851], %swap3A_854 {strides = array<i32>} : memref<16x128xf32, #tpu.memory_space<vmem>>, vector<1x16xf32>,
    %broadcast_in_dim3A_855 = arith.constant 0.000000e+00 : f32
    %broadcast_in_dim3A_856 = vector.broadcast %broadcast_in_dim3A_855 : f32 to vector<16xf32>
    %swap3A_857 = arith.constant 13 : i32
    %swap3A_858 = arith.index_cast %swap3A_857 : i32 to index
    %swap3A_859 = arith.constant 48 : index
    %swap3A_860 = tpu.vector_load %arg11[%swap3A_858, %swap3A_859] {strides = array<i32>} : memref<16x128xf32, #tpu.memory_space<vmem>>, vector<1x16xf32>,
    %swap3A_861 = vector.shape_cast %swap3A_860 : vector<1x16xf32> to vector<16xf32>
    %swap3A_862 = vector.shape_cast %broadcast_in_dim3A_856 : vector<16xf32> to vector<1x16xf32>
    tpu.vector_store %arg11[%swap3A_858, %swap3A_859], %swap3A_862 {strides = array<i32>} : memref<16x128xf32, #tpu.memory_space<vmem>>, vector<1x16xf32>,
    %broadcast_in_dim3A_863 = arith.constant 0.000000e+00 : f32
    %broadcast_in_dim3A_864 = vector.broadcast %broadcast_in_dim3A_863 : f32 to vector<16xf32>
    %swap3A_865 = arith.constant 13 : i32
    %swap3A_866 = arith.index_cast %swap3A_865 : i32 to index
    %swap3A_867 = arith.constant 64 : index
    %swap3A_868 = tpu.vector_load %arg11[%swap3A_866, %swap3A_867] {strides = array<i32>} : memref<16x128xf32, #tpu.memory_space<vmem>>, vector<1x16xf32>,
    %swap3A_869 = vector.shape_cast %swap3A_868 : vector<1x16xf32> to vector<16xf32>
    %swap3A_870 = vector.shape_cast %broadcast_in_dim3A_864 : vector<16xf32> to vector<1x16xf32>
    tpu.vector_store %arg11[%swap3A_866, %swap3A_867], %swap3A_870 {strides = array<i32>} : memref<16x128xf32, #tpu.memory_space<vmem>>, vector<1x16xf32>,
    %broadcast_in_dim3A_871 = arith.constant 0.000000e+00 : f32
    %broadcast_in_dim3A_872 = vector.broadcast %broadcast_in_dim3A_871 : f32 to vector<16xf32>
    %swap3A_873 = arith.constant 13 : i32
    %swap3A_874 = arith.index_cast %swap3A_873 : i32 to index
    %swap3A_875 = arith.constant 80 : index
    %swap3A_876 = tpu.vector_load %arg11[%swap3A_874, %swap3A_875] {strides = array<i32>} : memref<16x128xf32, #tpu.memory_space<vmem>>, vector<1x16xf32>,
    %swap3A_877 = vector.shape_cast %swap3A_876 : vector<1x16xf32> to vector<16xf32>
    %swap3A_878 = vector.shape_cast %broadcast_in_dim3A_872 : vector<16xf32> to vector<1x16xf32>
    tpu.vector_store %arg11[%swap3A_874, %swap3A_875], %swap3A_878 {strides = array<i32>} : memref<16x128xf32, #tpu.memory_space<vmem>>, vector<1x16xf32>,
    %broadcast_in_dim3A_879 = arith.constant 0.000000e+00 : f32
    %broadcast_in_dim3A_880 = vector.broadcast %broadcast_in_dim3A_879 : f32 to vector<16xf32>
    %swap3A_881 = arith.constant 13 : i32
    %swap3A_882 = arith.index_cast %swap3A_881 : i32 to index
    %swap3A_883 = arith.constant 96 : index
    %swap3A_884 = tpu.vector_load %arg11[%swap3A_882, %swap3A_883] {strides = array<i32>} : memref<16x128xf32, #tpu.memory_space<vmem>>, vector<1x16xf32>,
    %swap3A_885 = vector.shape_cast %swap3A_884 : vector<1x16xf32> to vector<16xf32>
    %swap3A_886 = vector.shape_cast %broadcast_in_dim3A_880 : vector<16xf32> to vector<1x16xf32>
    tpu.vector_store %arg11[%swap3A_882, %swap3A_883], %swap3A_886 {strides = array<i32>} : memref<16x128xf32, #tpu.memory_space<vmem>>, vector<1x16xf32>,
    %broadcast_in_dim3A_887 = arith.constant 0.000000e+00 : f32
    %broadcast_in_dim3A_888 = vector.broadcast %broadcast_in_dim3A_887 : f32 to vector<16xf32>
    %swap3A_889 = arith.constant 13 : i32
    %swap3A_890 = arith.index_cast %swap3A_889 : i32 to index
    %swap3A_891 = arith.constant 112 : index
    %swap3A_892 = tpu.vector_load %arg11[%swap3A_890, %swap3A_891] {strides = array<i32>} : memref<16x128xf32, #tpu.memory_space<vmem>>, vector<1x16xf32>,
    %swap3A_893 = vector.shape_cast %swap3A_892 : vector<1x16xf32> to vector<16xf32>
    %swap3A_894 = vector.shape_cast %broadcast_in_dim3A_888 : vector<16xf32> to vector<1x16xf32>
    tpu.vector_store %arg11[%swap3A_890, %swap3A_891], %swap3A_894 {strides = array<i32>} : memref<16x128xf32, #tpu.memory_space<vmem>>, vector<1x16xf32>,
    %broadcast_in_dim3A_895 = arith.constant 0.000000e+00 : f32
    %broadcast_in_dim3A_896 = vector.broadcast %broadcast_in_dim3A_895 : f32 to vector<16xf32>
    %swap3A_897 = arith.constant 14 : i32
    %swap3A_898 = arith.index_cast %swap3A_897 : i32 to index
    %swap3A_899 = arith.constant 0 : index
    %swap3A_900 = tpu.vector_load %arg11[%swap3A_898, %swap3A_899] {strides = array<i32>} : memref<16x128xf32, #tpu.memory_space<vmem>>, vector<1x16xf32>,
    %swap3A_901 = vector.shape_cast %swap3A_900 : vector<1x16xf32> to vector<16xf32>
    %swap3A_902 = vector.shape_cast %broadcast_in_dim3A_896 : vector<16xf32> to vector<1x16xf32>
    tpu.vector_store %arg11[%swap3A_898, %swap3A_899], %swap3A_902 {strides = array<i32>} : memref<16x128xf32, #tpu.memory_space<vmem>>, vector<1x16xf32>,
    %broadcast_in_dim3A_903 = arith.constant 0.000000e+00 : f32
    %broadcast_in_dim3A_904 = vector.broadcast %broadcast_in_dim3A_903 : f32 to vector<16xf32>
    %swap3A_905 = arith.constant 14 : i32
    %swap3A_906 = arith.index_cast %swap3A_905 : i32 to index
    %swap3A_907 = arith.constant 16 : index
    %swap3A_908 = tpu.vector_load %arg11[%swap3A_906, %swap3A_907] {strides = array<i32>} : memref<16x128xf32, #tpu.memory_space<vmem>>, vector<1x16xf32>,
    %swap3A_909 = vector.shape_cast %swap3A_908 : vector<1x16xf32> to vector<16xf32>
    %swap3A_910 = vector.shape_cast %broadcast_in_dim3A_904 : vector<16xf32> to vector<1x16xf32>
    tpu.vector_store %arg11[%swap3A_906, %swap3A_907], %swap3A_910 {strides = array<i32>} : memref<16x128xf32, #tpu.memory_space<vmem>>, vector<1x16xf32>,
    %broadcast_in_dim3A_911 = arith.constant 0.000000e+00 : f32
    %broadcast_in_dim3A_912 = vector.broadcast %broadcast_in_dim3A_911 : f32 to vector<16xf32>
    %swap3A_913 = arith.constant 14 : i32
    %swap3A_914 = arith.index_cast %swap3A_913 : i32 to index
    %swap3A_915 = arith.constant 32 : index
    %swap3A_916 = tpu.vector_load %arg11[%swap3A_914, %swap3A_915] {strides = array<i32>} : memref<16x128xf32, #tpu.memory_space<vmem>>, vector<1x16xf32>,
    %swap3A_917 = vector.shape_cast %swap3A_916 : vector<1x16xf32> to vector<16xf32>
    %swap3A_918 = vector.shape_cast %broadcast_in_dim3A_912 : vector<16xf32> to vector<1x16xf32>
    tpu.vector_store %arg11[%swap3A_914, %swap3A_915], %swap3A_918 {strides = array<i32>} : memref<16x128xf32, #tpu.memory_space<vmem>>, vector<1x16xf32>,
    %broadcast_in_dim3A_919 = arith.constant 0.000000e+00 : f32
    %broadcast_in_dim3A_920 = vector.broadcast %broadcast_in_dim3A_919 : f32 to vector<16xf32>
    %swap3A_921 = arith.constant 14 : i32
    %swap3A_922 = arith.index_cast %swap3A_921 : i32 to index
    %swap3A_923 = arith.constant 48 : index
    %swap3A_924 = tpu.vector_load %arg11[%swap3A_922, %swap3A_923] {strides = array<i32>} : memref<16x128xf32, #tpu.memory_space<vmem>>, vector<1x16xf32>,
    %swap3A_925 = vector.shape_cast %swap3A_924 : vector<1x16xf32> to vector<16xf32>
    %swap3A_926 = vector.shape_cast %broadcast_in_dim3A_920 : vector<16xf32> to vector<1x16xf32>
    tpu.vector_store %arg11[%swap3A_922, %swap3A_923], %swap3A_926 {strides = array<i32>} : memref<16x128xf32, #tpu.memory_space<vmem>>, vector<1x16xf32>,
    %broadcast_in_dim3A_927 = arith.constant 0.000000e+00 : f32
    %broadcast_in_dim3A_928 = vector.broadcast %broadcast_in_dim3A_927 : f32 to vector<16xf32>
    %swap3A_929 = arith.constant 14 : i32
    %swap3A_930 = arith.index_cast %swap3A_929 : i32 to index
    %swap3A_931 = arith.constant 64 : index
    %swap3A_932 = tpu.vector_load %arg11[%swap3A_930, %swap3A_931] {strides = array<i32>} : memref<16x128xf32, #tpu.memory_space<vmem>>, vector<1x16xf32>,
    %swap3A_933 = vector.shape_cast %swap3A_932 : vector<1x16xf32> to vector<16xf32>
    %swap3A_934 = vector.shape_cast %broadcast_in_dim3A_928 : vector<16xf32> to vector<1x16xf32>
    tpu.vector_store %arg11[%swap3A_930, %swap3A_931], %swap3A_934 {strides = array<i32>} : memref<16x128xf32, #tpu.memory_space<vmem>>, vector<1x16xf32>,
    %broadcast_in_dim3A_935 = arith.constant 0.000000e+00 : f32
    %broadcast_in_dim3A_936 = vector.broadcast %broadcast_in_dim3A_935 : f32 to vector<16xf32>
    %swap3A_937 = arith.constant 14 : i32
    %swap3A_938 = arith.index_cast %swap3A_937 : i32 to index
    %swap3A_939 = arith.constant 80 : index
    %swap3A_940 = tpu.vector_load %arg11[%swap3A_938, %swap3A_939] {strides = array<i32>} : memref<16x128xf32, #tpu.memory_space<vmem>>, vector<1x16xf32>,
    %swap3A_941 = vector.shape_cast %swap3A_940 : vector<1x16xf32> to vector<16xf32>
    %swap3A_942 = vector.shape_cast %broadcast_in_dim3A_936 : vector<16xf32> to vector<1x16xf32>
    tpu.vector_store %arg11[%swap3A_938, %swap3A_939], %swap3A_942 {strides = array<i32>} : memref<16x128xf32, #tpu.memory_space<vmem>>, vector<1x16xf32>,
    %broadcast_in_dim3A_943 = arith.constant 0.000000e+00 : f32
    %broadcast_in_dim3A_944 = vector.broadcast %broadcast_in_dim3A_943 : f32 to vector<16xf32>
    %swap3A_945 = arith.constant 14 : i32
    %swap3A_946 = arith.index_cast %swap3A_945 : i32 to index
    %swap3A_947 = arith.constant 96 : index
    %swap3A_948 = tpu.vector_load %arg11[%swap3A_946, %swap3A_947] {strides = array<i32>} : memref<16x128xf32, #tpu.memory_space<vmem>>, vector<1x16xf32>,
    %swap3A_949 = vector.shape_cast %swap3A_948 : vector<1x16xf32> to vector<16xf32>
    %swap3A_950 = vector.shape_cast %broadcast_in_dim3A_944 : vector<16xf32> to vector<1x16xf32>
    tpu.vector_store %arg11[%swap3A_946, %swap3A_947], %swap3A_950 {strides = array<i32>} : memref<16x128xf32, #tpu.memory_space<vmem>>, vector<1x16xf32>,
    %broadcast_in_dim3A_951 = arith.constant 0.000000e+00 : f32
    %broadcast_in_dim3A_952 = vector.broadcast %broadcast_in_dim3A_951 : f32 to vector<16xf32>
    %swap3A_953 = arith.constant 14 : i32
    %swap3A_954 = arith.index_cast %swap3A_953 : i32 to index
    %swap3A_955 = arith.constant 112 : index
    %swap3A_956 = tpu.vector_load %arg11[%swap3A_954, %swap3A_955] {strides = array<i32>} : memref<16x128xf32, #tpu.memory_space<vmem>>, vector<1x16xf32>,
    %swap3A_957 = vector.shape_cast %swap3A_956 : vector<1x16xf32> to vector<16xf32>
    %swap3A_958 = vector.shape_cast %broadcast_in_dim3A_952 : vector<16xf32> to vector<1x16xf32>
    tpu.vector_store %arg11[%swap3A_954, %swap3A_955], %swap3A_958 {strides = array<i32>} : memref<16x128xf32, #tpu.memory_space<vmem>>, vector<1x16xf32>,
    %broadcast_in_dim3A_959 = arith.constant 0.000000e+00 : f32
    %broadcast_in_dim3A_960 = vector.broadcast %broadcast_in_dim3A_959 : f32 to vector<16xf32>
    %swap3A_961 = arith.constant 15 : i32
    %swap3A_962 = arith.index_cast %swap3A_961 : i32 to index
    %swap3A_963 = arith.constant 0 : index
    %swap3A_964 = tpu.vector_load %arg11[%swap3A_962, %swap3A_963] {strides = array<i32>} : memref<16x128xf32, #tpu.memory_space<vmem>>, vector<1x16xf32>,
    %swap3A_965 = vector.shape_cast %swap3A_964 : vector<1x16xf32> to vector<16xf32>
    %swap3A_966 = vector.shape_cast %broadcast_in_dim3A_960 : vector<16xf32> to vector<1x16xf32>
    tpu.vector_store %arg11[%swap3A_962, %swap3A_963], %swap3A_966 {strides = array<i32>} : memref<16x128xf32, #tpu.memory_space<vmem>>, vector<1x16xf32>,
    %broadcast_in_dim3A_967 = arith.constant 0.000000e+00 : f32
    %broadcast_in_dim3A_968 = vector.broadcast %broadcast_in_dim3A_967 : f32 to vector<16xf32>
    %swap3A_969 = arith.constant 15 : i32
    %swap3A_970 = arith.index_cast %swap3A_969 : i32 to index
    %swap3A_971 = arith.constant 16 : index
    %swap3A_972 = tpu.vector_load %arg11[%swap3A_970, %swap3A_971] {strides = array<i32>} : memref<16x128xf32, #tpu.memory_space<vmem>>, vector<1x16xf32>,
    %swap3A_973 = vector.shape_cast %swap3A_972 : vector<1x16xf32> to vector<16xf32>
    %swap3A_974 = vector.shape_cast %broadcast_in_dim3A_968 : vector<16xf32> to vector<1x16xf32>
    tpu.vector_store %arg11[%swap3A_970, %swap3A_971], %swap3A_974 {strides = array<i32>} : memref<16x128xf32, #tpu.memory_space<vmem>>, vector<1x16xf32>,
    %broadcast_in_dim3A_975 = arith.constant 0.000000e+00 : f32
    %broadcast_in_dim3A_976 = vector.broadcast %broadcast_in_dim3A_975 : f32 to vector<16xf32>
    %swap3A_977 = arith.constant 15 : i32
    %swap3A_978 = arith.index_cast %swap3A_977 : i32 to index
    %swap3A_979 = arith.constant 32 : index
    %swap3A_980 = tpu.vector_load %arg11[%swap3A_978, %swap3A_979] {strides = array<i32>} : memref<16x128xf32, #tpu.memory_space<vmem>>, vector<1x16xf32>,
    %swap3A_981 = vector.shape_cast %swap3A_980 : vector<1x16xf32> to vector<16xf32>
    %swap3A_982 = vector.shape_cast %broadcast_in_dim3A_976 : vector<16xf32> to vector<1x16xf32>
    tpu.vector_store %arg11[%swap3A_978, %swap3A_979], %swap3A_982 {strides = array<i32>} : memref<16x128xf32, #tpu.memory_space<vmem>>, vector<1x16xf32>,
    %broadcast_in_dim3A_983 = arith.constant 0.000000e+00 : f32
    %broadcast_in_dim3A_984 = vector.broadcast %broadcast_in_dim3A_983 : f32 to vector<16xf32>
    %swap3A_985 = arith.constant 15 : i32
    %swap3A_986 = arith.index_cast %swap3A_985 : i32 to index
    %swap3A_987 = arith.constant 48 : index
    %swap3A_988 = tpu.vector_load %arg11[%swap3A_986, %swap3A_987] {strides = array<i32>} : memref<16x128xf32, #tpu.memory_space<vmem>>, vector<1x16xf32>,
    %swap3A_989 = vector.shape_cast %swap3A_988 : vector<1x16xf32> to vector<16xf32>
    %swap3A_990 = vector.shape_cast %broadcast_in_dim3A_984 : vector<16xf32> to vector<1x16xf32>
    tpu.vector_store %arg11[%swap3A_986, %swap3A_987], %swap3A_990 {strides = array<i32>} : memref<16x128xf32, #tpu.memory_space<vmem>>, vector<1x16xf32>,
    %broadcast_in_dim3A_991 = arith.constant 0.000000e+00 : f32
    %broadcast_in_dim3A_992 = vector.broadcast %broadcast_in_dim3A_991 : f32 to vector<16xf32>
    %swap3A_993 = arith.constant 15 : i32
    %swap3A_994 = arith.index_cast %swap3A_993 : i32 to index
    %swap3A_995 = arith.constant 64 : index
    %swap3A_996 = tpu.vector_load %arg11[%swap3A_994, %swap3A_995] {strides = array<i32>} : memref<16x128xf32, #tpu.memory_space<vmem>>, vector<1x16xf32>,
    %swap3A_997 = vector.shape_cast %swap3A_996 : vector<1x16xf32> to vector<16xf32>
    %swap3A_998 = vector.shape_cast %broadcast_in_dim3A_992 : vector<16xf32> to vector<1x16xf32>
    tpu.vector_store %arg11[%swap3A_994, %swap3A_995], %swap3A_998 {strides = array<i32>} : memref<16x128xf32, #tpu.memory_space<vmem>>, vector<1x16xf32>,
    %broadcast_in_dim3A_999 = arith.constant 0.000000e+00 : f32
    %broadcast_in_dim3A_1000 = vector.broadcast %broadcast_in_dim3A_999 : f32 to vector<16xf32>
    %swap3A_1001 = arith.constant 15 : i32
    %swap3A_1002 = arith.index_cast %swap3A_1001 : i32 to index
    %swap3A_1003 = arith.constant 80 : index
    %swap3A_1004 = tpu.vector_load %arg11[%swap3A_1002, %swap3A_1003] {strides = array<i32>} : memref<16x128xf32, #tpu.memory_space<vmem>>, vector<1x16xf32>,
    %swap3A_1005 = vector.shape_cast %swap3A_1004 : vector<1x16xf32> to vector<16xf32>
    %swap3A_1006 = vector.shape_cast %broadcast_in_dim3A_1000 : vector<16xf32> to vector<1x16xf32>
    tpu.vector_store %arg11[%swap3A_1002, %swap3A_1003], %swap3A_1006 {strides = array<i32>} : memref<16x128xf32, #tpu.memory_space<vmem>>, vector<1x16xf32>,
    %broadcast_in_dim3A_1007 = arith.constant 0.000000e+00 : f32
    %broadcast_in_dim3A_1008 = vector.broadcast %broadcast_in_dim3A_1007 : f32 to vector<16xf32>
    %swap3A_1009 = arith.constant 15 : i32
    %swap3A_1010 = arith.index_cast %swap3A_1009 : i32 to index
    %swap3A_1011 = arith.constant 96 : index
    %swap3A_1012 = tpu.vector_load %arg11[%swap3A_1010, %swap3A_1011] {strides = array<i32>} : memref<16x128xf32, #tpu.memory_space<vmem>>, vector<1x16xf32>,
    %swap3A_1013 = vector.shape_cast %swap3A_1012 : vector<1x16xf32> to vector<16xf32>
    %swap3A_1014 = vector.shape_cast %broadcast_in_dim3A_1008 : vector<16xf32> to vector<1x16xf32>
    tpu.vector_store %arg11[%swap3A_1010, %swap3A_1011], %swap3A_1014 {strides = array<i32>} : memref<16x128xf32, #tpu.memory_space<vmem>>, vector<1x16xf32>,
    %broadcast_in_dim3A_1015 = arith.constant 0.000000e+00 : f32
    %broadcast_in_dim3A_1016 = vector.broadcast %broadcast_in_dim3A_1015 : f32 to vector<16xf32>
    %swap3A_1017 = arith.constant 15 : i32
    %swap3A_1018 = arith.index_cast %swap3A_1017 : i32 to index
    %swap3A_1019 = arith.constant 112 : index
    %swap3A_1020 = tpu.vector_load %arg11[%swap3A_1018, %swap3A_1019] {strides = array<i32>} : memref<16x128xf32, #tpu.memory_space<vmem>>, vector<1x16xf32>,
    %swap3A_1021 = vector.shape_cast %swap3A_1020 : vector<1x16xf32> to vector<16xf32>
    %swap3A_1022 = vector.shape_cast %broadcast_in_dim3A_1016 : vector<16xf32> to vector<1x16xf32>
    tpu.vector_store %arg11[%swap3A_1018, %swap3A_1019], %swap3A_1022 {strides = array<i32>} : memref<16x128xf32, #tpu.memory_space<vmem>>, vector<1x16xf32>,
    %scan3A = arith.constant 0 : i32
    %scan3A_1023 = arith.constant 0 : i32
    %scan3A_1024 = arith.constant 39 : i32
    %scan3A_1025 = arith.addi %scan3A_1023, %scan3A_1024 : i32
    %scan3A_1026 = arith.constant 1 : i32
    scf.for %scan3A_1262 = %scan3A_1023 to %scan3A_1025 step %scan3A_1026  : i32 {
      %mul3A_1263 = arith.constant 16 : i32
      %mul3A_1264 = arith.muli %scan3A_1262, %mul3A_1263 : i32
      %add3A_1265 = arith.addi %mul3A_0, %mul3A_1264 : i32
      %dma_start3A_1266 = arith.constant 0 : i32
      %dma_start3A_1267 = tpu.memref_slice %arg12[%add3A_1265, %dma_start3A_1266] : memref<10000x128xf32, #tpu.memory_space<vmem_shared>> -> memref<16x128xf32, #tpu.memory_space<vmem_shared>>
      %dma_start3A_1268 = arith.constant 0 : i32
      %dma_start3A_1269 = tpu.memref_slice %arg12[%add3A_1265, %dma_start3A_1268] : memref<10000x128xf32, #tpu.memory_space<vmem_shared>> -> memref<16x128xf32, #tpu.memory_space<vmem_shared>>
      tpu.enqueue_dma source(%arg11 : memref<16x128xf32, #tpu.memory_space<vmem>>) target(%dma_start3A_1269 : memref<16x128xf32, #tpu.memory_space<vmem_shared>>) target_semaphore(%arg13 : memref<!tpu.dma_semaphore, #tpu.memory_space<semaphore_mem>>)
    }
    %scan3A_1027 = arith.constant 39 : i32
    %eq3A = arith.constant 15 : i32
    %eq3A_1028 = arith.cmpi eq, %arg1, %eq3A : i32
    %convert_element_type3A = arith.extui %eq3A_1028 : i1 to i32
    %cond3A = arith.constant 0 : i32
    %cond3A_1029 = arith.cmpi ne, %convert_element_type3A, %cond3A : i32
    scf.if %cond3A_1029 {
      %dma_start3A_1262 = arith.constant 9984 : i32
      %dma_start3A_1263 = arith.constant 0 : i32
      %dma_start3A_1264 = tpu.memref_slice %arg12[%dma_start3A_1262, %dma_start3A_1263] : memref<10000x128xf32, #tpu.memory_space<vmem_shared>> -> memref<16x128xf32, #tpu.memory_space<vmem_shared>>
      %dma_start3A_1265 = arith.constant 9984 : i32
      %dma_start3A_1266 = arith.constant 0 : i32
      %dma_start3A_1267 = tpu.memref_slice %arg12[%dma_start3A_1265, %dma_start3A_1266] : memref<10000x128xf32, #tpu.memory_space<vmem_shared>> -> memref<16x128xf32, #tpu.memory_space<vmem_shared>>
      tpu.enqueue_dma source(%arg11 : memref<16x128xf32, #tpu.memory_space<vmem>>) target(%dma_start3A_1267 : memref<16x128xf32, #tpu.memory_space<vmem_shared>>) target_semaphore(%arg13 : memref<!tpu.dma_semaphore, #tpu.memory_space<semaphore_mem>>)
    } else {
    }
    %scan3A_1030 = arith.constant 0 : i32
    %scan3A_1031 = arith.constant 0 : i32
    %scan3A_1032 = arith.constant 39 : i32
    %scan3A_1033 = arith.addi %scan3A_1031, %scan3A_1032 : i32
    %scan3A_1034 = arith.constant 1 : i32
    scf.for %scan3A_1262 = %scan3A_1031 to %scan3A_1033 step %scan3A_1034  : i32 {
      %dma_wait3A_1263 = arith.constant 0 : i32
      %dma_wait3A_1264 = tpu.memref_slice %arg12[%mul3A_0, %dma_wait3A_1263] : memref<10000x128xf32, #tpu.memory_space<vmem_shared>> -> memref<16x128xf32, #tpu.memory_space<vmem_shared>>
      %dma_wait3A_1265 = arith.constant 0 : i32
      %dma_wait3A_1266 = tpu.memref_slice %arg12[%mul3A_0, %dma_wait3A_1265] : memref<10000x128xf32, #tpu.memory_space<vmem_shared>> -> memref<16x128xf32, #tpu.memory_space<vmem_shared>>
      tpu.wait_dma2 semaphore(%arg13 : memref<!tpu.dma_semaphore, #tpu.memory_space<semaphore_mem>>) src(%arg11 : memref<16x128xf32, #tpu.memory_space<vmem>>) dst(%dma_wait3A_1266 : memref<16x128xf32, #tpu.memory_space<vmem_shared>>)
    }
    %scan3A_1035 = arith.constant 39 : i32
    %eq3A_1036 = arith.constant 15 : i32
    %eq3A_1037 = arith.cmpi eq, %arg1, %eq3A_1036 : i32
    %convert_element_type3A_1038 = arith.extui %eq3A_1037 : i1 to i32
    %cond3A_1039 = arith.constant 0 : i32
    %cond3A_1040 = arith.cmpi ne, %convert_element_type3A_1038, %cond3A_1039 : i32
    scf.if %cond3A_1040 {
      %dma_wait3A_1262 = arith.constant 0 : i32
      %dma_wait3A_1263 = tpu.memref_slice %arg12[%mul3A_0, %dma_wait3A_1262] : memref<10000x128xf32, #tpu.memory_space<vmem_shared>> -> memref<16x128xf32, #tpu.memory_space<vmem_shared>>
      %dma_wait3A_1264 = arith.constant 0 : i32
      %dma_wait3A_1265 = tpu.memref_slice %arg12[%mul3A_0, %dma_wait3A_1264] : memref<10000x128xf32, #tpu.memory_space<vmem_shared>> -> memref<16x128xf32, #tpu.memory_space<vmem_shared>>
      tpu.wait_dma2 semaphore(%arg13 : memref<!tpu.dma_semaphore, #tpu.memory_space<semaphore_mem>>) src(%arg11 : memref<16x128xf32, #tpu.memory_space<vmem>>) dst(%dma_wait3A_1265 : memref<16x128xf32, #tpu.memory_space<vmem_shared>>)
    } else {
    }
    %barrier3A = arith.constant 0 : index
    tpu.barrier barrier_id(%barrier3A)
    %mul3A_1041 = arith.constant 16 : i32
    %mul3A_1042 = arith.muli %arg0, %mul3A_1041 : i32
    %add3A = arith.addi %mul3A_1042, %arg1 : i32
    %mul3A_1043 = arith.constant 10000 : i32
    %mul3A_1044 = arith.muli %add3A, %mul3A_1043 : i32
    %add3A_1045 = arith.constant 0 : i32
    %add3A_1046 = arith.addi %mul3A_1044, %add3A_1045 : i32
    "tpu.region"() ({
      %run_scoped3A = tpu.sem_alloc : memref<!tpu.dma_semaphore, #tpu.memory_space<semaphore_mem>>
      %dma_start3A_1262 = arith.constant 0 : i32
      %dma_start3A_1263 = tpu.memref_slice %arg6[%dma_start3A_1262] : memref<5120xi32, #tpu.memory_space<vmem>> -> memref<5120xi32, #tpu.memory_space<vmem>>
      %dma_start3A_1264 = tpu.memref_slice %arg3[%add3A_1046] : memref<320000xi32, #tpu.memory_space<hbm>> -> memref<5120xi32, #tpu.memory_space<hbm>>
      %dma_start3A_1265 = arith.constant 0 : i32
      %dma_start3A_1266 = tpu.memref_slice %arg6[%dma_start3A_1265] : memref<5120xi32, #tpu.memory_space<vmem>> -> memref<5120xi32, #tpu.memory_space<vmem>>
      %dma_start3A_1267 = tpu.memref_slice %arg3[%add3A_1046] : memref<320000xi32, #tpu.memory_space<hbm>> -> memref<5120xi32, #tpu.memory_space<hbm>>
      tpu.enqueue_dma source(%dma_start3A_1267 : memref<5120xi32, #tpu.memory_space<hbm>>) target(%dma_start3A_1266 : memref<5120xi32, #tpu.memory_space<vmem>>) target_semaphore(%run_scoped3A : memref<!tpu.dma_semaphore, #tpu.memory_space<semaphore_mem>>)
      %dma_wait3A_1268 = arith.constant 0 : i32
      %dma_wait3A_1269 = tpu.memref_slice %arg6[%dma_wait3A_1268] : memref<5120xi32, #tpu.memory_space<vmem>> -> memref<5120xi32, #tpu.memory_space<vmem>>
      %dma_wait3A_1270 = tpu.memref_slice %arg3[%add3A_1046] : memref<320000xi32, #tpu.memory_space<hbm>> -> memref<5120xi32, #tpu.memory_space<hbm>>
      %dma_wait3A_1271 = arith.constant 0 : i32
      %dma_wait3A_1272 = tpu.memref_slice %arg6[%dma_wait3A_1271] : memref<5120xi32, #tpu.memory_space<vmem>> -> memref<5120xi32, #tpu.memory_space<vmem>>
      %dma_wait3A_1273 = tpu.memref_slice %arg3[%add3A_1046] : memref<320000xi32, #tpu.memory_space<hbm>> -> memref<5120xi32, #tpu.memory_space<hbm>>
      tpu.wait_dma2 semaphore(%run_scoped3A : memref<!tpu.dma_semaphore, #tpu.memory_space<semaphore_mem>>) src(%dma_wait3A_1273 : memref<5120xi32, #tpu.memory_space<hbm>>) dst(%dma_wait3A_1272 : memref<5120xi32, #tpu.memory_space<vmem>>)
      tpu.yield
    }) : () -> ()
    "tpu.region"() ({
      %run_scoped3A = tpu.sem_alloc : memref<!tpu.dma_semaphore, #tpu.memory_space<semaphore_mem>>
      %dma_start3A_1262 = arith.constant 0 : i32
      %dma_start3A_1263 = arith.constant 0 : i32
      %dma_start3A_1264 = tpu.memref_slice %arg7[%dma_start3A_1262, %dma_start3A_1263] : memref<64x80xi32, #tpu.memory_space<vmem>> -> memref<64x80xi32, #tpu.memory_space<vmem>>
      %dma_start3A_1265 = arith.constant 0 : i32
      %dma_start3A_1266 = arith.constant 0 : i32
      %dma_start3A_1267 = tpu.memref_slice %arg4[%add3A, %dma_start3A_1265, %dma_start3A_1266] : memref<32x125x80xi32, #tpu.memory_space<hbm>> -> memref<1x64x80xi32, #tpu.memory_space<hbm>>
      %dma_start3A_1268 = tpu.memref_squeeze %dma_start3A_1267 : memref<1x64x80xi32, #tpu.memory_space<hbm>> -> memref<64x80xi32, #tpu.memory_space<hbm>>
      %dma_start3A_1269 = arith.constant 0 : i32
      %dma_start3A_1270 = arith.constant 0 : i32
      %dma_start3A_1271 = tpu.memref_slice %arg7[%dma_start3A_1269, %dma_start3A_1270] : memref<64x80xi32, #tpu.memory_space<vmem>> -> memref<64x80xi32, #tpu.memory_space<vmem>>
      %dma_start3A_1272 = arith.constant 0 : i32
      %dma_start3A_1273 = arith.constant 0 : i32
      %dma_start3A_1274 = tpu.memref_slice %arg4[%add3A, %dma_start3A_1272, %dma_start3A_1273] : memref<32x125x80xi32, #tpu.memory_space<hbm>> -> memref<1x64x80xi32, #tpu.memory_space<hbm>>
      %dma_start3A_1275 = tpu.memref_squeeze %dma_start3A_1274 : memref<1x64x80xi32, #tpu.memory_space<hbm>> -> memref<64x80xi32, #tpu.memory_space<hbm>>
      tpu.enqueue_dma source(%dma_start3A_1275 : memref<64x80xi32, #tpu.memory_space<hbm>>) target(%dma_start3A_1271 : memref<64x80xi32, #tpu.memory_space<vmem>>) target_semaphore(%run_scoped3A : memref<!tpu.dma_semaphore, #tpu.memory_space<semaphore_mem>>)
      %dma_wait3A_1276 = arith.constant 0 : i32
      %dma_wait3A_1277 = arith.constant 0 : i32
      %dma_wait3A_1278 = tpu.memref_slice %arg7[%dma_wait3A_1276, %dma_wait3A_1277] : memref<64x80xi32, #tpu.memory_space<vmem>> -> memref<64x80xi32, #tpu.memory_space<vmem>>
      %dma_wait3A_1279 = arith.constant 0 : i32
      %dma_wait3A_1280 = arith.constant 0 : i32
      %dma_wait3A_1281 = tpu.memref_slice %arg4[%add3A, %dma_wait3A_1279, %dma_wait3A_1280] : memref<32x125x80xi32, #tpu.memory_space<hbm>> -> memref<1x64x80xi32, #tpu.memory_space<hbm>>
      %dma_wait3A_1282 = tpu.memref_squeeze %dma_wait3A_1281 : memref<1x64x80xi32, #tpu.memory_space<hbm>> -> memref<64x80xi32, #tpu.memory_space<hbm>>
      %dma_wait3A_1283 = arith.constant 0 : i32
      %dma_wait3A_1284 = arith.constant 0 : i32
      %dma_wait3A_1285 = tpu.memref_slice %arg7[%dma_wait3A_1283, %dma_wait3A_1284] : memref<64x80xi32, #tpu.memory_space<vmem>> -> memref<64x80xi32, #tpu.memory_space<vmem>>
      %dma_wait3A_1286 = arith.constant 0 : i32
      %dma_wait3A_1287 = arith.constant 0 : i32
      %dma_wait3A_1288 = tpu.memref_slice %arg4[%add3A, %dma_wait3A_1286, %dma_wait3A_1287] : memref<32x125x80xi32, #tpu.memory_space<hbm>> -> memref<1x64x80xi32, #tpu.memory_space<hbm>>
      %dma_wait3A_1289 = tpu.memref_squeeze %dma_wait3A_1288 : memref<1x64x80xi32, #tpu.memory_space<hbm>> -> memref<64x80xi32, #tpu.memory_space<hbm>>
      tpu.wait_dma2 semaphore(%run_scoped3A : memref<!tpu.dma_semaphore, #tpu.memory_space<semaphore_mem>>) src(%dma_wait3A_1289 : memref<64x80xi32, #tpu.memory_space<hbm>>) dst(%dma_wait3A_1285 : memref<64x80xi32, #tpu.memory_space<vmem>>)
      tpu.yield
    }) : () -> ()
    %dma_start3A = arith.constant 0 : i32
    %dma_start3A_1047 = tpu.memref_slice %arg6[%dma_start3A] : memref<5120xi32, #tpu.memory_space<vmem>> -> memref<80xi32, #tpu.memory_space<vmem>>
    %dma_start3A_1048 = arith.constant 0 : i32
    %dma_start3A_1049 = arith.constant 0 : i32
    %dma_start3A_1050 = tpu.memref_slice %arg2[%dma_start3A_1048, %dma_start3A_1049] : memref<10000x128xf32, #tpu.memory_space<hbm>> -> memref<10000x128xf32, #tpu.memory_space<hbm>>
    tpu.enqueue_indirect_dma source(%dma_start3A_1050 : memref<10000x128xf32, #tpu.memory_space<hbm>>) target(%arg8 : memref<80x128xf32, #tpu.memory_space<vmem>>) offsets(%dma_start3A_1047 : memref<80xi32, #tpu.memory_space<vmem>>) semaphore(%arg13 : memref<!tpu.dma_semaphore, #tpu.memory_space<semaphore_mem>>)
    %dma_start3A_1051 = arith.constant 80 : i32
    %dma_start3A_1052 = tpu.memref_slice %arg6[%dma_start3A_1051] : memref<5120xi32, #tpu.memory_space<vmem>> -> memref<80xi32, #tpu.memory_space<vmem>>
    %dma_start3A_1053 = arith.constant 0 : i32
    %dma_start3A_1054 = arith.constant 0 : i32
    %dma_start3A_1055 = tpu.memref_slice %arg2[%dma_start3A_1053, %dma_start3A_1054] : memref<10000x128xf32, #tpu.memory_space<hbm>> -> memref<10000x128xf32, #tpu.memory_space<hbm>>
    tpu.enqueue_indirect_dma source(%dma_start3A_1055 : memref<10000x128xf32, #tpu.memory_space<hbm>>) target(%arg9 : memref<80x128xf32, #tpu.memory_space<vmem>>) offsets(%dma_start3A_1052 : memref<80xi32, #tpu.memory_space<vmem>>) semaphore(%arg14 : memref<!tpu.dma_semaphore, #tpu.memory_space<semaphore_mem>>)
    %dma_start3A_1056 = arith.constant 160 : i32
    %dma_start3A_1057 = tpu.memref_slice %arg6[%dma_start3A_1056] : memref<5120xi32, #tpu.memory_space<vmem>> -> memref<80xi32, #tpu.memory_space<vmem>>
    %dma_start3A_1058 = arith.constant 0 : i32
    %dma_start3A_1059 = arith.constant 0 : i32
    %dma_start3A_1060 = tpu.memref_slice %arg2[%dma_start3A_1058, %dma_start3A_1059] : memref<10000x128xf32, #tpu.memory_space<hbm>> -> memref<10000x128xf32, #tpu.memory_space<hbm>>
    tpu.enqueue_indirect_dma source(%dma_start3A_1060 : memref<10000x128xf32, #tpu.memory_space<hbm>>) target(%arg10 : memref<80x128xf32, #tpu.memory_space<vmem>>) offsets(%dma_start3A_1057 : memref<80xi32, #tpu.memory_space<vmem>>) semaphore(%arg15 : memref<!tpu.dma_semaphore, #tpu.memory_space<semaphore_mem>>)
    %dma_wait3A = arith.constant 0 : i32
    %dma_wait3A_1061 = tpu.memref_slice %arg6[%dma_wait3A] : memref<5120xi32, #tpu.memory_space<vmem>> -> memref<80xi32, #tpu.memory_space<vmem>>
    %dma_wait3A_1062 = arith.constant 0 : i32
    %dma_wait3A_1063 = arith.constant 0 : i32
    %dma_wait3A_1064 = tpu.memref_slice %arg2[%dma_wait3A_1062, %dma_wait3A_1063] : memref<10000x128xf32, #tpu.memory_space<hbm>> -> memref<10000x128xf32, #tpu.memory_space<hbm>>
    tpu.wait_indirect_dma semaphore(%arg13 : memref<!tpu.dma_semaphore, #tpu.memory_space<semaphore_mem>>) src(%dma_wait3A_1064 : memref<10000x128xf32, #tpu.memory_space<hbm>>) dst(%arg8 : memref<80x128xf32, #tpu.memory_space<vmem>>)
    %dma_start3A_1065 = arith.constant 0 : i32
    %dma_start3A_1066 = arith.constant 0 : i32
    %dma_start3A_1067 = tpu.memref_slice %arg7[%dma_start3A_1065, %dma_start3A_1066] : memref<64x80xi32, #tpu.memory_space<vmem>> -> memref<1x80xi32, #tpu.memory_space<vmem>>
    %dma_start3A_1068 = tpu.memref_squeeze %dma_start3A_1067 : memref<1x80xi32, #tpu.memory_space<vmem>> -> memref<80xi32, #tpu.memory_space<vmem>>
    %dma_start3A_1069 = arith.constant 0 : i32
    %dma_start3A_1070 = arith.constant 0 : i32
    %dma_start3A_1071 = tpu.memref_slice %arg12[%dma_start3A_1069, %dma_start3A_1070] : memref<10000x128xf32, #tpu.memory_space<vmem_shared>> -> memref<10000x128xf32, #tpu.memory_space<vmem_shared>>
    tpu.enqueue_indirect_dma source(%arg8 : memref<80x128xf32, #tpu.memory_space<vmem>>) target(%dma_start3A_1071 : memref<10000x128xf32, #tpu.memory_space<vmem_shared>>) offsets(%dma_start3A_1068 : memref<80xi32, #tpu.memory_space<vmem>>) semaphore(%arg16 : memref<!tpu.dma_semaphore, #tpu.memory_space<semaphore_mem>>) {add = true}
    %dma_wait3A_1072 = arith.constant 0 : i32
    %dma_wait3A_1073 = tpu.memref_slice %arg6[%dma_wait3A_1072] : memref<5120xi32, #tpu.memory_space<vmem>> -> memref<80xi32, #tpu.memory_space<vmem>>
    %dma_wait3A_1074 = arith.constant 0 : i32
    %dma_wait3A_1075 = arith.constant 0 : i32
    %dma_wait3A_1076 = tpu.memref_slice %arg2[%dma_wait3A_1074, %dma_wait3A_1075] : memref<10000x128xf32, #tpu.memory_space<hbm>> -> memref<10000x128xf32, #tpu.memory_space<hbm>>
    tpu.wait_indirect_dma semaphore(%arg14 : memref<!tpu.dma_semaphore, #tpu.memory_space<semaphore_mem>>) src(%dma_wait3A_1076 : memref<10000x128xf32, #tpu.memory_space<hbm>>) dst(%arg9 : memref<80x128xf32, #tpu.memory_space<vmem>>)
    %dma_start3A_1077 = arith.constant 1 : i32
    %dma_start3A_1078 = arith.constant 0 : i32
    %dma_start3A_1079 = tpu.memref_slice %arg7[%dma_start3A_1077, %dma_start3A_1078] : memref<64x80xi32, #tpu.memory_space<vmem>> -> memref<1x80xi32, #tpu.memory_space<vmem>>
    %dma_start3A_1080 = tpu.memref_squeeze %dma_start3A_1079 : memref<1x80xi32, #tpu.memory_space<vmem>> -> memref<80xi32, #tpu.memory_space<vmem>>
    %dma_start3A_1081 = arith.constant 0 : i32
    %dma_start3A_1082 = arith.constant 0 : i32
    %dma_start3A_1083 = tpu.memref_slice %arg12[%dma_start3A_1081, %dma_start3A_1082] : memref<10000x128xf32, #tpu.memory_space<vmem_shared>> -> memref<10000x128xf32, #tpu.memory_space<vmem_shared>>
    tpu.enqueue_indirect_dma source(%arg9 : memref<80x128xf32, #tpu.memory_space<vmem>>) target(%dma_start3A_1083 : memref<10000x128xf32, #tpu.memory_space<vmem_shared>>) offsets(%dma_start3A_1080 : memref<80xi32, #tpu.memory_space<vmem>>) semaphore(%arg17 : memref<!tpu.dma_semaphore, #tpu.memory_space<semaphore_mem>>) {add = true}
    %dma_wait3A_1084 = arith.constant 0 : i32
    %dma_wait3A_1085 = tpu.memref_slice %arg6[%dma_wait3A_1084] : memref<5120xi32, #tpu.memory_space<vmem>> -> memref<80xi32, #tpu.memory_space<vmem>>
    %dma_wait3A_1086 = arith.constant 0 : i32
    %dma_wait3A_1087 = arith.constant 0 : i32
    %dma_wait3A_1088 = tpu.memref_slice %arg2[%dma_wait3A_1086, %dma_wait3A_1087] : memref<10000x128xf32, #tpu.memory_space<hbm>> -> memref<10000x128xf32, #tpu.memory_space<hbm>>
    tpu.wait_indirect_dma semaphore(%arg15 : memref<!tpu.dma_semaphore, #tpu.memory_space<semaphore_mem>>) src(%dma_wait3A_1088 : memref<10000x128xf32, #tpu.memory_space<hbm>>) dst(%arg10 : memref<80x128xf32, #tpu.memory_space<vmem>>)
    %dma_start3A_1089 = arith.constant 2 : i32
    %dma_start3A_1090 = arith.constant 0 : i32
    %dma_start3A_1091 = tpu.memref_slice %arg7[%dma_start3A_1089, %dma_start3A_1090] : memref<64x80xi32, #tpu.memory_space<vmem>> -> memref<1x80xi32, #tpu.memory_space<vmem>>
    %dma_start3A_1092 = tpu.memref_squeeze %dma_start3A_1091 : memref<1x80xi32, #tpu.memory_space<vmem>> -> memref<80xi32, #tpu.memory_space<vmem>>
    %dma_start3A_1093 = arith.constant 0 : i32
    %dma_start3A_1094 = arith.constant 0 : i32
    %dma_start3A_1095 = tpu.memref_slice %arg12[%dma_start3A_1093, %dma_start3A_1094] : memref<10000x128xf32, #tpu.memory_space<vmem_shared>> -> memref<10000x128xf32, #tpu.memory_space<vmem_shared>>
    tpu.enqueue_indirect_dma source(%arg10 : memref<80x128xf32, #tpu.memory_space<vmem>>) target(%dma_start3A_1095 : memref<10000x128xf32, #tpu.memory_space<vmem_shared>>) offsets(%dma_start3A_1092 : memref<80xi32, #tpu.memory_space<vmem>>) semaphore(%arg18 : memref<!tpu.dma_semaphore, #tpu.memory_space<semaphore_mem>>) {add = true}
    %scan3A_1096 = arith.constant 0 : i32
    %scan3A_1097 = arith.constant 1 : i32
    %scan3A_1098 = arith.constant 20 : i32
    %scan3A_1099 = arith.addi %scan3A_1097, %scan3A_1098 : i32
    %scan3A_1100 = arith.constant 1 : i32
    scf.for %scan3A_1262 = %scan3A_1097 to %scan3A_1099 step %scan3A_1100  : i32 {
      %mul3A_1263 = arith.constant 3 : i32
      %mul3A_1264 = arith.muli %mul3A_1263, %scan3A_1262 : i32
      %dma_wait3A_1265 = arith.constant 0 : i32
      %dma_wait3A_1266 = arith.constant 0 : i32
      %dma_wait3A_1267 = tpu.memref_slice %arg7[%dma_wait3A_1265, %dma_wait3A_1266] : memref<64x80xi32, #tpu.memory_space<vmem>> -> memref<1x80xi32, #tpu.memory_space<vmem>>
      %dma_wait3A_1268 = tpu.memref_squeeze %dma_wait3A_1267 : memref<1x80xi32, #tpu.memory_space<vmem>> -> memref<80xi32, #tpu.memory_space<vmem>>
      %dma_wait3A_1269 = arith.constant 0 : i32
      %dma_wait3A_1270 = arith.constant 0 : i32
      %dma_wait3A_1271 = tpu.memref_slice %arg12[%dma_wait3A_1269, %dma_wait3A_1270] : memref<10000x128xf32, #tpu.memory_space<vmem_shared>> -> memref<10000x128xf32, #tpu.memory_space<vmem_shared>>
      tpu.wait_indirect_dma semaphore(%arg16 : memref<!tpu.dma_semaphore, #tpu.memory_space<semaphore_mem>>) src(%arg8 : memref<80x128xf32, #tpu.memory_space<vmem>>) dst(%dma_wait3A_1271 : memref<10000x128xf32, #tpu.memory_space<vmem_shared>>)
      %add3A_1272 = arith.constant 0 : i32
      %add3A_1273 = arith.addi %mul3A_1264, %add3A_1272 : i32
      %mul3A_1274 = arith.constant 80 : i32
      %mul3A_1275 = arith.muli %add3A_1273, %mul3A_1274 : i32
      %dma_start3A_1276 = tpu.memref_slice %arg6[%mul3A_1275] : memref<5120xi32, #tpu.memory_space<vmem>> -> memref<80xi32, #tpu.memory_space<vmem>>
      %dma_start3A_1277 = arith.constant 0 : i32
      %dma_start3A_1278 = arith.constant 0 : i32
      %dma_start3A_1279 = tpu.memref_slice %arg2[%dma_start3A_1277, %dma_start3A_1278] : memref<10000x128xf32, #tpu.memory_space<hbm>> -> memref<10000x128xf32, #tpu.memory_space<hbm>>
      tpu.enqueue_indirect_dma source(%dma_start3A_1279 : memref<10000x128xf32, #tpu.memory_space<hbm>>) target(%arg8 : memref<80x128xf32, #tpu.memory_space<vmem>>) offsets(%dma_start3A_1276 : memref<80xi32, #tpu.memory_space<vmem>>) semaphore(%arg13 : memref<!tpu.dma_semaphore, #tpu.memory_space<semaphore_mem>>)
      %dma_wait3A_1280 = arith.constant 0 : i32
      %dma_wait3A_1281 = arith.constant 0 : i32
      %dma_wait3A_1282 = tpu.memref_slice %arg7[%dma_wait3A_1280, %dma_wait3A_1281] : memref<64x80xi32, #tpu.memory_space<vmem>> -> memref<1x80xi32, #tpu.memory_space<vmem>>
      %dma_wait3A_1283 = tpu.memref_squeeze %dma_wait3A_1282 : memref<1x80xi32, #tpu.memory_space<vmem>> -> memref<80xi32, #tpu.memory_space<vmem>>
      %dma_wait3A_1284 = arith.constant 0 : i32
      %dma_wait3A_1285 = arith.constant 0 : i32
      %dma_wait3A_1286 = tpu.memref_slice %arg12[%dma_wait3A_1284, %dma_wait3A_1285] : memref<10000x128xf32, #tpu.memory_space<vmem_shared>> -> memref<10000x128xf32, #tpu.memory_space<vmem_shared>>
      tpu.wait_indirect_dma semaphore(%arg17 : memref<!tpu.dma_semaphore, #tpu.memory_space<semaphore_mem>>) src(%arg9 : memref<80x128xf32, #tpu.memory_space<vmem>>) dst(%dma_wait3A_1286 : memref<10000x128xf32, #tpu.memory_space<vmem_shared>>)
      %add3A_1287 = arith.constant 1 : i32
      %add3A_1288 = arith.addi %mul3A_1264, %add3A_1287 : i32
      %mul3A_1289 = arith.constant 80 : i32
      %mul3A_1290 = arith.muli %add3A_1288, %mul3A_1289 : i32
      %dma_start3A_1291 = tpu.memref_slice %arg6[%mul3A_1290] : memref<5120xi32, #tpu.memory_space<vmem>> -> memref<80xi32, #tpu.memory_space<vmem>>
      %dma_start3A_1292 = arith.constant 0 : i32
      %dma_start3A_1293 = arith.constant 0 : i32
      %dma_start3A_1294 = tpu.memref_slice %arg2[%dma_start3A_1292, %dma_start3A_1293] : memref<10000x128xf32, #tpu.memory_space<hbm>> -> memref<10000x128xf32, #tpu.memory_space<hbm>>
      tpu.enqueue_indirect_dma source(%dma_start3A_1294 : memref<10000x128xf32, #tpu.memory_space<hbm>>) target(%arg9 : memref<80x128xf32, #tpu.memory_space<vmem>>) offsets(%dma_start3A_1291 : memref<80xi32, #tpu.memory_space<vmem>>) semaphore(%arg14 : memref<!tpu.dma_semaphore, #tpu.memory_space<semaphore_mem>>)
      %dma_wait3A_1295 = arith.constant 0 : i32
      %dma_wait3A_1296 = arith.constant 0 : i32
      %dma_wait3A_1297 = tpu.memref_slice %arg7[%dma_wait3A_1295, %dma_wait3A_1296] : memref<64x80xi32, #tpu.memory_space<vmem>> -> memref<1x80xi32, #tpu.memory_space<vmem>>
      %dma_wait3A_1298 = tpu.memref_squeeze %dma_wait3A_1297 : memref<1x80xi32, #tpu.memory_space<vmem>> -> memref<80xi32, #tpu.memory_space<vmem>>
      %dma_wait3A_1299 = arith.constant 0 : i32
      %dma_wait3A_1300 = arith.constant 0 : i32
      %dma_wait3A_1301 = tpu.memref_slice %arg12[%dma_wait3A_1299, %dma_wait3A_1300] : memref<10000x128xf32, #tpu.memory_space<vmem_shared>> -> memref<10000x128xf32, #tpu.memory_space<vmem_shared>>
      tpu.wait_indirect_dma semaphore(%arg18 : memref<!tpu.dma_semaphore, #tpu.memory_space<semaphore_mem>>) src(%arg10 : memref<80x128xf32, #tpu.memory_space<vmem>>) dst(%dma_wait3A_1301 : memref<10000x128xf32, #tpu.memory_space<vmem_shared>>)
      %add3A_1302 = arith.constant 2 : i32
      %add3A_1303 = arith.addi %mul3A_1264, %add3A_1302 : i32
      %mul3A_1304 = arith.constant 80 : i32
      %mul3A_1305 = arith.muli %add3A_1303, %mul3A_1304 : i32
      %dma_start3A_1306 = tpu.memref_slice %arg6[%mul3A_1305] : memref<5120xi32, #tpu.memory_space<vmem>> -> memref<80xi32, #tpu.memory_space<vmem>>
      %dma_start3A_1307 = arith.constant 0 : i32
      %dma_start3A_1308 = arith.constant 0 : i32
      %dma_start3A_1309 = tpu.memref_slice %arg2[%dma_start3A_1307, %dma_start3A_1308] : memref<10000x128xf32, #tpu.memory_space<hbm>> -> memref<10000x128xf32, #tpu.memory_space<hbm>>
      tpu.enqueue_indirect_dma source(%dma_start3A_1309 : memref<10000x128xf32, #tpu.memory_space<hbm>>) target(%arg10 : memref<80x128xf32, #tpu.memory_space<vmem>>) offsets(%dma_start3A_1306 : memref<80xi32, #tpu.memory_space<vmem>>) semaphore(%arg15 : memref<!tpu.dma_semaphore, #tpu.memory_space<semaphore_mem>>)
      %dma_wait3A_1310 = arith.constant 0 : i32
      %dma_wait3A_1311 = tpu.memref_slice %arg6[%dma_wait3A_1310] : memref<5120xi32, #tpu.memory_space<vmem>> -> memref<80xi32, #tpu.memory_space<vmem>>
      %dma_wait3A_1312 = arith.constant 0 : i32
      %dma_wait3A_1313 = arith.constant 0 : i32
      %dma_wait3A_1314 = tpu.memref_slice %arg2[%dma_wait3A_1312, %dma_wait3A_1313] : memref<10000x128xf32, #tpu.memory_space<hbm>> -> memref<10000x128xf32, #tpu.memory_space<hbm>>
      tpu.wait_indirect_dma semaphore(%arg13 : memref<!tpu.dma_semaphore, #tpu.memory_space<semaphore_mem>>) src(%dma_wait3A_1314 : memref<10000x128xf32, #tpu.memory_space<hbm>>) dst(%arg8 : memref<80x128xf32, #tpu.memory_space<vmem>>)
      %add3A_1315 = arith.constant 0 : i32
      %add3A_1316 = arith.addi %mul3A_1264, %add3A_1315 : i32
      %dma_start3A_1317 = arith.constant 0 : i32
      %dma_start3A_1318 = tpu.memref_slice %arg7[%add3A_1316, %dma_start3A_1317] : memref<64x80xi32, #tpu.memory_space<vmem>> -> memref<1x80xi32, #tpu.memory_space<vmem>>
      %dma_start3A_1319 = tpu.memref_squeeze %dma_start3A_1318 : memref<1x80xi32, #tpu.memory_space<vmem>> -> memref<80xi32, #tpu.memory_space<vmem>>
      %dma_start3A_1320 = arith.constant 0 : i32
      %dma_start3A_1321 = arith.constant 0 : i32
      %dma_start3A_1322 = tpu.memref_slice %arg12[%dma_start3A_1320, %dma_start3A_1321] : memref<10000x128xf32, #tpu.memory_space<vmem_shared>> -> memref<10000x128xf32, #tpu.memory_space<vmem_shared>>
      tpu.enqueue_indirect_dma source(%arg8 : memref<80x128xf32, #tpu.memory_space<vmem>>) target(%dma_start3A_1322 : memref<10000x128xf32, #tpu.memory_space<vmem_shared>>) offsets(%dma_start3A_1319 : memref<80xi32, #tpu.memory_space<vmem>>) semaphore(%arg16 : memref<!tpu.dma_semaphore, #tpu.memory_space<semaphore_mem>>) {add = true}
      %dma_wait3A_1323 = arith.constant 0 : i32
      %dma_wait3A_1324 = tpu.memref_slice %arg6[%dma_wait3A_1323] : memref<5120xi32, #tpu.memory_space<vmem>> -> memref<80xi32, #tpu.memory_space<vmem>>
      %dma_wait3A_1325 = arith.constant 0 : i32
      %dma_wait3A_1326 = arith.constant 0 : i32
      %dma_wait3A_1327 = tpu.memref_slice %arg2[%dma_wait3A_1325, %dma_wait3A_1326] : memref<10000x128xf32, #tpu.memory_space<hbm>> -> memref<10000x128xf32, #tpu.memory_space<hbm>>
      tpu.wait_indirect_dma semaphore(%arg14 : memref<!tpu.dma_semaphore, #tpu.memory_space<semaphore_mem>>) src(%dma_wait3A_1327 : memref<10000x128xf32, #tpu.memory_space<hbm>>) dst(%arg9 : memref<80x128xf32, #tpu.memory_space<vmem>>)
      %add3A_1328 = arith.constant 1 : i32
      %add3A_1329 = arith.addi %mul3A_1264, %add3A_1328 : i32
      %dma_start3A_1330 = arith.constant 0 : i32
      %dma_start3A_1331 = tpu.memref_slice %arg7[%add3A_1329, %dma_start3A_1330] : memref<64x80xi32, #tpu.memory_space<vmem>> -> memref<1x80xi32, #tpu.memory_space<vmem>>
      %dma_start3A_1332 = tpu.memref_squeeze %dma_start3A_1331 : memref<1x80xi32, #tpu.memory_space<vmem>> -> memref<80xi32, #tpu.memory_space<vmem>>
      %dma_start3A_1333 = arith.constant 0 : i32
      %dma_start3A_1334 = arith.constant 0 : i32
      %dma_start3A_1335 = tpu.memref_slice %arg12[%dma_start3A_1333, %dma_start3A_1334] : memref<10000x128xf32, #tpu.memory_space<vmem_shared>> -> memref<10000x128xf32, #tpu.memory_space<vmem_shared>>
      tpu.enqueue_indirect_dma source(%arg9 : memref<80x128xf32, #tpu.memory_space<vmem>>) target(%dma_start3A_1335 : memref<10000x128xf32, #tpu.memory_space<vmem_shared>>) offsets(%dma_start3A_1332 : memref<80xi32, #tpu.memory_space<vmem>>) semaphore(%arg17 : memref<!tpu.dma_semaphore, #tpu.memory_space<semaphore_mem>>) {add = true}
      %dma_wait3A_1336 = arith.constant 0 : i32
      %dma_wait3A_1337 = tpu.memref_slice %arg6[%dma_wait3A_1336] : memref<5120xi32, #tpu.memory_space<vmem>> -> memref<80xi32, #tpu.memory_space<vmem>>
      %dma_wait3A_1338 = arith.constant 0 : i32
      %dma_wait3A_1339 = arith.constant 0 : i32
      %dma_wait3A_1340 = tpu.memref_slice %arg2[%dma_wait3A_1338, %dma_wait3A_1339] : memref<10000x128xf32, #tpu.memory_space<hbm>> -> memref<10000x128xf32, #tpu.memory_space<hbm>>
      tpu.wait_indirect_dma semaphore(%arg15 : memref<!tpu.dma_semaphore, #tpu.memory_space<semaphore_mem>>) src(%dma_wait3A_1340 : memref<10000x128xf32, #tpu.memory_space<hbm>>) dst(%arg10 : memref<80x128xf32, #tpu.memory_space<vmem>>)
      %add3A_1341 = arith.constant 2 : i32
      %add3A_1342 = arith.addi %mul3A_1264, %add3A_1341 : i32
      %dma_start3A_1343 = arith.constant 0 : i32
      %dma_start3A_1344 = tpu.memref_slice %arg7[%add3A_1342, %dma_start3A_1343] : memref<64x80xi32, #tpu.memory_space<vmem>> -> memref<1x80xi32, #tpu.memory_space<vmem>>
      %dma_start3A_1345 = tpu.memref_squeeze %dma_start3A_1344 : memref<1x80xi32, #tpu.memory_space<vmem>> -> memref<80xi32, #tpu.memory_space<vmem>>
      %dma_start3A_1346 = arith.constant 0 : i32
      %dma_start3A_1347 = arith.constant 0 : i32
      %dma_start3A_1348 = tpu.memref_slice %arg12[%dma_start3A_1346, %dma_start3A_1347] : memref<10000x128xf32, #tpu.memory_space<vmem_shared>> -> memref<10000x128xf32, #tpu.memory_space<vmem_shared>>
      tpu.enqueue_indirect_dma source(%arg10 : memref<80x128xf32, #tpu.memory_space<vmem>>) target(%dma_start3A_1348 : memref<10000x128xf32, #tpu.memory_space<vmem_shared>>) offsets(%dma_start3A_1345 : memref<80xi32, #tpu.memory_space<vmem>>) semaphore(%arg18 : memref<!tpu.dma_semaphore, #tpu.memory_space<semaphore_mem>>) {add = true}
    }
    %scan3A_1101 = arith.constant 20 : i32
    %dma_wait3A_1102 = arith.constant 0 : i32
    %dma_wait3A_1103 = arith.constant 0 : i32
    %dma_wait3A_1104 = tpu.memref_slice %arg7[%dma_wait3A_1102, %dma_wait3A_1103] : memref<64x80xi32, #tpu.memory_space<vmem>> -> memref<1x80xi32, #tpu.memory_space<vmem>>
    %dma_wait3A_1105 = tpu.memref_squeeze %dma_wait3A_1104 : memref<1x80xi32, #tpu.memory_space<vmem>> -> memref<80xi32, #tpu.memory_space<vmem>>
    %dma_wait3A_1106 = arith.constant 0 : i32
    %dma_wait3A_1107 = arith.constant 0 : i32
    %dma_wait3A_1108 = tpu.memref_slice %arg12[%dma_wait3A_1106, %dma_wait3A_1107] : memref<10000x128xf32, #tpu.memory_space<vmem_shared>> -> memref<10000x128xf32, #tpu.memory_space<vmem_shared>>
    tpu.wait_indirect_dma semaphore(%arg16 : memref<!tpu.dma_semaphore, #tpu.memory_space<semaphore_mem>>) src(%arg8 : memref<80x128xf32, #tpu.memory_space<vmem>>) dst(%dma_wait3A_1108 : memref<10000x128xf32, #tpu.memory_space<vmem_shared>>)
    %dma_start3A_1109 = arith.constant 5040 : i32
    %dma_start3A_1110 = tpu.memref_slice %arg6[%dma_start3A_1109] : memref<5120xi32, #tpu.memory_space<vmem>> -> memref<80xi32, #tpu.memory_space<vmem>>
    %dma_start3A_1111 = arith.constant 0 : i32
    %dma_start3A_1112 = arith.constant 0 : i32
    %dma_start3A_1113 = tpu.memref_slice %arg2[%dma_start3A_1111, %dma_start3A_1112] : memref<10000x128xf32, #tpu.memory_space<hbm>> -> memref<10000x128xf32, #tpu.memory_space<hbm>>
    tpu.enqueue_indirect_dma source(%dma_start3A_1113 : memref<10000x128xf32, #tpu.memory_space<hbm>>) target(%arg8 : memref<80x128xf32, #tpu.memory_space<vmem>>) offsets(%dma_start3A_1110 : memref<80xi32, #tpu.memory_space<vmem>>) semaphore(%arg13 : memref<!tpu.dma_semaphore, #tpu.memory_space<semaphore_mem>>)
    %dma_wait3A_1114 = arith.constant 0 : i32
    %dma_wait3A_1115 = tpu.memref_slice %arg6[%dma_wait3A_1114] : memref<5120xi32, #tpu.memory_space<vmem>> -> memref<80xi32, #tpu.memory_space<vmem>>
    %dma_wait3A_1116 = arith.constant 0 : i32
    %dma_wait3A_1117 = arith.constant 0 : i32
    %dma_wait3A_1118 = tpu.memref_slice %arg2[%dma_wait3A_1116, %dma_wait3A_1117] : memref<10000x128xf32, #tpu.memory_space<hbm>> -> memref<10000x128xf32, #tpu.memory_space<hbm>>
    tpu.wait_indirect_dma semaphore(%arg13 : memref<!tpu.dma_semaphore, #tpu.memory_space<semaphore_mem>>) src(%dma_wait3A_1118 : memref<10000x128xf32, #tpu.memory_space<hbm>>) dst(%arg8 : memref<80x128xf32, #tpu.memory_space<vmem>>)
    %dma_start3A_1119 = arith.constant 63 : i32
    %dma_start3A_1120 = arith.constant 0 : i32
    %dma_start3A_1121 = tpu.memref_slice %arg7[%dma_start3A_1119, %dma_start3A_1120] : memref<64x80xi32, #tpu.memory_space<vmem>> -> memref<1x80xi32, #tpu.memory_space<vmem>>
    %dma_start3A_1122 = tpu.memref_squeeze %dma_start3A_1121 : memref<1x80xi32, #tpu.memory_space<vmem>> -> memref<80xi32, #tpu.memory_space<vmem>>
    %dma_start3A_1123 = arith.constant 0 : i32
    %dma_start3A_1124 = arith.constant 0 : i32
    %dma_start3A_1125 = tpu.memref_slice %arg12[%dma_start3A_1123, %dma_start3A_1124] : memref<10000x128xf32, #tpu.memory_space<vmem_shared>> -> memref<10000x128xf32, #tpu.memory_space<vmem_shared>>
    tpu.enqueue_indirect_dma source(%arg8 : memref<80x128xf32, #tpu.memory_space<vmem>>) target(%dma_start3A_1125 : memref<10000x128xf32, #tpu.memory_space<vmem_shared>>) offsets(%dma_start3A_1122 : memref<80xi32, #tpu.memory_space<vmem>>) semaphore(%arg16 : memref<!tpu.dma_semaphore, #tpu.memory_space<semaphore_mem>>) {add = true}
    %dma_wait3A_1126 = arith.constant 0 : i32
    %dma_wait3A_1127 = arith.constant 0 : i32
    %dma_wait3A_1128 = tpu.memref_slice %arg7[%dma_wait3A_1126, %dma_wait3A_1127] : memref<64x80xi32, #tpu.memory_space<vmem>> -> memref<1x80xi32, #tpu.memory_space<vmem>>
    %dma_wait3A_1129 = tpu.memref_squeeze %dma_wait3A_1128 : memref<1x80xi32, #tpu.memory_space<vmem>> -> memref<80xi32, #tpu.memory_space<vmem>>
    %dma_wait3A_1130 = arith.constant 0 : i32
    %dma_wait3A_1131 = arith.constant 0 : i32
    %dma_wait3A_1132 = tpu.memref_slice %arg12[%dma_wait3A_1130, %dma_wait3A_1131] : memref<10000x128xf32, #tpu.memory_space<vmem_shared>> -> memref<10000x128xf32, #tpu.memory_space<vmem_shared>>
    tpu.wait_indirect_dma semaphore(%arg16 : memref<!tpu.dma_semaphore, #tpu.memory_space<semaphore_mem>>) src(%arg8 : memref<80x128xf32, #tpu.memory_space<vmem>>) dst(%dma_wait3A_1132 : memref<10000x128xf32, #tpu.memory_space<vmem_shared>>)
    %dma_wait3A_1133 = arith.constant 0 : i32
    %dma_wait3A_1134 = arith.constant 0 : i32
    %dma_wait3A_1135 = tpu.memref_slice %arg7[%dma_wait3A_1133, %dma_wait3A_1134] : memref<64x80xi32, #tpu.memory_space<vmem>> -> memref<1x80xi32, #tpu.memory_space<vmem>>
    %dma_wait3A_1136 = tpu.memref_squeeze %dma_wait3A_1135 : memref<1x80xi32, #tpu.memory_space<vmem>> -> memref<80xi32, #tpu.memory_space<vmem>>
    %dma_wait3A_1137 = arith.constant 0 : i32
    %dma_wait3A_1138 = arith.constant 0 : i32
    %dma_wait3A_1139 = tpu.memref_slice %arg12[%dma_wait3A_1137, %dma_wait3A_1138] : memref<10000x128xf32, #tpu.memory_space<vmem_shared>> -> memref<10000x128xf32, #tpu.memory_space<vmem_shared>>
    tpu.wait_indirect_dma semaphore(%arg17 : memref<!tpu.dma_semaphore, #tpu.memory_space<semaphore_mem>>) src(%arg9 : memref<80x128xf32, #tpu.memory_space<vmem>>) dst(%dma_wait3A_1139 : memref<10000x128xf32, #tpu.memory_space<vmem_shared>>)
    %dma_wait3A_1140 = arith.constant 0 : i32
    %dma_wait3A_1141 = arith.constant 0 : i32
    %dma_wait3A_1142 = tpu.memref_slice %arg7[%dma_wait3A_1140, %dma_wait3A_1141] : memref<64x80xi32, #tpu.memory_space<vmem>> -> memref<1x80xi32, #tpu.memory_space<vmem>>
    %dma_wait3A_1143 = tpu.memref_squeeze %dma_wait3A_1142 : memref<1x80xi32, #tpu.memory_space<vmem>> -> memref<80xi32, #tpu.memory_space<vmem>>
    %dma_wait3A_1144 = arith.constant 0 : i32
    %dma_wait3A_1145 = arith.constant 0 : i32
    %dma_wait3A_1146 = tpu.memref_slice %arg12[%dma_wait3A_1144, %dma_wait3A_1145] : memref<10000x128xf32, #tpu.memory_space<vmem_shared>> -> memref<10000x128xf32, #tpu.memory_space<vmem_shared>>
    tpu.wait_indirect_dma semaphore(%arg18 : memref<!tpu.dma_semaphore, #tpu.memory_space<semaphore_mem>>) src(%arg10 : memref<80x128xf32, #tpu.memory_space<vmem>>) dst(%dma_wait3A_1146 : memref<10000x128xf32, #tpu.memory_space<vmem_shared>>)
    %mul3A_1147 = arith.constant 10000 : i32
    %mul3A_1148 = arith.muli %add3A, %mul3A_1147 : i32
    %add3A_1149 = arith.constant 5120 : i32
    %add3A_1150 = arith.addi %mul3A_1148, %add3A_1149 : i32
    "tpu.region"() ({
      %run_scoped3A = tpu.sem_alloc : memref<!tpu.dma_semaphore, #tpu.memory_space<semaphore_mem>>
      %dma_start3A_1262 = arith.constant 0 : i32
      %dma_start3A_1263 = tpu.memref_slice %arg6[%dma_start3A_1262] : memref<5120xi32, #tpu.memory_space<vmem>> -> memref<4880xi32, #tpu.memory_space<vmem>>
      %dma_start3A_1264 = tpu.memref_slice %arg3[%add3A_1150] : memref<320000xi32, #tpu.memory_space<hbm>> -> memref<4880xi32, #tpu.memory_space<hbm>>
      %dma_start3A_1265 = arith.constant 0 : i32
      %dma_start3A_1266 = tpu.memref_slice %arg6[%dma_start3A_1265] : memref<5120xi32, #tpu.memory_space<vmem>> -> memref<4880xi32, #tpu.memory_space<vmem>>
      %dma_start3A_1267 = tpu.memref_slice %arg3[%add3A_1150] : memref<320000xi32, #tpu.memory_space<hbm>> -> memref<4880xi32, #tpu.memory_space<hbm>>
      tpu.enqueue_dma source(%dma_start3A_1267 : memref<4880xi32, #tpu.memory_space<hbm>>) target(%dma_start3A_1266 : memref<4880xi32, #tpu.memory_space<vmem>>) target_semaphore(%run_scoped3A : memref<!tpu.dma_semaphore, #tpu.memory_space<semaphore_mem>>)
      %dma_wait3A_1268 = arith.constant 0 : i32
      %dma_wait3A_1269 = tpu.memref_slice %arg6[%dma_wait3A_1268] : memref<5120xi32, #tpu.memory_space<vmem>> -> memref<4880xi32, #tpu.memory_space<vmem>>
      %dma_wait3A_1270 = tpu.memref_slice %arg3[%add3A_1150] : memref<320000xi32, #tpu.memory_space<hbm>> -> memref<4880xi32, #tpu.memory_space<hbm>>
      %dma_wait3A_1271 = arith.constant 0 : i32
      %dma_wait3A_1272 = tpu.memref_slice %arg6[%dma_wait3A_1271] : memref<5120xi32, #tpu.memory_space<vmem>> -> memref<4880xi32, #tpu.memory_space<vmem>>
      %dma_wait3A_1273 = tpu.memref_slice %arg3[%add3A_1150] : memref<320000xi32, #tpu.memory_space<hbm>> -> memref<4880xi32, #tpu.memory_space<hbm>>
      tpu.wait_dma2 semaphore(%run_scoped3A : memref<!tpu.dma_semaphore, #tpu.memory_space<semaphore_mem>>) src(%dma_wait3A_1273 : memref<4880xi32, #tpu.memory_space<hbm>>) dst(%dma_wait3A_1272 : memref<4880xi32, #tpu.memory_space<vmem>>)
      tpu.yield
    }) : () -> ()
    "tpu.region"() ({
      %run_scoped3A = tpu.sem_alloc : memref<!tpu.dma_semaphore, #tpu.memory_space<semaphore_mem>>
      %dma_start3A_1262 = arith.constant 0 : i32
      %dma_start3A_1263 = arith.constant 0 : i32
      %dma_start3A_1264 = tpu.memref_slice %arg7[%dma_start3A_1262, %dma_start3A_1263] : memref<64x80xi32, #tpu.memory_space<vmem>> -> memref<61x80xi32, #tpu.memory_space<vmem>>
      %dma_start3A_1265 = arith.constant 64 : i32
      %dma_start3A_1266 = arith.constant 0 : i32
      %dma_start3A_1267 = tpu.memref_slice %arg4[%add3A, %dma_start3A_1265, %dma_start3A_1266] : memref<32x125x80xi32, #tpu.memory_space<hbm>> -> memref<1x61x80xi32, #tpu.memory_space<hbm>>
      %dma_start3A_1268 = tpu.memref_squeeze %dma_start3A_1267 : memref<1x61x80xi32, #tpu.memory_space<hbm>> -> memref<61x80xi32, #tpu.memory_space<hbm>>
      %dma_start3A_1269 = arith.constant 0 : i32
      %dma_start3A_1270 = arith.constant 0 : i32
      %dma_start3A_1271 = tpu.memref_slice %arg7[%dma_start3A_1269, %dma_start3A_1270] : memref<64x80xi32, #tpu.memory_space<vmem>> -> memref<61x80xi32, #tpu.memory_space<vmem>>
      %dma_start3A_1272 = arith.constant 64 : i32
      %dma_start3A_1273 = arith.constant 0 : i32
      %dma_start3A_1274 = tpu.memref_slice %arg4[%add3A, %dma_start3A_1272, %dma_start3A_1273] : memref<32x125x80xi32, #tpu.memory_space<hbm>> -> memref<1x61x80xi32, #tpu.memory_space<hbm>>
      %dma_start3A_1275 = tpu.memref_squeeze %dma_start3A_1274 : memref<1x61x80xi32, #tpu.memory_space<hbm>> -> memref<61x80xi32, #tpu.memory_space<hbm>>
      tpu.enqueue_dma source(%dma_start3A_1275 : memref<61x80xi32, #tpu.memory_space<hbm>>) target(%dma_start3A_1271 : memref<61x80xi32, #tpu.memory_space<vmem>>) target_semaphore(%run_scoped3A : memref<!tpu.dma_semaphore, #tpu.memory_space<semaphore_mem>>)
      %dma_wait3A_1276 = arith.constant 0 : i32
      %dma_wait3A_1277 = arith.constant 0 : i32
      %dma_wait3A_1278 = tpu.memref_slice %arg7[%dma_wait3A_1276, %dma_wait3A_1277] : memref<64x80xi32, #tpu.memory_space<vmem>> -> memref<61x80xi32, #tpu.memory_space<vmem>>
      %dma_wait3A_1279 = arith.constant 64 : i32
      %dma_wait3A_1280 = arith.constant 0 : i32
      %dma_wait3A_1281 = tpu.memref_slice %arg4[%add3A, %dma_wait3A_1279, %dma_wait3A_1280] : memref<32x125x80xi32, #tpu.memory_space<hbm>> -> memref<1x61x80xi32, #tpu.memory_space<hbm>>
      %dma_wait3A_1282 = tpu.memref_squeeze %dma_wait3A_1281 : memref<1x61x80xi32, #tpu.memory_space<hbm>> -> memref<61x80xi32, #tpu.memory_space<hbm>>
      %dma_wait3A_1283 = arith.constant 0 : i32
      %dma_wait3A_1284 = arith.constant 0 : i32
      %dma_wait3A_1285 = tpu.memref_slice %arg7[%dma_wait3A_1283, %dma_wait3A_1284] : memref<64x80xi32, #tpu.memory_space<vmem>> -> memref<61x80xi32, #tpu.memory_space<vmem>>
      %dma_wait3A_1286 = arith.constant 64 : i32
      %dma_wait3A_1287 = arith.constant 0 : i32
      %dma_wait3A_1288 = tpu.memref_slice %arg4[%add3A, %dma_wait3A_1286, %dma_wait3A_1287] : memref<32x125x80xi32, #tpu.memory_space<hbm>> -> memref<1x61x80xi32, #tpu.memory_space<hbm>>
      %dma_wait3A_1289 = tpu.memref_squeeze %dma_wait3A_1288 : memref<1x61x80xi32, #tpu.memory_space<hbm>> -> memref<61x80xi32, #tpu.memory_space<hbm>>
      tpu.wait_dma2 semaphore(%run_scoped3A : memref<!tpu.dma_semaphore, #tpu.memory_space<semaphore_mem>>) src(%dma_wait3A_1289 : memref<61x80xi32, #tpu.memory_space<hbm>>) dst(%dma_wait3A_1285 : memref<61x80xi32, #tpu.memory_space<vmem>>)
      tpu.yield
    }) : () -> ()
    %dma_start3A_1151 = arith.constant 0 : i32
    %dma_start3A_1152 = tpu.memref_slice %arg6[%dma_start3A_1151] : memref<5120xi32, #tpu.memory_space<vmem>> -> memref<80xi32, #tpu.memory_space<vmem>>
    %dma_start3A_1153 = arith.constant 0 : i32
    %dma_start3A_1154 = arith.constant 0 : i32
    %dma_start3A_1155 = tpu.memref_slice %arg2[%dma_start3A_1153, %dma_start3A_1154] : memref<10000x128xf32, #tpu.memory_space<hbm>> -> memref<10000x128xf32, #tpu.memory_space<hbm>>
    tpu.enqueue_indirect_dma source(%dma_start3A_1155 : memref<10000x128xf32, #tpu.memory_space<hbm>>) target(%arg8 : memref<80x128xf32, #tpu.memory_space<vmem>>) offsets(%dma_start3A_1152 : memref<80xi32, #tpu.memory_space<vmem>>) semaphore(%arg13 : memref<!tpu.dma_semaphore, #tpu.memory_space<semaphore_mem>>)
    %dma_start3A_1156 = arith.constant 80 : i32
    %dma_start3A_1157 = tpu.memref_slice %arg6[%dma_start3A_1156] : memref<5120xi32, #tpu.memory_space<vmem>> -> memref<80xi32, #tpu.memory_space<vmem>>
    %dma_start3A_1158 = arith.constant 0 : i32
    %dma_start3A_1159 = arith.constant 0 : i32
    %dma_start3A_1160 = tpu.memref_slice %arg2[%dma_start3A_1158, %dma_start3A_1159] : memref<10000x128xf32, #tpu.memory_space<hbm>> -> memref<10000x128xf32, #tpu.memory_space<hbm>>
    tpu.enqueue_indirect_dma source(%dma_start3A_1160 : memref<10000x128xf32, #tpu.memory_space<hbm>>) target(%arg9 : memref<80x128xf32, #tpu.memory_space<vmem>>) offsets(%dma_start3A_1157 : memref<80xi32, #tpu.memory_space<vmem>>) semaphore(%arg14 : memref<!tpu.dma_semaphore, #tpu.memory_space<semaphore_mem>>)
    %dma_start3A_1161 = arith.constant 160 : i32
    %dma_start3A_1162 = tpu.memref_slice %arg6[%dma_start3A_1161] : memref<5120xi32, #tpu.memory_space<vmem>> -> memref<80xi32, #tpu.memory_space<vmem>>
    %dma_start3A_1163 = arith.constant 0 : i32
    %dma_start3A_1164 = arith.constant 0 : i32
    %dma_start3A_1165 = tpu.memref_slice %arg2[%dma_start3A_1163, %dma_start3A_1164] : memref<10000x128xf32, #tpu.memory_space<hbm>> -> memref<10000x128xf32, #tpu.memory_space<hbm>>
    tpu.enqueue_indirect_dma source(%dma_start3A_1165 : memref<10000x128xf32, #tpu.memory_space<hbm>>) target(%arg10 : memref<80x128xf32, #tpu.memory_space<vmem>>) offsets(%dma_start3A_1162 : memref<80xi32, #tpu.memory_space<vmem>>) semaphore(%arg15 : memref<!tpu.dma_semaphore, #tpu.memory_space<semaphore_mem>>)
    %dma_wait3A_1166 = arith.constant 0 : i32
    %dma_wait3A_1167 = tpu.memref_slice %arg6[%dma_wait3A_1166] : memref<5120xi32, #tpu.memory_space<vmem>> -> memref<80xi32, #tpu.memory_space<vmem>>
    %dma_wait3A_1168 = arith.constant 0 : i32
    %dma_wait3A_1169 = arith.constant 0 : i32
    %dma_wait3A_1170 = tpu.memref_slice %arg2[%dma_wait3A_1168, %dma_wait3A_1169] : memref<10000x128xf32, #tpu.memory_space<hbm>> -> memref<10000x128xf32, #tpu.memory_space<hbm>>
    tpu.wait_indirect_dma semaphore(%arg13 : memref<!tpu.dma_semaphore, #tpu.memory_space<semaphore_mem>>) src(%dma_wait3A_1170 : memref<10000x128xf32, #tpu.memory_space<hbm>>) dst(%arg8 : memref<80x128xf32, #tpu.memory_space<vmem>>)
    %dma_start3A_1171 = arith.constant 0 : i32
    %dma_start3A_1172 = arith.constant 0 : i32
    %dma_start3A_1173 = tpu.memref_slice %arg7[%dma_start3A_1171, %dma_start3A_1172] : memref<64x80xi32, #tpu.memory_space<vmem>> -> memref<1x80xi32, #tpu.memory_space<vmem>>
    %dma_start3A_1174 = tpu.memref_squeeze %dma_start3A_1173 : memref<1x80xi32, #tpu.memory_space<vmem>> -> memref<80xi32, #tpu.memory_space<vmem>>
    %dma_start3A_1175 = arith.constant 0 : i32
    %dma_start3A_1176 = arith.constant 0 : i32
    %dma_start3A_1177 = tpu.memref_slice %arg12[%dma_start3A_1175, %dma_start3A_1176] : memref<10000x128xf32, #tpu.memory_space<vmem_shared>> -> memref<10000x128xf32, #tpu.memory_space<vmem_shared>>
    tpu.enqueue_indirect_dma source(%arg8 : memref<80x128xf32, #tpu.memory_space<vmem>>) target(%dma_start3A_1177 : memref<10000x128xf32, #tpu.memory_space<vmem_shared>>) offsets(%dma_start3A_1174 : memref<80xi32, #tpu.memory_space<vmem>>) semaphore(%arg16 : memref<!tpu.dma_semaphore, #tpu.memory_space<semaphore_mem>>) {add = true}
    %dma_wait3A_1178 = arith.constant 0 : i32
    %dma_wait3A_1179 = tpu.memref_slice %arg6[%dma_wait3A_1178] : memref<5120xi32, #tpu.memory_space<vmem>> -> memref<80xi32, #tpu.memory_space<vmem>>
    %dma_wait3A_1180 = arith.constant 0 : i32
    %dma_wait3A_1181 = arith.constant 0 : i32
    %dma_wait3A_1182 = tpu.memref_slice %arg2[%dma_wait3A_1180, %dma_wait3A_1181] : memref<10000x128xf32, #tpu.memory_space<hbm>> -> memref<10000x128xf32, #tpu.memory_space<hbm>>
    tpu.wait_indirect_dma semaphore(%arg14 : memref<!tpu.dma_semaphore, #tpu.memory_space<semaphore_mem>>) src(%dma_wait3A_1182 : memref<10000x128xf32, #tpu.memory_space<hbm>>) dst(%arg9 : memref<80x128xf32, #tpu.memory_space<vmem>>)
    %dma_start3A_1183 = arith.constant 1 : i32
    %dma_start3A_1184 = arith.constant 0 : i32
    %dma_start3A_1185 = tpu.memref_slice %arg7[%dma_start3A_1183, %dma_start3A_1184] : memref<64x80xi32, #tpu.memory_space<vmem>> -> memref<1x80xi32, #tpu.memory_space<vmem>>
    %dma_start3A_1186 = tpu.memref_squeeze %dma_start3A_1185 : memref<1x80xi32, #tpu.memory_space<vmem>> -> memref<80xi32, #tpu.memory_space<vmem>>
    %dma_start3A_1187 = arith.constant 0 : i32
    %dma_start3A_1188 = arith.constant 0 : i32
    %dma_start3A_1189 = tpu.memref_slice %arg12[%dma_start3A_1187, %dma_start3A_1188] : memref<10000x128xf32, #tpu.memory_space<vmem_shared>> -> memref<10000x128xf32, #tpu.memory_space<vmem_shared>>
    tpu.enqueue_indirect_dma source(%arg9 : memref<80x128xf32, #tpu.memory_space<vmem>>) target(%dma_start3A_1189 : memref<10000x128xf32, #tpu.memory_space<vmem_shared>>) offsets(%dma_start3A_1186 : memref<80xi32, #tpu.memory_space<vmem>>) semaphore(%arg17 : memref<!tpu.dma_semaphore, #tpu.memory_space<semaphore_mem>>) {add = true}
    %dma_wait3A_1190 = arith.constant 0 : i32
    %dma_wait3A_1191 = tpu.memref_slice %arg6[%dma_wait3A_1190] : memref<5120xi32, #tpu.memory_space<vmem>> -> memref<80xi32, #tpu.memory_space<vmem>>
    %dma_wait3A_1192 = arith.constant 0 : i32
    %dma_wait3A_1193 = arith.constant 0 : i32
    %dma_wait3A_1194 = tpu.memref_slice %arg2[%dma_wait3A_1192, %dma_wait3A_1193] : memref<10000x128xf32, #tpu.memory_space<hbm>> -> memref<10000x128xf32, #tpu.memory_space<hbm>>
    tpu.wait_indirect_dma semaphore(%arg15 : memref<!tpu.dma_semaphore, #tpu.memory_space<semaphore_mem>>) src(%dma_wait3A_1194 : memref<10000x128xf32, #tpu.memory_space<hbm>>) dst(%arg10 : memref<80x128xf32, #tpu.memory_space<vmem>>)
    %dma_start3A_1195 = arith.constant 2 : i32
    %dma_start3A_1196 = arith.constant 0 : i32
    %dma_start3A_1197 = tpu.memref_slice %arg7[%dma_start3A_1195, %dma_start3A_1196] : memref<64x80xi32, #tpu.memory_space<vmem>> -> memref<1x80xi32, #tpu.memory_space<vmem>>
    %dma_start3A_1198 = tpu.memref_squeeze %dma_start3A_1197 : memref<1x80xi32, #tpu.memory_space<vmem>> -> memref<80xi32, #tpu.memory_space<vmem>>
    %dma_start3A_1199 = arith.constant 0 : i32
    %dma_start3A_1200 = arith.constant 0 : i32
    %dma_start3A_1201 = tpu.memref_slice %arg12[%dma_start3A_1199, %dma_start3A_1200] : memref<10000x128xf32, #tpu.memory_space<vmem_shared>> -> memref<10000x128xf32, #tpu.memory_space<vmem_shared>>
    tpu.enqueue_indirect_dma source(%arg10 : memref<80x128xf32, #tpu.memory_space<vmem>>) target(%dma_start3A_1201 : memref<10000x128xf32, #tpu.memory_space<vmem_shared>>) offsets(%dma_start3A_1198 : memref<80xi32, #tpu.memory_space<vmem>>) semaphore(%arg18 : memref<!tpu.dma_semaphore, #tpu.memory_space<semaphore_mem>>) {add = true}
    %scan3A_1202 = arith.constant 0 : i32
    %scan3A_1203 = arith.constant 1 : i32
    %scan3A_1204 = arith.constant 19 : i32
    %scan3A_1205 = arith.addi %scan3A_1203, %scan3A_1204 : i32
    %scan3A_1206 = arith.constant 1 : i32
    scf.for %scan3A_1262 = %scan3A_1203 to %scan3A_1205 step %scan3A_1206  : i32 {
      %mul3A_1263 = arith.constant 3 : i32
      %mul3A_1264 = arith.muli %mul3A_1263, %scan3A_1262 : i32
      %dma_wait3A_1265 = arith.constant 0 : i32
      %dma_wait3A_1266 = arith.constant 0 : i32
      %dma_wait3A_1267 = tpu.memref_slice %arg7[%dma_wait3A_1265, %dma_wait3A_1266] : memref<64x80xi32, #tpu.memory_space<vmem>> -> memref<1x80xi32, #tpu.memory_space<vmem>>
      %dma_wait3A_1268 = tpu.memref_squeeze %dma_wait3A_1267 : memref<1x80xi32, #tpu.memory_space<vmem>> -> memref<80xi32, #tpu.memory_space<vmem>>
      %dma_wait3A_1269 = arith.constant 0 : i32
      %dma_wait3A_1270 = arith.constant 0 : i32
      %dma_wait3A_1271 = tpu.memref_slice %arg12[%dma_wait3A_1269, %dma_wait3A_1270] : memref<10000x128xf32, #tpu.memory_space<vmem_shared>> -> memref<10000x128xf32, #tpu.memory_space<vmem_shared>>
      tpu.wait_indirect_dma semaphore(%arg16 : memref<!tpu.dma_semaphore, #tpu.memory_space<semaphore_mem>>) src(%arg8 : memref<80x128xf32, #tpu.memory_space<vmem>>) dst(%dma_wait3A_1271 : memref<10000x128xf32, #tpu.memory_space<vmem_shared>>)
      %add3A_1272 = arith.constant 0 : i32
      %add3A_1273 = arith.addi %mul3A_1264, %add3A_1272 : i32
      %mul3A_1274 = arith.constant 80 : i32
      %mul3A_1275 = arith.muli %add3A_1273, %mul3A_1274 : i32
      %dma_start3A_1276 = tpu.memref_slice %arg6[%mul3A_1275] : memref<5120xi32, #tpu.memory_space<vmem>> -> memref<80xi32, #tpu.memory_space<vmem>>
      %dma_start3A_1277 = arith.constant 0 : i32
      %dma_start3A_1278 = arith.constant 0 : i32
      %dma_start3A_1279 = tpu.memref_slice %arg2[%dma_start3A_1277, %dma_start3A_1278] : memref<10000x128xf32, #tpu.memory_space<hbm>> -> memref<10000x128xf32, #tpu.memory_space<hbm>>
      tpu.enqueue_indirect_dma source(%dma_start3A_1279 : memref<10000x128xf32, #tpu.memory_space<hbm>>) target(%arg8 : memref<80x128xf32, #tpu.memory_space<vmem>>) offsets(%dma_start3A_1276 : memref<80xi32, #tpu.memory_space<vmem>>) semaphore(%arg13 : memref<!tpu.dma_semaphore, #tpu.memory_space<semaphore_mem>>)
      %dma_wait3A_1280 = arith.constant 0 : i32
      %dma_wait3A_1281 = arith.constant 0 : i32
      %dma_wait3A_1282 = tpu.memref_slice %arg7[%dma_wait3A_1280, %dma_wait3A_1281] : memref<64x80xi32, #tpu.memory_space<vmem>> -> memref<1x80xi32, #tpu.memory_space<vmem>>
      %dma_wait3A_1283 = tpu.memref_squeeze %dma_wait3A_1282 : memref<1x80xi32, #tpu.memory_space<vmem>> -> memref<80xi32, #tpu.memory_space<vmem>>
      %dma_wait3A_1284 = arith.constant 0 : i32
      %dma_wait3A_1285 = arith.constant 0 : i32
      %dma_wait3A_1286 = tpu.memref_slice %arg12[%dma_wait3A_1284, %dma_wait3A_1285] : memref<10000x128xf32, #tpu.memory_space<vmem_shared>> -> memref<10000x128xf32, #tpu.memory_space<vmem_shared>>
      tpu.wait_indirect_dma semaphore(%arg17 : memref<!tpu.dma_semaphore, #tpu.memory_space<semaphore_mem>>) src(%arg9 : memref<80x128xf32, #tpu.memory_space<vmem>>) dst(%dma_wait3A_1286 : memref<10000x128xf32, #tpu.memory_space<vmem_shared>>)
      %add3A_1287 = arith.constant 1 : i32
      %add3A_1288 = arith.addi %mul3A_1264, %add3A_1287 : i32
      %mul3A_1289 = arith.constant 80 : i32
      %mul3A_1290 = arith.muli %add3A_1288, %mul3A_1289 : i32
      %dma_start3A_1291 = tpu.memref_slice %arg6[%mul3A_1290] : memref<5120xi32, #tpu.memory_space<vmem>> -> memref<80xi32, #tpu.memory_space<vmem>>
      %dma_start3A_1292 = arith.constant 0 : i32
      %dma_start3A_1293 = arith.constant 0 : i32
      %dma_start3A_1294 = tpu.memref_slice %arg2[%dma_start3A_1292, %dma_start3A_1293] : memref<10000x128xf32, #tpu.memory_space<hbm>> -> memref<10000x128xf32, #tpu.memory_space<hbm>>
      tpu.enqueue_indirect_dma source(%dma_start3A_1294 : memref<10000x128xf32, #tpu.memory_space<hbm>>) target(%arg9 : memref<80x128xf32, #tpu.memory_space<vmem>>) offsets(%dma_start3A_1291 : memref<80xi32, #tpu.memory_space<vmem>>) semaphore(%arg14 : memref<!tpu.dma_semaphore, #tpu.memory_space<semaphore_mem>>)
      %dma_wait3A_1295 = arith.constant 0 : i32
      %dma_wait3A_1296 = arith.constant 0 : i32
      %dma_wait3A_1297 = tpu.memref_slice %arg7[%dma_wait3A_1295, %dma_wait3A_1296] : memref<64x80xi32, #tpu.memory_space<vmem>> -> memref<1x80xi32, #tpu.memory_space<vmem>>
      %dma_wait3A_1298 = tpu.memref_squeeze %dma_wait3A_1297 : memref<1x80xi32, #tpu.memory_space<vmem>> -> memref<80xi32, #tpu.memory_space<vmem>>
      %dma_wait3A_1299 = arith.constant 0 : i32
      %dma_wait3A_1300 = arith.constant 0 : i32
      %dma_wait3A_1301 = tpu.memref_slice %arg12[%dma_wait3A_1299, %dma_wait3A_1300] : memref<10000x128xf32, #tpu.memory_space<vmem_shared>> -> memref<10000x128xf32, #tpu.memory_space<vmem_shared>>
      tpu.wait_indirect_dma semaphore(%arg18 : memref<!tpu.dma_semaphore, #tpu.memory_space<semaphore_mem>>) src(%arg10 : memref<80x128xf32, #tpu.memory_space<vmem>>) dst(%dma_wait3A_1301 : memref<10000x128xf32, #tpu.memory_space<vmem_shared>>)
      %add3A_1302 = arith.constant 2 : i32
      %add3A_1303 = arith.addi %mul3A_1264, %add3A_1302 : i32
      %mul3A_1304 = arith.constant 80 : i32
      %mul3A_1305 = arith.muli %add3A_1303, %mul3A_1304 : i32
      %dma_start3A_1306 = tpu.memref_slice %arg6[%mul3A_1305] : memref<5120xi32, #tpu.memory_space<vmem>> -> memref<80xi32, #tpu.memory_space<vmem>>
      %dma_start3A_1307 = arith.constant 0 : i32
      %dma_start3A_1308 = arith.constant 0 : i32
      %dma_start3A_1309 = tpu.memref_slice %arg2[%dma_start3A_1307, %dma_start3A_1308] : memref<10000x128xf32, #tpu.memory_space<hbm>> -> memref<10000x128xf32, #tpu.memory_space<hbm>>
      tpu.enqueue_indirect_dma source(%dma_start3A_1309 : memref<10000x128xf32, #tpu.memory_space<hbm>>) target(%arg10 : memref<80x128xf32, #tpu.memory_space<vmem>>) offsets(%dma_start3A_1306 : memref<80xi32, #tpu.memory_space<vmem>>) semaphore(%arg15 : memref<!tpu.dma_semaphore, #tpu.memory_space<semaphore_mem>>)
      %dma_wait3A_1310 = arith.constant 0 : i32
      %dma_wait3A_1311 = tpu.memref_slice %arg6[%dma_wait3A_1310] : memref<5120xi32, #tpu.memory_space<vmem>> -> memref<80xi32, #tpu.memory_space<vmem>>
      %dma_wait3A_1312 = arith.constant 0 : i32
      %dma_wait3A_1313 = arith.constant 0 : i32
      %dma_wait3A_1314 = tpu.memref_slice %arg2[%dma_wait3A_1312, %dma_wait3A_1313] : memref<10000x128xf32, #tpu.memory_space<hbm>> -> memref<10000x128xf32, #tpu.memory_space<hbm>>
      tpu.wait_indirect_dma semaphore(%arg13 : memref<!tpu.dma_semaphore, #tpu.memory_space<semaphore_mem>>) src(%dma_wait3A_1314 : memref<10000x128xf32, #tpu.memory_space<hbm>>) dst(%arg8 : memref<80x128xf32, #tpu.memory_space<vmem>>)
      %add3A_1315 = arith.constant 0 : i32
      %add3A_1316 = arith.addi %mul3A_1264, %add3A_1315 : i32
      %dma_start3A_1317 = arith.constant 0 : i32
      %dma_start3A_1318 = tpu.memref_slice %arg7[%add3A_1316, %dma_start3A_1317] : memref<64x80xi32, #tpu.memory_space<vmem>> -> memref<1x80xi32, #tpu.memory_space<vmem>>
      %dma_start3A_1319 = tpu.memref_squeeze %dma_start3A_1318 : memref<1x80xi32, #tpu.memory_space<vmem>> -> memref<80xi32, #tpu.memory_space<vmem>>
      %dma_start3A_1320 = arith.constant 0 : i32
      %dma_start3A_1321 = arith.constant 0 : i32
      %dma_start3A_1322 = tpu.memref_slice %arg12[%dma_start3A_1320, %dma_start3A_1321] : memref<10000x128xf32, #tpu.memory_space<vmem_shared>> -> memref<10000x128xf32, #tpu.memory_space<vmem_shared>>
      tpu.enqueue_indirect_dma source(%arg8 : memref<80x128xf32, #tpu.memory_space<vmem>>) target(%dma_start3A_1322 : memref<10000x128xf32, #tpu.memory_space<vmem_shared>>) offsets(%dma_start3A_1319 : memref<80xi32, #tpu.memory_space<vmem>>) semaphore(%arg16 : memref<!tpu.dma_semaphore, #tpu.memory_space<semaphore_mem>>) {add = true}
      %dma_wait3A_1323 = arith.constant 0 : i32
      %dma_wait3A_1324 = tpu.memref_slice %arg6[%dma_wait3A_1323] : memref<5120xi32, #tpu.memory_space<vmem>> -> memref<80xi32, #tpu.memory_space<vmem>>
      %dma_wait3A_1325 = arith.constant 0 : i32
      %dma_wait3A_1326 = arith.constant 0 : i32
      %dma_wait3A_1327 = tpu.memref_slice %arg2[%dma_wait3A_1325, %dma_wait3A_1326] : memref<10000x128xf32, #tpu.memory_space<hbm>> -> memref<10000x128xf32, #tpu.memory_space<hbm>>
      tpu.wait_indirect_dma semaphore(%arg14 : memref<!tpu.dma_semaphore, #tpu.memory_space<semaphore_mem>>) src(%dma_wait3A_1327 : memref<10000x128xf32, #tpu.memory_space<hbm>>) dst(%arg9 : memref<80x128xf32, #tpu.memory_space<vmem>>)
      %add3A_1328 = arith.constant 1 : i32
      %add3A_1329 = arith.addi %mul3A_1264, %add3A_1328 : i32
      %dma_start3A_1330 = arith.constant 0 : i32
      %dma_start3A_1331 = tpu.memref_slice %arg7[%add3A_1329, %dma_start3A_1330] : memref<64x80xi32, #tpu.memory_space<vmem>> -> memref<1x80xi32, #tpu.memory_space<vmem>>
      %dma_start3A_1332 = tpu.memref_squeeze %dma_start3A_1331 : memref<1x80xi32, #tpu.memory_space<vmem>> -> memref<80xi32, #tpu.memory_space<vmem>>
      %dma_start3A_1333 = arith.constant 0 : i32
      %dma_start3A_1334 = arith.constant 0 : i32
      %dma_start3A_1335 = tpu.memref_slice %arg12[%dma_start3A_1333, %dma_start3A_1334] : memref<10000x128xf32, #tpu.memory_space<vmem_shared>> -> memref<10000x128xf32, #tpu.memory_space<vmem_shared>>
      tpu.enqueue_indirect_dma source(%arg9 : memref<80x128xf32, #tpu.memory_space<vmem>>) target(%dma_start3A_1335 : memref<10000x128xf32, #tpu.memory_space<vmem_shared>>) offsets(%dma_start3A_1332 : memref<80xi32, #tpu.memory_space<vmem>>) semaphore(%arg17 : memref<!tpu.dma_semaphore, #tpu.memory_space<semaphore_mem>>) {add = true}
      %dma_wait3A_1336 = arith.constant 0 : i32
      %dma_wait3A_1337 = tpu.memref_slice %arg6[%dma_wait3A_1336] : memref<5120xi32, #tpu.memory_space<vmem>> -> memref<80xi32, #tpu.memory_space<vmem>>
      %dma_wait3A_1338 = arith.constant 0 : i32
      %dma_wait3A_1339 = arith.constant 0 : i32
      %dma_wait3A_1340 = tpu.memref_slice %arg2[%dma_wait3A_1338, %dma_wait3A_1339] : memref<10000x128xf32, #tpu.memory_space<hbm>> -> memref<10000x128xf32, #tpu.memory_space<hbm>>
      tpu.wait_indirect_dma semaphore(%arg15 : memref<!tpu.dma_semaphore, #tpu.memory_space<semaphore_mem>>) src(%dma_wait3A_1340 : memref<10000x128xf32, #tpu.memory_space<hbm>>) dst(%arg10 : memref<80x128xf32, #tpu.memory_space<vmem>>)
      %add3A_1341 = arith.constant 2 : i32
      %add3A_1342 = arith.addi %mul3A_1264, %add3A_1341 : i32
      %dma_start3A_1343 = arith.constant 0 : i32
      %dma_start3A_1344 = tpu.memref_slice %arg7[%add3A_1342, %dma_start3A_1343] : memref<64x80xi32, #tpu.memory_space<vmem>> -> memref<1x80xi32, #tpu.memory_space<vmem>>
      %dma_start3A_1345 = tpu.memref_squeeze %dma_start3A_1344 : memref<1x80xi32, #tpu.memory_space<vmem>> -> memref<80xi32, #tpu.memory_space<vmem>>
      %dma_start3A_1346 = arith.constant 0 : i32
      %dma_start3A_1347 = arith.constant 0 : i32
      %dma_start3A_1348 = tpu.memref_slice %arg12[%dma_start3A_1346, %dma_start3A_1347] : memref<10000x128xf32, #tpu.memory_space<vmem_shared>> -> memref<10000x128xf32, #tpu.memory_space<vmem_shared>>
      tpu.enqueue_indirect_dma source(%arg10 : memref<80x128xf32, #tpu.memory_space<vmem>>) target(%dma_start3A_1348 : memref<10000x128xf32, #tpu.memory_space<vmem_shared>>) offsets(%dma_start3A_1345 : memref<80xi32, #tpu.memory_space<vmem>>) semaphore(%arg18 : memref<!tpu.dma_semaphore, #tpu.memory_space<semaphore_mem>>) {add = true}
    }
    %scan3A_1207 = arith.constant 19 : i32
    %dma_wait3A_1208 = arith.constant 0 : i32
    %dma_wait3A_1209 = arith.constant 0 : i32
    %dma_wait3A_1210 = tpu.memref_slice %arg7[%dma_wait3A_1208, %dma_wait3A_1209] : memref<64x80xi32, #tpu.memory_space<vmem>> -> memref<1x80xi32, #tpu.memory_space<vmem>>
    %dma_wait3A_1211 = tpu.memref_squeeze %dma_wait3A_1210 : memref<1x80xi32, #tpu.memory_space<vmem>> -> memref<80xi32, #tpu.memory_space<vmem>>
    %dma_wait3A_1212 = arith.constant 0 : i32
    %dma_wait3A_1213 = arith.constant 0 : i32
    %dma_wait3A_1214 = tpu.memref_slice %arg12[%dma_wait3A_1212, %dma_wait3A_1213] : memref<10000x128xf32, #tpu.memory_space<vmem_shared>> -> memref<10000x128xf32, #tpu.memory_space<vmem_shared>>
    tpu.wait_indirect_dma semaphore(%arg16 : memref<!tpu.dma_semaphore, #tpu.memory_space<semaphore_mem>>) src(%arg8 : memref<80x128xf32, #tpu.memory_space<vmem>>) dst(%dma_wait3A_1214 : memref<10000x128xf32, #tpu.memory_space<vmem_shared>>)
    %dma_start3A_1215 = arith.constant 4800 : i32
    %dma_start3A_1216 = tpu.memref_slice %arg6[%dma_start3A_1215] : memref<5120xi32, #tpu.memory_space<vmem>> -> memref<80xi32, #tpu.memory_space<vmem>>
    %dma_start3A_1217 = arith.constant 0 : i32
    %dma_start3A_1218 = arith.constant 0 : i32
    %dma_start3A_1219 = tpu.memref_slice %arg2[%dma_start3A_1217, %dma_start3A_1218] : memref<10000x128xf32, #tpu.memory_space<hbm>> -> memref<10000x128xf32, #tpu.memory_space<hbm>>
    tpu.enqueue_indirect_dma source(%dma_start3A_1219 : memref<10000x128xf32, #tpu.memory_space<hbm>>) target(%arg8 : memref<80x128xf32, #tpu.memory_space<vmem>>) offsets(%dma_start3A_1216 : memref<80xi32, #tpu.memory_space<vmem>>) semaphore(%arg13 : memref<!tpu.dma_semaphore, #tpu.memory_space<semaphore_mem>>)
    %dma_wait3A_1220 = arith.constant 0 : i32
    %dma_wait3A_1221 = tpu.memref_slice %arg6[%dma_wait3A_1220] : memref<5120xi32, #tpu.memory_space<vmem>> -> memref<80xi32, #tpu.memory_space<vmem>>
    %dma_wait3A_1222 = arith.constant 0 : i32
    %dma_wait3A_1223 = arith.constant 0 : i32
    %dma_wait3A_1224 = tpu.memref_slice %arg2[%dma_wait3A_1222, %dma_wait3A_1223] : memref<10000x128xf32, #tpu.memory_space<hbm>> -> memref<10000x128xf32, #tpu.memory_space<hbm>>
    tpu.wait_indirect_dma semaphore(%arg13 : memref<!tpu.dma_semaphore, #tpu.memory_space<semaphore_mem>>) src(%dma_wait3A_1224 : memref<10000x128xf32, #tpu.memory_space<hbm>>) dst(%arg8 : memref<80x128xf32, #tpu.memory_space<vmem>>)
    %dma_start3A_1225 = arith.constant 60 : i32
    %dma_start3A_1226 = arith.constant 0 : i32
    %dma_start3A_1227 = tpu.memref_slice %arg7[%dma_start3A_1225, %dma_start3A_1226] : memref<64x80xi32, #tpu.memory_space<vmem>> -> memref<1x80xi32, #tpu.memory_space<vmem>>
    %dma_start3A_1228 = tpu.memref_squeeze %dma_start3A_1227 : memref<1x80xi32, #tpu.memory_space<vmem>> -> memref<80xi32, #tpu.memory_space<vmem>>
    %dma_start3A_1229 = arith.constant 0 : i32
    %dma_start3A_1230 = arith.constant 0 : i32
    %dma_start3A_1231 = tpu.memref_slice %arg12[%dma_start3A_1229, %dma_start3A_1230] : memref<10000x128xf32, #tpu.memory_space<vmem_shared>> -> memref<10000x128xf32, #tpu.memory_space<vmem_shared>>
    tpu.enqueue_indirect_dma source(%arg8 : memref<80x128xf32, #tpu.memory_space<vmem>>) target(%dma_start3A_1231 : memref<10000x128xf32, #tpu.memory_space<vmem_shared>>) offsets(%dma_start3A_1228 : memref<80xi32, #tpu.memory_space<vmem>>) semaphore(%arg16 : memref<!tpu.dma_semaphore, #tpu.memory_space<semaphore_mem>>) {add = true}
    %dma_wait3A_1232 = arith.constant 0 : i32
    %dma_wait3A_1233 = arith.constant 0 : i32
    %dma_wait3A_1234 = tpu.memref_slice %arg7[%dma_wait3A_1232, %dma_wait3A_1233] : memref<64x80xi32, #tpu.memory_space<vmem>> -> memref<1x80xi32, #tpu.memory_space<vmem>>
    %dma_wait3A_1235 = tpu.memref_squeeze %dma_wait3A_1234 : memref<1x80xi32, #tpu.memory_space<vmem>> -> memref<80xi32, #tpu.memory_space<vmem>>
    %dma_wait3A_1236 = arith.constant 0 : i32
    %dma_wait3A_1237 = arith.constant 0 : i32
    %dma_wait3A_1238 = tpu.memref_slice %arg12[%dma_wait3A_1236, %dma_wait3A_1237] : memref<10000x128xf32, #tpu.memory_space<vmem_shared>> -> memref<10000x128xf32, #tpu.memory_space<vmem_shared>>
    tpu.wait_indirect_dma semaphore(%arg16 : memref<!tpu.dma_semaphore, #tpu.memory_space<semaphore_mem>>) src(%arg8 : memref<80x128xf32, #tpu.memory_space<vmem>>) dst(%dma_wait3A_1238 : memref<10000x128xf32, #tpu.memory_space<vmem_shared>>)
    %dma_wait3A_1239 = arith.constant 0 : i32
    %dma_wait3A_1240 = arith.constant 0 : i32
    %dma_wait3A_1241 = tpu.memref_slice %arg7[%dma_wait3A_1239, %dma_wait3A_1240] : memref<64x80xi32, #tpu.memory_space<vmem>> -> memref<1x80xi32, #tpu.memory_space<vmem>>
    %dma_wait3A_1242 = tpu.memref_squeeze %dma_wait3A_1241 : memref<1x80xi32, #tpu.memory_space<vmem>> -> memref<80xi32, #tpu.memory_space<vmem>>
    %dma_wait3A_1243 = arith.constant 0 : i32
    %dma_wait3A_1244 = arith.constant 0 : i32
    %dma_wait3A_1245 = tpu.memref_slice %arg12[%dma_wait3A_1243, %dma_wait3A_1244] : memref<10000x128xf32, #tpu.memory_space<vmem_shared>> -> memref<10000x128xf32, #tpu.memory_space<vmem_shared>>
    tpu.wait_indirect_dma semaphore(%arg17 : memref<!tpu.dma_semaphore, #tpu.memory_space<semaphore_mem>>) src(%arg9 : memref<80x128xf32, #tpu.memory_space<vmem>>) dst(%dma_wait3A_1245 : memref<10000x128xf32, #tpu.memory_space<vmem_shared>>)
    %dma_wait3A_1246 = arith.constant 0 : i32
    %dma_wait3A_1247 = arith.constant 0 : i32
    %dma_wait3A_1248 = tpu.memref_slice %arg7[%dma_wait3A_1246, %dma_wait3A_1247] : memref<64x80xi32, #tpu.memory_space<vmem>> -> memref<1x80xi32, #tpu.memory_space<vmem>>
    %dma_wait3A_1249 = tpu.memref_squeeze %dma_wait3A_1248 : memref<1x80xi32, #tpu.memory_space<vmem>> -> memref<80xi32, #tpu.memory_space<vmem>>
    %dma_wait3A_1250 = arith.constant 0 : i32
    %dma_wait3A_1251 = arith.constant 0 : i32
    %dma_wait3A_1252 = tpu.memref_slice %arg12[%dma_wait3A_1250, %dma_wait3A_1251] : memref<10000x128xf32, #tpu.memory_space<vmem_shared>> -> memref<10000x128xf32, #tpu.memory_space<vmem_shared>>
    tpu.wait_indirect_dma semaphore(%arg18 : memref<!tpu.dma_semaphore, #tpu.memory_space<semaphore_mem>>) src(%arg10 : memref<80x128xf32, #tpu.memory_space<vmem>>) dst(%dma_wait3A_1252 : memref<10000x128xf32, #tpu.memory_space<vmem_shared>>)
    %barrier3A_1253 = arith.constant 0 : index
    tpu.barrier barrier_id(%barrier3A_1253)
    %mul3A_1254 = arith.constant 10000 : i32
    %mul3A_1255 = arith.muli %arg0, %mul3A_1254 : i32
    %add3A_1256 = arith.addi %mul3A_1255, %mul3A_0 : i32
    "tpu.region"() ({
      %run_scoped3A = tpu.sem_alloc : memref<!tpu.dma_semaphore, #tpu.memory_space<semaphore_mem>>
      %dma_start3A_1262 = arith.constant 0 : i32
      %dma_start3A_1263 = tpu.memref_slice %arg5[%add3A_1256, %dma_start3A_1262] : memref<20000x128xf32, #tpu.memory_space<hbm>> -> memref<624x128xf32, #tpu.memory_space<hbm>>
      %dma_start3A_1264 = arith.constant 0 : i32
      %dma_start3A_1265 = tpu.memref_slice %arg12[%mul3A_0, %dma_start3A_1264] : memref<10000x128xf32, #tpu.memory_space<vmem_shared>> -> memref<624x128xf32, #tpu.memory_space<vmem_shared>>
      tpu.enqueue_dma source(%dma_start3A_1265 : memref<624x128xf32, #tpu.memory_space<vmem_shared>>) target(%dma_start3A_1263 : memref<624x128xf32, #tpu.memory_space<hbm>>) target_semaphore(%run_scoped3A : memref<!tpu.dma_semaphore, #tpu.memory_space<semaphore_mem>>)
      %dma_wait3A_1266 = arith.constant 0 : i32
      %dma_wait3A_1267 = tpu.memref_slice %arg5[%add3A_1256, %dma_wait3A_1266] : memref<20000x128xf32, #tpu.memory_space<hbm>> -> memref<624x128xf32, #tpu.memory_space<hbm>>
      %dma_wait3A_1268 = arith.constant 0 : i32
      %dma_wait3A_1269 = tpu.memref_slice %arg12[%mul3A_0, %dma_wait3A_1268] : memref<10000x128xf32, #tpu.memory_space<vmem_shared>> -> memref<624x128xf32, #tpu.memory_space<vmem_shared>>
      tpu.wait_dma2 semaphore(%run_scoped3A : memref<!tpu.dma_semaphore, #tpu.memory_space<semaphore_mem>>) src(%dma_wait3A_1269 : memref<624x128xf32, #tpu.memory_space<vmem_shared>>) dst(%dma_wait3A_1267 : memref<624x128xf32, #tpu.memory_space<hbm>>)
      tpu.yield
    }) : () -> ()
    %eq3A_1257 = arith.constant 15 : i32
    %eq3A_1258 = arith.cmpi eq, %arg1, %eq3A_1257 : i32
    %convert_element_type3A_1259 = arith.extui %eq3A_1258 : i1 to i32
    %cond3A_1260 = arith.constant 0 : i32
    %cond3A_1261 = arith.cmpi ne, %convert_element_type3A_1259, %cond3A_1260 : i32
    scf.if %cond3A_1261 {
      %mul3A_1262 = arith.constant 10000 : i32
      %mul3A_1263 = arith.muli %arg0, %mul3A_1262 : i32
      %add3A_1264 = arith.constant 9984 : i32
      %add3A_1265 = arith.addi %mul3A_1263, %add3A_1264 : i32
      "tpu.region"() ({
        %run_scoped3A = tpu.sem_alloc : memref<!tpu.dma_semaphore, #tpu.memory_space<semaphore_mem>>
        %dma_start3A_1266 = arith.constant 0 : i32
        %dma_start3A_1267 = tpu.memref_slice %arg5[%add3A_1265, %dma_start3A_1266] : memref<20000x128xf32, #tpu.memory_space<hbm>> -> memref<16x128xf32, #tpu.memory_space<hbm>>
        %dma_start3A_1268 = arith.constant 9984 : i32
        %dma_start3A_1269 = arith.constant 0 : i32
        %dma_start3A_1270 = tpu.memref_slice %arg12[%dma_start3A_1268, %dma_start3A_1269] : memref<10000x128xf32, #tpu.memory_space<vmem_shared>> -> memref<16x128xf32, #tpu.memory_space<vmem_shared>>
        tpu.enqueue_dma source(%dma_start3A_1270 : memref<16x128xf32, #tpu.memory_space<vmem_shared>>) target(%dma_start3A_1267 : memref<16x128xf32, #tpu.memory_space<hbm>>) target_semaphore(%run_scoped3A : memref<!tpu.dma_semaphore, #tpu.memory_space<semaphore_mem>>)
        %dma_wait3A_1271 = arith.constant 0 : i32
        %dma_wait3A_1272 = tpu.memref_slice %arg5[%add3A_1265, %dma_wait3A_1271] : memref<20000x128xf32, #tpu.memory_space<hbm>> -> memref<16x128xf32, #tpu.memory_space<hbm>>
        %dma_wait3A_1273 = arith.constant 9984 : i32
        %dma_wait3A_1274 = arith.constant 0 : i32
        %dma_wait3A_1275 = tpu.memref_slice %arg12[%dma_wait3A_1273, %dma_wait3A_1274] : memref<10000x128xf32, #tpu.memory_space<vmem_shared>> -> memref<16x128xf32, #tpu.memory_space<vmem_shared>>
        tpu.wait_dma2 semaphore(%run_scoped3A : memref<!tpu.dma_semaphore, #tpu.memory_space<semaphore_mem>>) src(%dma_wait3A_1275 : memref<16x128xf32, #tpu.memory_space<vmem_shared>>) dst(%dma_wait3A_1272 : memref<16x128xf32, #tpu.memory_space<hbm>>)
        tpu.yield
      }) : () -> ()
    } else {
    }
    return
  }
}

module attributes {stable_mosaic.version = 14 : i64} {
  func.func @_mm_scale_body(%arg0: i32, %arg1: memref<1000x128xf32, #tpu.memory_space<vmem>>, %arg2: memref<1000x1xf32, #tpu.memory_space<vmem>>, %arg3: memref<1000x1xf32, #tpu.memory_space<vmem>>, %arg4: memref<128x128xf32, #tpu.memory_space<vmem>>, %arg5: memref<1000x128xf32, #tpu.memory_space<vmem>>) attributes {dimension_semantics = [#tpu.dimension_semantics<arbitrary>], iteration_bounds = array<i64: 10>, scalar_prefetch = 0 : i64, scratch_operands = 0 : i64, tpu.core_type = #tpu.core_type<tc>, window_params = [{transform_indices = @transform_0, window_bounds = array<i64: 1000, 128>}, {transform_indices = @transform_1, window_bounds = array<i64: 1000, 1>}, {transform_indices = @transform_2, window_bounds = array<i64: 1000, 1>}, {pipeline_mode = #tpu.pipeline_mode<synchronous>, transform_indices = @transform_3, window_bounds = array<i64: 128, 128>}, {transform_indices = @transform_4, window_bounds = array<i64: 1000, 128>}]} {
    %get3A = arith.constant 0 : index
    %get3A_0 = arith.constant 0 : index
    %get3A_1 = vector.load %arg2[%get3A, %get3A_0] : memref<1000x1xf32, #tpu.memory_space<vmem>>, vector<1000x1xf32>
    %get3A_2 = arith.constant 0 : index
    %get3A_3 = arith.constant 0 : index
    %get3A_4 = vector.load %arg3[%get3A_2, %get3A_3] : memref<1000x1xf32, #tpu.memory_space<vmem>>, vector<1000x1xf32>
    %add3A = arith.addf %get3A_1, %get3A_4 : vector<1000x1xf32>
    %add3A_5 = arith.constant 1.000000e+00 : f32
    %add3A_6 = vector.broadcast %add3A_5 : f32 to vector<1000x1xf32>
    %add3A_7 = arith.addf %add3A, %add3A_6 : vector<1000x1xf32>
    %max3A = arith.constant 1.000000e+00 : f32
    %max3A_8 = vector.broadcast %max3A : f32 to vector<1000x1xf32>
    %max3A_9 = arith.maximumf %add3A_7, %max3A_8 : vector<1000x1xf32>
    %rsqrt3A = math.rsqrt %max3A_9 : vector<1000x1xf32>
    %get3A_10 = arith.constant 0 : index
    %get3A_11 = arith.constant 0 : index
    %get3A_12 = vector.load %arg1[%get3A_10, %get3A_11] : memref<1000x128xf32, #tpu.memory_space<vmem>>, vector<1000x128xf32>
    %get3A_13 = arith.constant 0 : index
    %get3A_14 = arith.constant 0 : index
    %get3A_15 = vector.load %arg4[%get3A_13, %get3A_14] : memref<128x128xf32, #tpu.memory_space<vmem>>, vector<128x128xf32>
    %dot_general3A = arith.constant dense<0.000000e+00> : vector<1000x128xf32>
    %dot_general3A_16 = tpu.matmul %get3A_12, %get3A_15, %dot_general3A {dimension_numbers = #tpu.dot_dimension_numbers<[1], [0], [0], [1], [0, 0, 1, 1], [], []>, transpose_lhs_hint = false} : vector<1000x128xf32>, vector<128x128xf32>, vector<1000x128xf32> -> vector<1000x128xf32>
    %mul3A = vector.broadcast %rsqrt3A : vector<1000x1xf32> to vector<1000x128xf32>
    %mul3A_17 = arith.mulf %mul3A, %dot_general3A_16 : vector<1000x128xf32>
    %swap3A = arith.constant 0 : index
    %swap3A_18 = arith.constant 0 : index
    %swap3A_19 = vector.load %arg5[%swap3A, %swap3A_18] : memref<1000x128xf32, #tpu.memory_space<vmem>>, vector<1000x128xf32>
    tpu.vector_store %arg5[%swap3A, %swap3A_18], %mul3A_17 {strides = array<i32>} : memref<1000x128xf32, #tpu.memory_space<vmem>>, vector<1000x128xf32>,
    return
  }
  func.func @transform_0(%arg0: i32) -> (i32, i32) {
    %c0_i32 = arith.constant 0 : i32
    %c0_i32_0 = arith.constant 0 : i32
    return %arg0, %c0_i32 : i32, i32
  }
  func.func @transform_1(%arg0: i32) -> (i32, i32) {
    %c0_i32 = arith.constant 0 : i32
    %c0_i32_0 = arith.constant 0 : i32
    return %arg0, %c0_i32 : i32, i32
  }
  func.func @transform_2(%arg0: i32) -> (i32, i32) {
    %add3A = arith.constant 10 : i32
    %add3A_0 = arith.addi %arg0, %add3A : i32
    %c0_i32 = arith.constant 0 : i32
    %c0_i32_1 = arith.constant 0 : i32
    return %add3A_0, %c0_i32 : i32, i32
  }
  func.func @transform_3(%arg0: i32) -> (i32, i32) {
    %c0_i32 = arith.constant 0 : i32
    %c0_i32_0 = arith.constant 0 : i32
    %c0_i32_1 = arith.constant 0 : i32
    return %c0_i32, %c0_i32_0 : i32, i32
  }
  func.func @transform_4(%arg0: i32) -> (i32, i32) {
    %c0_i32 = arith.constant 0 : i32
    %c0_i32_0 = arith.constant 0 : i32
    return %arg0, %c0_i32 : i32, i32
  }
}

module attributes {stable_mosaic.version = 14 : i64} {
  func.func @_fuse_body(%arg0: i32, %arg1: memref<1000x128xf32, #tpu.memory_space<vmem>>, %arg2: memref<1000x128xf32, #tpu.memory_space<vmem>>, %arg3: memref<1000x128xf32, #tpu.memory_space<vmem>>, %arg4: memref<1000x1xf32, #tpu.memory_space<vmem>>, %arg5: memref<1000x1xf32, #tpu.memory_space<vmem>>, %arg6: memref<1x128xf32, #tpu.memory_space<vmem>>, %arg7: memref<128x128xf32, #tpu.memory_space<vmem>>, %arg8: memref<1000x128xf32, #tpu.memory_space<vmem>>) attributes {dimension_semantics = [#tpu.dimension_semantics<arbitrary>], iteration_bounds = array<i64: 10>, scalar_prefetch = 0 : i64, scratch_operands = 0 : i64, tpu.core_type = #tpu.core_type<tc>, window_params = [{transform_indices = @transform_0, window_bounds = array<i64: 1000, 128>}, {transform_indices = @transform_1, window_bounds = array<i64: 1000, 128>}, {transform_indices = @transform_2, window_bounds = array<i64: 1000, 128>}, {transform_indices = @transform_3, window_bounds = array<i64: 1000, 1>}, {transform_indices = @transform_4, window_bounds = array<i64: 1000, 1>}, {pipeline_mode = #tpu.pipeline_mode<synchronous>, transform_indices = @transform_5, window_bounds = array<i64: 1, 128>}, {pipeline_mode = #tpu.pipeline_mode<synchronous>, transform_indices = @transform_6, window_bounds = array<i64: 128, 128>}, {transform_indices = @transform_7, window_bounds = array<i64: 1000, 128>}]} {
    %get3A = arith.constant 0 : index
    %get3A_0 = arith.constant 0 : index
    %get3A_1 = vector.load %arg4[%get3A, %get3A_0] : memref<1000x1xf32, #tpu.memory_space<vmem>>, vector<1000x1xf32>
    %get3A_2 = arith.constant 0 : index
    %get3A_3 = arith.constant 0 : index
    %get3A_4 = vector.load %arg5[%get3A_2, %get3A_3] : memref<1000x1xf32, #tpu.memory_space<vmem>>, vector<1000x1xf32>
    %add3A = arith.addf %get3A_1, %get3A_4 : vector<1000x1xf32>
    %add3A_5 = arith.constant 1.000000e+00 : f32
    %add3A_6 = vector.broadcast %add3A_5 : f32 to vector<1000x1xf32>
    %add3A_7 = arith.addf %add3A, %add3A_6 : vector<1000x1xf32>
    %max3A = arith.constant 1.000000e+00 : f32
    %max3A_8 = vector.broadcast %max3A : f32 to vector<1000x1xf32>
    %max3A_9 = arith.maximumf %add3A_7, %max3A_8 : vector<1000x1xf32>
    %rsqrt3A = math.rsqrt %max3A_9 : vector<1000x1xf32>
    %get3A_10 = arith.constant 0 : index
    %get3A_11 = arith.constant 0 : index
    %get3A_12 = vector.load %arg1[%get3A_10, %get3A_11] : memref<1000x128xf32, #tpu.memory_space<vmem>>, vector<1000x128xf32>
    %get3A_13 = arith.constant 0 : index
    %get3A_14 = arith.constant 0 : index
    %get3A_15 = vector.load %arg2[%get3A_13, %get3A_14] : memref<1000x128xf32, #tpu.memory_space<vmem>>, vector<1000x128xf32>
    %add3A_16 = arith.addf %get3A_12, %get3A_15 : vector<1000x128xf32>
    %get3A_17 = arith.constant 0 : index
    %get3A_18 = arith.constant 0 : index
    %get3A_19 = vector.load %arg3[%get3A_17, %get3A_18] : memref<1000x128xf32, #tpu.memory_space<vmem>>, vector<1000x128xf32>
    %add3A_20 = arith.addf %add3A_16, %get3A_19 : vector<1000x128xf32>
    %mul3A = vector.broadcast %rsqrt3A : vector<1000x1xf32> to vector<1000x128xf32>
    %mul3A_21 = arith.mulf %mul3A, %add3A_20 : vector<1000x128xf32>
    %get3A_22 = arith.constant 0 : index
    %get3A_23 = arith.constant 0 : index
    %get3A_24 = vector.load %arg6[%get3A_22, %get3A_23] : memref<1x128xf32, #tpu.memory_space<vmem>>, vector<1x128xf32>
    %add3A_25 = vector.broadcast %get3A_24 : vector<1x128xf32> to vector<1000x128xf32>
    %add3A_26 = arith.addf %mul3A_21, %add3A_25 : vector<1000x128xf32>
    %max3A_27 = arith.constant 0.000000e+00 : f32
    %max3A_28 = vector.broadcast %max3A_27 : f32 to vector<1000x128xf32>
    %max3A_29 = arith.maximumf %add3A_26, %max3A_28 : vector<1000x128xf32>
    %get3A_30 = arith.constant 0 : index
    %get3A_31 = arith.constant 0 : index
    %get3A_32 = vector.load %arg7[%get3A_30, %get3A_31] : memref<128x128xf32, #tpu.memory_space<vmem>>, vector<128x128xf32>
    %dot_general3A = arith.constant dense<0.000000e+00> : vector<1000x128xf32>
    %dot_general3A_33 = tpu.matmul %max3A_29, %get3A_32, %dot_general3A {dimension_numbers = #tpu.dot_dimension_numbers<[1], [0], [0], [1], [0, 0, 1, 1], [], []>, transpose_lhs_hint = false} : vector<1000x128xf32>, vector<128x128xf32>, vector<1000x128xf32> -> vector<1000x128xf32>
    %mul3A_34 = vector.broadcast %rsqrt3A : vector<1000x1xf32> to vector<1000x128xf32>
    %mul3A_35 = arith.mulf %mul3A_34, %dot_general3A_33 : vector<1000x128xf32>
    %swap3A = arith.constant 0 : index
    %swap3A_36 = arith.constant 0 : index
    %swap3A_37 = vector.load %arg8[%swap3A, %swap3A_36] : memref<1000x128xf32, #tpu.memory_space<vmem>>, vector<1000x128xf32>
    tpu.vector_store %arg8[%swap3A, %swap3A_36], %mul3A_35 {strides = array<i32>} : memref<1000x128xf32, #tpu.memory_space<vmem>>, vector<1000x128xf32>,
    return
  }
  func.func @transform_0(%arg0: i32) -> (i32, i32) {
    %c0_i32 = arith.constant 0 : i32
    %c0_i32_0 = arith.constant 0 : i32
    return %arg0, %c0_i32 : i32, i32
  }
  func.func @transform_1(%arg0: i32) -> (i32, i32) {
    %add3A = arith.constant 10 : i32
    %add3A_0 = arith.addi %arg0, %add3A : i32
    %c0_i32 = arith.constant 0 : i32
    %c0_i32_1 = arith.constant 0 : i32
    return %add3A_0, %c0_i32 : i32, i32
  }
  func.func @transform_2(%arg0: i32) -> (i32, i32) {
    %c0_i32 = arith.constant 0 : i32
    %c0_i32_0 = arith.constant 0 : i32
    return %arg0, %c0_i32 : i32, i32
  }
  func.func @transform_3(%arg0: i32) -> (i32, i32) {
    %c0_i32 = arith.constant 0 : i32
    %c0_i32_0 = arith.constant 0 : i32
    return %arg0, %c0_i32 : i32, i32
  }
  func.func @transform_4(%arg0: i32) -> (i32, i32) {
    %add3A = arith.constant 10 : i32
    %add3A_0 = arith.addi %arg0, %add3A : i32
    %c0_i32 = arith.constant 0 : i32
    %c0_i32_1 = arith.constant 0 : i32
    return %add3A_0, %c0_i32 : i32, i32
  }
  func.func @transform_5(%arg0: i32) -> (i32, i32) {
    %c0_i32 = arith.constant 0 : i32
    %c0_i32_0 = arith.constant 0 : i32
    %c0_i32_1 = arith.constant 0 : i32
    return %c0_i32, %c0_i32_0 : i32, i32
  }
  func.func @transform_6(%arg0: i32) -> (i32, i32) {
    %c0_i32 = arith.constant 0 : i32
    %c0_i32_0 = arith.constant 0 : i32
    %c0_i32_1 = arith.constant 0 : i32
    return %c0_i32, %c0_i32_0 : i32, i32
  }
  func.func @transform_7(%arg0: i32) -> (i32, i32) {
    %c0_i32 = arith.constant 0 : i32
    %c0_i32_0 = arith.constant 0 : i32
    return %arg0, %c0_i32 : i32, i32
  }
}

module attributes {stable_mosaic.version = 14 : i64} {
  func.func @_final_body(%arg0: i32, %arg1: memref<1000x128xf32, #tpu.memory_space<vmem>>, %arg2: memref<1000x128xf32, #tpu.memory_space<vmem>>, %arg3: memref<1000x128xf32, #tpu.memory_space<vmem>>, %arg4: memref<1000x1xf32, #tpu.memory_space<vmem>>, %arg5: memref<1000x1xf32, #tpu.memory_space<vmem>>, %arg6: memref<1x128xf32, #tpu.memory_space<vmem>>, %arg7: memref<1000x1xi32, #tpu.memory_space<vmem>>, %arg8: memref<128x128xf32, #tpu.memory_space<vmem>>, %arg9: memref<1x128xf32, #tpu.memory_space<vmem>>, %arg10: memref<64x128xf32, #tpu.memory_space<vmem>>, %arg11: memref<64x128xf32, #tpu.memory_space<vmem>>, %arg12: memref<64x128xf32, #tpu.memory_space<vmem>>) attributes {dimension_semantics = [#tpu.dimension_semantics<arbitrary>], iteration_bounds = array<i64: 10>, scalar_prefetch = 0 : i64, scratch_operands = 2 : i64, tpu.core_type = #tpu.core_type<tc>, window_params = [{transform_indices = @transform_0, window_bounds = array<i64: 1000, 128>}, {transform_indices = @transform_1, window_bounds = array<i64: 1000, 128>}, {transform_indices = @transform_2, window_bounds = array<i64: 1000, 128>}, {transform_indices = @transform_3, window_bounds = array<i64: 1000, 1>}, {transform_indices = @transform_4, window_bounds = array<i64: 1000, 1>}, {pipeline_mode = #tpu.pipeline_mode<synchronous>, transform_indices = @transform_5, window_bounds = array<i64: 1, 128>}, {transform_indices = @transform_6, window_bounds = array<i64: 1000, 1>}, {pipeline_mode = #tpu.pipeline_mode<synchronous>, transform_indices = @transform_7, window_bounds = array<i64: 128, 128>}, {pipeline_mode = #tpu.pipeline_mode<synchronous>, transform_indices = @transform_8, window_bounds = array<i64: 1, 128>}, {pipeline_mode = #tpu.pipeline_mode<synchronous>, transform_indices = @transform_9, window_bounds = array<i64: 64, 128>}]} {
    %eq3A = arith.constant 0 : i32
    %eq3A_0 = arith.cmpi eq, %arg0, %eq3A : i32
    %convert_element_type3A = arith.extui %eq3A_0 : i1 to i32
    %cond3A = arith.constant 0 : i32
    %cond3A_1 = arith.cmpi ne, %convert_element_type3A, %cond3A : i32
    scf.if %cond3A_1 {
      %broadcast_in_dim3A_61 = arith.constant 0.000000e+00 : f32
      %broadcast_in_dim3A_62 = vector.broadcast %broadcast_in_dim3A_61 : f32 to vector<64x128xf32>
      %swap3A_63 = arith.constant 0 : index
      %swap3A_64 = arith.constant 0 : index
      %swap3A_65 = vector.load %arg11[%swap3A_63, %swap3A_64] : memref<64x128xf32, #tpu.memory_space<vmem>>, vector<64x128xf32>
      tpu.vector_store %arg11[%swap3A_63, %swap3A_64], %broadcast_in_dim3A_62 {strides = array<i32>} : memref<64x128xf32, #tpu.memory_space<vmem>>, vector<64x128xf32>,
      %broadcast_in_dim3A_66 = arith.constant 0.000000e+00 : f32
      %broadcast_in_dim3A_67 = vector.broadcast %broadcast_in_dim3A_66 : f32 to vector<64x128xf32>
      %swap3A_68 = arith.constant 0 : index
      %swap3A_69 = arith.constant 0 : index
      %swap3A_70 = vector.load %arg12[%swap3A_68, %swap3A_69] : memref<64x128xf32, #tpu.memory_space<vmem>>, vector<64x128xf32>
      tpu.vector_store %arg12[%swap3A_68, %swap3A_69], %broadcast_in_dim3A_67 {strides = array<i32>} : memref<64x128xf32, #tpu.memory_space<vmem>>, vector<64x128xf32>,
    } else {
    }
    %get3A = arith.constant 0 : index
    %get3A_2 = arith.constant 0 : index
    %get3A_3 = vector.load %arg4[%get3A, %get3A_2] : memref<1000x1xf32, #tpu.memory_space<vmem>>, vector<1000x1xf32>
    %get3A_4 = arith.constant 0 : index
    %get3A_5 = arith.constant 0 : index
    %get3A_6 = vector.load %arg5[%get3A_4, %get3A_5] : memref<1000x1xf32, #tpu.memory_space<vmem>>, vector<1000x1xf32>
    %add3A = arith.addf %get3A_3, %get3A_6 : vector<1000x1xf32>
    %add3A_7 = arith.constant 1.000000e+00 : f32
    %add3A_8 = vector.broadcast %add3A_7 : f32 to vector<1000x1xf32>
    %add3A_9 = arith.addf %add3A, %add3A_8 : vector<1000x1xf32>
    %max3A = arith.constant 1.000000e+00 : f32
    %max3A_10 = vector.broadcast %max3A : f32 to vector<1000x1xf32>
    %max3A_11 = arith.maximumf %add3A_9, %max3A_10 : vector<1000x1xf32>
    %rsqrt3A = math.rsqrt %max3A_11 : vector<1000x1xf32>
    %get3A_12 = arith.constant 0 : index
    %get3A_13 = arith.constant 0 : index
    %get3A_14 = vector.load %arg1[%get3A_12, %get3A_13] : memref<1000x128xf32, #tpu.memory_space<vmem>>, vector<1000x128xf32>
    %get3A_15 = arith.constant 0 : index
    %get3A_16 = arith.constant 0 : index
    %get3A_17 = vector.load %arg2[%get3A_15, %get3A_16] : memref<1000x128xf32, #tpu.memory_space<vmem>>, vector<1000x128xf32>
    %add3A_18 = arith.addf %get3A_14, %get3A_17 : vector<1000x128xf32>
    %get3A_19 = arith.constant 0 : index
    %get3A_20 = arith.constant 0 : index
    %get3A_21 = vector.load %arg3[%get3A_19, %get3A_20] : memref<1000x128xf32, #tpu.memory_space<vmem>>, vector<1000x128xf32>
    %add3A_22 = arith.addf %add3A_18, %get3A_21 : vector<1000x128xf32>
    %mul3A = vector.broadcast %rsqrt3A : vector<1000x1xf32> to vector<1000x128xf32>
    %mul3A_23 = arith.mulf %mul3A, %add3A_22 : vector<1000x128xf32>
    %get3A_24 = arith.constant 0 : index
    %get3A_25 = arith.constant 0 : index
    %get3A_26 = vector.load %arg6[%get3A_24, %get3A_25] : memref<1x128xf32, #tpu.memory_space<vmem>>, vector<1x128xf32>
    %add3A_27 = vector.broadcast %get3A_26 : vector<1x128xf32> to vector<1000x128xf32>
    %add3A_28 = arith.addf %mul3A_23, %add3A_27 : vector<1000x128xf32>
    %max3A_29 = arith.constant 0.000000e+00 : f32
    %max3A_30 = vector.broadcast %max3A_29 : f32 to vector<1000x128xf32>
    %max3A_31 = arith.maximumf %add3A_28, %max3A_30 : vector<1000x128xf32>
    %get3A_32 = arith.constant 0 : index
    %get3A_33 = arith.constant 0 : index
    %get3A_34 = vector.load %arg7[%get3A_32, %get3A_33] : memref<1000x1xi32, #tpu.memory_space<vmem>>, vector<1000x1xi32>
    %iota3A = tpu.iota {dimensions = array<i32: 1>} : vector<1000x64xi32>
    %eq3A_35 = vector.broadcast %get3A_34 : vector<1000x1xi32> to vector<1000x64xi32>
    %eq3A_36 = arith.cmpi eq, %eq3A_35, %iota3A : vector<1000x64xi32>
    %convert_element_type3A_37 = arith.extui %eq3A_36 : vector<1000x64xi1> to vector<1000x64xi32>
    %convert_element_type3A_38 = arith.sitofp %convert_element_type3A_37 : vector<1000x64xi32> to vector<1000x64xf32>
    %get3A_39 = arith.constant 0 : index
    %get3A_40 = arith.constant 0 : index
    %get3A_41 = vector.load %arg11[%get3A_39, %get3A_40] : memref<64x128xf32, #tpu.memory_space<vmem>>, vector<64x128xf32>
    %dot_general3A = arith.constant dense<0.000000e+00> : vector<64x128xf32>
    %dot_general3A_42 = tpu.matmul %convert_element_type3A_38, %max3A_31, %dot_general3A {dimension_numbers = #tpu.dot_dimension_numbers<[0], [0], [1], [1], [0, 1, 1, 1], [], []>, transpose_lhs_hint = false} : vector<1000x64xf32>, vector<1000x128xf32>, vector<64x128xf32> -> vector<64x128xf32>
    %add3A_43 = arith.addf %get3A_41, %dot_general3A_42 : vector<64x128xf32>
    %swap3A = arith.constant 0 : index
    %swap3A_44 = arith.constant 0 : index
    %swap3A_45 = vector.load %arg11[%swap3A, %swap3A_44] : memref<64x128xf32, #tpu.memory_space<vmem>>, vector<64x128xf32>
    tpu.vector_store %arg11[%swap3A, %swap3A_44], %add3A_43 {strides = array<i32>} : memref<64x128xf32, #tpu.memory_space<vmem>>, vector<64x128xf32>,
    %get3A_46 = arith.constant 0 : index
    %get3A_47 = arith.constant 0 : index
    %get3A_48 = vector.load %arg12[%get3A_46, %get3A_47] : memref<64x128xf32, #tpu.memory_space<vmem>>, vector<64x128xf32>
    %broadcast_in_dim3A = arith.constant 1.000000e+00 : f32
    %broadcast_in_dim3A_49 = vector.broadcast %broadcast_in_dim3A : f32 to vector<1000x128xf32>
    %dot_general3A_50 = arith.constant dense<0.000000e+00> : vector<64x128xf32>
    %dot_general3A_51 = tpu.matmul %convert_element_type3A_38, %broadcast_in_dim3A_49, %dot_general3A_50 {dimension_numbers = #tpu.dot_dimension_numbers<[0], [0], [1], [1], [0, 1, 1, 1], [], []>, transpose_lhs_hint = false} : vector<1000x64xf32>, vector<1000x128xf32>, vector<64x128xf32> -> vector<64x128xf32>
    %add3A_52 = arith.addf %get3A_48, %dot_general3A_51 : vector<64x128xf32>
    %swap3A_53 = arith.constant 0 : index
    %swap3A_54 = arith.constant 0 : index
    %swap3A_55 = vector.load %arg12[%swap3A_53, %swap3A_54] : memref<64x128xf32, #tpu.memory_space<vmem>>, vector<64x128xf32>
    tpu.vector_store %arg12[%swap3A_53, %swap3A_54], %add3A_52 {strides = array<i32>} : memref<64x128xf32, #tpu.memory_space<vmem>>, vector<64x128xf32>,
    %eq3A_56 = arith.constant 9 : i32
    %eq3A_57 = arith.cmpi eq, %arg0, %eq3A_56 : i32
    %convert_element_type3A_58 = arith.extui %eq3A_57 : i1 to i32
    %cond3A_59 = arith.constant 0 : i32
    %cond3A_60 = arith.cmpi ne, %convert_element_type3A_58, %cond3A_59 : i32
    scf.if %cond3A_60 {
      %get3A_61 = arith.constant 0 : index
      %get3A_62 = arith.constant 0 : index
      %get3A_63 = vector.load %arg11[%get3A_61, %get3A_62] : memref<64x128xf32, #tpu.memory_space<vmem>>, vector<64x128xf32>
      %get3A_64 = arith.constant 0 : index
      %get3A_65 = arith.constant 0 : index
      %get3A_66 = vector.load %arg12[%get3A_64, %get3A_65] : memref<64x128xf32, #tpu.memory_space<vmem>>, vector<64x128xf32>
      %max3A_67 = arith.constant 1.000000e+00 : f32
      %max3A_68 = vector.broadcast %max3A_67 : f32 to vector<64x128xf32>
      %max3A_69 = arith.maximumf %get3A_66, %max3A_68 : vector<64x128xf32>
      %div3A = arith.divf %get3A_63, %max3A_69 : vector<64x128xf32>
      %get3A_70 = arith.constant 0 : index
      %get3A_71 = arith.constant 0 : index
      %get3A_72 = vector.load %arg8[%get3A_70, %get3A_71] : memref<128x128xf32, #tpu.memory_space<vmem>>, vector<128x128xf32>
      %dot_general3A_73 = arith.constant dense<0.000000e+00> : vector<64x128xf32>
      %dot_general3A_74 = tpu.matmul %div3A, %get3A_72, %dot_general3A_73 {dimension_numbers = #tpu.dot_dimension_numbers<[1], [0], [0], [1], [0, 0, 1, 1], [], []>, transpose_lhs_hint = false} : vector<64x128xf32>, vector<128x128xf32>, vector<64x128xf32> -> vector<64x128xf32>
      %get3A_75 = arith.constant 0 : index
      %get3A_76 = arith.constant 0 : index
      %get3A_77 = vector.load %arg9[%get3A_75, %get3A_76] : memref<1x128xf32, #tpu.memory_space<vmem>>, vector<1x128xf32>
      %add3A_78 = vector.broadcast %get3A_77 : vector<1x128xf32> to vector<64x128xf32>
      %add3A_79 = arith.addf %dot_general3A_74, %add3A_78 : vector<64x128xf32>
      %max3A_80 = arith.constant 0.000000e+00 : f32
      %max3A_81 = vector.broadcast %max3A_80 : f32 to vector<64x128xf32>
      %max3A_82 = arith.maximumf %add3A_79, %max3A_81 : vector<64x128xf32>
      %swap3A_83 = arith.constant 0 : index
      %swap3A_84 = arith.constant 0 : index
      %swap3A_85 = vector.load %arg10[%swap3A_83, %swap3A_84] : memref<64x128xf32, #tpu.memory_space<vmem>>, vector<64x128xf32>
      tpu.vector_store %arg10[%swap3A_83, %swap3A_84], %max3A_82 {strides = array<i32>} : memref<64x128xf32, #tpu.memory_space<vmem>>, vector<64x128xf32>,
    } else {
    }
    return
  }
  func.func @transform_0(%arg0: i32) -> (i32, i32) {
    %c0_i32 = arith.constant 0 : i32
    %c0_i32_0 = arith.constant 0 : i32
    return %arg0, %c0_i32 : i32, i32
  }
  func.func @transform_1(%arg0: i32) -> (i32, i32) {
    %add3A = arith.constant 10 : i32
    %add3A_0 = arith.addi %arg0, %add3A : i32
    %c0_i32 = arith.constant 0 : i32
    %c0_i32_1 = arith.constant 0 : i32
    return %add3A_0, %c0_i32 : i32, i32
  }
  func.func @transform_2(%arg0: i32) -> (i32, i32) {
    %c0_i32 = arith.constant 0 : i32
    %c0_i32_0 = arith.constant 0 : i32
    return %arg0, %c0_i32 : i32, i32
  }
  func.func @transform_3(%arg0: i32) -> (i32, i32) {
    %c0_i32 = arith.constant 0 : i32
    %c0_i32_0 = arith.constant 0 : i32
    return %arg0, %c0_i32 : i32, i32
  }
  func.func @transform_4(%arg0: i32) -> (i32, i32) {
    %add3A = arith.constant 10 : i32
    %add3A_0 = arith.addi %arg0, %add3A : i32
    %c0_i32 = arith.constant 0 : i32
    %c0_i32_1 = arith.constant 0 : i32
    return %add3A_0, %c0_i32 : i32, i32
  }
  func.func @transform_5(%arg0: i32) -> (i32, i32) {
    %c0_i32 = arith.constant 0 : i32
    %c0_i32_0 = arith.constant 0 : i32
    %c0_i32_1 = arith.constant 0 : i32
    return %c0_i32, %c0_i32_0 : i32, i32
  }
  func.func @transform_6(%arg0: i32) -> (i32, i32) {
    %c0_i32 = arith.constant 0 : i32
    %c0_i32_0 = arith.constant 0 : i32
    return %arg0, %c0_i32 : i32, i32
  }
  func.func @transform_7(%arg0: i32) -> (i32, i32) {
    %c0_i32 = arith.constant 0 : i32
    %c0_i32_0 = arith.constant 0 : i32
    %c0_i32_1 = arith.constant 0 : i32
    return %c0_i32, %c0_i32_0 : i32, i32
  }
  func.func @transform_8(%arg0: i32) -> (i32, i32) {
    %c0_i32 = arith.constant 0 : i32
    %c0_i32_0 = arith.constant 0 : i32
    %c0_i32_1 = arith.constant 0 : i32
    return %c0_i32, %c0_i32_0 : i32, i32
  }
  func.func @transform_9(%arg0: i32) -> (i32, i32) {
    %c0_i32 = arith.constant 0 : i32
    %c0_i32_0 = arith.constant 0 : i32
    %c0_i32_1 = arith.constant 0 : i32
    return %c0_i32, %c0_i32_0 : i32, i32
  }
}

</mosaic_0001>

<sc_bundles>
// kernel: kernel.11.cloned.1.call-start
scs
__scs_entry_jumppad:
0x0: {  	(pc) =	sbr.rel $0x88, $3  }
0x1: {  	(tag) =	ssettag $0x0;
	lr =	simm.s32 $0x1  }
0x2: {  	[smem:$0x3F98] =	sst lr;
	_ =	strace $0xD0000000  }
0x3: {  	_ = 	snop  }
0x4: {  	_ = 	snop  }
0x5: {  	_ = 	snop  }
0x6: {  	_ = 	snop  }
0x7: {  	_ = 	snop  }
__scs_overlays_trampoline_lowered:
0x8: {  	[smem:$0x3FA7] =	sst s0  }
0x9: {  	[smem:$0x3FA8] =	sst s1  }
0xa: {  	[smem:$0x3FA9] =	sst s2  }
0xb: {  	[smem:$0x3FAA] =	sst s3  }
0xc: {  	[smem:$0x3FAB] =	sst s4  }
0xd: {  	[smem:$0x3FAC] =	sst s5  }
0xe: {  	[smem:$0x3FAD] =	sst s6  }
0xf: {  	[smem:$0x3FAE] =	sst s7  }
0x10: {  	[smem:$0x3FAF] =	sst s8  }
0x11: {  	[smem:$0x3FB0] =	sst s9;
	s0 =	simm.s32 @!p0 $0x0  }
0x12: {  	s1 =	sld [smem:$0x3F96];
	s0 =	simm.s32 @p0 $0x1  }
0x13: {  	[smem:$0x3FB1] =	sst s0;
	s0 =	simm.s32 @!p1 $0x0  }
0x14: {  	s2 =	sld [smem:$0x3F95];
	s0 =	simm.s32 @p1 $0x1  }
0x15: {  	[smem:$0x3FB2] =	sst s0;
	s0 =	simm.s32 @!p2 $0x0  }
0x16: {  	s3 =	sld [smem:$0x3FDB];
	s0 =	simm.s32 @p2 $0x1  }
0x17: {  	s4 =	simm.s32 $0x1BF5;
	[smem:$0x3FB4] =	sst s0  }
0x18: {  	s0 =	sld [smem:$0x3F97];
	_ =	swait.ge [sflag:s4], $0x0  }
0x19: {  	s7 =	sld [smem:$0x3F98]  }
0x1a: {  	s8 =	sadd.s32 $0xFFFFE003, lr  }
0x1b: {  	s9 =	sadd.s32 $0xFFFFFEF7, lr;
	s5 =	simm.s32 $0xFFFFFFFF;
	p2 =	slt.u32 s8, $0xFFFFF086  }
0x1c: {  	p1 =	slt.u32 s9, $0xF7A;
	s5 =	simm.s32 @!p2 $0x0  }
0x1d: {  	s5 =	simm.s32 @p1 $0x1;
	p0 =	seq.s32 s7, s2  }
0x1e: {  	s7 =	smul.u32 @!p0 $0xF7A, s2;
	p2 =	seq.s32 @!p0 s5, $0x0  }
0x1f: {  	s9 =	smul.u32 $0xF7A, s1;
	s8 =	simm.s32 @!p0 $0x1BF5;
	p2 =	por !p2, p0  }
0x20: {  	[sflag:s8] =	ssyncset.s32 @!p0 $0xFFFFF086;
	s6 =	sadd.s32 @!p0 s3, s7;
	s7 =	simm.s32 @!p0 $0x108  }
0x21: {  	s3 =	sadd.s32 s3, s9;
	s6 =	sadd.s32 @!p0 $0x88, s6;
	s7 =	simm.s32 @p2 $0x1082  }
0x22: {  	[simem:s7], [sflag:s8] =	dma.local @!p0 [hbm:s6], $0xF7A  }
0x23: {  	s9 =	sor.u32 $0xD0000000, s2;
	s6 =	simm.s32 $0x108;
	_ =	swait.ge @!p0 [sflag:s8], $0x0  }
0x24: {  	s3 =	sadd.s32 $0x88, s3;
	s6 =	simm.s32 @!p1 $0x1082;
	[sflag:s4] =	ssyncset.s32 $0xFFFFF086  }
0x25: {  	[simem:s6], [sflag:s4] =	dma.local [hbm:s3], $0xF7A  }
0x26: {  	[smem:$0x3F98] =	sst s1;
	(tag) =	ssettag s2;
	_ =	strace s9  }
0x27: {  	s1 =	sld [smem:$0x3FA8]  }
0x28: {  	s2 =	sld [smem:$0x3FA9]  }
0x29: {  	s4 =	sld [smem:$0x3FAB]  }
0x2a: {  	p0 =	seq.s32 s5, $0x0;
	s5 =	sld [smem:$0x3FAC]  }
0x2b: {  	s6 =	sld [smem:$0x3FAD]  }
0x2c: {  	s7 =	sld [smem:$0x3FAE]  }
0x2d: {  	s3 =	simm.s32 $0x108;
	s8 =	sld [smem:$0x3FAF]  }
0x2e: {  	s3 =	simm.s32 @!p0 $0x1082;
	s9 =	sld [smem:$0x3FB0]  }
0x2f: {  	lr =	sadd.s32 s0, s3;
	s0 =	sld [smem:$0x3FA7]  }
0x30: {  	s3 =	sld [smem:$0x3FAA]  }
0x31: {  	[smem:$0x3FB3] =	sst s10  }
0x32: {  	s10 =	sld [smem:$0x3FB1];
	_ =	sdelay $0x3  }
0x33: {  	p0 =	seq.s32 s10, $0x1;
	s10 =	sld [smem:$0x3FB3];
	_ =	sdelay $0x3  }
0x34: {  	[smem:$0x3FB3] =	sst s10  }
0x35: {  	s10 =	sld [smem:$0x3FB2];
	_ =	sdelay $0x3  }
0x36: {  	p1 =	seq.s32 s10, $0x1;
	s10 =	sld [smem:$0x3FB3];
	_ =	sdelay $0x3  }
0x37: {  	[smem:$0x3FB3] =	sst s10  }
0x38: {  	s10 =	sld [smem:$0x3FB4]  }
0x39: {  	_ = 	snop;
	(pc) =	sbr.ind lr, $3  }
0x3a: {  	_ = 	snop  }
0x3b: {  	_ = 	snop  }
0x3c: {  	p2 =	seq.s32 s10, $0x1;
	s10 =	sld [smem:$0x3FB3]  }
0x3d: {  	_ =	shalt  }
0x3e: {  	_ =	shalt  }
0x3f: {  	_ =	shalt  }
0x40: {  	_ =	shalt  }
0x41: {  	_ =	shalt  }
0x42: {  	_ =	shalt  }
0x43: {  	_ =	shalt  }
0x44: {  	_ =	shalt  }
0x45: {  	_ =	shalt  }
0x46: {  	_ =	shalt  }
0x47: {  	_ =	shalt  }
0x48: {  	_ =	shalt  }
0x49: {  	_ =	shalt  }
0x4a: {  	_ =	shalt  }
0x4b: {  	_ =	shalt  }
0x4c: {  	_ =	shalt  }
0x4d: {  	_ =	shalt  }
0x4e: {  	_ =	shalt  }
0x4f: {  	_ =	shalt  }
0x50: {  	_ =	shalt  }
0x51: {  	_ =	shalt  }
0x52: {  	_ =	shalt  }
0x53: {  	_ =	shalt  }
0x54: {  	_ =	shalt  }
0x55: {  	_ =	shalt  }
0x56: {  	_ =	shalt  }
0x57: {  	_ =	shalt  }
0x58: {  	_ =	shalt  }
0x59: {  	_ =	shalt  }
0x5a: {  	_ =	shalt  }
0x5b: {  	_ =	shalt  }
0x5c: {  	_ =	shalt  }
0x5d: {  	_ =	shalt  }
0x5e: {  	_ =	shalt  }
0x5f: {  	_ =	shalt  }
0x60: {  	_ =	shalt  }
0x61: {  	_ =	shalt  }
0x62: {  	_ =	shalt  }
0x63: {  	_ =	shalt  }
0x64: {  	_ =	shalt  }
0x65: {  	_ =	shalt  }
0x66: {  	_ =	shalt  }
0x67: {  	_ =	shalt  }
0x68: {  	_ =	shalt  }
0x69: {  	_ =	shalt  }
0x6a: {  	_ =	shalt  }
0x6b: {  	_ =	shalt  }
0x6c: {  	_ =	shalt  }
0x6d: {  	_ =	shalt  }
0x6e: {  	_ =	shalt  }
0x6f: {  	_ =	shalt  }
0x70: {  	_ =	shalt  }
0x71: {  	_ =	shalt  }
0x72: {  	_ =	shalt  }
0x73: {  	_ =	shalt  }
0x74: {  	_ =	shalt  }
0x75: {  	_ =	shalt  }
0x76: {  	_ =	shalt  }
0x77: {  	_ =	shalt  }
0x78: {  	_ =	shalt  }
0x79: {  	_ =	shalt  }
0x7a: {  	_ =	shalt  }
0x7b: {  	_ =	shalt  }
0x7c: {  	_ =	shalt  }
0x7d: {  	_ =	shalt  }
0x7e: {  	_ =	shalt  }
0x7f: {  	_ =	shalt  }
0x80: {  	_ =	shalt  }
0x81: {  	_ =	shalt  }
0x82: {  	_ =	shalt  }
0x83: {  	_ =	shalt  }
0x84: {  	_ =	shalt  }
0x85: {  	_ =	shalt  }
0x86: {  	_ =	shalt  }
0x87: {  	_ =	shalt  }
.Lfunc_end0:
.L_simem_size_0:
called_computation.1_lowered:
.L_overlay_start_0:
0x88: {  	s2 =	sld [smem:$0x3FD9]  }
0x89: {  	s3 =	sld [smem:$0x3FFE];
	_ =	sdelay $0x1  }
0x8a: {  	s1 =	srdreg.scid  }
0x8b: {  	s0 =	sand.u32 $0x1, s1  }
0x8c: {  	s16 =	sshll.u32 s0, $0xA;
	s2 =	sadd.s32 s3, s2  }
0x8d: {  	s2 =	sadd.s32 s2, s16  }
0x8e: {  	[smem:$0x3FBF] =	sst s2  }
0x8f: {  	_ = 	snop  }
0x90: {  	(tm) =	ssettm $0x1  }
0x91: {  	s17 =	sld [smem:$0x3FFB];
	_ =	sdelay $0x3  }
0x92: {  	_ =	strace s17  }
0x93: {  	s2 =	sld [smem:$0x3FFC];
	_ =	sdelay $0x3  }
0x94: {  	_ =	strace s2  }
0x95: {  	s2 =	sld [smem:$0x3FFD];
	_ =	sdelay $0x3  }
0x96: {  	_ =	strace s2  }
0x97: {  	_ =	strace $0x8FFFFFFF  }
0x98: {  	s18 =	sld [smem:$0x3FDB];
	_ =	sdelay $0x1  }
0x99: {  	s19 =	simm.s32 $_scs_section_size  }
0x9a: {  	s4 =	simm.s32 $_size__tile_overlayer_lowered;
	s5 =	simm.s32 $_tile_overlayer_lowered  }
0x9b: {  	s22 =	simm.s32 $0x1BFF;
	s21 =	sshll.u32 s5, $0x1;
	s2 =	sadd.s32 s19, s18  }
0x9c: {  	s6 =	simm.s32 $0x0;
	s20 =	sshll.u32 s4, $0x1;
	s4 =	sadd.s32 s21, s2  }
0x9d: {  	[timem:s6], [sflag:s22] =	dma.local [hbm:s4], s20  }
0x9e: {  	_ =	swait.ge [sflag:s22], s20  }
0x9f: {  	s3 =	ssub.s32 $0x0, s20;
	[sflag:s22] =	ssyncset.done $0x0  }
0xa0: {  	[sflag:s22] =	ssyncadd.s32 s3;
	_ =	sdelay $0x1  }
0xa1: {  	s23 =	simm.s32 $0x1B8B  }
0xa2: {  	_ =	swait.ge [sflag:s23], $0x1  }
0xa3: {  	[sflag:s23] =	ssyncset.done $0x0  }
0xa4: {  	s25 =	simm.s32 $0x1B8E;
	s24 =	sld [smem:$0x3FFE];
	[sflag:s23] =	ssyncadd.s32 $0xFFFFFFFF  }
0xa5: {  	s26 =	simm.s32 $execute0_lowered;
	[smem:$0x3FD2] =	sst s25  }
0xa6: {  	s4 =	sshll.u32 s26, $0x1;
	_ =	strace $0x80000049;
	[dreg:$0x1] =	wrdreg $0xFFFFFFFF  }
0xa7: {  	s28 =	simm.s32 $_size_execute0_lowered;
	s2 =	sadd.s32 s2, s4;
	[dreg:$0x0] =	wrdreg $0x0  }
0xa8: {  	s4 =	sshll.u32 s28, $0x1;
	[dreg:$0x2] =	wrdreg s2  }
0xa9: {  	[dreg:$0x3] =	wrdreg s4  }
0xaa: {  	[dreg:$0x4] =	wrdreg $0xC0  }
0xab: {  	_ =	task [dreg:s6], $0x5FFFF  }
0xac: {  	[dreg:$0x1] =	wrdreg $0xFFFFFFFF  }
0xad: {  	[dreg:$0x0] =	wrdreg $0x60  }
0xae: {  	[dreg:$0x2] =	wrdreg s24  }
0xaf: {  	[dreg:$0x3] =	wrdreg $0xB4000  }
0xb0: {  	[dreg:$0x4] =	wrdreg $0x9  }
0xb1: {  	_ =	task.clear_ibuf [dreg:s6], $0x5FFFF;
	_ =	strace $0x90000049  }
0xb2: {  	s29 =	simm.s32 $0x9;
	_ =	strace $0x8000004B  }
0xb3: {  	_ =	swait.ge [sflag:s29], $0x1  }
0xb4: {  	[sflag:s29] =	ssyncadd.s32 $0xFFFFFFFF  }
0xb5: {  	_ =	strace $0x9000004B  }
0xb6: {  	_ =	sfence  }
0xb7: {  	s30 =	sld [smem:$0x0];
	_ =	sdelay $0x2  }
0xb8: {  	s31 =	sshll.u32 s1, $0xD;
	s1 =	sshrl.u32 s1, $0x2  }
0xb9: {  	s3 =	sand.u32 $0x4000, s31;
	s1 =	sadd.s32 s1, s30  }
0xba: {  	s0 =	sor.u32 s3, s0;
	s1 =	sshll.u32 s1, $0x11  }
0xbb: {  	s0 =	sor.u32 s1, s0  }
0xbc: {  	s0 =	sadd.s32 $0x8F2B, s0  }
0xbd: {  	[sflag:s0] =	ssyncadd.remote.s32 $0x1  }
0xbe: {  	_ =	sfence.sel $0xFFFF  }
0xbf: {  	[dreg:$0x0] =	wrdreg $0xFFFFFFFF;
	(pc) =	sbr.abs _section_cstart, $3  }
0xc0: {  	[dreg:$0x1] =	wrdreg $0xFFFFFFFF  }
0xc1: {  	_ =	task.clear_ibuf [dreg:s6], $0x2FFFF;
	_ =	strace $0x9FFFFFFF  }
0xc2: {  	(tm) =	ssettm $0x7FFFFFFF  }
0xc3: {  	_ =	shalt  }
tec
execute0_lowered:
.L_overlay_start_1:
0x0: {  	(tag) =	ssettag $0x1  }
0x1: {  	s0 =	srdreg.scid  }
0x2: {  	s12 =	stileid.u32;
	s0 =	sand.u32 $0x1, s0  }
0x3: {  	s1 =	rddreg [dreg:$0x0];
	s24 =	smul.u32 $0x4E000, s12;
	s3 =	sshll.u32 s0, $0x4  }
0x4: {  	s2 =	rddreg [dreg:$0x1];
	s23 =	ssub.s32 $0x2, s0;
	s5 =	sor.u32 s12, s3  }
0x5: {  	s3 =	simm.s32 $0x0;
	s9 =	sshrl.u32 s23, $0x1;
	s25 =	sshrl.u32 s24, $0x2  }
0x6: {  	s4 =	smul.u32 $0x2710, s5;
	s5 =	sshll.u32 s5, $0xB;
	s9 =	ssub.s32 s23, s9  }
0x7: {  	[smem:$0x7FF] =	sst s3;
	s8 =	sadd.s32 s5, s1;
	s15 =	smax.u32 s9, $0x1  }
0x8: {  	_ =	strace $0x8000004A;
	s26 =	sadd.s32 $0xCC00, s8;
	[dreg:$0x9] =	wrdreg s15  }
0x9: {  	s5 =	sadd.s32 s25, s2;
	s8 =	sadd.s32 $0xD000, s8;
	[dreg:$0x4] =	wrdreg s26  }
0xa: {  	s16 =	sadd.s32 $0x800, s5;
	[dreg:$0x6] =	wrdreg s8  }
0xb: {  	s17 =	sadd.s32 $0x1000, s5;
	[dreg:$0xa] =	wrdreg s16  }
0xc: {  	s18 =	sadd.s32 $0x1800, s5;
	[dreg:$0xb] =	wrdreg s17  }
0xd: {  	s19 =	sadd.s32 $0x2000, s5;
	[dreg:$0xc] =	wrdreg s18  }
0xe: {  	s28 =	simm.s32 $0x1;
	s20 =	sadd.s32 $0x2800, s5;
	[dreg:$0xd] =	wrdreg s19  }
0xf: {  	s29 =	simm.s32 $0x7;
	s21 =	sadd.s32 $0x3000, s5;
	[dreg:$0xe] =	wrdreg s20  }
0x10: {  	s30 =	simm.s32 $0x1400;
	s22 =	sadd.s32 $0x3800, s5;
	[dreg:$0xf] =	wrdreg s21  }
0x11: {  	s10 =	smul.u32 $0x2700, s12;
	s23 =	sadd.s32 $0x4000, s5;
	[dreg:$0x10] =	wrdreg s22  }
0x12: {  	s11 =	smul.u32 $0x138800, s0;
	s24 =	sadd.s32 $0x4800, s5;
	[dreg:$0x11] =	wrdreg s23  }
0x13: {  	s0 =	smul.u32 $0x27100, s0;
	s25 =	sadd.s32 $0x5000, s5;
	[dreg:$0x12] =	wrdreg s24  }
0x14: {  	s31 =	simm.s32 $0x50;
	s9 =	sadd.s32 $0x7800, s5;
	[dreg:$0x13] =	wrdreg s25  }
0x15: {  	s0 =	sadd.s32 s10, s0;
	s10 =	sadd.s32 $0x8000, s5;
	[dreg:$0x18] =	wrdreg s9  }
0x16: {  	p0 =	sne.s32 s12, $0xF;
	s12 =	sadd.s32 $0x9000, s5;
	[dreg:$0x19] =	wrdreg s10  }
0x17: {  	s11 =	sshrl.u32 s11, $0x3;
	s15 =	sadd.s32 $0xA800, s5;
	[dreg:$0x1b] =	wrdreg s12  }
0x18: {  	s6 =	sshrl.u32 s4, $0x3;
	s26 =	sadd.s32 $0x5800, s5;
	[dreg:$0x1e] =	wrdreg s15  }
0x19: {  	s4 =	sadd.s32 $0x6AE00, s1;
	s8 =	sadd.s32 $0x7000, s5;
	[dreg:$0x14] =	wrdreg s26  }
0x1a: {  	s7 =	sadd.s32 s6, s1;
	s16 =	sadd.s32 $0xB000, s5;
	[dreg:$0x17] =	wrdreg s8  }
0x1b: {  	s1 =	sadd.s32 $0x92000, s1;
	s17 =	sadd.s32 $0xB800, s5;
	[dreg:$0x1f] =	wrdreg s16  }
0x1c: {  	s6 =	sadd.s32 $0x138000, s2;
	s18 =	sadd.s32 $0xC000, s5;
	[smem:$0x7F4] =	sst s17  }
0x1d: {  	s19 =	sadd.s32 $0xC800, s5;
	s20 =	sadd.s32 $0xD000, s5;
	[smem:$0x7F5] =	sst s18  }
0x1e: {  	s21 =	sadd.s32 $0xD800, s5;
	s22 =	sadd.s32 $0xE000, s5;
	[smem:$0x7F6] =	sst s19  }
0x1f: {  	s23 =	sadd.s32 $0xE800, s5;
	s24 =	sadd.s32 $0xF000, s5;
	[smem:$0x7F7] =	sst s20  }
0x20: {  	s25 =	sadd.s32 $0xF800, s5;
	s9 =	simm.s32 $0x2;
	[smem:$0x7F8] =	sst s21  }
0x21: {  	s10 =	simm.s32 $0x1480;
	s12 =	simm.s32 $0x1500;
	[smem:$0x7F9] =	sst s22  }
0x22: {  	s15 =	simm.s32 $0x6;
	s13 =	sadd.s32 $0x2E00, s7;
	[smem:$0x7FA] =	sst s23  }
0x23: {  	s7 =	sadd.s32 $0x3080, s7;
	s0 =	sadd.s32 s1, s0;
	[smem:$0x7FB] =	sst s24  }
0x24: {  	[smem:$0x7FC] =	sst s25;
	s26 =	sadd.s32 $0x10000, s5;
	s20 =	sadd.s32 $0x10800, s5  }
0x25: {  	s21 =	sadd.s32 $0x11000, s5;
	s22 =	sadd.s32 $0x11800, s5;
	[dreg:$0x3] =	wrdreg s13  }
0x26: {  	s23 =	sadd.s32 $0x12000, s5;
	s24 =	sadd.s32 $0x12800, s5;
	[dreg:$0x5] =	wrdreg s7  }
0x27: {  	s25 =	sadd.s32 $0x13000, s5;
	s8 =	simm.s32 $0x8400;
	[dreg:$0x7] =	wrdreg s0  }
0x28: {  	s13 =	sadd.s32 s1, s11;
	s1 =	sadd.s32 $0x6000, s5;
	[smem:$0x7FD] =	sst s26  }
0x29: {  	s7 =	sadd.s32 $0x6800, s5;
	s11 =	sadd.s32 $0x8800, s5;
	[dreg:$0x15] =	wrdreg s1  }
0x2a: {  	s26 =	simm.s32 $0xAC00;
	s0 =	simm.s32 $0x5C00;
	[dreg:$0x16] =	wrdreg s7  }
0x2b: {  	s14 =	sadd.s32 $0x27000, s13;
	[dreg:$0x1a] =	wrdreg s11;
	s13 =	sadd.s32 $0x9800, s5  }
0x2c: {  	s1 =	simm.s32 $0x3400;
	s7 =	simm.s32 $0xA0;
	[dreg:$0x8] =	wrdreg s14  }
0x2d: {  	s11 =	simm.s32 $0x3;
	[dreg:$0x1c] =	wrdreg s13;
	s14 =	sadd.s32 $0xA000, s5  }
0x2e: {  	v0 =	vimm.f32 $0.0e+00;
	s13 =	simm.s32 $0x4;
	[dreg:$0x1d] =	wrdreg s14;
	s14 =	simm.s32 $0x5  }
.LBB2_1:
0x2f: {  	[tilespmem:$0xAC00] =	vst v0  }
0x30: {  	[tilespmem:$0xAC10] =	vst v0  }
0x31: {  	[tilespmem:$0xAC20] =	vst v0  }
0x32: {  	[tilespmem:$0xAC30] =	vst v0  }
0x33: {  	[tilespmem:$0xAC40] =	vst v0  }
0x34: {  	[tilespmem:$0xAC50] =	vst v0  }
0x35: {  	[tilespmem:$0xAC60] =	vst v0  }
0x36: {  	[tilespmem:$0xAC70] =	vst v0  }
0x37: {  	[tilespmem:$0xAC80] =	vst v0  }
0x38: {  	[tilespmem:$0xAC90] =	vst v0  }
0x39: {  	[tilespmem:$0xACA0] =	vst v0  }
0x3a: {  	[tilespmem:$0xACB0] =	vst v0  }
0x3b: {  	[tilespmem:$0xACC0] =	vst v0  }
0x3c: {  	[tilespmem:$0xACD0] =	vst v0  }
0x3d: {  	[tilespmem:$0xACE0] =	vst v0  }
0x3e: {  	[tilespmem:$0xACF0] =	vst v0  }
0x3f: {  	[tilespmem:$0xAD00] =	vst v0  }
0x40: {  	[tilespmem:$0xAD10] =	vst v0  }
0x41: {  	[tilespmem:$0xAD20] =	vst v0  }
0x42: {  	[tilespmem:$0xAD30] =	vst v0  }
0x43: {  	[tilespmem:$0xAD40] =	vst v0  }
0x44: {  	[tilespmem:$0xAD50] =	vst v0  }
0x45: {  	[tilespmem:$0xAD60] =	vst v0  }
0x46: {  	[tilespmem:$0xAD70] =	vst v0  }
0x47: {  	[tilespmem:$0xAD80] =	vst v0  }
0x48: {  	[tilespmem:$0xAD90] =	vst v0  }
0x49: {  	[tilespmem:$0xADA0] =	vst v0  }
0x4a: {  	[tilespmem:$0xADB0] =	vst v0  }
0x4b: {  	[tilespmem:$0xADC0] =	vst v0  }
0x4c: {  	[tilespmem:$0xADD0] =	vst v0  }
0x4d: {  	[tilespmem:$0xADE0] =	vst v0  }
0x4e: {  	[tilespmem:$0xADF0] =	vst v0  }
0x4f: {  	[tilespmem:$0xAE00] =	vst v0  }
0x50: {  	[tilespmem:$0xAE10] =	vst v0  }
0x51: {  	[tilespmem:$0xAE20] =	vst v0  }
0x52: {  	[tilespmem:$0xAE30] =	vst v0  }
0x53: {  	[tilespmem:$0xAE40] =	vst v0  }
0x54: {  	[tilespmem:$0xAE50] =	vst v0  }
0x55: {  	[tilespmem:$0xAE60] =	vst v0  }
0x56: {  	[tilespmem:$0xAE70] =	vst v0  }
0x57: {  	[tilespmem:$0xAE80] =	vst v0  }
0x58: {  	[tilespmem:$0xAE90] =	vst v0  }
0x59: {  	[tilespmem:$0xAEA0] =	vst v0  }
0x5a: {  	[tilespmem:$0xAEB0] =	vst v0  }
0x5b: {  	[tilespmem:$0xAEC0] =	vst v0  }
0x5c: {  	[tilespmem:$0xAED0] =	vst v0  }
0x5d: {  	[tilespmem:$0xAEE0] =	vst v0  }
0x5e: {  	[tilespmem:$0xAEF0] =	vst v0  }
0x5f: {  	[tilespmem:$0xAF00] =	vst v0  }
0x60: {  	[tilespmem:$0xAF10] =	vst v0  }
0x61: {  	[tilespmem:$0xAF20] =	vst v0  }
0x62: {  	[tilespmem:$0xAF30] =	vst v0  }
0x63: {  	[tilespmem:$0xAF40] =	vst v0  }
0x64: {  	[tilespmem:$0xAF50] =	vst v0  }
0x65: {  	[tilespmem:$0xAF60] =	vst v0  }
0x66: {  	[tilespmem:$0xAF70] =	vst v0  }
0x67: {  	[tilespmem:$0xAF80] =	vst v0  }
0x68: {  	[tilespmem:$0xAF90] =	vst v0  }
0x69: {  	[tilespmem:$0xAFA0] =	vst v0  }
0x6a: {  	[tilespmem:$0xAFB0] =	vst v0  }
0x6b: {  	[tilespmem:$0xAFC0] =	vst v0  }
0x6c: {  	[tilespmem:$0xAFD0] =	vst v0  }
0x6d: {  	[tilespmem:$0xAFE0] =	vst v0  }
0x6e: {  	[tilespmem:$0xAFF0] =	vst v0  }
0x6f: {  	[tilespmem:$0xB000] =	vst v0  }
0x70: {  	[tilespmem:$0xB010] =	vst v0  }
0x71: {  	[tilespmem:$0xB020] =	vst v0  }
0x72: {  	[tilespmem:$0xB030] =	vst v0  }
0x73: {  	[tilespmem:$0xB040] =	vst v0  }
0x74: {  	[tilespmem:$0xB050] =	vst v0  }
0x75: {  	[tilespmem:$0xB060] =	vst v0  }
0x76: {  	[tilespmem:$0xB070] =	vst v0  }
0x77: {  	[tilespmem:$0xB080] =	vst v0  }
0x78: {  	[tilespmem:$0xB090] =	vst v0  }
0x79: {  	[tilespmem:$0xB0A0] =	vst v0  }
0x7a: {  	[tilespmem:$0xB0B0] =	vst v0  }
0x7b: {  	[tilespmem:$0xB0C0] =	vst v0  }
0x7c: {  	[tilespmem:$0xB0D0] =	vst v0  }
0x7d: {  	[tilespmem:$0xB0E0] =	vst v0  }
0x7e: {  	[tilespmem:$0xB0F0] =	vst v0  }
0x7f: {  	[tilespmem:$0xB100] =	vst v0  }
0x80: {  	[tilespmem:$0xB110] =	vst v0  }
0x81: {  	[tilespmem:$0xB120] =	vst v0  }
0x82: {  	[tilespmem:$0xB130] =	vst v0  }
0x83: {  	[tilespmem:$0xB140] =	vst v0  }
0x84: {  	[tilespmem:$0xB150] =	vst v0  }
0x85: {  	[tilespmem:$0xB160] =	vst v0  }
0x86: {  	[tilespmem:$0xB170] =	vst v0  }
0x87: {  	[tilespmem:$0xB180] =	vst v0  }
0x88: {  	[tilespmem:$0xB190] =	vst v0  }
0x89: {  	[tilespmem:$0xB1A0] =	vst v0  }
0x8a: {  	[tilespmem:$0xB1B0] =	vst v0  }
0x8b: {  	[tilespmem:$0xB1C0] =	vst v0  }
0x8c: {  	[tilespmem:$0xB1D0] =	vst v0  }
0x8d: {  	[tilespmem:$0xB1E0] =	vst v0  }
0x8e: {  	[tilespmem:$0xB1F0] =	vst v0  }
0x8f: {  	[tilespmem:$0xB200] =	vst v0  }
0x90: {  	[tilespmem:$0xB210] =	vst v0  }
0x91: {  	[tilespmem:$0xB220] =	vst v0  }
0x92: {  	[tilespmem:$0xB230] =	vst v0  }
0x93: {  	[tilespmem:$0xB240] =	vst v0  }
0x94: {  	[tilespmem:$0xB250] =	vst v0  }
0x95: {  	[tilespmem:$0xB260] =	vst v0  }
0x96: {  	[tilespmem:$0xB270] =	vst v0  }
0x97: {  	[tilespmem:$0xB280] =	vst v0  }
0x98: {  	[tilespmem:$0xB290] =	vst v0  }
0x99: {  	[tilespmem:$0xB2A0] =	vst v0  }
0x9a: {  	[tilespmem:$0xB2B0] =	vst v0  }
0x9b: {  	[tilespmem:$0xB2C0] =	vst v0  }
0x9c: {  	[tilespmem:$0xB2D0] =	vst v0  }
0x9d: {  	[tilespmem:$0xB2E0] =	vst v0  }
0x9e: {  	[tilespmem:$0xB2F0] =	vst v0  }
0x9f: {  	[tilespmem:$0xB300] =	vst v0  }
0xa0: {  	[tilespmem:$0xB310] =	vst v0  }
0xa1: {  	[tilespmem:$0xB320] =	vst v0  }
0xa2: {  	[tilespmem:$0xB330] =	vst v0  }
0xa3: {  	[tilespmem:$0xB340] =	vst v0  }
0xa4: {  	[tilespmem:$0xB350] =	vst v0  }
0xa5: {  	[tilespmem:$0xB360] =	vst v0  }
0xa6: {  	[tilespmem:$0xB370] =	vst v0  }
0xa7: {  	[tilespmem:$0xB380] =	vst v0  }
0xa8: {  	[tilespmem:$0xB390] =	vst v0  }
0xa9: {  	[tilespmem:$0xB3A0] =	vst v0  }
0xaa: {  	[tilespmem:$0xB3B0] =	vst v0  }
0xab: {  	[tilespmem:$0xB3C0] =	vst v0  }
0xac: {  	[tilespmem:$0xB3D0] =	vst v0  }
0xad: {  	[tilespmem:$0xB3E0] =	vst v0  }
0xae: {  	[tilespmem:$0xB3F0] =	vst v0;
	s16 =	rddreg [dreg:$0xa]  }
0xaf: {  	[spmem:s5] =	stream.linear.scatter [tilespmem:s26], [sflag:$0x1], $0x800, $0x38;
	[tilespmem:$0x1EC80] =	vst v63  }
0xb0: {  	s19 =	rddreg [dreg:$0xb]  }
0xb1: {  	[spmem:s16] =	stream.linear.scatter [tilespmem:s26], [sflag:$0x1], $0x800, $0x38;
	[tilespmem:$0x1EC80] =	vst v63  }
0xb2: {  	s17 =	rddreg [dreg:$0xc]  }
0xb3: {  	[spmem:s19] =	stream.linear.scatter [tilespmem:s26], [sflag:$0x1], $0x800, $0x38;
	[tilespmem:$0x1EC80] =	vst v63  }
0xb4: {  	s18 =	rddreg [dreg:$0xd]  }
0xb5: {  	[spmem:s17] =	stream.linear.scatter [tilespmem:s26], [sflag:$0x1], $0x800, $0x38;
	[tilespmem:$0x1EC80] =	vst v63  }
0xb6: {  	s19 =	rddreg [dreg:$0xe]  }
0xb7: {  	[spmem:s18] =	stream.linear.scatter [tilespmem:s26], [sflag:$0x1], $0x800, $0x38;
	[tilespmem:$0x1EC80] =	vst v63  }
0xb8: {  	s17 =	rddreg [dreg:$0xf]  }
0xb9: {  	[spmem:s19] =	stream.linear.scatter [tilespmem:s26], [sflag:$0x1], $0x800, $0x38;
	[tilespmem:$0x1EC80] =	vst v63  }
0xba: {  	s18 =	rddreg [dreg:$0x10]  }
0xbb: {  	[spmem:s17] =	stream.linear.scatter [tilespmem:s26], [sflag:$0x1], $0x800, $0x38;
	[tilespmem:$0x1EC80] =	vst v63  }
0xbc: {  	s19 =	rddreg [dreg:$0x11]  }
0xbd: {  	[spmem:s18] =	stream.linear.scatter [tilespmem:s26], [sflag:$0x1], $0x800, $0x38;
	[tilespmem:$0x1EC80] =	vst v63  }
0xbe: {  	s17 =	rddreg [dreg:$0x12]  }
0xbf: {  	[spmem:s19] =	stream.linear.scatter [tilespmem:s26], [sflag:$0x1], $0x800, $0x38;
	[tilespmem:$0x1EC80] =	vst v63  }
0xc0: {  	s18 =	rddreg [dreg:$0x13]  }
0xc1: {  	[spmem:s17] =	stream.linear.scatter [tilespmem:s26], [sflag:$0x1], $0x800, $0x38;
	[tilespmem:$0x1EC80] =	vst v63  }
0xc2: {  	s19 =	rddreg [dreg:$0x14]  }
0xc3: {  	[spmem:s18] =	stream.linear.scatter [tilespmem:s26], [sflag:$0x1], $0x800, $0x38;
	[tilespmem:$0x1EC80] =	vst v63  }
0xc4: {  	s17 =	rddreg [dreg:$0x15]  }
0xc5: {  	[spmem:s19] =	stream.linear.scatter [tilespmem:s26], [sflag:$0x1], $0x800, $0x38;
	[tilespmem:$0x1EC80] =	vst v63  }
0xc6: {  	s18 =	rddreg [dreg:$0x16]  }
0xc7: {  	[spmem:s17] =	stream.linear.scatter [tilespmem:s26], [sflag:$0x1], $0x800, $0x38;
	[tilespmem:$0x1EC80] =	vst v63  }
0xc8: {  	s19 =	rddreg [dreg:$0x17]  }
0xc9: {  	[spmem:s18] =	stream.linear.scatter [tilespmem:s26], [sflag:$0x1], $0x800, $0x38;
	[tilespmem:$0x1EC80] =	vst v63  }
0xca: {  	s17 =	rddreg [dreg:$0x18]  }
0xcb: {  	[spmem:s19] =	stream.linear.scatter [tilespmem:s26], [sflag:$0x1], $0x800, $0x38;
	[tilespmem:$0x1EC80] =	vst v63  }
0xcc: {  	s18 =	rddreg [dreg:$0x19]  }
0xcd: {  	[spmem:s17] =	stream.linear.scatter [tilespmem:s26], [sflag:$0x1], $0x800, $0x38;
	[tilespmem:$0x1EC80] =	vst v63  }
0xce: {  	s19 =	rddreg [dreg:$0x1a]  }
0xcf: {  	[spmem:s18] =	stream.linear.scatter [tilespmem:s26], [sflag:$0x1], $0x800, $0x38;
	[tilespmem:$0x1EC80] =	vst v63  }
0xd0: {  	s17 =	rddreg [dreg:$0x1b]  }
0xd1: {  	[spmem:s19] =	stream.linear.scatter [tilespmem:s26], [sflag:$0x1], $0x800, $0x38;
	[tilespmem:$0x1EC80] =	vst v63  }
0xd2: {  	s18 =	rddreg [dreg:$0x1c]  }
0xd3: {  	[spmem:s17] =	stream.linear.scatter [tilespmem:s26], [sflag:$0x1], $0x800, $0x38;
	[tilespmem:$0x1EC80] =	vst v63  }
0xd4: {  	s19 =	rddreg [dreg:$0x1d]  }
0xd5: {  	[spmem:s18] =	stream.linear.scatter [tilespmem:s26], [sflag:$0x1], $0x800, $0x38;
	[tilespmem:$0x1EC80] =	vst v63  }
0xd6: {  	s17 =	rddreg [dreg:$0x1e]  }
0xd7: {  	[spmem:s19] =	stream.linear.scatter [tilespmem:s26], [sflag:$0x1], $0x800, $0x38;
	[tilespmem:$0x1EC80] =	vst v63  }
0xd8: {  	s18 =	rddreg [dreg:$0x1f]  }
0xd9: {  	[spmem:s17] =	stream.linear.scatter [tilespmem:s26], [sflag:$0x1], $0x800, $0x38;
	[tilespmem:$0x1EC80] =	vst v63  }
0xda: {  	s19 =	sld [smem:$0x7F4]  }
0xdb: {  	[spmem:s18] =	stream.linear.scatter [tilespmem:s26], [sflag:$0x1], $0x800, $0x38;
	[tilespmem:$0x1EC80] =	vst v63  }
0xdc: {  	s17 =	sld [smem:$0x7F5]  }
0xdd: {  	[spmem:s19] =	stream.linear.scatter [tilespmem:s26], [sflag:$0x1], $0x800, $0x38;
	[tilespmem:$0x1EC80] =	vst v63  }
0xde: {  	s18 =	sld [smem:$0x7F6]  }
0xdf: {  	[spmem:s17] =	stream.linear.scatter [tilespmem:s26], [sflag:$0x1], $0x800, $0x38;
	[tilespmem:$0x1EC80] =	vst v63  }
0xe0: {  	s19 =	sld [smem:$0x7F7]  }
0xe1: {  	[spmem:s18] =	stream.linear.scatter [tilespmem:s26], [sflag:$0x1], $0x800, $0x38;
	[tilespmem:$0x1EC80] =	vst v63  }
0xe2: {  	s17 =	sld [smem:$0x7F8]  }
0xe3: {  	[spmem:s19] =	stream.linear.scatter [tilespmem:s26], [sflag:$0x1], $0x800, $0x38;
	[tilespmem:$0x1EC80] =	vst v63  }
0xe4: {  	s18 =	sld [smem:$0x7F9]  }
0xe5: {  	[spmem:s17] =	stream.linear.scatter [tilespmem:s26], [sflag:$0x1], $0x800, $0x38;
	[tilespmem:$0x1EC80] =	vst v63  }
0xe6: {  	s19 =	sld [smem:$0x7FA]  }
0xe7: {  	[spmem:s18] =	stream.linear.scatter [tilespmem:s26], [sflag:$0x1], $0x800, $0x38;
	[tilespmem:$0x1EC80] =	vst v63  }
0xe8: {  	s17 =	sld [smem:$0x7FB]  }
0xe9: {  	[spmem:s19] =	stream.linear.scatter [tilespmem:s26], [sflag:$0x1], $0x800, $0x38;
	[tilespmem:$0x1EC80] =	vst v63  }
0xea: {  	s18 =	sld [smem:$0x7FC]  }
0xeb: {  	[spmem:s17] =	stream.linear.scatter [tilespmem:s26], [sflag:$0x1], $0x800, $0x38;
	[tilespmem:$0x1EC80] =	vst v63  }
0xec: {  	s19 =	sld [smem:$0x7FD]  }
0xed: {  	[spmem:s18] =	stream.linear.scatter [tilespmem:s26], [sflag:$0x1], $0x800, $0x38;
	[tilespmem:$0x1EC80] =	vst v63  }
0xee: {  	_ = 	snop  }
0xef: {  	[spmem:s19] =	stream.linear.scatter [tilespmem:s26], [sflag:$0x1], $0x800, $0x38;
	[tilespmem:$0x1EC80] =	vst v63  }
0xf0: {  	_ = 	snop  }
0xf1: {  	[spmem:s20] =	stream.linear.scatter [tilespmem:s26], [sflag:$0x1], $0x800, $0x38;
	[tilespmem:$0x1EC80] =	vst v63  }
0xf2: {  	_ = 	snop  }
0xf3: {  	[spmem:s21] =	stream.linear.scatter [tilespmem:s26], [sflag:$0x1], $0x800, $0x38;
	[tilespmem:$0x1EC80] =	vst v63  }
0xf4: {  	_ = 	snop  }
0xf5: {  	[spmem:s22] =	stream.linear.scatter [tilespmem:s26], [sflag:$0x1], $0x800, $0x38;
	[tilespmem:$0x1EC80] =	vst v63  }
0xf6: {  	_ = 	snop  }
0xf7: {  	[spmem:s23] =	stream.linear.scatter [tilespmem:s26], [sflag:$0x1], $0x800, $0x38;
	[tilespmem:$0x1EC80] =	vst v63  }
0xf8: {  	_ = 	snop  }
0xf9: {  	[spmem:s24] =	stream.linear.scatter [tilespmem:s26], [sflag:$0x1], $0x800, $0x38;
	[tilespmem:$0x1EC80] =	vst v63  }
0xfa: {  	_ = 	snop  }
0xfb: {  	[spmem:s25] =	stream.linear.scatter [tilespmem:s26], [sflag:$0x1], $0x800, $0x38;
	[tilespmem:$0x1EC80] =	vst v63  }
0xfc: {  	s16 =	simm.s32 @!p0 $0xAC00  }
0xfd: {  	[spmem:s6] =	stream.linear.scatter @!p0 [tilespmem:s16], [sflag:$0x1], $0x800, $0x38;
	[tilespmem:$0x1EC80] =	vst v63  }
0xfe: {  	_ =	swait.ge [sflag:s28], $0x800  }
0xff: {  	s16 =	simm.s32 $0x26;
	[sflag:s28] =	ssyncset.done $0x0  }
.LBB2_2:
0x100: {  	p1 =	sne.s32 s16, $0x1;
	s16 =	sadd.s32 $0xFFFFFFFF, s16;
	[sflag:s28] =	ssyncadd.s32 $0xFFFFF800  }
.Ltmp0:
0x101: {  	(pc) =	sbr.rel @p1 .LBB2_2-.Ltmp0, $3  }
0x102: {  	_ =	sdelay $0x1  }
0x103: {  	_ =	swait.ge [sflag:s28], $0x800  }
0x104: {  	[sflag:s28] =	ssyncset.done $0x0  }
0x105: {  	[sflag:s28] =	ssyncadd.s32 $0xFFFFF800;
	s16 =	simm.s32 @!p0 $0x1  }
0x106: {  	_ =	swait.ge @!p0 [sflag:s16], $0x800  }
0x107: {  	[sflag:s16] =	ssyncset.done @!p0 $0x0  }
0x108: {  	[sflag:s16] =	ssyncadd.s32 @!p0 $0xFFFFF800  }
0x109: {  	[bflag:$0x0] =	sbarrier.arrive $0xFFFF  }
0x10a: {  	s18 =	simm.s32 $0x0;
	s17 =	rddreg [dreg:$0x3]  }
0x10b: {  	[tilespmem:s18], [sflag:$0x7] =	stream.linear.gather [hbm4b:s17+s18], $0x1400, $0x38;
	[tilespmem:$0x1EC80] =	vst v63  }
0x10c: {  	_ =	swait.ge [sflag:s29], $0x1400  }
0x10d: {  	[sflag:s29] =	ssyncset.done $0x0  }
0x10e: {  	s19 =	rddreg [dreg:$0x4];
	[sflag:s29] =	ssyncadd.s32 $0xFFFFEC00  }
0x10f: {  	[tilespmem:s30], [sflag:$0x7] =	stream.linear.gather [hbm4b:s19+s18], $0x2000, $0x38;
	[tilespmem:$0x1EC80] =	vst v63  }
0x110: {  	_ =	swait.ge [sflag:s29], $0x2000  }
0x111: {  	[sflag:s29] =	ssyncset.done $0x0  }
0x112: {  	[sflag:s29] =	ssyncadd.s32 $0xFFFFE000  }
0x113: {  	[tilespmem:s1], [sflag:$0x1] =	stream.indirect.gather [hbm4b:s4+s31], $0x80, s18, s31, $0xb8;
	[tilespmem:$0x1EC80] =	vst v63  }
0x114: {  	_ = 	snop  }
0x115: {  	[tilespmem:s0], [sflag:$0x2] =	stream.indirect.gather [hbm4b:s4+s31], $0x80, s31, s31, $0xb8;
	[tilespmem:$0x1EC80] =	vst v63  }
0x116: {  	_ = 	snop  }
0x117: {  	[tilespmem:s8], [sflag:$0x3] =	stream.indirect.gather [hbm4b:s4+s31], $0x80, s7, s31, $0xb8;
	[tilespmem:$0x1EC80] =	vst v63  }
0x118: {  	_ =	swait.ge [sflag:s28], $0x2800  }
0x119: {  	[sflag:s28] =	ssyncset.done $0x0  }
0x11a: {  	[sflag:s28] =	ssyncadd.s32 $0xFFFFD800  }
0x11b: {  	[spmem:s2] =	stream.indirect.scatter.add.f32 [tilespmem:s1], [sflag:$0x4], $0x80, s30, s31, $0xb8;
	[tilespmem:$0x1EC80] =	vst v63  }
0x11c: {  	_ =	swait.ge [sflag:s9], $0x2800  }
0x11d: {  	[sflag:s9] =	ssyncset.done $0x0  }
0x11e: {  	[sflag:s9] =	ssyncadd.s32 $0xFFFFD800  }
0x11f: {  	[spmem:s2] =	stream.indirect.scatter.add.f32 [tilespmem:s0], [sflag:$0x5], $0x80, s10, s31, $0xb8;
	[tilespmem:$0x1EC80] =	vst v63  }
0x120: {  	_ =	swait.ge [sflag:s11], $0x2800  }
0x121: {  	[sflag:s11] =	ssyncset.done $0x0  }
0x122: {  	[sflag:s11] =	ssyncadd.s32 $0xFFFFD800  }
0x123: {  	[spmem:s2] =	stream.indirect.scatter.add.f32 [tilespmem:s8], [sflag:$0x6], $0x80, s12, s31, $0xb8;
	[tilespmem:$0x1EC80] =	vst v63  }
0x124: {  	_ =	swait.ge [sflag:s13], $0x2800  }
0x125: {  	[sflag:s13] =	ssyncset.done $0x0  }
0x126: {  	s18 =	simm.s32 $0xF0;
	[sflag:s13] =	ssyncadd.s32 $0xFFFFD800  }
0x127: {  	[tilespmem:s1], [sflag:$0x1] =	stream.indirect.gather [hbm4b:s4+s31], $0x80, s18, s31, $0xb8;
	[tilespmem:$0x1EC80] =	vst v63  }
0x128: {  	_ =	swait.ge [sflag:s14], $0x2800  }
0x129: {  	[sflag:s14] =	ssyncset.done $0x0  }
0x12a: {  	s19 =	simm.s32 $0x140;
	[sflag:s14] =	ssyncadd.s32 $0xFFFFD800  }
0x12b: {  	[tilespmem:s0], [sflag:$0x2] =	stream.indirect.gather [hbm4b:s4+s31], $0x80, s19, s31, $0xb8;
	[tilespmem:$0x1EC80] =	vst v63  }
0x12c: {  	_ =	swait.ge [sflag:s15], $0x2800  }
0x12d: {  	[sflag:s15] =	ssyncset.done $0x0  }
0x12e: {  	s17 =	simm.s32 $0x190;
	[sflag:s15] =	ssyncadd.s32 $0xFFFFD800  }
0x12f: {  	[tilespmem:s8], [sflag:$0x3] =	stream.indirect.gather [hbm4b:s4+s31], $0x80, s17, s31, $0xb8;
	[tilespmem:$0x1EC80] =	vst v63  }
0x130: {  	_ =	swait.ge [sflag:s28], $0x2800  }
0x131: {  	[sflag:s28] =	ssyncset.done $0x0  }
0x132: {  	s18 =	simm.s32 $0x1580;
	[sflag:s28] =	ssyncadd.s32 $0xFFFFD800  }
0x133: {  	[spmem:s2] =	stream.indirect.scatter.add.f32 [tilespmem:s1], [sflag:$0x4], $0x80, s18, s31, $0xb8;
	[tilespmem:$0x1EC80] =	vst v63  }
0x134: {  	_ =	swait.ge [sflag:s9], $0x2800  }
0x135: {  	[sflag:s9] =	ssyncset.done $0x0  }
0x136: {  	s19 =	simm.s32 $0x1600;
	[sflag:s9] =	ssyncadd.s32 $0xFFFFD800  }
0x137: {  	[spmem:s2] =	stream.indirect.scatter.add.f32 [tilespmem:s0], [sflag:$0x5], $0x80, s19, s31, $0xb8;
	[tilespmem:$0x1EC80] =	vst v63  }
0x138: {  	_ =	swait.ge [sflag:s11], $0x2800  }
0x139: {  	s16 =	simm.s32 $0x600;
	[sflag:s11] =	ssyncset.done $0x0  }
0x13a: {  	s17 =	simm.s32 $0x1E0;
	s18 =	simm.s32 $0x1680;
	[sflag:s11] =	ssyncadd.s32 $0xFFFFD800  }
.LBB2_4:
0x13b: {  	[spmem:s2] =	stream.indirect.scatter.add.f32 [tilespmem:s8], [sflag:$0x6], $0x80, s18, s31, $0xb8;
	[tilespmem:$0x1EC80] =	vst v63  }
0x13c: {  	s18 =	smov.u32 s16  }
0x13d: {  	p1 =	sne.s32 s16, $0x7200;
	s16 =	sadd.s32 $0x600, s16;
	_ =	swait.ge [sflag:s13], $0x2800  }
0x13e: {  	[sflag:s13] =	ssyncset.done $0x0  }
0x13f: {  	[sflag:s13] =	ssyncadd.s32 $0xFFFFD800  }
0x140: {  	[tilespmem:s1], [sflag:$0x1] =	stream.indirect.gather [hbm4b:s4+s31], $0x80, s17, s31, $0xb8;
	[tilespmem:$0x1EC80] =	vst v63  }
0x141: {  	_ =	swait.ge [sflag:s14], $0x2800  }
0x142: {  	[sflag:s14] =	ssyncset.done $0x0  }
0x143: {  	s19 =	sadd.s32 $0x50, s17;
	[sflag:s14] =	ssyncadd.s32 $0xFFFFD800  }
0x144: {  	[tilespmem:s0], [sflag:$0x2] =	stream.indirect.gather [hbm4b:s4+s31], $0x80, s19, s31, $0xb8;
	[tilespmem:$0x1EC80] =	vst v63  }
0x145: {  	_ =	swait.ge [sflag:s15], $0x2800  }
0x146: {  	[sflag:s15] =	ssyncset.done $0x0  }
0x147: {  	s19 =	sadd.s32 $0xA0, s17;
	[sflag:s15] =	ssyncadd.s32 $0xFFFFD800  }
0x148: {  	[tilespmem:s8], [sflag:$0x3] =	stream.indirect.gather [hbm4b:s4+s31], $0x80, s19, s31, $0xb8;
	[tilespmem:$0x1EC80] =	vst v63  }
0x149: {  	_ =	swait.ge [sflag:s28], $0x2800  }
0x14a: {  	s18 =	sshra.s32 s18, $0x2;
	[sflag:s28] =	ssyncset.done $0x0  }
0x14b: {  	s19 =	sadd.s32 $0x1580, s18;
	[sflag:s28] =	ssyncadd.s32 $0xFFFFD800  }
0x14c: {  	[spmem:s2] =	stream.indirect.scatter.add.f32 [tilespmem:s1], [sflag:$0x4], $0x80, s19, s31, $0xb8;
	[tilespmem:$0x1EC80] =	vst v63  }
0x14d: {  	_ =	swait.ge [sflag:s9], $0x2800  }
0x14e: {  	[sflag:s9] =	ssyncset.done $0x0  }
.Ltmp1:
0x14f: {  	s19 =	sadd.s32 $0x1600, s18;
	[sflag:s9] =	ssyncadd.s32 $0xFFFFD800;
	(pc) =	sbr.rel @p1 .LBB2_4-.Ltmp1, $4  }
0x150: {  	[spmem:s2] =	stream.indirect.scatter.add.f32 [tilespmem:s0], [sflag:$0x5], $0x80, s19, s31, $0xb8;
	[tilespmem:$0x1EC80] =	vst v63  }
0x151: {  	_ =	swait.ge [sflag:s11], $0x2800  }
0x152: {  	[sflag:s11] =	ssyncset.done $0x0  }
0x153: {  	s17 =	sadd.s32 $0xF0, s17;
	s18 =	sadd.s32 $0x1680, s18;
	[sflag:s11] =	ssyncadd.s32 $0xFFFFD800  }
0x154: {  	[spmem:s2] =	stream.indirect.scatter.add.f32 [tilespmem:s8], [sflag:$0x6], $0x80, s18, s31, $0xb8;
	[tilespmem:$0x1EC80] =	vst v63  }
0x155: {  	_ =	swait.ge [sflag:s13], $0x2800  }
0x156: {  	[sflag:s13] =	ssyncset.done $0x0  }
0x157: {  	s16 =	simm.s32 $0x13B0;
	[sflag:s13] =	ssyncadd.s32 $0xFFFFD800  }
0x158: {  	[tilespmem:s1], [sflag:$0x1] =	stream.indirect.gather [hbm4b:s4+s31], $0x80, s16, s31, $0xb8;
	[tilespmem:$0x1EC80] =	vst v63  }
0x159: {  	_ =	swait.ge [sflag:s28], $0x2800  }
0x15a: {  	[sflag:s28] =	ssyncset.done $0x0  }
0x15b: {  	s17 =	simm.s32 $0x3380;
	[sflag:s28] =	ssyncadd.s32 $0xFFFFD800  }
0x15c: {  	[spmem:s2] =	stream.indirect.scatter.add.f32 [tilespmem:s1], [sflag:$0x4], $0x80, s17, s31, $0xb8;
	[tilespmem:$0x1EC80] =	vst v63  }
0x15d: {  	_ =	swait.ge [sflag:s13], $0x2800  }
0x15e: {  	[sflag:s13] =	ssyncset.done $0x0  }
0x15f: {  	[sflag:s13] =	ssyncadd.s32 $0xFFFFD800  }
0x160: {  	_ =	swait.ge [sflag:s14], $0x2800  }
0x161: {  	[sflag:s14] =	ssyncset.done $0x0  }
0x162: {  	[sflag:s14] =	ssyncadd.s32 $0xFFFFD800  }
0x163: {  	_ =	swait.ge [sflag:s15], $0x2800  }
0x164: {  	[sflag:s15] =	ssyncset.done $0x0  }
0x165: {  	s18 =	simm.s32 $0x0;
	s17 =	rddreg [dreg:$0x5];
	[sflag:s15] =	ssyncadd.s32 $0xFFFFD800  }
0x166: {  	[tilespmem:s18], [sflag:$0x7] =	stream.linear.gather [hbm4b:s17+s18], $0x1310, $0x38;
	[tilespmem:$0x1EC80] =	vst v63  }
0x167: {  	_ =	swait.ge [sflag:s29], $0x1310  }
0x168: {  	[sflag:s29] =	ssyncset.done $0x0  }
0x169: {  	s19 =	rddreg [dreg:$0x6];
	[sflag:s29] =	ssyncadd.s32 $0xFFFFECF0  }
0x16a: {  	[tilespmem:s30], [sflag:$0x7] =	stream.linear.gather [hbm4b:s19+s18], $0x1E80, $0x38;
	[tilespmem:$0x1EC80] =	vst v63  }
0x16b: {  	_ =	swait.ge [sflag:s29], $0x1E80  }
0x16c: {  	[sflag:s29] =	ssyncset.done $0x0  }
0x16d: {  	[sflag:s29] =	ssyncadd.s32 $0xFFFFE180  }
0x16e: {  	[tilespmem:s1], [sflag:$0x1] =	stream.indirect.gather [hbm4b:s4+s31], $0x80, s18, s31, $0xb8;
	[tilespmem:$0x1EC80] =	vst v63  }
0x16f: {  	_ = 	snop  }
0x170: {  	[tilespmem:s0], [sflag:$0x2] =	stream.indirect.gather [hbm4b:s4+s31], $0x80, s31, s31, $0xb8;
	[tilespmem:$0x1EC80] =	vst v63  }
0x171: {  	_ = 	snop  }
0x172: {  	[tilespmem:s8], [sflag:$0x3] =	stream.indirect.gather [hbm4b:s4+s31], $0x80, s7, s31, $0xb8;
	[tilespmem:$0x1EC80] =	vst v63  }
0x173: {  	_ =	swait.ge [sflag:s28], $0x2800  }
0x174: {  	[sflag:s28] =	ssyncset.done $0x0  }
0x175: {  	[sflag:s28] =	ssyncadd.s32 $0xFFFFD800  }
0x176: {  	[spmem:s2] =	stream.indirect.scatter.add.f32 [tilespmem:s1], [sflag:$0x4], $0x80, s30, s31, $0xb8;
	[tilespmem:$0x1EC80] =	vst v63  }
0x177: {  	_ =	swait.ge [sflag:s9], $0x2800  }
0x178: {  	[sflag:s9] =	ssyncset.done $0x0  }
0x179: {  	[sflag:s9] =	ssyncadd.s32 $0xFFFFD800  }
0x17a: {  	[spmem:s2] =	stream.indirect.scatter.add.f32 [tilespmem:s0], [sflag:$0x5], $0x80, s10, s31, $0xb8;
	[tilespmem:$0x1EC80] =	vst v63  }
0x17b: {  	_ =	swait.ge [sflag:s11], $0x2800  }
0x17c: {  	[sflag:s11] =	ssyncset.done $0x0  }
0x17d: {  	[sflag:s11] =	ssyncadd.s32 $0xFFFFD800  }
0x17e: {  	[spmem:s2] =	stream.indirect.scatter.add.f32 [tilespmem:s8], [sflag:$0x6], $0x80, s12, s31, $0xb8;
	[tilespmem:$0x1EC80] =	vst v63  }
0x17f: {  	_ =	swait.ge [sflag:s13], $0x2800  }
0x180: {  	[sflag:s13] =	ssyncset.done $0x0  }
0x181: {  	s18 =	simm.s32 $0xF0;
	[sflag:s13] =	ssyncadd.s32 $0xFFFFD800  }
0x182: {  	[tilespmem:s1], [sflag:$0x1] =	stream.indirect.gather [hbm4b:s4+s31], $0x80, s18, s31, $0xb8;
	[tilespmem:$0x1EC80] =	vst v63  }
0x183: {  	_ =	swait.ge [sflag:s14], $0x2800  }
0x184: {  	[sflag:s14] =	ssyncset.done $0x0  }
0x185: {  	s19 =	simm.s32 $0x140;
	[sflag:s14] =	ssyncadd.s32 $0xFFFFD800  }
0x186: {  	[tilespmem:s0], [sflag:$0x2] =	stream.indirect.gather [hbm4b:s4+s31], $0x80, s19, s31, $0xb8;
	[tilespmem:$0x1EC80] =	vst v63  }
0x187: {  	_ =	swait.ge [sflag:s15], $0x2800  }
0x188: {  	[sflag:s15] =	ssyncset.done $0x0  }
0x189: {  	s17 =	simm.s32 $0x190;
	[sflag:s15] =	ssyncadd.s32 $0xFFFFD800  }
0x18a: {  	[tilespmem:s8], [sflag:$0x3] =	stream.indirect.gather [hbm4b:s4+s31], $0x80, s17, s31, $0xb8;
	[tilespmem:$0x1EC80] =	vst v63  }
0x18b: {  	_ =	swait.ge [sflag:s28], $0x2800  }
0x18c: {  	[sflag:s28] =	ssyncset.done $0x0  }
0x18d: {  	s18 =	simm.s32 $0x1580;
	[sflag:s28] =	ssyncadd.s32 $0xFFFFD800  }
0x18e: {  	[spmem:s2] =	stream.indirect.scatter.add.f32 [tilespmem:s1], [sflag:$0x4], $0x80, s18, s31, $0xb8;
	[tilespmem:$0x1EC80] =	vst v63  }
0x18f: {  	_ =	swait.ge [sflag:s9], $0x2800  }
0x190: {  	[sflag:s9] =	ssyncset.done $0x0  }
0x191: {  	s19 =	simm.s32 $0x1600;
	[sflag:s9] =	ssyncadd.s32 $0xFFFFD800  }
0x192: {  	[spmem:s2] =	stream.indirect.scatter.add.f32 [tilespmem:s0], [sflag:$0x5], $0x80, s19, s31, $0xb8;
	[tilespmem:$0x1EC80] =	vst v63  }
0x193: {  	_ =	swait.ge [sflag:s11], $0x2800  }
0x194: {  	s16 =	simm.s32 $0x600;
	[sflag:s11] =	ssyncset.done $0x0  }
0x195: {  	s17 =	simm.s32 $0x1E0;
	s18 =	simm.s32 $0x1680;
	[sflag:s11] =	ssyncadd.s32 $0xFFFFD800  }
.LBB2_6:
0x196: {  	[spmem:s2] =	stream.indirect.scatter.add.f32 [tilespmem:s8], [sflag:$0x6], $0x80, s18, s31, $0xb8;
	[tilespmem:$0x1EC80] =	vst v63  }
0x197: {  	s18 =	smov.u32 s16  }
0x198: {  	p1 =	sne.s32 s16, $0x6C00;
	s16 =	sadd.s32 $0x600, s16;
	_ =	swait.ge [sflag:s13], $0x2800  }
0x199: {  	[sflag:s13] =	ssyncset.done $0x0  }
0x19a: {  	[sflag:s13] =	ssyncadd.s32 $0xFFFFD800  }
0x19b: {  	[tilespmem:s1], [sflag:$0x1] =	stream.indirect.gather [hbm4b:s4+s31], $0x80, s17, s31, $0xb8;
	[tilespmem:$0x1EC80] =	vst v63  }
0x19c: {  	_ =	swait.ge [sflag:s14], $0x2800  }
0x19d: {  	[sflag:s14] =	ssyncset.done $0x0  }
0x19e: {  	s19 =	sadd.s32 $0x50, s17;
	[sflag:s14] =	ssyncadd.s32 $0xFFFFD800  }
0x19f: {  	[tilespmem:s0], [sflag:$0x2] =	stream.indirect.gather [hbm4b:s4+s31], $0x80, s19, s31, $0xb8;
	[tilespmem:$0x1EC80] =	vst v63  }
0x1a0: {  	_ =	swait.ge [sflag:s15], $0x2800  }
0x1a1: {  	[sflag:s15] =	ssyncset.done $0x0  }
0x1a2: {  	s19 =	sadd.s32 $0xA0, s17;
	[sflag:s15] =	ssyncadd.s32 $0xFFFFD800  }
0x1a3: {  	[tilespmem:s8], [sflag:$0x3] =	stream.indirect.gather [hbm4b:s4+s31], $0x80, s19, s31, $0xb8;
	[tilespmem:$0x1EC80] =	vst v63  }
0x1a4: {  	_ =	swait.ge [sflag:s28], $0x2800  }
0x1a5: {  	s18 =	sshra.s32 s18, $0x2;
	[sflag:s28] =	ssyncset.done $0x0  }
0x1a6: {  	s19 =	sadd.s32 $0x1580, s18;
	[sflag:s28] =	ssyncadd.s32 $0xFFFFD800  }
0x1a7: {  	[spmem:s2] =	stream.indirect.scatter.add.f32 [tilespmem:s1], [sflag:$0x4], $0x80, s19, s31, $0xb8;
	[tilespmem:$0x1EC80] =	vst v63  }
0x1a8: {  	_ =	swait.ge [sflag:s9], $0x2800  }
0x1a9: {  	[sflag:s9] =	ssyncset.done $0x0  }
.Ltmp2:
0x1aa: {  	s19 =	sadd.s32 $0x1600, s18;
	[sflag:s9] =	ssyncadd.s32 $0xFFFFD800;
	(pc) =	sbr.rel @p1 .LBB2_6-.Ltmp2, $4  }
0x1ab: {  	[spmem:s2] =	stream.indirect.scatter.add.f32 [tilespmem:s0], [sflag:$0x5], $0x80, s19, s31, $0xb8;
	[tilespmem:$0x1EC80] =	vst v63  }
0x1ac: {  	_ =	swait.ge [sflag:s11], $0x2800  }
0x1ad: {  	[sflag:s11] =	ssyncset.done $0x0  }
0x1ae: {  	s17 =	sadd.s32 $0xF0, s17;
	s18 =	sadd.s32 $0x1680, s18;
	[sflag:s11] =	ssyncadd.s32 $0xFFFFD800  }
0x1af: {  	[spmem:s2] =	stream.indirect.scatter.add.f32 [tilespmem:s8], [sflag:$0x6], $0x80, s18, s31, $0xb8;
	[tilespmem:$0x1EC80] =	vst v63  }
0x1b0: {  	_ =	swait.ge [sflag:s13], $0x2800  }
0x1b1: {  	[sflag:s13] =	ssyncset.done $0x0  }
0x1b2: {  	s16 =	simm.s32 $0x12C0;
	[sflag:s13] =	ssyncadd.s32 $0xFFFFD800  }
0x1b3: {  	[tilespmem:s1], [sflag:$0x1] =	stream.indirect.gather [hbm4b:s4+s31], $0x80, s16, s31, $0xb8;
	[tilespmem:$0x1EC80] =	vst v63  }
0x1b4: {  	_ =	swait.ge [sflag:s28], $0x2800  }
0x1b5: {  	[sflag:s28] =	ssyncset.done $0x0  }
0x1b6: {  	s17 =	simm.s32 $0x3200;
	[sflag:s28] =	ssyncadd.s32 $0xFFFFD800  }
0x1b7: {  	[spmem:s2] =	stream.indirect.scatter.add.f32 [tilespmem:s1], [sflag:$0x4], $0x80, s17, s31, $0xb8;
	[tilespmem:$0x1EC80] =	vst v63  }
0x1b8: {  	_ =	swait.ge [sflag:s13], $0x2800  }
0x1b9: {  	[sflag:s13] =	ssyncset.done $0x0  }
0x1ba: {  	[sflag:s13] =	ssyncadd.s32 $0xFFFFD800  }
0x1bb: {  	_ =	swait.ge [sflag:s14], $0x2800  }
0x1bc: {  	[sflag:s14] =	ssyncset.done $0x0  }
0x1bd: {  	[sflag:s14] =	ssyncadd.s32 $0xFFFFD800  }
0x1be: {  	_ =	swait.ge [sflag:s15], $0x2800  }
0x1bf: {  	[sflag:s15] =	ssyncset.done $0x0  }
0x1c0: {  	s18 =	stileid.u32;
	[sflag:s15] =	ssyncadd.s32 $0xFFFFD800  }
0x1c1: {  	s16 =	sshll.u32 s18, $0x6;
	[bflag:$0x0] =	sbarrier.arrive $0xFFFF  }
0x1c2: {  	s16 =	sor.u32 $0x1C07, s16;
	s17 =	sshrl.u32 s5, $0x3;
	s19 =	rddreg [dreg:$0x7]  }
0x1c3: {  	[hbm:s19], [sflag:s16] =	dma.local [spmem:s17], $0x2700  }
0x1c4: {  	_ =	swait.ge [sflag:s29], $0x2700  }
0x1c5: {  	[sflag:s29] =	ssyncset.done $0x0  }
0x1c6: {  	s17 =	sshrl.u32 @!p0 s6, $0x3;
	s18 =	rddreg [dreg:$0x8];
	[sflag:s29] =	ssyncadd.s32 $0xFFFFD900  }
0x1c7: {  	[hbm:s18], [sflag:s16] =	dma.local @!p0 [spmem:s17], $0x100  }
0x1c8: {  	s16 =	simm.s32 @!p0 $0x7  }
0x1c9: {  	_ =	swait.ge @!p0 [sflag:s16], $0x100  }
0x1ca: {  	s3 =	sadd.s32 $0x1, s3;
	s19 =	rddreg [dreg:$0x9]  }
0x1cb: {  	p1 =	sne.s32 s3, s19  }
.Ltmp3:
0x1cc: {  	_ = 	snop;
	(pc) =	sbr.rel @p1 .LBB2_1-.Ltmp3, $3  }
0x1cd: {  	_ =	sdelay $0x1  }
0x1ce: {  	[sflag:s16] =	ssyncset.done @!p0 $0x0  }
0x1cf: {  	[sflag:s16] =	ssyncadd.s32 @!p0 $0xFFFFFF00  }
0x1d0: {  	_ =	sfence.sel $0x180000  }
0x1d1: {  	[bflag:$0x0] =	sbarrier.arrive $0xFFFF  }
0x1d2: {  	_ =	strace $0x9000004A  }
0x1d3: {  	s0 =	stileid.u32;
	[bflag:$0x2] =	sbarrier.arrive $0xFFFF  }
0x1d4: {  	p0 =	sne.s32 s0, $0x0;
	s0 =	rddreg [dreg:$0x2]  }
0x1d5: {  	s0 =	sadd.s32 @!p0 $0x100000, s0  }
0x1d6: {  	[sflag:s0] =	ssyncadd.tile.s32 @!p0 $0x1;
	_ =	shalt  }
.Lfunc_end2:
_tile_overlayer_lowered:
.L_overlay_start_2:
0x1d7: {  	(tag) =	ssettag $0x2  }
0x1d8: {  	s0 =	rddreg [dreg:$0x0];
	s2 =	stileid.u32  }
0x1d9: {  	s1 =	rddreg [dreg:$0x1];
	p0 =	sne.s32 s2, $0x0  }
0x1da: {  	s3 =	rddreg [dreg:$0x2];
	[bflag:$0x3] =	sbarrier.arrive $0xFFFF;
	s2 =	simm.s32 @!p0 $0x1C07  }
0x1db: {  	[timem:s3], [sflag:s2] =	dma.local @!p0 [hbm:s0], s1  }
0x1dc: {  	s0 =	simm.s32 @!p0 $0x7  }
0x1dd: {  	_ =	swait.ge @!p0 [sflag:s0], s1  }
0x1de: {  	s1 =	ssub.s32 @!p0 $0x0, s1;
	[sflag:s0] =	ssyncset.done @!p0 $0x0  }
0x1df: {  	[sflag:s0] =	ssyncadd.s32 @!p0 s1  }
0x1e0: {  	[bflag:$0x3] =	sbarrier.arrive $0xFFFF  }
0x1e1: {  	_ =	shalt  }

// kernel: kernel.14.cloned.1.call-start
scs
__scs_entry_jumppad:
0x0: {  	(pc) =	sbr.rel $0x88, $3  }
0x1: {  	(tag) =	ssettag $0x0;
	lr =	simm.s32 $0x1  }
0x2: {  	[smem:$0x3F98] =	sst lr;
	_ =	strace $0xD0000000  }
0x3: {  	_ = 	snop  }
0x4: {  	_ = 	snop  }
0x5: {  	_ = 	snop  }
0x6: {  	_ = 	snop  }
0x7: {  	_ = 	snop  }
__scs_overlays_trampoline_lowered:
0x8: {  	[smem:$0x3FA7] =	sst s0  }
0x9: {  	[smem:$0x3FA8] =	sst s1  }
0xa: {  	[smem:$0x3FA9] =	sst s2  }
0xb: {  	[smem:$0x3FAA] =	sst s3  }
0xc: {  	[smem:$0x3FAB] =	sst s4  }
0xd: {  	[smem:$0x3FAC] =	sst s5  }
0xe: {  	[smem:$0x3FAD] =	sst s6  }
0xf: {  	[smem:$0x3FAE] =	sst s7  }
0x10: {  	[smem:$0x3FAF] =	sst s8  }
0x11: {  	[smem:$0x3FB0] =	sst s9;
	s0 =	simm.s32 @!p0 $0x0  }
0x12: {  	s1 =	sld [smem:$0x3F96];
	s0 =	simm.s32 @p0 $0x1  }
0x13: {  	[smem:$0x3FB1] =	sst s0;
	s0 =	simm.s32 @!p1 $0x0  }
0x14: {  	s2 =	sld [smem:$0x3F95];
	s0 =	simm.s32 @p1 $0x1  }
0x15: {  	[smem:$0x3FB2] =	sst s0;
	s0 =	simm.s32 @!p2 $0x0  }
0x16: {  	s3 =	sld [smem:$0x3FDB];
	s0 =	simm.s32 @p2 $0x1  }
0x17: {  	s4 =	simm.s32 $0x1BF5;
	[smem:$0x3FB4] =	sst s0  }
0x18: {  	s0 =	sld [smem:$0x3F97];
	_ =	swait.ge [sflag:s4], $0x0  }
0x19: {  	s7 =	sld [smem:$0x3F98]  }
0x1a: {  	s8 =	sadd.s32 $0xFFFFE003, lr  }
0x1b: {  	s9 =	sadd.s32 $0xFFFFFEF7, lr;
	s5 =	simm.s32 $0xFFFFFFFF;
	p2 =	slt.u32 s8, $0xFFFFF086  }
0x1c: {  	p1 =	slt.u32 s9, $0xF7A;
	s5 =	simm.s32 @!p2 $0x0  }
0x1d: {  	s5 =	simm.s32 @p1 $0x1;
	p0 =	seq.s32 s7, s2  }
0x1e: {  	s7 =	smul.u32 @!p0 $0xF7A, s2;
	p2 =	seq.s32 @!p0 s5, $0x0  }
0x1f: {  	s9 =	smul.u32 $0xF7A, s1;
	s8 =	simm.s32 @!p0 $0x1BF5;
	p2 =	por !p2, p0  }
0x20: {  	[sflag:s8] =	ssyncset.s32 @!p0 $0xFFFFF086;
	s6 =	sadd.s32 @!p0 s3, s7;
	s7 =	simm.s32 @!p0 $0x108  }
0x21: {  	s3 =	sadd.s32 s3, s9;
	s6 =	sadd.s32 @!p0 $0x88, s6;
	s7 =	simm.s32 @p2 $0x1082  }
0x22: {  	[simem:s7], [sflag:s8] =	dma.local @!p0 [hbm:s6], $0xF7A  }
0x23: {  	s9 =	sor.u32 $0xD0000000, s2;
	s6 =	simm.s32 $0x108;
	_ =	swait.ge @!p0 [sflag:s8], $0x0  }
0x24: {  	s3 =	sadd.s32 $0x88, s3;
	s6 =	simm.s32 @!p1 $0x1082;
	[sflag:s4] =	ssyncset.s32 $0xFFFFF086  }
0x25: {  	[simem:s6], [sflag:s4] =	dma.local [hbm:s3], $0xF7A  }
0x26: {  	[smem:$0x3F98] =	sst s1;
	(tag) =	ssettag s2;
	_ =	strace s9  }
0x27: {  	s1 =	sld [smem:$0x3FA8]  }
0x28: {  	s2 =	sld [smem:$0x3FA9]  }
0x29: {  	s4 =	sld [smem:$0x3FAB]  }
0x2a: {  	p0 =	seq.s32 s5, $0x0;
	s5 =	sld [smem:$0x3FAC]  }
0x2b: {  	s6 =	sld [smem:$0x3FAD]  }
0x2c: {  	s7 =	sld [smem:$0x3FAE]  }
0x2d: {  	s3 =	simm.s32 $0x108;
	s8 =	sld [smem:$0x3FAF]  }
0x2e: {  	s3 =	simm.s32 @!p0 $0x1082;
	s9 =	sld [smem:$0x3FB0]  }
0x2f: {  	lr =	sadd.s32 s0, s3;
	s0 =	sld [smem:$0x3FA7]  }
0x30: {  	s3 =	sld [smem:$0x3FAA]  }
0x31: {  	[smem:$0x3FB3] =	sst s10  }
0x32: {  	s10 =	sld [smem:$0x3FB1];
	_ =	sdelay $0x3  }
0x33: {  	p0 =	seq.s32 s10, $0x1;
	s10 =	sld [smem:$0x3FB3];
	_ =	sdelay $0x3  }
0x34: {  	[smem:$0x3FB3] =	sst s10  }
0x35: {  	s10 =	sld [smem:$0x3FB2];
	_ =	sdelay $0x3  }
0x36: {  	p1 =	seq.s32 s10, $0x1;
	s10 =	sld [smem:$0x3FB3];
	_ =	sdelay $0x3  }
0x37: {  	[smem:$0x3FB3] =	sst s10  }
0x38: {  	s10 =	sld [smem:$0x3FB4]  }
0x39: {  	_ = 	snop;
	(pc) =	sbr.ind lr, $3  }
0x3a: {  	_ = 	snop  }
0x3b: {  	_ = 	snop  }
0x3c: {  	p2 =	seq.s32 s10, $0x1;
	s10 =	sld [smem:$0x3FB3]  }
0x3d: {  	_ =	shalt  }
0x3e: {  	_ =	shalt  }
0x3f: {  	_ =	shalt  }
0x40: {  	_ =	shalt  }
0x41: {  	_ =	shalt  }
0x42: {  	_ =	shalt  }
0x43: {  	_ =	shalt  }
0x44: {  	_ =	shalt  }
0x45: {  	_ =	shalt  }
0x46: {  	_ =	shalt  }
0x47: {  	_ =	shalt  }
0x48: {  	_ =	shalt  }
0x49: {  	_ =	shalt  }
0x4a: {  	_ =	shalt  }
0x4b: {  	_ =	shalt  }
0x4c: {  	_ =	shalt  }
0x4d: {  	_ =	shalt  }
0x4e: {  	_ =	shalt  }
0x4f: {  	_ =	shalt  }
0x50: {  	_ =	shalt  }
0x51: {  	_ =	shalt  }
0x52: {  	_ =	shalt  }
0x53: {  	_ =	shalt  }
0x54: {  	_ =	shalt  }
0x55: {  	_ =	shalt  }
0x56: {  	_ =	shalt  }
0x57: {  	_ =	shalt  }
0x58: {  	_ =	shalt  }
0x59: {  	_ =	shalt  }
0x5a: {  	_ =	shalt  }
0x5b: {  	_ =	shalt  }
0x5c: {  	_ =	shalt  }
0x5d: {  	_ =	shalt  }
0x5e: {  	_ =	shalt  }
0x5f: {  	_ =	shalt  }
0x60: {  	_ =	shalt  }
0x61: {  	_ =	shalt  }
0x62: {  	_ =	shalt  }
0x63: {  	_ =	shalt  }
0x64: {  	_ =	shalt  }
0x65: {  	_ =	shalt  }
0x66: {  	_ =	shalt  }
0x67: {  	_ =	shalt  }
0x68: {  	_ =	shalt  }
0x69: {  	_ =	shalt  }
0x6a: {  	_ =	shalt  }
0x6b: {  	_ =	shalt  }
0x6c: {  	_ =	shalt  }
0x6d: {  	_ =	shalt  }
0x6e: {  	_ =	shalt  }
0x6f: {  	_ =	shalt  }
0x70: {  	_ =	shalt  }
0x71: {  	_ =	shalt  }
0x72: {  	_ =	shalt  }
0x73: {  	_ =	shalt  }
0x74: {  	_ =	shalt  }
0x75: {  	_ =	shalt  }
0x76: {  	_ =	shalt  }
0x77: {  	_ =	shalt  }
0x78: {  	_ =	shalt  }
0x79: {  	_ =	shalt  }
0x7a: {  	_ =	shalt  }
0x7b: {  	_ =	shalt  }
0x7c: {  	_ =	shalt  }
0x7d: {  	_ =	shalt  }
0x7e: {  	_ =	shalt  }
0x7f: {  	_ =	shalt  }
0x80: {  	_ =	shalt  }
0x81: {  	_ =	shalt  }
0x82: {  	_ =	shalt  }
0x83: {  	_ =	shalt  }
0x84: {  	_ =	shalt  }
0x85: {  	_ =	shalt  }
0x86: {  	_ =	shalt  }
0x87: {  	_ =	shalt  }
.Lfunc_end0:
.L_simem_size_0:
called_computation.2_lowered:
.L_overlay_start_0:
0x88: {  	s2 =	sld [smem:$0x3FD9]  }
0x89: {  	s3 =	sld [smem:$0x3FFE];
	_ =	sdelay $0x1  }
0x8a: {  	s1 =	srdreg.scid  }
0x8b: {  	s0 =	sand.u32 $0x1, s1  }
0x8c: {  	s16 =	sshll.u32 s0, $0xA;
	s2 =	sadd.s32 s3, s2  }
0x8d: {  	s2 =	sadd.s32 s2, s16  }
0x8e: {  	[smem:$0x3FBF] =	sst s2  }
0x8f: {  	_ = 	snop  }
0x90: {  	(tm) =	ssettm $0x1  }
0x91: {  	s17 =	sld [smem:$0x3FFB];
	_ =	sdelay $0x3  }
0x92: {  	_ =	strace s17  }
0x93: {  	s2 =	sld [smem:$0x3FFC];
	_ =	sdelay $0x3  }
0x94: {  	_ =	strace s2  }
0x95: {  	s2 =	sld [smem:$0x3FFD];
	_ =	sdelay $0x3  }
0x96: {  	_ =	strace s2  }
0x97: {  	_ =	strace $0x8FFFFFFF  }
0x98: {  	s18 =	sld [smem:$0x3FDB];
	_ =	sdelay $0x1  }
0x99: {  	s19 =	simm.s32 $_scs_section_size  }
0x9a: {  	s4 =	simm.s32 $_size__tile_overlayer_lowered;
	s5 =	simm.s32 $_tile_overlayer_lowered  }
0x9b: {  	s22 =	simm.s32 $0x1BFF;
	s21 =	sshll.u32 s5, $0x1;
	s2 =	sadd.s32 s19, s18  }
0x9c: {  	s6 =	simm.s32 $0x0;
	s20 =	sshll.u32 s4, $0x1;
	s4 =	sadd.s32 s21, s2  }
0x9d: {  	[timem:s6], [sflag:s22] =	dma.local [hbm:s4], s20  }
0x9e: {  	_ =	swait.ge [sflag:s22], s20  }
0x9f: {  	s3 =	ssub.s32 $0x0, s20;
	[sflag:s22] =	ssyncset.done $0x0  }
0xa0: {  	[sflag:s22] =	ssyncadd.s32 s3;
	_ =	sdelay $0x1  }
0xa1: {  	s23 =	simm.s32 $0x1B8B  }
0xa2: {  	_ =	swait.ge [sflag:s23], $0x1  }
0xa3: {  	[sflag:s23] =	ssyncset.done $0x0  }
0xa4: {  	s25 =	simm.s32 $0x1B8E;
	s24 =	sld [smem:$0x3FFE];
	[sflag:s23] =	ssyncadd.s32 $0xFFFFFFFF  }
0xa5: {  	s26 =	simm.s32 $execute0_lowered;
	[smem:$0x3FD2] =	sst s25  }
0xa6: {  	s4 =	sshll.u32 s26, $0x1;
	_ =	strace $0x8000004C;
	[dreg:$0x1] =	wrdreg $0xFFFFFFFF  }
0xa7: {  	s28 =	simm.s32 $_size_execute0_lowered;
	s2 =	sadd.s32 s2, s4;
	[dreg:$0x0] =	wrdreg $0x0  }
0xa8: {  	s4 =	sshll.u32 s28, $0x1;
	[dreg:$0x2] =	wrdreg s2  }
0xa9: {  	[dreg:$0x3] =	wrdreg s4  }
0xaa: {  	[dreg:$0x4] =	wrdreg $0xC0  }
0xab: {  	_ =	task [dreg:s6], $0x5FFFF  }
0xac: {  	[dreg:$0x1] =	wrdreg $0xFFFFFFFF  }
0xad: {  	[dreg:$0x0] =	wrdreg $0x60  }
0xae: {  	[dreg:$0x2] =	wrdreg s24  }
0xaf: {  	[dreg:$0x3] =	wrdreg $0xB4000  }
0xb0: {  	[dreg:$0x4] =	wrdreg $0x9  }
0xb1: {  	_ =	task.clear_ibuf [dreg:s6], $0x5FFFF;
	_ =	strace $0x9000004C  }
0xb2: {  	s29 =	simm.s32 $0x9;
	_ =	strace $0x8000004E  }
0xb3: {  	_ =	swait.ge [sflag:s29], $0x1  }
0xb4: {  	[sflag:s29] =	ssyncadd.s32 $0xFFFFFFFF  }
0xb5: {  	_ =	strace $0x9000004E  }
0xb6: {  	_ =	sfence  }
0xb7: {  	s30 =	sld [smem:$0x0];
	_ =	sdelay $0x2  }
0xb8: {  	s31 =	sshll.u32 s1, $0xD;
	s1 =	sshrl.u32 s1, $0x2  }
0xb9: {  	s3 =	sand.u32 $0x4000, s31;
	s1 =	sadd.s32 s1, s30  }
0xba: {  	s0 =	sor.u32 s3, s0;
	s1 =	sshll.u32 s1, $0x11  }
0xbb: {  	s0 =	sor.u32 s1, s0  }
0xbc: {  	s0 =	sadd.s32 $0x8F2B, s0  }
0xbd: {  	[sflag:s0] =	ssyncadd.remote.s32 $0x1  }
0xbe: {  	_ =	sfence.sel $0xFFFF  }
0xbf: {  	[dreg:$0x0] =	wrdreg $0xFFFFFFFF;
	(pc) =	sbr.abs _section_cstart, $3  }
0xc0: {  	[dreg:$0x1] =	wrdreg $0xFFFFFFFF  }
0xc1: {  	_ =	task.clear_ibuf [dreg:s6], $0x2FFFF;
	_ =	strace $0x9FFFFFFF  }
0xc2: {  	(tm) =	ssettm $0x7FFFFFFF  }
0xc3: {  	_ =	shalt  }
tec
execute0_lowered:
.L_overlay_start_1:
0x0: {  	(tag) =	ssettag $0x1  }
0x1: {  	s0 =	srdreg.scid  }
0x2: {  	s12 =	stileid.u32;
	s0 =	sand.u32 $0x1, s0  }
0x3: {  	s1 =	rddreg [dreg:$0x0];
	s24 =	smul.u32 $0x4E000, s12;
	s3 =	sshll.u32 s0, $0x4  }
0x4: {  	s2 =	rddreg [dreg:$0x1];
	s23 =	ssub.s32 $0x2, s0;
	s5 =	sor.u32 s12, s3  }
0x5: {  	s3 =	simm.s32 $0x0;
	s9 =	sshrl.u32 s23, $0x1;
	s25 =	sshrl.u32 s24, $0x2  }
0x6: {  	s4 =	smul.u32 $0x2710, s5;
	s5 =	sshll.u32 s5, $0xB;
	s9 =	ssub.s32 s23, s9  }
0x7: {  	[smem:$0x7FF] =	sst s3;
	s8 =	sadd.s32 s5, s1;
	s15 =	smax.u32 s9, $0x1  }
0x8: {  	_ =	strace $0x8000004D;
	s26 =	sadd.s32 $0xCC00, s8;
	[dreg:$0x9] =	wrdreg s15  }
0x9: {  	s5 =	sadd.s32 s25, s2;
	s8 =	sadd.s32 $0xD000, s8;
	[dreg:$0x4] =	wrdreg s26  }
0xa: {  	s16 =	sadd.s32 $0x800, s5;
	[dreg:$0x6] =	wrdreg s8  }
0xb: {  	s17 =	sadd.s32 $0x1000, s5;
	[dreg:$0xa] =	wrdreg s16  }
0xc: {  	s18 =	sadd.s32 $0x1800, s5;
	[dreg:$0xb] =	wrdreg s17  }
0xd: {  	s19 =	sadd.s32 $0x2000, s5;
	[dreg:$0xc] =	wrdreg s18  }
0xe: {  	s28 =	simm.s32 $0x1;
	s20 =	sadd.s32 $0x2800, s5;
	[dreg:$0xd] =	wrdreg s19  }
0xf: {  	s29 =	simm.s32 $0x7;
	s21 =	sadd.s32 $0x3000, s5;
	[dreg:$0xe] =	wrdreg s20  }
0x10: {  	s30 =	simm.s32 $0x1400;
	s22 =	sadd.s32 $0x3800, s5;
	[dreg:$0xf] =	wrdreg s21  }
0x11: {  	s10 =	smul.u32 $0x2700, s12;
	s23 =	sadd.s32 $0x4000, s5;
	[dreg:$0x10] =	wrdreg s22  }
0x12: {  	s11 =	smul.u32 $0x138800, s0;
	s24 =	sadd.s32 $0x4800, s5;
	[dreg:$0x11] =	wrdreg s23  }
0x13: {  	s0 =	smul.u32 $0x27100, s0;
	s25 =	sadd.s32 $0x5000, s5;
	[dreg:$0x12] =	wrdreg s24  }
0x14: {  	s31 =	simm.s32 $0x50;
	s9 =	sadd.s32 $0x7800, s5;
	[dreg:$0x13] =	wrdreg s25  }
0x15: {  	s0 =	sadd.s32 s10, s0;
	s10 =	sadd.s32 $0x8000, s5;
	[dreg:$0x18] =	wrdreg s9  }
0x16: {  	p0 =	sne.s32 s12, $0xF;
	s12 =	sadd.s32 $0x9000, s5;
	[dreg:$0x19] =	wrdreg s10  }
0x17: {  	s11 =	sshrl.u32 s11, $0x3;
	s15 =	sadd.s32 $0xA800, s5;
	[dreg:$0x1b] =	wrdreg s12  }
0x18: {  	s6 =	sshrl.u32 s4, $0x3;
	s26 =	sadd.s32 $0x5800, s5;
	[dreg:$0x1e] =	wrdreg s15  }
0x19: {  	s4 =	sadd.s32 $0x6AE00, s1;
	s8 =	sadd.s32 $0x7000, s5;
	[dreg:$0x14] =	wrdreg s26  }
0x1a: {  	s7 =	sadd.s32 s6, s1;
	s16 =	sadd.s32 $0xB000, s5;
	[dreg:$0x17] =	wrdreg s8  }
0x1b: {  	s1 =	sadd.s32 $0x92000, s1;
	s17 =	sadd.s32 $0xB800, s5;
	[dreg:$0x1f] =	wrdreg s16  }
0x1c: {  	s6 =	sadd.s32 $0x138000, s2;
	s18 =	sadd.s32 $0xC000, s5;
	[smem:$0x7F4] =	sst s17  }
0x1d: {  	s19 =	sadd.s32 $0xC800, s5;
	s20 =	sadd.s32 $0xD000, s5;
	[smem:$0x7F5] =	sst s18  }
0x1e: {  	s21 =	sadd.s32 $0xD800, s5;
	s22 =	sadd.s32 $0xE000, s5;
	[smem:$0x7F6] =	sst s19  }
0x1f: {  	s23 =	sadd.s32 $0xE800, s5;
	s24 =	sadd.s32 $0xF000, s5;
	[smem:$0x7F7] =	sst s20  }
0x20: {  	s25 =	sadd.s32 $0xF800, s5;
	s9 =	simm.s32 $0x2;
	[smem:$0x7F8] =	sst s21  }
0x21: {  	s10 =	simm.s32 $0x1480;
	s12 =	simm.s32 $0x1500;
	[smem:$0x7F9] =	sst s22  }
0x22: {  	s15 =	simm.s32 $0x6;
	s13 =	sadd.s32 $0x2E00, s7;
	[smem:$0x7FA] =	sst s23  }
0x23: {  	s7 =	sadd.s32 $0x3080, s7;
	s0 =	sadd.s32 s1, s0;
	[smem:$0x7FB] =	sst s24  }
0x24: {  	[smem:$0x7FC] =	sst s25;
	s26 =	sadd.s32 $0x10000, s5;
	s20 =	sadd.s32 $0x10800, s5  }
0x25: {  	s21 =	sadd.s32 $0x11000, s5;
	s22 =	sadd.s32 $0x11800, s5;
	[dreg:$0x3] =	wrdreg s13  }
0x26: {  	s23 =	sadd.s32 $0x12000, s5;
	s24 =	sadd.s32 $0x12800, s5;
	[dreg:$0x5] =	wrdreg s7  }
0x27: {  	s25 =	sadd.s32 $0x13000, s5;
	s8 =	simm.s32 $0x8400;
	[dreg:$0x7] =	wrdreg s0  }
0x28: {  	s13 =	sadd.s32 s1, s11;
	s1 =	sadd.s32 $0x6000, s5;
	[smem:$0x7FD] =	sst s26  }
0x29: {  	s7 =	sadd.s32 $0x6800, s5;
	s11 =	sadd.s32 $0x8800, s5;
	[dreg:$0x15] =	wrdreg s1  }
0x2a: {  	s26 =	simm.s32 $0xAC00;
	s0 =	simm.s32 $0x5C00;
	[dreg:$0x16] =	wrdreg s7  }
0x2b: {  	s14 =	sadd.s32 $0x27000, s13;
	[dreg:$0x1a] =	wrdreg s11;
	s13 =	sadd.s32 $0x9800, s5  }
0x2c: {  	s1 =	simm.s32 $0x3400;
	s7 =	simm.s32 $0xA0;
	[dreg:$0x8] =	wrdreg s14  }
0x2d: {  	s11 =	simm.s32 $0x3;
	[dreg:$0x1c] =	wrdreg s13;
	s14 =	sadd.s32 $0xA000, s5  }
0x2e: {  	v0 =	vimm.f32 $0.0e+00;
	s13 =	simm.s32 $0x4;
	[dreg:$0x1d] =	wrdreg s14;
	s14 =	simm.s32 $0x5  }
.LBB2_1:
0x2f: {  	[tilespmem:$0xAC00] =	vst v0  }
0x30: {  	[tilespmem:$0xAC10] =	vst v0  }
0x31: {  	[tilespmem:$0xAC20] =	vst v0  }
0x32: {  	[tilespmem:$0xAC30] =	vst v0  }
0x33: {  	[tilespmem:$0xAC40] =	vst v0  }
0x34: {  	[tilespmem:$0xAC50] =	vst v0  }
0x35: {  	[tilespmem:$0xAC60] =	vst v0  }
0x36: {  	[tilespmem:$0xAC70] =	vst v0  }
0x37: {  	[tilespmem:$0xAC80] =	vst v0  }
0x38: {  	[tilespmem:$0xAC90] =	vst v0  }
0x39: {  	[tilespmem:$0xACA0] =	vst v0  }
0x3a: {  	[tilespmem:$0xACB0] =	vst v0  }
0x3b: {  	[tilespmem:$0xACC0] =	vst v0  }
0x3c: {  	[tilespmem:$0xACD0] =	vst v0  }
0x3d: {  	[tilespmem:$0xACE0] =	vst v0  }
0x3e: {  	[tilespmem:$0xACF0] =	vst v0  }
0x3f: {  	[tilespmem:$0xAD00] =	vst v0  }
0x40: {  	[tilespmem:$0xAD10] =	vst v0  }
0x41: {  	[tilespmem:$0xAD20] =	vst v0  }
0x42: {  	[tilespmem:$0xAD30] =	vst v0  }
0x43: {  	[tilespmem:$0xAD40] =	vst v0  }
0x44: {  	[tilespmem:$0xAD50] =	vst v0  }
0x45: {  	[tilespmem:$0xAD60] =	vst v0  }
0x46: {  	[tilespmem:$0xAD70] =	vst v0  }
0x47: {  	[tilespmem:$0xAD80] =	vst v0  }
0x48: {  	[tilespmem:$0xAD90] =	vst v0  }
0x49: {  	[tilespmem:$0xADA0] =	vst v0  }
0x4a: {  	[tilespmem:$0xADB0] =	vst v0  }
0x4b: {  	[tilespmem:$0xADC0] =	vst v0  }
0x4c: {  	[tilespmem:$0xADD0] =	vst v0  }
0x4d: {  	[tilespmem:$0xADE0] =	vst v0  }
0x4e: {  	[tilespmem:$0xADF0] =	vst v0  }
0x4f: {  	[tilespmem:$0xAE00] =	vst v0  }
0x50: {  	[tilespmem:$0xAE10] =	vst v0  }
0x51: {  	[tilespmem:$0xAE20] =	vst v0  }
0x52: {  	[tilespmem:$0xAE30] =	vst v0  }
0x53: {  	[tilespmem:$0xAE40] =	vst v0  }
0x54: {  	[tilespmem:$0xAE50] =	vst v0  }
0x55: {  	[tilespmem:$0xAE60] =	vst v0  }
0x56: {  	[tilespmem:$0xAE70] =	vst v0  }
0x57: {  	[tilespmem:$0xAE80] =	vst v0  }
0x58: {  	[tilespmem:$0xAE90] =	vst v0  }
0x59: {  	[tilespmem:$0xAEA0] =	vst v0  }
0x5a: {  	[tilespmem:$0xAEB0] =	vst v0  }
0x5b: {  	[tilespmem:$0xAEC0] =	vst v0  }
0x5c: {  	[tilespmem:$0xAED0] =	vst v0  }
0x5d: {  	[tilespmem:$0xAEE0] =	vst v0  }
0x5e: {  	[tilespmem:$0xAEF0] =	vst v0  }
0x5f: {  	[tilespmem:$0xAF00] =	vst v0  }
0x60: {  	[tilespmem:$0xAF10] =	vst v0  }
0x61: {  	[tilespmem:$0xAF20] =	vst v0  }
0x62: {  	[tilespmem:$0xAF30] =	vst v0  }
0x63: {  	[tilespmem:$0xAF40] =	vst v0  }
0x64: {  	[tilespmem:$0xAF50] =	vst v0  }
0x65: {  	[tilespmem:$0xAF60] =	vst v0  }
0x66: {  	[tilespmem:$0xAF70] =	vst v0  }
0x67: {  	[tilespmem:$0xAF80] =	vst v0  }
0x68: {  	[tilespmem:$0xAF90] =	vst v0  }
0x69: {  	[tilespmem:$0xAFA0] =	vst v0  }
0x6a: {  	[tilespmem:$0xAFB0] =	vst v0  }
0x6b: {  	[tilespmem:$0xAFC0] =	vst v0  }
0x6c: {  	[tilespmem:$0xAFD0] =	vst v0  }
0x6d: {  	[tilespmem:$0xAFE0] =	vst v0  }
0x6e: {  	[tilespmem:$0xAFF0] =	vst v0  }
0x6f: {  	[tilespmem:$0xB000] =	vst v0  }
0x70: {  	[tilespmem:$0xB010] =	vst v0  }
0x71: {  	[tilespmem:$0xB020] =	vst v0  }
0x72: {  	[tilespmem:$0xB030] =	vst v0  }
0x73: {  	[tilespmem:$0xB040] =	vst v0  }
0x74: {  	[tilespmem:$0xB050] =	vst v0  }
0x75: {  	[tilespmem:$0xB060] =	vst v0  }
0x76: {  	[tilespmem:$0xB070] =	vst v0  }
0x77: {  	[tilespmem:$0xB080] =	vst v0  }
0x78: {  	[tilespmem:$0xB090] =	vst v0  }
0x79: {  	[tilespmem:$0xB0A0] =	vst v0  }
0x7a: {  	[tilespmem:$0xB0B0] =	vst v0  }
0x7b: {  	[tilespmem:$0xB0C0] =	vst v0  }
0x7c: {  	[tilespmem:$0xB0D0] =	vst v0  }
0x7d: {  	[tilespmem:$0xB0E0] =	vst v0  }
0x7e: {  	[tilespmem:$0xB0F0] =	vst v0  }
0x7f: {  	[tilespmem:$0xB100] =	vst v0  }
0x80: {  	[tilespmem:$0xB110] =	vst v0  }
0x81: {  	[tilespmem:$0xB120] =	vst v0  }
0x82: {  	[tilespmem:$0xB130] =	vst v0  }
0x83: {  	[tilespmem:$0xB140] =	vst v0  }
0x84: {  	[tilespmem:$0xB150] =	vst v0  }
0x85: {  	[tilespmem:$0xB160] =	vst v0  }
0x86: {  	[tilespmem:$0xB170] =	vst v0  }
0x87: {  	[tilespmem:$0xB180] =	vst v0  }
0x88: {  	[tilespmem:$0xB190] =	vst v0  }
0x89: {  	[tilespmem:$0xB1A0] =	vst v0  }
0x8a: {  	[tilespmem:$0xB1B0] =	vst v0  }
0x8b: {  	[tilespmem:$0xB1C0] =	vst v0  }
0x8c: {  	[tilespmem:$0xB1D0] =	vst v0  }
0x8d: {  	[tilespmem:$0xB1E0] =	vst v0  }
0x8e: {  	[tilespmem:$0xB1F0] =	vst v0  }
0x8f: {  	[tilespmem:$0xB200] =	vst v0  }
0x90: {  	[tilespmem:$0xB210] =	vst v0  }
0x91: {  	[tilespmem:$0xB220] =	vst v0  }
0x92: {  	[tilespmem:$0xB230] =	vst v0  }
0x93: {  	[tilespmem:$0xB240] =	vst v0  }
0x94: {  	[tilespmem:$0xB250] =	vst v0  }
0x95: {  	[tilespmem:$0xB260] =	vst v0  }
0x96: {  	[tilespmem:$0xB270] =	vst v0  }
0x97: {  	[tilespmem:$0xB280] =	vst v0  }
0x98: {  	[tilespmem:$0xB290] =	vst v0  }
0x99: {  	[tilespmem:$0xB2A0] =	vst v0  }
0x9a: {  	[tilespmem:$0xB2B0] =	vst v0  }
0x9b: {  	[tilespmem:$0xB2C0] =	vst v0  }
0x9c: {  	[tilespmem:$0xB2D0] =	vst v0  }
0x9d: {  	[tilespmem:$0xB2E0] =	vst v0  }
0x9e: {  	[tilespmem:$0xB2F0] =	vst v0  }
0x9f: {  	[tilespmem:$0xB300] =	vst v0  }
0xa0: {  	[tilespmem:$0xB310] =	vst v0  }
0xa1: {  	[tilespmem:$0xB320] =	vst v0  }
0xa2: {  	[tilespmem:$0xB330] =	vst v0  }
0xa3: {  	[tilespmem:$0xB340] =	vst v0  }
0xa4: {  	[tilespmem:$0xB350] =	vst v0  }
0xa5: {  	[tilespmem:$0xB360] =	vst v0  }
0xa6: {  	[tilespmem:$0xB370] =	vst v0  }
0xa7: {  	[tilespmem:$0xB380] =	vst v0  }
0xa8: {  	[tilespmem:$0xB390] =	vst v0  }
0xa9: {  	[tilespmem:$0xB3A0] =	vst v0  }
0xaa: {  	[tilespmem:$0xB3B0] =	vst v0  }
0xab: {  	[tilespmem:$0xB3C0] =	vst v0  }
0xac: {  	[tilespmem:$0xB3D0] =	vst v0  }
0xad: {  	[tilespmem:$0xB3E0] =	vst v0  }
0xae: {  	[tilespmem:$0xB3F0] =	vst v0;
	s16 =	rddreg [dreg:$0xa]  }
0xaf: {  	[spmem:s5] =	stream.linear.scatter [tilespmem:s26], [sflag:$0x1], $0x800, $0x38;
	[tilespmem:$0x1EC80] =	vst v63  }
0xb0: {  	s19 =	rddreg [dreg:$0xb]  }
0xb1: {  	[spmem:s16] =	stream.linear.scatter [tilespmem:s26], [sflag:$0x1], $0x800, $0x38;
	[tilespmem:$0x1EC80] =	vst v63  }
0xb2: {  	s17 =	rddreg [dreg:$0xc]  }
0xb3: {  	[spmem:s19] =	stream.linear.scatter [tilespmem:s26], [sflag:$0x1], $0x800, $0x38;
	[tilespmem:$0x1EC80] =	vst v63  }
0xb4: {  	s18 =	rddreg [dreg:$0xd]  }
0xb5: {  	[spmem:s17] =	stream.linear.scatter [tilespmem:s26], [sflag:$0x1], $0x800, $0x38;
	[tilespmem:$0x1EC80] =	vst v63  }
0xb6: {  	s19 =	rddreg [dreg:$0xe]  }
0xb7: {  	[spmem:s18] =	stream.linear.scatter [tilespmem:s26], [sflag:$0x1], $0x800, $0x38;
	[tilespmem:$0x1EC80] =	vst v63  }
0xb8: {  	s17 =	rddreg [dreg:$0xf]  }
0xb9: {  	[spmem:s19] =	stream.linear.scatter [tilespmem:s26], [sflag:$0x1], $0x800, $0x38;
	[tilespmem:$0x1EC80] =	vst v63  }
0xba: {  	s18 =	rddreg [dreg:$0x10]  }
0xbb: {  	[spmem:s17] =	stream.linear.scatter [tilespmem:s26], [sflag:$0x1], $0x800, $0x38;
	[tilespmem:$0x1EC80] =	vst v63  }
0xbc: {  	s19 =	rddreg [dreg:$0x11]  }
0xbd: {  	[spmem:s18] =	stream.linear.scatter [tilespmem:s26], [sflag:$0x1], $0x800, $0x38;
	[tilespmem:$0x1EC80] =	vst v63  }
0xbe: {  	s17 =	rddreg [dreg:$0x12]  }
0xbf: {  	[spmem:s19] =	stream.linear.scatter [tilespmem:s26], [sflag:$0x1], $0x800, $0x38;
	[tilespmem:$0x1EC80] =	vst v63  }
0xc0: {  	s18 =	rddreg [dreg:$0x13]  }
0xc1: {  	[spmem:s17] =	stream.linear.scatter [tilespmem:s26], [sflag:$0x1], $0x800, $0x38;
	[tilespmem:$0x1EC80] =	vst v63  }
0xc2: {  	s19 =	rddreg [dreg:$0x14]  }
0xc3: {  	[spmem:s18] =	stream.linear.scatter [tilespmem:s26], [sflag:$0x1], $0x800, $0x38;
	[tilespmem:$0x1EC80] =	vst v63  }
0xc4: {  	s17 =	rddreg [dreg:$0x15]  }
0xc5: {  	[spmem:s19] =	stream.linear.scatter [tilespmem:s26], [sflag:$0x1], $0x800, $0x38;
	[tilespmem:$0x1EC80] =	vst v63  }
0xc6: {  	s18 =	rddreg [dreg:$0x16]  }
0xc7: {  	[spmem:s17] =	stream.linear.scatter [tilespmem:s26], [sflag:$0x1], $0x800, $0x38;
	[tilespmem:$0x1EC80] =	vst v63  }
0xc8: {  	s19 =	rddreg [dreg:$0x17]  }
0xc9: {  	[spmem:s18] =	stream.linear.scatter [tilespmem:s26], [sflag:$0x1], $0x800, $0x38;
	[tilespmem:$0x1EC80] =	vst v63  }
0xca: {  	s17 =	rddreg [dreg:$0x18]  }
0xcb: {  	[spmem:s19] =	stream.linear.scatter [tilespmem:s26], [sflag:$0x1], $0x800, $0x38;
	[tilespmem:$0x1EC80] =	vst v63  }
0xcc: {  	s18 =	rddreg [dreg:$0x19]  }
0xcd: {  	[spmem:s17] =	stream.linear.scatter [tilespmem:s26], [sflag:$0x1], $0x800, $0x38;
	[tilespmem:$0x1EC80] =	vst v63  }
0xce: {  	s19 =	rddreg [dreg:$0x1a]  }
0xcf: {  	[spmem:s18] =	stream.linear.scatter [tilespmem:s26], [sflag:$0x1], $0x800, $0x38;
	[tilespmem:$0x1EC80] =	vst v63  }
0xd0: {  	s17 =	rddreg [dreg:$0x1b]  }
0xd1: {  	[spmem:s19] =	stream.linear.scatter [tilespmem:s26], [sflag:$0x1], $0x800, $0x38;
	[tilespmem:$0x1EC80] =	vst v63  }
0xd2: {  	s18 =	rddreg [dreg:$0x1c]  }
0xd3: {  	[spmem:s17] =	stream.linear.scatter [tilespmem:s26], [sflag:$0x1], $0x800, $0x38;
	[tilespmem:$0x1EC80] =	vst v63  }
0xd4: {  	s19 =	rddreg [dreg:$0x1d]  }
0xd5: {  	[spmem:s18] =	stream.linear.scatter [tilespmem:s26], [sflag:$0x1], $0x800, $0x38;
	[tilespmem:$0x1EC80] =	vst v63  }
0xd6: {  	s17 =	rddreg [dreg:$0x1e]  }
0xd7: {  	[spmem:s19] =	stream.linear.scatter [tilespmem:s26], [sflag:$0x1], $0x800, $0x38;
	[tilespmem:$0x1EC80] =	vst v63  }
0xd8: {  	s18 =	rddreg [dreg:$0x1f]  }
0xd9: {  	[spmem:s17] =	stream.linear.scatter [tilespmem:s26], [sflag:$0x1], $0x800, $0x38;
	[tilespmem:$0x1EC80] =	vst v63  }
0xda: {  	s19 =	sld [smem:$0x7F4]  }
0xdb: {  	[spmem:s18] =	stream.linear.scatter [tilespmem:s26], [sflag:$0x1], $0x800, $0x38;
	[tilespmem:$0x1EC80] =	vst v63  }
0xdc: {  	s17 =	sld [smem:$0x7F5]  }
0xdd: {  	[spmem:s19] =	stream.linear.scatter [tilespmem:s26], [sflag:$0x1], $0x800, $0x38;
	[tilespmem:$0x1EC80] =	vst v63  }
0xde: {  	s18 =	sld [smem:$0x7F6]  }
0xdf: {  	[spmem:s17] =	stream.linear.scatter [tilespmem:s26], [sflag:$0x1], $0x800, $0x38;
	[tilespmem:$0x1EC80] =	vst v63  }
0xe0: {  	s19 =	sld [smem:$0x7F7]  }
0xe1: {  	[spmem:s18] =	stream.linear.scatter [tilespmem:s26], [sflag:$0x1], $0x800, $0x38;
	[tilespmem:$0x1EC80] =	vst v63  }
0xe2: {  	s17 =	sld [smem:$0x7F8]  }
0xe3: {  	[spmem:s19] =	stream.linear.scatter [tilespmem:s26], [sflag:$0x1], $0x800, $0x38;
	[tilespmem:$0x1EC80] =	vst v63  }
0xe4: {  	s18 =	sld [smem:$0x7F9]  }
0xe5: {  	[spmem:s17] =	stream.linear.scatter [tilespmem:s26], [sflag:$0x1], $0x800, $0x38;
	[tilespmem:$0x1EC80] =	vst v63  }
0xe6: {  	s19 =	sld [smem:$0x7FA]  }
0xe7: {  	[spmem:s18] =	stream.linear.scatter [tilespmem:s26], [sflag:$0x1], $0x800, $0x38;
	[tilespmem:$0x1EC80] =	vst v63  }
0xe8: {  	s17 =	sld [smem:$0x7FB]  }
0xe9: {  	[spmem:s19] =	stream.linear.scatter [tilespmem:s26], [sflag:$0x1], $0x800, $0x38;
	[tilespmem:$0x1EC80] =	vst v63  }
0xea: {  	s18 =	sld [smem:$0x7FC]  }
0xeb: {  	[spmem:s17] =	stream.linear.scatter [tilespmem:s26], [sflag:$0x1], $0x800, $0x38;
	[tilespmem:$0x1EC80] =	vst v63  }
0xec: {  	s19 =	sld [smem:$0x7FD]  }
0xed: {  	[spmem:s18] =	stream.linear.scatter [tilespmem:s26], [sflag:$0x1], $0x800, $0x38;
	[tilespmem:$0x1EC80] =	vst v63  }
0xee: {  	_ = 	snop  }
0xef: {  	[spmem:s19] =	stream.linear.scatter [tilespmem:s26], [sflag:$0x1], $0x800, $0x38;
	[tilespmem:$0x1EC80] =	vst v63  }
0xf0: {  	_ = 	snop  }
0xf1: {  	[spmem:s20] =	stream.linear.scatter [tilespmem:s26], [sflag:$0x1], $0x800, $0x38;
	[tilespmem:$0x1EC80] =	vst v63  }
0xf2: {  	_ = 	snop  }
0xf3: {  	[spmem:s21] =	stream.linear.scatter [tilespmem:s26], [sflag:$0x1], $0x800, $0x38;
	[tilespmem:$0x1EC80] =	vst v63  }
0xf4: {  	_ = 	snop  }
0xf5: {  	[spmem:s22] =	stream.linear.scatter [tilespmem:s26], [sflag:$0x1], $0x800, $0x38;
	[tilespmem:$0x1EC80] =	vst v63  }
0xf6: {  	_ = 	snop  }
0xf7: {  	[spmem:s23] =	stream.linear.scatter [tilespmem:s26], [sflag:$0x1], $0x800, $0x38;
	[tilespmem:$0x1EC80] =	vst v63  }
0xf8: {  	_ = 	snop  }
0xf9: {  	[spmem:s24] =	stream.linear.scatter [tilespmem:s26], [sflag:$0x1], $0x800, $0x38;
	[tilespmem:$0x1EC80] =	vst v63  }
0xfa: {  	_ = 	snop  }
0xfb: {  	[spmem:s25] =	stream.linear.scatter [tilespmem:s26], [sflag:$0x1], $0x800, $0x38;
	[tilespmem:$0x1EC80] =	vst v63  }
0xfc: {  	s16 =	simm.s32 @!p0 $0xAC00  }
0xfd: {  	[spmem:s6] =	stream.linear.scatter @!p0 [tilespmem:s16], [sflag:$0x1], $0x800, $0x38;
	[tilespmem:$0x1EC80] =	vst v63  }
0xfe: {  	_ =	swait.ge [sflag:s28], $0x800  }
0xff: {  	s16 =	simm.s32 $0x26;
	[sflag:s28] =	ssyncset.done $0x0  }
.LBB2_2:
0x100: {  	p1 =	sne.s32 s16, $0x1;
	s16 =	sadd.s32 $0xFFFFFFFF, s16;
	[sflag:s28] =	ssyncadd.s32 $0xFFFFF800  }
.Ltmp0:
0x101: {  	(pc) =	sbr.rel @p1 .LBB2_2-.Ltmp0, $3  }
0x102: {  	_ =	sdelay $0x1  }
0x103: {  	_ =	swait.ge [sflag:s28], $0x800  }
0x104: {  	[sflag:s28] =	ssyncset.done $0x0  }
0x105: {  	[sflag:s28] =	ssyncadd.s32 $0xFFFFF800;
	s16 =	simm.s32 @!p0 $0x1  }
0x106: {  	_ =	swait.ge @!p0 [sflag:s16], $0x800  }
0x107: {  	[sflag:s16] =	ssyncset.done @!p0 $0x0  }
0x108: {  	[sflag:s16] =	ssyncadd.s32 @!p0 $0xFFFFF800  }
0x109: {  	[bflag:$0x0] =	sbarrier.arrive $0xFFFF  }
0x10a: {  	s18 =	simm.s32 $0x0;
	s17 =	rddreg [dreg:$0x3]  }
0x10b: {  	[tilespmem:s18], [sflag:$0x7] =	stream.linear.gather [hbm4b:s17+s18], $0x1400, $0x38;
	[tilespmem:$0x1EC80] =	vst v63  }
0x10c: {  	_ =	swait.ge [sflag:s29], $0x1400  }
0x10d: {  	[sflag:s29] =	ssyncset.done $0x0  }
0x10e: {  	s19 =	rddreg [dreg:$0x4];
	[sflag:s29] =	ssyncadd.s32 $0xFFFFEC00  }
0x10f: {  	[tilespmem:s30], [sflag:$0x7] =	stream.linear.gather [hbm4b:s19+s18], $0x2000, $0x38;
	[tilespmem:$0x1EC80] =	vst v63  }
0x110: {  	_ =	swait.ge [sflag:s29], $0x2000  }
0x111: {  	[sflag:s29] =	ssyncset.done $0x0  }
0x112: {  	[sflag:s29] =	ssyncadd.s32 $0xFFFFE000  }
0x113: {  	[tilespmem:s1], [sflag:$0x1] =	stream.indirect.gather [hbm4b:s4+s31], $0x80, s18, s31, $0xb8;
	[tilespmem:$0x1EC80] =	vst v63  }
0x114: {  	_ = 	snop  }
0x115: {  	[tilespmem:s0], [sflag:$0x2] =	stream.indirect.gather [hbm4b:s4+s31], $0x80, s31, s31, $0xb8;
	[tilespmem:$0x1EC80] =	vst v63  }
0x116: {  	_ = 	snop  }
0x117: {  	[tilespmem:s8], [sflag:$0x3] =	stream.indirect.gather [hbm4b:s4+s31], $0x80, s7, s31, $0xb8;
	[tilespmem:$0x1EC80] =	vst v63  }
0x118: {  	_ =	swait.ge [sflag:s28], $0x2800  }
0x119: {  	[sflag:s28] =	ssyncset.done $0x0  }
0x11a: {  	[sflag:s28] =	ssyncadd.s32 $0xFFFFD800  }
0x11b: {  	[spmem:s2] =	stream.indirect.scatter.add.f32 [tilespmem:s1], [sflag:$0x4], $0x80, s30, s31, $0xb8;
	[tilespmem:$0x1EC80] =	vst v63  }
0x11c: {  	_ =	swait.ge [sflag:s9], $0x2800  }
0x11d: {  	[sflag:s9] =	ssyncset.done $0x0  }
0x11e: {  	[sflag:s9] =	ssyncadd.s32 $0xFFFFD800  }
0x11f: {  	[spmem:s2] =	stream.indirect.scatter.add.f32 [tilespmem:s0], [sflag:$0x5], $0x80, s10, s31, $0xb8;
	[tilespmem:$0x1EC80] =	vst v63  }
0x120: {  	_ =	swait.ge [sflag:s11], $0x2800  }
0x121: {  	[sflag:s11] =	ssyncset.done $0x0  }
0x122: {  	[sflag:s11] =	ssyncadd.s32 $0xFFFFD800  }
0x123: {  	[spmem:s2] =	stream.indirect.scatter.add.f32 [tilespmem:s8], [sflag:$0x6], $0x80, s12, s31, $0xb8;
	[tilespmem:$0x1EC80] =	vst v63  }
0x124: {  	_ =	swait.ge [sflag:s13], $0x2800  }
0x125: {  	[sflag:s13] =	ssyncset.done $0x0  }
0x126: {  	s18 =	simm.s32 $0xF0;
	[sflag:s13] =	ssyncadd.s32 $0xFFFFD800  }
0x127: {  	[tilespmem:s1], [sflag:$0x1] =	stream.indirect.gather [hbm4b:s4+s31], $0x80, s18, s31, $0xb8;
	[tilespmem:$0x1EC80] =	vst v63  }
0x128: {  	_ =	swait.ge [sflag:s14], $0x2800  }
0x129: {  	[sflag:s14] =	ssyncset.done $0x0  }
0x12a: {  	s19 =	simm.s32 $0x140;
	[sflag:s14] =	ssyncadd.s32 $0xFFFFD800  }
0x12b: {  	[tilespmem:s0], [sflag:$0x2] =	stream.indirect.gather [hbm4b:s4+s31], $0x80, s19, s31, $0xb8;
	[tilespmem:$0x1EC80] =	vst v63  }
0x12c: {  	_ =	swait.ge [sflag:s15], $0x2800  }
0x12d: {  	[sflag:s15] =	ssyncset.done $0x0  }
0x12e: {  	s17 =	simm.s32 $0x190;
	[sflag:s15] =	ssyncadd.s32 $0xFFFFD800  }
0x12f: {  	[tilespmem:s8], [sflag:$0x3] =	stream.indirect.gather [hbm4b:s4+s31], $0x80, s17, s31, $0xb8;
	[tilespmem:$0x1EC80] =	vst v63  }
0x130: {  	_ =	swait.ge [sflag:s28], $0x2800  }
0x131: {  	[sflag:s28] =	ssyncset.done $0x0  }
0x132: {  	s18 =	simm.s32 $0x1580;
	[sflag:s28] =	ssyncadd.s32 $0xFFFFD800  }
0x133: {  	[spmem:s2] =	stream.indirect.scatter.add.f32 [tilespmem:s1], [sflag:$0x4], $0x80, s18, s31, $0xb8;
	[tilespmem:$0x1EC80] =	vst v63  }
0x134: {  	_ =	swait.ge [sflag:s9], $0x2800  }
0x135: {  	[sflag:s9] =	ssyncset.done $0x0  }
0x136: {  	s19 =	simm.s32 $0x1600;
	[sflag:s9] =	ssyncadd.s32 $0xFFFFD800  }
0x137: {  	[spmem:s2] =	stream.indirect.scatter.add.f32 [tilespmem:s0], [sflag:$0x5], $0x80, s19, s31, $0xb8;
	[tilespmem:$0x1EC80] =	vst v63  }
0x138: {  	_ =	swait.ge [sflag:s11], $0x2800  }
0x139: {  	s16 =	simm.s32 $0x600;
	[sflag:s11] =	ssyncset.done $0x0  }
0x13a: {  	s17 =	simm.s32 $0x1E0;
	s18 =	simm.s32 $0x1680;
	[sflag:s11] =	ssyncadd.s32 $0xFFFFD800  }
.LBB2_4:
0x13b: {  	[spmem:s2] =	stream.indirect.scatter.add.f32 [tilespmem:s8], [sflag:$0x6], $0x80, s18, s31, $0xb8;
	[tilespmem:$0x1EC80] =	vst v63  }
0x13c: {  	s18 =	smov.u32 s16  }
0x13d: {  	p1 =	sne.s32 s16, $0x7200;
	s16 =	sadd.s32 $0x600, s16;
	_ =	swait.ge [sflag:s13], $0x2800  }
0x13e: {  	[sflag:s13] =	ssyncset.done $0x0  }
0x13f: {  	[sflag:s13] =	ssyncadd.s32 $0xFFFFD800  }
0x140: {  	[tilespmem:s1], [sflag:$0x1] =	stream.indirect.gather [hbm4b:s4+s31], $0x80, s17, s31, $0xb8;
	[tilespmem:$0x1EC80] =	vst v63  }
0x141: {  	_ =	swait.ge [sflag:s14], $0x2800  }
0x142: {  	[sflag:s14] =	ssyncset.done $0x0  }
0x143: {  	s19 =	sadd.s32 $0x50, s17;
	[sflag:s14] =	ssyncadd.s32 $0xFFFFD800  }
0x144: {  	[tilespmem:s0], [sflag:$0x2] =	stream.indirect.gather [hbm4b:s4+s31], $0x80, s19, s31, $0xb8;
	[tilespmem:$0x1EC80] =	vst v63  }
0x145: {  	_ =	swait.ge [sflag:s15], $0x2800  }
0x146: {  	[sflag:s15] =	ssyncset.done $0x0  }
0x147: {  	s19 =	sadd.s32 $0xA0, s17;
	[sflag:s15] =	ssyncadd.s32 $0xFFFFD800  }
0x148: {  	[tilespmem:s8], [sflag:$0x3] =	stream.indirect.gather [hbm4b:s4+s31], $0x80, s19, s31, $0xb8;
	[tilespmem:$0x1EC80] =	vst v63  }
0x149: {  	_ =	swait.ge [sflag:s28], $0x2800  }
0x14a: {  	s18 =	sshra.s32 s18, $0x2;
	[sflag:s28] =	ssyncset.done $0x0  }
0x14b: {  	s19 =	sadd.s32 $0x1580, s18;
	[sflag:s28] =	ssyncadd.s32 $0xFFFFD800  }
0x14c: {  	[spmem:s2] =	stream.indirect.scatter.add.f32 [tilespmem:s1], [sflag:$0x4], $0x80, s19, s31, $0xb8;
	[tilespmem:$0x1EC80] =	vst v63  }
0x14d: {  	_ =	swait.ge [sflag:s9], $0x2800  }
0x14e: {  	[sflag:s9] =	ssyncset.done $0x0  }
.Ltmp1:
0x14f: {  	s19 =	sadd.s32 $0x1600, s18;
	[sflag:s9] =	ssyncadd.s32 $0xFFFFD800;
	(pc) =	sbr.rel @p1 .LBB2_4-.Ltmp1, $4  }
0x150: {  	[spmem:s2] =	stream.indirect.scatter.add.f32 [tilespmem:s0], [sflag:$0x5], $0x80, s19, s31, $0xb8;
	[tilespmem:$0x1EC80] =	vst v63  }
0x151: {  	_ =	swait.ge [sflag:s11], $0x2800  }
0x152: {  	[sflag:s11] =	ssyncset.done $0x0  }
0x153: {  	s17 =	sadd.s32 $0xF0, s17;
	s18 =	sadd.s32 $0x1680, s18;
	[sflag:s11] =	ssyncadd.s32 $0xFFFFD800  }
0x154: {  	[spmem:s2] =	stream.indirect.scatter.add.f32 [tilespmem:s8], [sflag:$0x6], $0x80, s18, s31, $0xb8;
	[tilespmem:$0x1EC80] =	vst v63  }
0x155: {  	_ =	swait.ge [sflag:s13], $0x2800  }
0x156: {  	[sflag:s13] =	ssyncset.done $0x0  }
0x157: {  	s16 =	simm.s32 $0x13B0;
	[sflag:s13] =	ssyncadd.s32 $0xFFFFD800  }
0x158: {  	[tilespmem:s1], [sflag:$0x1] =	stream.indirect.gather [hbm4b:s4+s31], $0x80, s16, s31, $0xb8;
	[tilespmem:$0x1EC80] =	vst v63  }
0x159: {  	_ =	swait.ge [sflag:s28], $0x2800  }
0x15a: {  	[sflag:s28] =	ssyncset.done $0x0  }
0x15b: {  	s17 =	simm.s32 $0x3380;
	[sflag:s28] =	ssyncadd.s32 $0xFFFFD800  }
0x15c: {  	[spmem:s2] =	stream.indirect.scatter.add.f32 [tilespmem:s1], [sflag:$0x4], $0x80, s17, s31, $0xb8;
	[tilespmem:$0x1EC80] =	vst v63  }
0x15d: {  	_ =	swait.ge [sflag:s13], $0x2800  }
0x15e: {  	[sflag:s13] =	ssyncset.done $0x0  }
0x15f: {  	[sflag:s13] =	ssyncadd.s32 $0xFFFFD800  }
0x160: {  	_ =	swait.ge [sflag:s14], $0x2800  }
0x161: {  	[sflag:s14] =	ssyncset.done $0x0  }
0x162: {  	[sflag:s14] =	ssyncadd.s32 $0xFFFFD800  }
0x163: {  	_ =	swait.ge [sflag:s15], $0x2800  }
0x164: {  	[sflag:s15] =	ssyncset.done $0x0  }
0x165: {  	s18 =	simm.s32 $0x0;
	s17 =	rddreg [dreg:$0x5];
	[sflag:s15] =	ssyncadd.s32 $0xFFFFD800  }
0x166: {  	[tilespmem:s18], [sflag:$0x7] =	stream.linear.gather [hbm4b:s17+s18], $0x1310, $0x38;
	[tilespmem:$0x1EC80] =	vst v63  }
0x167: {  	_ =	swait.ge [sflag:s29], $0x1310  }
0x168: {  	[sflag:s29] =	ssyncset.done $0x0  }
0x169: {  	s19 =	rddreg [dreg:$0x6];
	[sflag:s29] =	ssyncadd.s32 $0xFFFFECF0  }
0x16a: {  	[tilespmem:s30], [sflag:$0x7] =	stream.linear.gather [hbm4b:s19+s18], $0x1E80, $0x38;
	[tilespmem:$0x1EC80] =	vst v63  }
0x16b: {  	_ =	swait.ge [sflag:s29], $0x1E80  }
0x16c: {  	[sflag:s29] =	ssyncset.done $0x0  }
0x16d: {  	[sflag:s29] =	ssyncadd.s32 $0xFFFFE180  }
0x16e: {  	[tilespmem:s1], [sflag:$0x1] =	stream.indirect.gather [hbm4b:s4+s31], $0x80, s18, s31, $0xb8;
	[tilespmem:$0x1EC80] =	vst v63  }
0x16f: {  	_ = 	snop  }
0x170: {  	[tilespmem:s0], [sflag:$0x2] =	stream.indirect.gather [hbm4b:s4+s31], $0x80, s31, s31, $0xb8;
	[tilespmem:$0x1EC80] =	vst v63  }
0x171: {  	_ = 	snop  }
0x172: {  	[tilespmem:s8], [sflag:$0x3] =	stream.indirect.gather [hbm4b:s4+s31], $0x80, s7, s31, $0xb8;
	[tilespmem:$0x1EC80] =	vst v63  }
0x173: {  	_ =	swait.ge [sflag:s28], $0x2800  }
0x174: {  	[sflag:s28] =	ssyncset.done $0x0  }
0x175: {  	[sflag:s28] =	ssyncadd.s32 $0xFFFFD800  }
0x176: {  	[spmem:s2] =	stream.indirect.scatter.add.f32 [tilespmem:s1], [sflag:$0x4], $0x80, s30, s31, $0xb8;
	[tilespmem:$0x1EC80] =	vst v63  }
0x177: {  	_ =	swait.ge [sflag:s9], $0x2800  }
0x178: {  	[sflag:s9] =	ssyncset.done $0x0  }
0x179: {  	[sflag:s9] =	ssyncadd.s32 $0xFFFFD800  }
0x17a: {  	[spmem:s2] =	stream.indirect.scatter.add.f32 [tilespmem:s0], [sflag:$0x5], $0x80, s10, s31, $0xb8;
	[tilespmem:$0x1EC80] =	vst v63  }
0x17b: {  	_ =	swait.ge [sflag:s11], $0x2800  }
0x17c: {  	[sflag:s11] =	ssyncset.done $0x0  }
0x17d: {  	[sflag:s11] =	ssyncadd.s32 $0xFFFFD800  }
0x17e: {  	[spmem:s2] =	stream.indirect.scatter.add.f32 [tilespmem:s8], [sflag:$0x6], $0x80, s12, s31, $0xb8;
	[tilespmem:$0x1EC80] =	vst v63  }
0x17f: {  	_ =	swait.ge [sflag:s13], $0x2800  }
0x180: {  	[sflag:s13] =	ssyncset.done $0x0  }
0x181: {  	s18 =	simm.s32 $0xF0;
	[sflag:s13] =	ssyncadd.s32 $0xFFFFD800  }
0x182: {  	[tilespmem:s1], [sflag:$0x1] =	stream.indirect.gather [hbm4b:s4+s31], $0x80, s18, s31, $0xb8;
	[tilespmem:$0x1EC80] =	vst v63  }
0x183: {  	_ =	swait.ge [sflag:s14], $0x2800  }
0x184: {  	[sflag:s14] =	ssyncset.done $0x0  }
0x185: {  	s19 =	simm.s32 $0x140;
	[sflag:s14] =	ssyncadd.s32 $0xFFFFD800  }
0x186: {  	[tilespmem:s0], [sflag:$0x2] =	stream.indirect.gather [hbm4b:s4+s31], $0x80, s19, s31, $0xb8;
	[tilespmem:$0x1EC80] =	vst v63  }
0x187: {  	_ =	swait.ge [sflag:s15], $0x2800  }
0x188: {  	[sflag:s15] =	ssyncset.done $0x0  }
0x189: {  	s17 =	simm.s32 $0x190;
	[sflag:s15] =	ssyncadd.s32 $0xFFFFD800  }
0x18a: {  	[tilespmem:s8], [sflag:$0x3] =	stream.indirect.gather [hbm4b:s4+s31], $0x80, s17, s31, $0xb8;
	[tilespmem:$0x1EC80] =	vst v63  }
0x18b: {  	_ =	swait.ge [sflag:s28], $0x2800  }
0x18c: {  	[sflag:s28] =	ssyncset.done $0x0  }
0x18d: {  	s18 =	simm.s32 $0x1580;
	[sflag:s28] =	ssyncadd.s32 $0xFFFFD800  }
0x18e: {  	[spmem:s2] =	stream.indirect.scatter.add.f32 [tilespmem:s1], [sflag:$0x4], $0x80, s18, s31, $0xb8;
	[tilespmem:$0x1EC80] =	vst v63  }
0x18f: {  	_ =	swait.ge [sflag:s9], $0x2800  }
0x190: {  	[sflag:s9] =	ssyncset.done $0x0  }
0x191: {  	s19 =	simm.s32 $0x1600;
	[sflag:s9] =	ssyncadd.s32 $0xFFFFD800  }
0x192: {  	[spmem:s2] =	stream.indirect.scatter.add.f32 [tilespmem:s0], [sflag:$0x5], $0x80, s19, s31, $0xb8;
	[tilespmem:$0x1EC80] =	vst v63  }
0x193: {  	_ =	swait.ge [sflag:s11], $0x2800  }
0x194: {  	s16 =	simm.s32 $0x600;
	[sflag:s11] =	ssyncset.done $0x0  }
0x195: {  	s17 =	simm.s32 $0x1E0;
	s18 =	simm.s32 $0x1680;
	[sflag:s11] =	ssyncadd.s32 $0xFFFFD800  }
.LBB2_6:
0x196: {  	[spmem:s2] =	stream.indirect.scatter.add.f32 [tilespmem:s8], [sflag:$0x6], $0x80, s18, s31, $0xb8;
	[tilespmem:$0x1EC80] =	vst v63  }
0x197: {  	s18 =	smov.u32 s16  }
0x198: {  	p1 =	sne.s32 s16, $0x6C00;
	s16 =	sadd.s32 $0x600, s16;
	_ =	swait.ge [sflag:s13], $0x2800  }
0x199: {  	[sflag:s13] =	ssyncset.done $0x0  }
0x19a: {  	[sflag:s13] =	ssyncadd.s32 $0xFFFFD800  }
0x19b: {  	[tilespmem:s1], [sflag:$0x1] =	stream.indirect.gather [hbm4b:s4+s31], $0x80, s17, s31, $0xb8;
	[tilespmem:$0x1EC80] =	vst v63  }
0x19c: {  	_ =	swait.ge [sflag:s14], $0x2800  }
0x19d: {  	[sflag:s14] =	ssyncset.done $0x0  }
0x19e: {  	s19 =	sadd.s32 $0x50, s17;
	[sflag:s14] =	ssyncadd.s32 $0xFFFFD800  }
0x19f: {  	[tilespmem:s0], [sflag:$0x2] =	stream.indirect.gather [hbm4b:s4+s31], $0x80, s19, s31, $0xb8;
	[tilespmem:$0x1EC80] =	vst v63  }
0x1a0: {  	_ =	swait.ge [sflag:s15], $0x2800  }
0x1a1: {  	[sflag:s15] =	ssyncset.done $0x0  }
0x1a2: {  	s19 =	sadd.s32 $0xA0, s17;
	[sflag:s15] =	ssyncadd.s32 $0xFFFFD800  }
0x1a3: {  	[tilespmem:s8], [sflag:$0x3] =	stream.indirect.gather [hbm4b:s4+s31], $0x80, s19, s31, $0xb8;
	[tilespmem:$0x1EC80] =	vst v63  }
0x1a4: {  	_ =	swait.ge [sflag:s28], $0x2800  }
0x1a5: {  	s18 =	sshra.s32 s18, $0x2;
	[sflag:s28] =	ssyncset.done $0x0  }
0x1a6: {  	s19 =	sadd.s32 $0x1580, s18;
	[sflag:s28] =	ssyncadd.s32 $0xFFFFD800  }
0x1a7: {  	[spmem:s2] =	stream.indirect.scatter.add.f32 [tilespmem:s1], [sflag:$0x4], $0x80, s19, s31, $0xb8;
	[tilespmem:$0x1EC80] =	vst v63  }
0x1a8: {  	_ =	swait.ge [sflag:s9], $0x2800  }
0x1a9: {  	[sflag:s9] =	ssyncset.done $0x0  }
.Ltmp2:
0x1aa: {  	s19 =	sadd.s32 $0x1600, s18;
	[sflag:s9] =	ssyncadd.s32 $0xFFFFD800;
	(pc) =	sbr.rel @p1 .LBB2_6-.Ltmp2, $4  }
0x1ab: {  	[spmem:s2] =	stream.indirect.scatter.add.f32 [tilespmem:s0], [sflag:$0x5], $0x80, s19, s31, $0xb8;
	[tilespmem:$0x1EC80] =	vst v63  }
0x1ac: {  	_ =	swait.ge [sflag:s11], $0x2800  }
0x1ad: {  	[sflag:s11] =	ssyncset.done $0x0  }
0x1ae: {  	s17 =	sadd.s32 $0xF0, s17;
	s18 =	sadd.s32 $0x1680, s18;
	[sflag:s11] =	ssyncadd.s32 $0xFFFFD800  }
0x1af: {  	[spmem:s2] =	stream.indirect.scatter.add.f32 [tilespmem:s8], [sflag:$0x6], $0x80, s18, s31, $0xb8;
	[tilespmem:$0x1EC80] =	vst v63  }
0x1b0: {  	_ =	swait.ge [sflag:s13], $0x2800  }
0x1b1: {  	[sflag:s13] =	ssyncset.done $0x0  }
0x1b2: {  	s16 =	simm.s32 $0x12C0;
	[sflag:s13] =	ssyncadd.s32 $0xFFFFD800  }
0x1b3: {  	[tilespmem:s1], [sflag:$0x1] =	stream.indirect.gather [hbm4b:s4+s31], $0x80, s16, s31, $0xb8;
	[tilespmem:$0x1EC80] =	vst v63  }
0x1b4: {  	_ =	swait.ge [sflag:s28], $0x2800  }
0x1b5: {  	[sflag:s28] =	ssyncset.done $0x0  }
0x1b6: {  	s17 =	simm.s32 $0x3200;
	[sflag:s28] =	ssyncadd.s32 $0xFFFFD800  }
0x1b7: {  	[spmem:s2] =	stream.indirect.scatter.add.f32 [tilespmem:s1], [sflag:$0x4], $0x80, s17, s31, $0xb8;
	[tilespmem:$0x1EC80] =	vst v63  }
0x1b8: {  	_ =	swait.ge [sflag:s13], $0x2800  }
0x1b9: {  	[sflag:s13] =	ssyncset.done $0x0  }
0x1ba: {  	[sflag:s13] =	ssyncadd.s32 $0xFFFFD800  }
0x1bb: {  	_ =	swait.ge [sflag:s14], $0x2800  }
0x1bc: {  	[sflag:s14] =	ssyncset.done $0x0  }
0x1bd: {  	[sflag:s14] =	ssyncadd.s32 $0xFFFFD800  }
0x1be: {  	_ =	swait.ge [sflag:s15], $0x2800  }
0x1bf: {  	[sflag:s15] =	ssyncset.done $0x0  }
0x1c0: {  	s18 =	stileid.u32;
	[sflag:s15] =	ssyncadd.s32 $0xFFFFD800  }
0x1c1: {  	s16 =	sshll.u32 s18, $0x6;
	[bflag:$0x0] =	sbarrier.arrive $0xFFFF  }
0x1c2: {  	s16 =	sor.u32 $0x1C07, s16;
	s17 =	sshrl.u32 s5, $0x3;
	s19 =	rddreg [dreg:$0x7]  }
0x1c3: {  	[hbm:s19], [sflag:s16] =	dma.local [spmem:s17], $0x2700  }
0x1c4: {  	_ =	swait.ge [sflag:s29], $0x2700  }
0x1c5: {  	[sflag:s29] =	ssyncset.done $0x0  }
0x1c6: {  	s17 =	sshrl.u32 @!p0 s6, $0x3;
	s18 =	rddreg [dreg:$0x8];
	[sflag:s29] =	ssyncadd.s32 $0xFFFFD900  }
0x1c7: {  	[hbm:s18], [sflag:s16] =	dma.local @!p0 [spmem:s17], $0x100  }
0x1c8: {  	s16 =	simm.s32 @!p0 $0x7  }
0x1c9: {  	_ =	swait.ge @!p0 [sflag:s16], $0x100  }
0x1ca: {  	s3 =	sadd.s32 $0x1, s3;
	s19 =	rddreg [dreg:$0x9]  }
0x1cb: {  	p1 =	sne.s32 s3, s19  }
.Ltmp3:
0x1cc: {  	_ = 	snop;
	(pc) =	sbr.rel @p1 .LBB2_1-.Ltmp3, $3  }
0x1cd: {  	_ =	sdelay $0x1  }
0x1ce: {  	[sflag:s16] =	ssyncset.done @!p0 $0x0  }
0x1cf: {  	[sflag:s16] =	ssyncadd.s32 @!p0 $0xFFFFFF00  }
0x1d0: {  	_ =	sfence.sel $0x180000  }
0x1d1: {  	[bflag:$0x0] =	sbarrier.arrive $0xFFFF  }
0x1d2: {  	_ =	strace $0x9000004D  }
0x1d3: {  	s0 =	stileid.u32;
	[bflag:$0x2] =	sbarrier.arrive $0xFFFF  }
0x1d4: {  	p0 =	sne.s32 s0, $0x0;
	s0 =	rddreg [dreg:$0x2]  }
0x1d5: {  	s0 =	sadd.s32 @!p0 $0x100000, s0  }
0x1d6: {  	[sflag:s0] =	ssyncadd.tile.s32 @!p0 $0x1;
	_ =	shalt  }
.Lfunc_end2:
_tile_overlayer_lowered:
.L_overlay_start_2:
0x1d7: {  	(tag) =	ssettag $0x2  }
0x1d8: {  	s0 =	rddreg [dreg:$0x0];
	s2 =	stileid.u32  }
0x1d9: {  	s1 =	rddreg [dreg:$0x1];
	p0 =	sne.s32 s2, $0x0  }
0x1da: {  	s3 =	rddreg [dreg:$0x2];
	[bflag:$0x3] =	sbarrier.arrive $0xFFFF;
	s2 =	simm.s32 @!p0 $0x1C07  }
0x1db: {  	[timem:s3], [sflag:s2] =	dma.local @!p0 [hbm:s0], s1  }
0x1dc: {  	s0 =	simm.s32 @!p0 $0x7  }
0x1dd: {  	_ =	swait.ge @!p0 [sflag:s0], s1  }
0x1de: {  	s1 =	ssub.s32 @!p0 $0x0, s1;
	[sflag:s0] =	ssyncset.done @!p0 $0x0  }
0x1df: {  	[sflag:s0] =	ssyncadd.s32 @!p0 s1  }
0x1e0: {  	[bflag:$0x3] =	sbarrier.arrive $0xFFFF  }
0x1e1: {  	_ =	shalt  }

// kernel: kernel.8.cloned.1.call-start
scs
__scs_entry_jumppad:
0x0: {  	(pc) =	sbr.rel $0x88, $3  }
0x1: {  	(tag) =	ssettag $0x0;
	lr =	simm.s32 $0x1  }
0x2: {  	[smem:$0x3F98] =	sst lr;
	_ =	strace $0xD0000000  }
0x3: {  	_ = 	snop  }
0x4: {  	_ = 	snop  }
0x5: {  	_ = 	snop  }
0x6: {  	_ = 	snop  }
0x7: {  	_ = 	snop  }
__scs_overlays_trampoline_lowered:
0x8: {  	[smem:$0x3FA7] =	sst s0  }
0x9: {  	[smem:$0x3FA8] =	sst s1  }
0xa: {  	[smem:$0x3FA9] =	sst s2  }
0xb: {  	[smem:$0x3FAA] =	sst s3  }
0xc: {  	[smem:$0x3FAB] =	sst s4  }
0xd: {  	[smem:$0x3FAC] =	sst s5  }
0xe: {  	[smem:$0x3FAD] =	sst s6  }
0xf: {  	[smem:$0x3FAE] =	sst s7  }
0x10: {  	[smem:$0x3FAF] =	sst s8  }
0x11: {  	[smem:$0x3FB0] =	sst s9;
	s0 =	simm.s32 @!p0 $0x0  }
0x12: {  	s1 =	sld [smem:$0x3F96];
	s0 =	simm.s32 @p0 $0x1  }
0x13: {  	[smem:$0x3FB1] =	sst s0;
	s0 =	simm.s32 @!p1 $0x0  }
0x14: {  	s2 =	sld [smem:$0x3F95];
	s0 =	simm.s32 @p1 $0x1  }
0x15: {  	[smem:$0x3FB2] =	sst s0;
	s0 =	simm.s32 @!p2 $0x0  }
0x16: {  	s3 =	sld [smem:$0x3FDB];
	s0 =	simm.s32 @p2 $0x1  }
0x17: {  	s4 =	simm.s32 $0x1BF5;
	[smem:$0x3FB4] =	sst s0  }
0x18: {  	s0 =	sld [smem:$0x3F97];
	_ =	swait.ge [sflag:s4], $0x0  }
0x19: {  	s7 =	sld [smem:$0x3F98]  }
0x1a: {  	s8 =	sadd.s32 $0xFFFFE003, lr  }
0x1b: {  	s9 =	sadd.s32 $0xFFFFFEF7, lr;
	s5 =	simm.s32 $0xFFFFFFFF;
	p2 =	slt.u32 s8, $0xFFFFF086  }
0x1c: {  	p1 =	slt.u32 s9, $0xF7A;
	s5 =	simm.s32 @!p2 $0x0  }
0x1d: {  	s5 =	simm.s32 @p1 $0x1;
	p0 =	seq.s32 s7, s2  }
0x1e: {  	s7 =	smul.u32 @!p0 $0xF7A, s2;
	p2 =	seq.s32 @!p0 s5, $0x0  }
0x1f: {  	s9 =	smul.u32 $0xF7A, s1;
	s8 =	simm.s32 @!p0 $0x1BF5;
	p2 =	por !p2, p0  }
0x20: {  	[sflag:s8] =	ssyncset.s32 @!p0 $0xFFFFF086;
	s6 =	sadd.s32 @!p0 s3, s7;
	s7 =	simm.s32 @!p0 $0x108  }
0x21: {  	s3 =	sadd.s32 s3, s9;
	s6 =	sadd.s32 @!p0 $0x88, s6;
	s7 =	simm.s32 @p2 $0x1082  }
0x22: {  	[simem:s7], [sflag:s8] =	dma.local @!p0 [hbm:s6], $0xF7A  }
0x23: {  	s9 =	sor.u32 $0xD0000000, s2;
	s6 =	simm.s32 $0x108;
	_ =	swait.ge @!p0 [sflag:s8], $0x0  }
0x24: {  	s3 =	sadd.s32 $0x88, s3;
	s6 =	simm.s32 @!p1 $0x1082;
	[sflag:s4] =	ssyncset.s32 $0xFFFFF086  }
0x25: {  	[simem:s6], [sflag:s4] =	dma.local [hbm:s3], $0xF7A  }
0x26: {  	[smem:$0x3F98] =	sst s1;
	(tag) =	ssettag s2;
	_ =	strace s9  }
0x27: {  	s1 =	sld [smem:$0x3FA8]  }
0x28: {  	s2 =	sld [smem:$0x3FA9]  }
0x29: {  	s4 =	sld [smem:$0x3FAB]  }
0x2a: {  	p0 =	seq.s32 s5, $0x0;
	s5 =	sld [smem:$0x3FAC]  }
0x2b: {  	s6 =	sld [smem:$0x3FAD]  }
0x2c: {  	s7 =	sld [smem:$0x3FAE]  }
0x2d: {  	s3 =	simm.s32 $0x108;
	s8 =	sld [smem:$0x3FAF]  }
0x2e: {  	s3 =	simm.s32 @!p0 $0x1082;
	s9 =	sld [smem:$0x3FB0]  }
0x2f: {  	lr =	sadd.s32 s0, s3;
	s0 =	sld [smem:$0x3FA7]  }
0x30: {  	s3 =	sld [smem:$0x3FAA]  }
0x31: {  	[smem:$0x3FB3] =	sst s10  }
0x32: {  	s10 =	sld [smem:$0x3FB1];
	_ =	sdelay $0x3  }
0x33: {  	p0 =	seq.s32 s10, $0x1;
	s10 =	sld [smem:$0x3FB3];
	_ =	sdelay $0x3  }
0x34: {  	[smem:$0x3FB3] =	sst s10  }
0x35: {  	s10 =	sld [smem:$0x3FB2];
	_ =	sdelay $0x3  }
0x36: {  	p1 =	seq.s32 s10, $0x1;
	s10 =	sld [smem:$0x3FB3];
	_ =	sdelay $0x3  }
0x37: {  	[smem:$0x3FB3] =	sst s10  }
0x38: {  	s10 =	sld [smem:$0x3FB4]  }
0x39: {  	_ = 	snop;
	(pc) =	sbr.ind lr, $3  }
0x3a: {  	_ = 	snop  }
0x3b: {  	_ = 	snop  }
0x3c: {  	p2 =	seq.s32 s10, $0x1;
	s10 =	sld [smem:$0x3FB3]  }
0x3d: {  	_ =	shalt  }
0x3e: {  	_ =	shalt  }
0x3f: {  	_ =	shalt  }
0x40: {  	_ =	shalt  }
0x41: {  	_ =	shalt  }
0x42: {  	_ =	shalt  }
0x43: {  	_ =	shalt  }
0x44: {  	_ =	shalt  }
0x45: {  	_ =	shalt  }
0x46: {  	_ =	shalt  }
0x47: {  	_ =	shalt  }
0x48: {  	_ =	shalt  }
0x49: {  	_ =	shalt  }
0x4a: {  	_ =	shalt  }
0x4b: {  	_ =	shalt  }
0x4c: {  	_ =	shalt  }
0x4d: {  	_ =	shalt  }
0x4e: {  	_ =	shalt  }
0x4f: {  	_ =	shalt  }
0x50: {  	_ =	shalt  }
0x51: {  	_ =	shalt  }
0x52: {  	_ =	shalt  }
0x53: {  	_ =	shalt  }
0x54: {  	_ =	shalt  }
0x55: {  	_ =	shalt  }
0x56: {  	_ =	shalt  }
0x57: {  	_ =	shalt  }
0x58: {  	_ =	shalt  }
0x59: {  	_ =	shalt  }
0x5a: {  	_ =	shalt  }
0x5b: {  	_ =	shalt  }
0x5c: {  	_ =	shalt  }
0x5d: {  	_ =	shalt  }
0x5e: {  	_ =	shalt  }
0x5f: {  	_ =	shalt  }
0x60: {  	_ =	shalt  }
0x61: {  	_ =	shalt  }
0x62: {  	_ =	shalt  }
0x63: {  	_ =	shalt  }
0x64: {  	_ =	shalt  }
0x65: {  	_ =	shalt  }
0x66: {  	_ =	shalt  }
0x67: {  	_ =	shalt  }
0x68: {  	_ =	shalt  }
0x69: {  	_ =	shalt  }
0x6a: {  	_ =	shalt  }
0x6b: {  	_ =	shalt  }
0x6c: {  	_ =	shalt  }
0x6d: {  	_ =	shalt  }
0x6e: {  	_ =	shalt  }
0x6f: {  	_ =	shalt  }
0x70: {  	_ =	shalt  }
0x71: {  	_ =	shalt  }
0x72: {  	_ =	shalt  }
0x73: {  	_ =	shalt  }
0x74: {  	_ =	shalt  }
0x75: {  	_ =	shalt  }
0x76: {  	_ =	shalt  }
0x77: {  	_ =	shalt  }
0x78: {  	_ =	shalt  }
0x79: {  	_ =	shalt  }
0x7a: {  	_ =	shalt  }
0x7b: {  	_ =	shalt  }
0x7c: {  	_ =	shalt  }
0x7d: {  	_ =	shalt  }
0x7e: {  	_ =	shalt  }
0x7f: {  	_ =	shalt  }
0x80: {  	_ =	shalt  }
0x81: {  	_ =	shalt  }
0x82: {  	_ =	shalt  }
0x83: {  	_ =	shalt  }
0x84: {  	_ =	shalt  }
0x85: {  	_ =	shalt  }
0x86: {  	_ =	shalt  }
0x87: {  	_ =	shalt  }
.Lfunc_end0:
.L_simem_size_0:
called_computation_lowered:
.L_overlay_start_0:
0x88: {  	s2 =	sld [smem:$0x3FD9]  }
0x89: {  	s3 =	sld [smem:$0x3FFE];
	_ =	sdelay $0x1  }
0x8a: {  	s1 =	srdreg.scid  }
0x8b: {  	s0 =	sand.u32 $0x1, s1  }
0x8c: {  	s16 =	sshll.u32 s0, $0xA;
	s2 =	sadd.s32 s3, s2  }
0x8d: {  	s2 =	sadd.s32 s2, s16  }
0x8e: {  	[smem:$0x3FBF] =	sst s2  }
0x8f: {  	_ = 	snop  }
0x90: {  	(tm) =	ssettm $0x1  }
0x91: {  	s17 =	sld [smem:$0x3FFB];
	_ =	sdelay $0x3  }
0x92: {  	_ =	strace s17  }
0x93: {  	s2 =	sld [smem:$0x3FFC];
	_ =	sdelay $0x3  }
0x94: {  	_ =	strace s2  }
0x95: {  	s2 =	sld [smem:$0x3FFD];
	_ =	sdelay $0x3  }
0x96: {  	_ =	strace s2  }
0x97: {  	_ =	strace $0x8FFFFFFF  }
0x98: {  	s18 =	sld [smem:$0x3FDB];
	_ =	sdelay $0x1  }
0x99: {  	s19 =	simm.s32 $_scs_section_size  }
0x9a: {  	s4 =	simm.s32 $_size__tile_overlayer_lowered;
	s5 =	simm.s32 $_tile_overlayer_lowered  }
0x9b: {  	s22 =	simm.s32 $0x1BFF;
	s21 =	sshll.u32 s5, $0x1;
	s2 =	sadd.s32 s19, s18  }
0x9c: {  	s6 =	simm.s32 $0x0;
	s20 =	sshll.u32 s4, $0x1;
	s4 =	sadd.s32 s21, s2  }
0x9d: {  	[timem:s6], [sflag:s22] =	dma.local [hbm:s4], s20  }
0x9e: {  	_ =	swait.ge [sflag:s22], s20  }
0x9f: {  	s3 =	ssub.s32 $0x0, s20;
	[sflag:s22] =	ssyncset.done $0x0  }
0xa0: {  	[sflag:s22] =	ssyncadd.s32 s3;
	_ =	sdelay $0x1  }
0xa1: {  	s23 =	simm.s32 $0x1B8B  }
0xa2: {  	_ =	swait.ge [sflag:s23], $0x1  }
0xa3: {  	[sflag:s23] =	ssyncset.done $0x0  }
0xa4: {  	s25 =	simm.s32 $0x1B8E;
	s24 =	sld [smem:$0x3FFE];
	[sflag:s23] =	ssyncadd.s32 $0xFFFFFFFF  }
0xa5: {  	s26 =	simm.s32 $execute0_lowered;
	[smem:$0x3FD2] =	sst s25  }
0xa6: {  	s4 =	sshll.u32 s26, $0x1;
	_ =	strace $0x80000046;
	[dreg:$0x1] =	wrdreg $0xFFFFFFFF  }
0xa7: {  	s28 =	simm.s32 $_size_execute0_lowered;
	s2 =	sadd.s32 s2, s4;
	[dreg:$0x0] =	wrdreg $0x0  }
0xa8: {  	s4 =	sshll.u32 s28, $0x1;
	[dreg:$0x2] =	wrdreg s2  }
0xa9: {  	[dreg:$0x3] =	wrdreg s4  }
0xaa: {  	[dreg:$0x4] =	wrdreg $0xC0  }
0xab: {  	_ =	task [dreg:s6], $0x5FFFF  }
0xac: {  	[dreg:$0x1] =	wrdreg $0xFFFFFFFF  }
0xad: {  	[dreg:$0x0] =	wrdreg $0x60  }
0xae: {  	[dreg:$0x2] =	wrdreg s24  }
0xaf: {  	[dreg:$0x3] =	wrdreg $0x44000  }
0xb0: {  	[dreg:$0x4] =	wrdreg $0x9  }
0xb1: {  	_ =	task.clear_ibuf [dreg:s6], $0x5FFFF;
	_ =	strace $0x90000046  }
0xb2: {  	s29 =	simm.s32 $0x9;
	_ =	strace $0x80000048  }
0xb3: {  	_ =	swait.ge [sflag:s29], $0x1  }
0xb4: {  	[sflag:s29] =	ssyncadd.s32 $0xFFFFFFFF  }
0xb5: {  	_ =	strace $0x90000048  }
0xb6: {  	_ =	sfence  }
0xb7: {  	s30 =	sld [smem:$0x0];
	_ =	sdelay $0x2  }
0xb8: {  	s31 =	sshll.u32 s1, $0xD;
	s1 =	sshrl.u32 s1, $0x2  }
0xb9: {  	s3 =	sand.u32 $0x4000, s31;
	s1 =	sadd.s32 s1, s30  }
0xba: {  	s0 =	sor.u32 s3, s0;
	s1 =	sshll.u32 s1, $0x11  }
0xbb: {  	s0 =	sor.u32 s1, s0  }
0xbc: {  	s0 =	sadd.s32 $0x8F2B, s0  }
0xbd: {  	[sflag:s0] =	ssyncadd.remote.s32 $0x1  }
0xbe: {  	_ =	sfence.sel $0xFFFF  }
0xbf: {  	[dreg:$0x0] =	wrdreg $0xFFFFFFFF;
	(pc) =	sbr.abs _section_cstart, $3  }
0xc0: {  	[dreg:$0x1] =	wrdreg $0xFFFFFFFF  }
0xc1: {  	_ =	task.clear_ibuf [dreg:s6], $0x2FFFF;
	_ =	strace $0x9FFFFFFF  }
0xc2: {  	(tm) =	ssettm $0x7FFFFFFF  }
0xc3: {  	_ =	shalt  }
tec
execute0_lowered:
.L_overlay_start_1:
0x0: {  	(tag) =	ssettag $0x1  }
0x1: {  	s4 =	rddreg [dreg:$0x0]  }
0x2: {  	s1 =	rddreg [dreg:$0x1]  }
0x3: {  	s0 =	rddreg [dreg:$0x2]  }
0x4: {  	s3 =	simm.s32 $0x0;
	s5 =	srdreg.scid;
	s2 =	stileid.u32  }
0x5: {  	s13 =	simm.s32 $0x2;
	s14 =	simm.s32 $0x50;
	s15 =	simm.s32 $0x4000  }
0x6: {  	s16 =	simm.s32 $0x1;
	s17 =	simm.s32 $0x4180;
	s18 =	simm.s32 $0x0  }
0x7: {  	[smem:$0x7FF] =	sst s3;
	s7 =	sand.u32 $0x1, s5;
	s29 =	sshll.u32 s2, $0xB  }
0x8: {  	s8 =	smul.u32 $0x270, s2;
	s10 =	sadd.s32 $0x1CC00, s4;
	p0 =	sne.s32 s2, $0xF  }
0x9: {  	_ =	strace $0x80000047;
	s6 =	ssub.s32 $0x2, s7;
	s9 =	sadd.s32 s29, s4  }
0xa: {  	s12 =	smul.u32 $0x2710, s7;
	s7 =	sshll.u32 s7, $0xF;
	s30 =	sshrl.u32 s6, $0x1  }
0xb: {  	s4 =	sadd.s32 s8, s1;
	s7 =	sadd.s32 s7, s9;
	s11 =	ssub.s32 s6, s30  }
0xc: {  	s5 =	sadd.s32 $0x200, s4;
	s6 =	sadd.s32 $0x2700, s1;
	s8 =	sadd.s32 s8, s12  }
0xd: {  	s31 =	sshrl.u32 s12, $0x3;
	s7 =	sadd.s32 $0xCC00, s7;
	s8 =	sshrl.u32 s8, $0x3  }
0xe: {  	s12 =	simm.s32 $0x4080;
	s9 =	sadd.s32 s10, s31;
	s8 =	sadd.s32 s10, s8  }
0xf: {  	v0 =	vimm.f32 $0.0e+00;
	v1 =	vimm.f32 $1.000000000e+00;
	s9 =	sadd.s32 $0x4E0, s9;
	s10 =	smax.u32 s11, $0x1;
	s11 =	sadd.s32 $0x100, s4  }
.LBB2_1:
0x10: {  	[tilespmem:$0x4080] =	vst v0  }
0x11: {  	[tilespmem:$0x4090] =	vst v0  }
0x12: {  	[tilespmem:$0x40A0] =	vst v0  }
0x13: {  	[tilespmem:$0x40B0] =	vst v0  }
0x14: {  	[tilespmem:$0x40C0] =	vst v0  }
0x15: {  	[tilespmem:$0x40D0] =	vst v0  }
0x16: {  	[tilespmem:$0x40E0] =	vst v0  }
0x17: {  	[tilespmem:$0x40F0] =	vst v0  }
0x18: {  	[tilespmem:$0x4100] =	vst v0  }
0x19: {  	[tilespmem:$0x4110] =	vst v0  }
0x1a: {  	[tilespmem:$0x4120] =	vst v0  }
0x1b: {  	[tilespmem:$0x4130] =	vst v0  }
0x1c: {  	[tilespmem:$0x4140] =	vst v0  }
0x1d: {  	[tilespmem:$0x4150] =	vst v0  }
0x1e: {  	[tilespmem:$0x4160] =	vst v0  }
0x1f: {  	[tilespmem:$0x4170] =	vst v0  }
0x20: {  	[tilespmem:$0x4000] =	vst v1  }
0x21: {  	[tilespmem:$0x4010] =	vst v1  }
0x22: {  	[tilespmem:$0x4020] =	vst v1  }
0x23: {  	[tilespmem:$0x4030] =	vst v1  }
0x24: {  	[tilespmem:$0x4040] =	vst v1  }
0x25: {  	[spmem:s4] =	stream.linear.scatter [tilespmem:s12], [sflag:$0x1], $0x100, $0x38;
	[tilespmem:$0x4678] =	vst v63  }
0x26: {  	_ = 	snop  }
0x27: {  	[spmem:s11] =	stream.linear.scatter [tilespmem:s12], [sflag:$0x1], $0x100, $0x38;
	[tilespmem:$0x4678] =	vst v63  }
0x28: {  	s19 =	simm.s32 @p0 $0x1  }
0x29: {  	[spmem:s5] =	stream.linear.scatter [tilespmem:s12], [sflag:$0x1], $0x70, $0x38;
	[tilespmem:$0x4678] =	vst v63  }
0x2a: {  	_ =	swait.ge @p0 [sflag:s19], $0x100  }
0x2b: {  	[sflag:s19] =	ssyncset.done @p0 $0x0  }
0x2c: {  	[sflag:s19] =	ssyncadd.s32 @p0 $0xFFFFFF00  }
0x2d: {  	_ =	swait.ge @p0 [sflag:s19], $0x100  }
0x2e: {  	[sflag:s19] =	ssyncset.done @p0 $0x0  }
0x2f: {  	[sflag:s19] =	ssyncadd.s32 @p0 $0xFFFFFF00  }
0x30: {  	_ =	swait.ge @p0 [sflag:s19], $0x70  }
0x31: {  	[sflag:s19] =	ssyncset.done @p0 $0x0  }
0x32: {  	[sflag:s19] =	ssyncadd.s32 @p0 $0xFFFFFF90;
	s19 =	simm.s32 @!p0 $0x4080  }
0x33: {  	[spmem:s6] =	stream.linear.scatter @!p0 [tilespmem:s19], [sflag:$0x1], $0x10, $0x38;
	[tilespmem:$0x4678] =	vst v63  }
0x34: {  	s19 =	simm.s32 @!p0 $0x1  }
0x35: {  	_ =	swait.ge @!p0 [sflag:s19], $0x100  }
0x36: {  	[sflag:s19] =	ssyncset.done @!p0 $0x0  }
0x37: {  	[sflag:s19] =	ssyncadd.s32 @!p0 $0xFFFFFF00  }
0x38: {  	_ =	swait.ge @!p0 [sflag:s19], $0x100  }
0x39: {  	[sflag:s19] =	ssyncset.done @!p0 $0x0  }
0x3a: {  	[sflag:s19] =	ssyncadd.s32 @!p0 $0xFFFFFF00  }
0x3b: {  	_ =	swait.ge @!p0 [sflag:s19], $0x70  }
0x3c: {  	[sflag:s19] =	ssyncset.done @!p0 $0x0  }
0x3d: {  	[sflag:s19] =	ssyncadd.s32 @!p0 $0xFFFFFF90  }
0x3e: {  	_ =	swait.ge @!p0 [sflag:s19], $0x10  }
0x3f: {  	[sflag:s19] =	ssyncset.done @!p0 $0x0  }
0x40: {  	[sflag:s19] =	ssyncadd.s32 @!p0 $0xFFFFFFF0  }
0x41: {  	[bflag:$0x0] =	sbarrier.arrive $0xFFFF  }
0x42: {  	[tilespmem:s3], [sflag:$0x2] =	stream.linear.gather [hbm4b:s7+s3], $0x3E80, $0x38;
	[tilespmem:$0x4678] =	vst v63  }
0x43: {  	_ =	swait.ge [sflag:s13], $0x3E80  }
0x44: {  	[sflag:s13] =	ssyncset.done $0x0  }
0x45: {  	s19 =	simm.s32 $0x0;
	[sflag:s13] =	ssyncadd.s32 $0xFFFFC180  }
.LBB2_2:
0x46: {  	p1 =	sne.s32 s19, $0xF800  }
.Ltmp0:
0x47: {  	_ = 	snop;
	(pc) =	sbr.rel @p1 .LBB2_2-.Ltmp0, $3  }
0x48: {  	_ =	sdelay $0x1  }
0x49: {  	s20 =	sshra.s32 s19, $0x2;
	s19 =	sadd.s32 $0x200, s19  }
0x4a: {  	[spmem:s1] =	stream.indirect.scatter.add.f32 [tilespmem:s15], [sflag:$0x1], $0x1, s20, s14, $0xb8;
	[tilespmem:$0x4678] =	vst v63  }
0x4b: {  	_ =	swait.ge [sflag:s16], $0x50  }
0x4c: {  	s19 =	simm.s32 $0x7C;
	[sflag:s16] =	ssyncset.done $0x0  }
.LBB2_4:
0x4d: {  	p1 =	sne.s32 s19, $0x1;
	s19 =	sadd.s32 $0xFFFFFFFF, s19;
	[sflag:s16] =	ssyncadd.s32 $0xFFFFFFB0  }
.Ltmp1:
0x4e: {  	(pc) =	sbr.rel @p1 .LBB2_4-.Ltmp1, $3  }
0x4f: {  	_ =	sdelay $0x1  }
0x50: {  	_ =	swait.ge [sflag:s16], $0x50  }
0x51: {  	[sflag:s16] =	ssyncset.done $0x0  }
0x52: {  	[sflag:s16] =	ssyncadd.s32 $0xFFFFFFB0  }
0x53: {  	[bflag:$0x0] =	sbarrier.arrive $0xFFFF  }
0x54: {  	[tilespmem:s17], [sflag:$0x2] =	stream.linear.gather [spmem:s4], $0x270, $0x38;
	[tilespmem:$0x4678] =	vst v63  }
0x55: {  	_ =	swait.ge [sflag:s13], $0x270  }
0x56: {  	[sflag:s13] =	ssyncset.done $0x0  }
0x57: {  	[sflag:s13] =	ssyncadd.s32 $0xFFFFFD90  }
0x58: {  	[hbm4b:s8+s3] =	stream.linear.scatter [tilespmem:s17], [sflag:$0x2], $0x270, $0x38;
	[tilespmem:$0x4678] =	vst v63  }
0x59: {  	_ =	swait.ge [sflag:s13], $0x270  }
0x5a: {  	[sflag:s13] =	ssyncset.done $0x0  }
0x5b: {  	s19 =	simm.s32 @!p0 $0x4180;
	s20 =	simm.s32 @!p0 $0x2;
	[sflag:s13] =	ssyncadd.s32 $0xFFFFFD90  }
0x5c: {  	[tilespmem:s19], [sflag:$0x2] =	stream.linear.gather @!p0 [spmem:s6], $0x10, $0x38;
	[tilespmem:$0x4678] =	vst v63  }
0x5d: {  	s18 =	sadd.s32 $0x1, s18;
	_ =	swait.ge @!p0 [sflag:s20], $0x10  }
0x5e: {  	p1 =	sne.s32 s18, s10;
	[sflag:s20] =	ssyncset.done @!p0 $0x0  }
.Ltmp2:
0x5f: {  	s21 =	simm.s32 @!p0 $0x0;
	[sflag:s20] =	ssyncadd.s32 @!p0 $0xFFFFFFF0;
	(pc) =	sbr.rel @p1 .LBB2_1-.Ltmp2, $4  }
0x60: {  	[hbm4b:s9+s21] =	stream.linear.scatter @!p0 [tilespmem:s19], [sflag:$0x2], $0x10, $0x38;
	[tilespmem:$0x4678] =	vst v63  }
0x61: {  	_ =	swait.ge @!p0 [sflag:s20], $0x10  }
0x62: {  	[sflag:s20] =	ssyncset.done @!p0 $0x0  }
0x63: {  	[sflag:s20] =	ssyncadd.s32 @!p0 $0xFFFFFFF0  }
0x64: {  	_ =	sfence.sel $0x180000  }
0x65: {  	[bflag:$0x0] =	sbarrier.arrive $0xFFFF  }
0x66: {  	p0 =	sne.s32 s2, $0x0;
	_ =	strace $0x90000047  }
0x67: {  	s0 =	sadd.s32 @!p0 $0x100000, s0;
	[bflag:$0x2] =	sbarrier.arrive $0xFFFF  }
0x68: {  	[sflag:s0] =	ssyncadd.tile.s32 @!p0 $0x1;
	_ =	shalt  }
.Lfunc_end2:
_tile_overlayer_lowered:
.L_overlay_start_2:
0x69: {  	(tag) =	ssettag $0x2  }
0x6a: {  	s0 =	rddreg [dreg:$0x0];
	s2 =	stileid.u32  }
0x6b: {  	s1 =	rddreg [dreg:$0x1];
	p0 =	sne.s32 s2, $0x0  }
0x6c: {  	s3 =	rddreg [dreg:$0x2];
	[bflag:$0x3] =	sbarrier.arrive $0xFFFF;
	s2 =	simm.s32 @!p0 $0x1C02  }
0x6d: {  	[timem:s3], [sflag:s2] =	dma.local @!p0 [hbm:s0], s1  }
0x6e: {  	s0 =	simm.s32 @!p0 $0x2  }
0x6f: {  	_ =	swait.ge @!p0 [sflag:s0], s1  }
0x70: {  	s1 =	ssub.s32 @!p0 $0x0, s1;
	[sflag:s0] =	ssyncset.done @!p0 $0x0  }
0x71: {  	[sflag:s0] =	ssyncadd.s32 @!p0 s1  }
0x72: {  	[bflag:$0x3] =	sbarrier.arrive $0xFFFF  }
0x73: {  	_ =	shalt  }

</sc_bundles>
